<compile_context>
chip_gen: v7x
topology: tpu7x:2x2x1
jax: 0.10.2.dev20260603
libtpu: 0.0.44.dev20260713+nightly
codegen_flags: <defaults>
</compile_context>

<pallas_src>
import functools

import jax
import jax.numpy as jnp
from jax import lax
from jax.experimental import pallas as pl
from jax.experimental.pallas import tpu as pltpu
from jax.experimental.pallas import tpu_sc as plsc

_GAMMA = 12.0

_NUM_CORES = 2
_NUM_SUBCORES = 16
_NW = _NUM_CORES * _NUM_SUBCORES
_BATCH = 16384
_D = 64
_DP = 128
_BPW = _BATCH // _NW
_CHUNK = 128
_NCHUNK = _BPW // _CHUNK


def _sc_body(hidx_hbm, ridx_hbm, tidx_hbm, ent_hbm, rel_hbm, out_hbm,
             hidx_v, ridx_v, tidx_v, hbuf, rbuf, tbuf, out_v, sem):
    wid = lax.axis_index("s") * _NUM_CORES + lax.axis_index("c")

    pltpu.sync_copy(hidx_hbm.at[wid], hidx_v)
    pltpu.sync_copy(ridx_hbm.at[wid], ridx_v)
    pltpu.sync_copy(tidx_hbm.at[wid], tidx_v)

    def fire(j):
        b = j % 2
        return [
            pltpu.async_copy(ent_hbm.at[hidx_v.at[j]], hbuf.at[b], sem),
            pltpu.async_copy(rel_hbm.at[ridx_v.at[j]], rbuf.at[b], sem),
            pltpu.async_copy(ent_hbm.at[tidx_v.at[j]], tbuf.at[b], sem),
        ]

    last_lane = lax.iota(jnp.int32, 16) == 15

    def compute(j):
        b = j % 2

        def row(i, carry):
            acc = jnp.zeros((16,), jnp.float32)
            for c in range(_D // 16):
                sl = pl.ds(c * 16, 16)
                s = hbuf[b, i, sl] + rbuf[b, i, sl] - tbuf[b, i, sl]
                acc = acc + lax.abs(s)
            tot = plsc.cumsum(acc)
            plsc.store_scatter(out_v, [jnp.full((16,), j * _CHUNK + i, jnp.int32)],
                               _GAMMA - tot, mask=last_lane)
            return carry

        lax.fori_loop(0, _CHUNK, row, 0, unroll=8)

    inflight = fire(0)
    for j in range(_NCHUNK):
        for c in inflight:
            c.wait()
        if j + 1 < _NCHUNK:
            inflight = fire(j + 1)
        compute(j)

    pltpu.sync_copy(out_v, out_hbm.at[wid])


@jax.jit
def _transe_score(hidx, ridx, tidx, ent_p, rel_p):
    mesh = plsc.VectorSubcoreMesh(core_axis_name="c", subcore_axis_name="s")
    kfn = pl.kernel(
        _sc_body,
        out_type=jax.ShapeDtypeStruct((_NW, _BPW), jnp.float32),
        mesh=mesh,
        compiler_params=pltpu.CompilerParams(
            needs_layout_passes=False, use_tc_tiling_on_sc=True),
        scratch_types=[
            pltpu.VMEM((_NCHUNK, _CHUNK), jnp.int32),
            pltpu.VMEM((_NCHUNK, _CHUNK), jnp.int32),
            pltpu.VMEM((_NCHUNK, _CHUNK), jnp.int32),
            pltpu.VMEM((2, _CHUNK, _DP), jnp.float32),
            pltpu.VMEM((2, _CHUNK, _DP), jnp.float32),
            pltpu.VMEM((2, _CHUNK, _DP), jnp.float32),
            pltpu.VMEM((_BPW,), jnp.float32),
            pltpu.SemaphoreType.DMA,
        ],
    )
    return kfn(hidx, ridx, tidx, ent_p, rel_p)


_PAD_ROWS = 800


def _pad_body(ent_ref, rel_ref, ento_ref, relo_ref):
    z = jnp.zeros((_PAD_ROWS, _DP - _D), jnp.float32)
    ento_ref[:, : _D] = ent_ref[...]
    ento_ref[:, _D:] = z
    relo_ref[:, : _D] = rel_ref[...]
    relo_ref[:, _D:] = z


def _pad128(ent, rel):
    n = ent.shape[0]
    grid = (n // _PAD_ROWS,)
    return pl.pallas_call(
        _pad_body,
        grid=grid,
        in_specs=[
            pl.BlockSpec((_PAD_ROWS, _D), lambda i: (i, 0)),
            pl.BlockSpec((_PAD_ROWS, _D), lambda i: (i, 0)),
        ],
        out_specs=[
            pl.BlockSpec((_PAD_ROWS, _DP), lambda i: (i, 0)),
            pl.BlockSpec((_PAD_ROWS, _DP), lambda i: (i, 0)),
        ],
        out_shape=[
            jax.ShapeDtypeStruct((n, _DP), jnp.float32),
            jax.ShapeDtypeStruct((n, _DP), jnp.float32),
        ],
        compiler_params=pltpu.CompilerParams(
            dimension_semantics=("arbitrary",)),
    )(ent, rel)


def kernel(sample, ent_emb, relation_embedding):
    s = sample.astype(jnp.int32)
    hidx = s[:, 0].reshape(_NW, _NCHUNK, _CHUNK)
    ridx = s[:, 1].reshape(_NW, _NCHUNK, _CHUNK)
    tidx = s[:, 2].reshape(_NW, _NCHUNK, _CHUNK)
    ent_p, rel_p = _pad128(ent_emb, relation_embedding)
    out = _transe_score(hidx, ridx, tidx, ent_p, rel_p)
    return out.reshape(_BATCH, 1)

# --- scband reference (transcript-rebuilt; emitter-appended) ---
"""Pipeline reference for scband-kgemodel-32555852103701 (READ-ONLY COPY).

The authoritative reference and input builder live on the scoring server;
editing this copy changes nothing except your own understanding.
"""

import jax, jax.numpy as jnp
import numpy as np

NUM_ENT = 100000
NUM_REL = 100000
EMB_DIM = 64
REL_DIM = 64
GAMMA = 12.0
EPSILON = 2.0
EMB_RANGE = (GAMMA + EPSILON) / EMB_DIM
BATCH = 16384


def setup_inputs(seed: int = 0) -> dict:
    key = jax.random.key(seed)
    k1, k2, k3 = jax.random.split(key, 3)
    sample = jax.random.randint(k1, (BATCH, 3), 0, NUM_ENT, dtype=jnp.int64) if jax.config.jax_enable_x64 else jax.random.randint(k1, (BATCH, 3), 0, NUM_ENT).astype(jnp.int32)
    ent_emb = jax.random.normal(k2, (NUM_ENT, EMB_DIM), dtype=jnp.float32)
    relation_embedding = jax.random.uniform(k3, (NUM_REL, REL_DIM), dtype=jnp.float32, minval=-EMB_RANGE, maxval=EMB_RANGE)
    return {"sample": sample, "ent_emb": ent_emb, "relation_embedding": relation_embedding}


def reference(sample, ent_emb, relation_embedding):
    # mode == 'single', model_name == 'TransE'
    head = jnp.take(ent_emb, sample[:, 0], axis=0)[:, None, :]  # [B, 1, D]
    relation = jnp.take(relation_embedding, sample[:, 1], axis=0)[:, None, :]  # [B, 1, D]
    tail = jnp.take(ent_emb, sample[:, 2], axis=0)[:, None, :]  # [B, 1, D]
    score = head + relation - tail
    score = GAMMA - jnp.sum(jnp.abs(score), axis=2)  # L1 norm over dim=2
    return score  # [B, 1]

if __name__ == "__main__":
    import jax
    _d = setup_inputs()
    print(jax.jit(kernel)(*tuple(_d.values())))

</pallas_src>

<mosaic_0001>
#map = affine_map<(d0, d1) -> (0, 0, 0)>
#map1 = affine_map<(d0, d1) -> (0, 0)>
module attributes {stable_mosaic.version = 14 : i64} {
  func.func @_sc_body(%arg0: i32, %arg1: i32, %arg2: memref<32x4x128xi32, #tpu.memory_space<hbm>>, %arg3: memref<32x4x128xi32, #tpu.memory_space<hbm>>, %arg4: memref<32x4x128xi32, #tpu.memory_space<hbm>>, %arg5: memref<100000x128xf32, #tpu.memory_space<hbm>>, %arg6: memref<100000x128xf32, #tpu.memory_space<hbm>>, %arg7: memref<32x512xf32, #tpu.memory_space<hbm>>, %arg8: memref<4x128xi32, #tpu.memory_space<vmem>>, %arg9: memref<4x128xi32, #tpu.memory_space<vmem>>, %arg10: memref<4x128xi32, #tpu.memory_space<vmem>>, %arg11: memref<2x128x128xf32, #tpu.memory_space<vmem>>, %arg12: memref<2x128x128xf32, #tpu.memory_space<vmem>>, %arg13: memref<2x128x128xf32, #tpu.memory_space<vmem>>, %arg14: memref<512xf32, #tpu.memory_space<vmem>>, %arg15: memref<!tpu.dma_semaphore, #tpu.memory_space<semaphore_mem>>) attributes {dimension_semantics = [#tpu.dimension_semantics<core_parallel>, #tpu.dimension_semantics<subcore_parallel>], iteration_bounds = array<i64: 2, 16>, scalar_prefetch = 0 : i64, scratch_operands = 8 : i64, tpu.core_type = #tpu.core_type<sc_vector_subcore>, window_params = [{transform_indices = #map}, {transform_indices = #map}, {transform_indices = #map}, {transform_indices = #map1}, {transform_indices = #map1}, {transform_indices = #map1}]} {
    %mul3A = arith.constant 2 : i32
    %mul3A_0 = arith.muli %arg1, %mul3A : i32
    %add3A = arith.addi %mul3A_0, %arg0 : i32
    "tpu.region"() ({
      %run_scoped3A = tpu.sem_alloc : memref<!tpu.dma_semaphore, #tpu.memory_space<semaphore_mem>>
      %dma_start3A_312 = arith.constant 0 : i32
      %dma_start3A_313 = arith.constant 0 : i32
      %dma_start3A_314 = tpu.memref_slice %arg2[%add3A, %dma_start3A_312, %dma_start3A_313] : memref<32x4x128xi32, #tpu.memory_space<hbm>> -> memref<1x4x128xi32, #tpu.memory_space<hbm>>
      %dma_start3A_315 = tpu.memref_squeeze %dma_start3A_314 : memref<1x4x128xi32, #tpu.memory_space<hbm>> -> memref<4x128xi32, #tpu.memory_space<hbm>>
      %dma_start3A_316 = arith.constant 0 : i32
      %dma_start3A_317 = arith.constant 0 : i32
      %dma_start3A_318 = tpu.memref_slice %arg2[%add3A, %dma_start3A_316, %dma_start3A_317] : memref<32x4x128xi32, #tpu.memory_space<hbm>> -> memref<1x4x128xi32, #tpu.memory_space<hbm>>
      %dma_start3A_319 = tpu.memref_squeeze %dma_start3A_318 : memref<1x4x128xi32, #tpu.memory_space<hbm>> -> memref<4x128xi32, #tpu.memory_space<hbm>>
      tpu.enqueue_dma source(%dma_start3A_319 : memref<4x128xi32, #tpu.memory_space<hbm>>) target(%arg8 : memref<4x128xi32, #tpu.memory_space<vmem>>) target_semaphore(%run_scoped3A : memref<!tpu.dma_semaphore, #tpu.memory_space<semaphore_mem>>)
      %dma_wait3A_320 = arith.constant 0 : i32
      %dma_wait3A_321 = arith.constant 0 : i32
      %dma_wait3A_322 = tpu.memref_slice %arg2[%add3A, %dma_wait3A_320, %dma_wait3A_321] : memref<32x4x128xi32, #tpu.memory_space<hbm>> -> memref<1x4x128xi32, #tpu.memory_space<hbm>>
      %dma_wait3A_323 = tpu.memref_squeeze %dma_wait3A_322 : memref<1x4x128xi32, #tpu.memory_space<hbm>> -> memref<4x128xi32, #tpu.memory_space<hbm>>
      %dma_wait3A_324 = arith.constant 0 : i32
      %dma_wait3A_325 = arith.constant 0 : i32
      %dma_wait3A_326 = tpu.memref_slice %arg2[%add3A, %dma_wait3A_324, %dma_wait3A_325] : memref<32x4x128xi32, #tpu.memory_space<hbm>> -> memref<1x4x128xi32, #tpu.memory_space<hbm>>
      %dma_wait3A_327 = tpu.memref_squeeze %dma_wait3A_326 : memref<1x4x128xi32, #tpu.memory_space<hbm>> -> memref<4x128xi32, #tpu.memory_space<hbm>>
      tpu.wait_dma2 semaphore(%run_scoped3A : memref<!tpu.dma_semaphore, #tpu.memory_space<semaphore_mem>>) src(%dma_wait3A_327 : memref<4x128xi32, #tpu.memory_space<hbm>>) dst(%arg8 : memref<4x128xi32, #tpu.memory_space<vmem>>)
      tpu.yield
    }) : () -> ()
    "tpu.region"() ({
      %run_scoped3A = tpu.sem_alloc : memref<!tpu.dma_semaphore, #tpu.memory_space<semaphore_mem>>
      %dma_start3A_312 = arith.constant 0 : i32
      %dma_start3A_313 = arith.constant 0 : i32
      %dma_start3A_314 = tpu.memref_slice %arg3[%add3A, %dma_start3A_312, %dma_start3A_313] : memref<32x4x128xi32, #tpu.memory_space<hbm>> -> memref<1x4x128xi32, #tpu.memory_space<hbm>>
      %dma_start3A_315 = tpu.memref_squeeze %dma_start3A_314 : memref<1x4x128xi32, #tpu.memory_space<hbm>> -> memref<4x128xi32, #tpu.memory_space<hbm>>
      %dma_start3A_316 = arith.constant 0 : i32
      %dma_start3A_317 = arith.constant 0 : i32
      %dma_start3A_318 = tpu.memref_slice %arg3[%add3A, %dma_start3A_316, %dma_start3A_317] : memref<32x4x128xi32, #tpu.memory_space<hbm>> -> memref<1x4x128xi32, #tpu.memory_space<hbm>>
      %dma_start3A_319 = tpu.memref_squeeze %dma_start3A_318 : memref<1x4x128xi32, #tpu.memory_space<hbm>> -> memref<4x128xi32, #tpu.memory_space<hbm>>
      tpu.enqueue_dma source(%dma_start3A_319 : memref<4x128xi32, #tpu.memory_space<hbm>>) target(%arg9 : memref<4x128xi32, #tpu.memory_space<vmem>>) target_semaphore(%run_scoped3A : memref<!tpu.dma_semaphore, #tpu.memory_space<semaphore_mem>>)
      %dma_wait3A_320 = arith.constant 0 : i32
      %dma_wait3A_321 = arith.constant 0 : i32
      %dma_wait3A_322 = tpu.memref_slice %arg3[%add3A, %dma_wait3A_320, %dma_wait3A_321] : memref<32x4x128xi32, #tpu.memory_space<hbm>> -> memref<1x4x128xi32, #tpu.memory_space<hbm>>
      %dma_wait3A_323 = tpu.memref_squeeze %dma_wait3A_322 : memref<1x4x128xi32, #tpu.memory_space<hbm>> -> memref<4x128xi32, #tpu.memory_space<hbm>>
      %dma_wait3A_324 = arith.constant 0 : i32
      %dma_wait3A_325 = arith.constant 0 : i32
      %dma_wait3A_326 = tpu.memref_slice %arg3[%add3A, %dma_wait3A_324, %dma_wait3A_325] : memref<32x4x128xi32, #tpu.memory_space<hbm>> -> memref<1x4x128xi32, #tpu.memory_space<hbm>>
      %dma_wait3A_327 = tpu.memref_squeeze %dma_wait3A_326 : memref<1x4x128xi32, #tpu.memory_space<hbm>> -> memref<4x128xi32, #tpu.memory_space<hbm>>
      tpu.wait_dma2 semaphore(%run_scoped3A : memref<!tpu.dma_semaphore, #tpu.memory_space<semaphore_mem>>) src(%dma_wait3A_327 : memref<4x128xi32, #tpu.memory_space<hbm>>) dst(%arg9 : memref<4x128xi32, #tpu.memory_space<vmem>>)
      tpu.yield
    }) : () -> ()
    "tpu.region"() ({
      %run_scoped3A = tpu.sem_alloc : memref<!tpu.dma_semaphore, #tpu.memory_space<semaphore_mem>>
      %dma_start3A_312 = arith.constant 0 : i32
      %dma_start3A_313 = arith.constant 0 : i32
      %dma_start3A_314 = tpu.memref_slice %arg4[%add3A, %dma_start3A_312, %dma_start3A_313] : memref<32x4x128xi32, #tpu.memory_space<hbm>> -> memref<1x4x128xi32, #tpu.memory_space<hbm>>
      %dma_start3A_315 = tpu.memref_squeeze %dma_start3A_314 : memref<1x4x128xi32, #tpu.memory_space<hbm>> -> memref<4x128xi32, #tpu.memory_space<hbm>>
      %dma_start3A_316 = arith.constant 0 : i32
      %dma_start3A_317 = arith.constant 0 : i32
      %dma_start3A_318 = tpu.memref_slice %arg4[%add3A, %dma_start3A_316, %dma_start3A_317] : memref<32x4x128xi32, #tpu.memory_space<hbm>> -> memref<1x4x128xi32, #tpu.memory_space<hbm>>
      %dma_start3A_319 = tpu.memref_squeeze %dma_start3A_318 : memref<1x4x128xi32, #tpu.memory_space<hbm>> -> memref<4x128xi32, #tpu.memory_space<hbm>>
      tpu.enqueue_dma source(%dma_start3A_319 : memref<4x128xi32, #tpu.memory_space<hbm>>) target(%arg10 : memref<4x128xi32, #tpu.memory_space<vmem>>) target_semaphore(%run_scoped3A : memref<!tpu.dma_semaphore, #tpu.memory_space<semaphore_mem>>)
      %dma_wait3A_320 = arith.constant 0 : i32
      %dma_wait3A_321 = arith.constant 0 : i32
      %dma_wait3A_322 = tpu.memref_slice %arg4[%add3A, %dma_wait3A_320, %dma_wait3A_321] : memref<32x4x128xi32, #tpu.memory_space<hbm>> -> memref<1x4x128xi32, #tpu.memory_space<hbm>>
      %dma_wait3A_323 = tpu.memref_squeeze %dma_wait3A_322 : memref<1x4x128xi32, #tpu.memory_space<hbm>> -> memref<4x128xi32, #tpu.memory_space<hbm>>
      %dma_wait3A_324 = arith.constant 0 : i32
      %dma_wait3A_325 = arith.constant 0 : i32
      %dma_wait3A_326 = tpu.memref_slice %arg4[%add3A, %dma_wait3A_324, %dma_wait3A_325] : memref<32x4x128xi32, #tpu.memory_space<hbm>> -> memref<1x4x128xi32, #tpu.memory_space<hbm>>
      %dma_wait3A_327 = tpu.memref_squeeze %dma_wait3A_326 : memref<1x4x128xi32, #tpu.memory_space<hbm>> -> memref<4x128xi32, #tpu.memory_space<hbm>>
      tpu.wait_dma2 semaphore(%run_scoped3A : memref<!tpu.dma_semaphore, #tpu.memory_space<semaphore_mem>>) src(%dma_wait3A_327 : memref<4x128xi32, #tpu.memory_space<hbm>>) dst(%arg10 : memref<4x128xi32, #tpu.memory_space<vmem>>)
      tpu.yield
    }) : () -> ()
    %iota3A = tpu.iota {dimensions = array<i32: 0>} : vector<16xi32>
    %eq3A = arith.constant 15 : i32
    %eq3A_1 = vector.broadcast %eq3A : i32 to vector<16xi32>
    %eq3A_2 = arith.cmpi eq, %iota3A, %eq3A_1 : vector<16xi32>
    %dma_start3A = arith.constant 0 : i32
    %dma_start3A_3 = arith.constant 0 : i32
    %dma_start3A_4 = arith.constant 0 : i32
    %dma_start3A_5 = arith.constant 0 : i32
    %dma_start3A_6 = tpu.memref_slice %arg11[%dma_start3A_3, %dma_start3A_4, %dma_start3A_5] : memref<2x128x128xf32, #tpu.memory_space<vmem>> -> memref<1x128x128xf32, #tpu.memory_space<vmem>>
    %dma_start3A_7 = tpu.memref_squeeze %dma_start3A_6 : memref<1x128x128xf32, #tpu.memory_space<vmem>> -> memref<128x128xf32, #tpu.memory_space<vmem>>
    %dma_start3A_8 = arith.constant 0 : i32
    %dma_start3A_9 = tpu.memref_slice %arg8[%dma_start3A, %dma_start3A_8] : memref<4x128xi32, #tpu.memory_space<vmem>> -> memref<1x128xi32, #tpu.memory_space<vmem>>
    %dma_start3A_10 = tpu.memref_squeeze %dma_start3A_9 : memref<1x128xi32, #tpu.memory_space<vmem>> -> memref<128xi32, #tpu.memory_space<vmem>>
    %dma_start3A_11 = arith.constant 0 : i32
    %dma_start3A_12 = arith.constant 0 : i32
    %dma_start3A_13 = tpu.memref_slice %arg5[%dma_start3A_11, %dma_start3A_12] : memref<100000x128xf32, #tpu.memory_space<hbm>> -> memref<100000x128xf32, #tpu.memory_space<hbm>>
    tpu.enqueue_indirect_dma source(%dma_start3A_13 : memref<100000x128xf32, #tpu.memory_space<hbm>>) target(%dma_start3A_7 : memref<128x128xf32, #tpu.memory_space<vmem>>) offsets(%dma_start3A_10 : memref<128xi32, #tpu.memory_space<vmem>>) semaphore(%arg15 : memref<!tpu.dma_semaphore, #tpu.memory_space<semaphore_mem>>)
    %dma_start3A_14 = arith.constant 0 : i32
    %dma_start3A_15 = arith.constant 0 : i32
    %dma_start3A_16 = arith.constant 0 : i32
    %dma_start3A_17 = arith.constant 0 : i32
    %dma_start3A_18 = tpu.memref_slice %arg12[%dma_start3A_15, %dma_start3A_16, %dma_start3A_17] : memref<2x128x128xf32, #tpu.memory_space<vmem>> -> memref<1x128x128xf32, #tpu.memory_space<vmem>>
    %dma_start3A_19 = tpu.memref_squeeze %dma_start3A_18 : memref<1x128x128xf32, #tpu.memory_space<vmem>> -> memref<128x128xf32, #tpu.memory_space<vmem>>
    %dma_start3A_20 = arith.constant 0 : i32
    %dma_start3A_21 = tpu.memref_slice %arg9[%dma_start3A_14, %dma_start3A_20] : memref<4x128xi32, #tpu.memory_space<vmem>> -> memref<1x128xi32, #tpu.memory_space<vmem>>
    %dma_start3A_22 = tpu.memref_squeeze %dma_start3A_21 : memref<1x128xi32, #tpu.memory_space<vmem>> -> memref<128xi32, #tpu.memory_space<vmem>>
    %dma_start3A_23 = arith.constant 0 : i32
    %dma_start3A_24 = arith.constant 0 : i32
    %dma_start3A_25 = tpu.memref_slice %arg6[%dma_start3A_23, %dma_start3A_24] : memref<100000x128xf32, #tpu.memory_space<hbm>> -> memref<100000x128xf32, #tpu.memory_space<hbm>>
    tpu.enqueue_indirect_dma source(%dma_start3A_25 : memref<100000x128xf32, #tpu.memory_space<hbm>>) target(%dma_start3A_19 : memref<128x128xf32, #tpu.memory_space<vmem>>) offsets(%dma_start3A_22 : memref<128xi32, #tpu.memory_space<vmem>>) semaphore(%arg15 : memref<!tpu.dma_semaphore, #tpu.memory_space<semaphore_mem>>)
    %dma_start3A_26 = arith.constant 0 : i32
    %dma_start3A_27 = arith.constant 0 : i32
    %dma_start3A_28 = arith.constant 0 : i32
    %dma_start3A_29 = arith.constant 0 : i32
    %dma_start3A_30 = tpu.memref_slice %arg13[%dma_start3A_27, %dma_start3A_28, %dma_start3A_29] : memref<2x128x128xf32, #tpu.memory_space<vmem>> -> memref<1x128x128xf32, #tpu.memory_space<vmem>>
    %dma_start3A_31 = tpu.memref_squeeze %dma_start3A_30 : memref<1x128x128xf32, #tpu.memory_space<vmem>> -> memref<128x128xf32, #tpu.memory_space<vmem>>
    %dma_start3A_32 = arith.constant 0 : i32
    %dma_start3A_33 = tpu.memref_slice %arg10[%dma_start3A_26, %dma_start3A_32] : memref<4x128xi32, #tpu.memory_space<vmem>> -> memref<1x128xi32, #tpu.memory_space<vmem>>
    %dma_start3A_34 = tpu.memref_squeeze %dma_start3A_33 : memref<1x128xi32, #tpu.memory_space<vmem>> -> memref<128xi32, #tpu.memory_space<vmem>>
    %dma_start3A_35 = arith.constant 0 : i32
    %dma_start3A_36 = arith.constant 0 : i32
    %dma_start3A_37 = tpu.memref_slice %arg5[%dma_start3A_35, %dma_start3A_36] : memref<100000x128xf32, #tpu.memory_space<hbm>> -> memref<100000x128xf32, #tpu.memory_space<hbm>>
    tpu.enqueue_indirect_dma source(%dma_start3A_37 : memref<100000x128xf32, #tpu.memory_space<hbm>>) target(%dma_start3A_31 : memref<128x128xf32, #tpu.memory_space<vmem>>) offsets(%dma_start3A_34 : memref<128xi32, #tpu.memory_space<vmem>>) semaphore(%arg15 : memref<!tpu.dma_semaphore, #tpu.memory_space<semaphore_mem>>)
    %dma_wait3A = arith.constant 0 : i32
    %dma_wait3A_38 = arith.constant 0 : i32
    %dma_wait3A_39 = arith.constant 0 : i32
    %dma_wait3A_40 = arith.constant 0 : i32
    %dma_wait3A_41 = tpu.memref_slice %arg11[%dma_wait3A_38, %dma_wait3A_39, %dma_wait3A_40] : memref<2x128x128xf32, #tpu.memory_space<vmem>> -> memref<1x128x128xf32, #tpu.memory_space<vmem>>
    %dma_wait3A_42 = tpu.memref_squeeze %dma_wait3A_41 : memref<1x128x128xf32, #tpu.memory_space<vmem>> -> memref<128x128xf32, #tpu.memory_space<vmem>>
    %dma_wait3A_43 = arith.constant 0 : i32
    %dma_wait3A_44 = tpu.memref_slice %arg8[%dma_wait3A, %dma_wait3A_43] : memref<4x128xi32, #tpu.memory_space<vmem>> -> memref<1x128xi32, #tpu.memory_space<vmem>>
    %dma_wait3A_45 = tpu.memref_squeeze %dma_wait3A_44 : memref<1x128xi32, #tpu.memory_space<vmem>> -> memref<128xi32, #tpu.memory_space<vmem>>
    %dma_wait3A_46 = arith.constant 0 : i32
    %dma_wait3A_47 = arith.constant 0 : i32
    %dma_wait3A_48 = tpu.memref_slice %arg5[%dma_wait3A_46, %dma_wait3A_47] : memref<100000x128xf32, #tpu.memory_space<hbm>> -> memref<100000x128xf32, #tpu.memory_space<hbm>>
    tpu.wait_indirect_dma semaphore(%arg15 : memref<!tpu.dma_semaphore, #tpu.memory_space<semaphore_mem>>) src(%dma_wait3A_48 : memref<100000x128xf32, #tpu.memory_space<hbm>>) dst(%dma_wait3A_42 : memref<128x128xf32, #tpu.memory_space<vmem>>)
    %dma_wait3A_49 = arith.constant 0 : i32
    %dma_wait3A_50 = arith.constant 0 : i32
    %dma_wait3A_51 = arith.constant 0 : i32
    %dma_wait3A_52 = arith.constant 0 : i32
    %dma_wait3A_53 = tpu.memref_slice %arg12[%dma_wait3A_50, %dma_wait3A_51, %dma_wait3A_52] : memref<2x128x128xf32, #tpu.memory_space<vmem>> -> memref<1x128x128xf32, #tpu.memory_space<vmem>>
    %dma_wait3A_54 = tpu.memref_squeeze %dma_wait3A_53 : memref<1x128x128xf32, #tpu.memory_space<vmem>> -> memref<128x128xf32, #tpu.memory_space<vmem>>
    %dma_wait3A_55 = arith.constant 0 : i32
    %dma_wait3A_56 = tpu.memref_slice %arg9[%dma_wait3A_49, %dma_wait3A_55] : memref<4x128xi32, #tpu.memory_space<vmem>> -> memref<1x128xi32, #tpu.memory_space<vmem>>
    %dma_wait3A_57 = tpu.memref_squeeze %dma_wait3A_56 : memref<1x128xi32, #tpu.memory_space<vmem>> -> memref<128xi32, #tpu.memory_space<vmem>>
    %dma_wait3A_58 = arith.constant 0 : i32
    %dma_wait3A_59 = arith.constant 0 : i32
    %dma_wait3A_60 = tpu.memref_slice %arg6[%dma_wait3A_58, %dma_wait3A_59] : memref<100000x128xf32, #tpu.memory_space<hbm>> -> memref<100000x128xf32, #tpu.memory_space<hbm>>
    tpu.wait_indirect_dma semaphore(%arg15 : memref<!tpu.dma_semaphore, #tpu.memory_space<semaphore_mem>>) src(%dma_wait3A_60 : memref<100000x128xf32, #tpu.memory_space<hbm>>) dst(%dma_wait3A_54 : memref<128x128xf32, #tpu.memory_space<vmem>>)
    %dma_wait3A_61 = arith.constant 0 : i32
    %dma_wait3A_62 = arith.constant 0 : i32
    %dma_wait3A_63 = arith.constant 0 : i32
    %dma_wait3A_64 = arith.constant 0 : i32
    %dma_wait3A_65 = tpu.memref_slice %arg13[%dma_wait3A_62, %dma_wait3A_63, %dma_wait3A_64] : memref<2x128x128xf32, #tpu.memory_space<vmem>> -> memref<1x128x128xf32, #tpu.memory_space<vmem>>
    %dma_wait3A_66 = tpu.memref_squeeze %dma_wait3A_65 : memref<1x128x128xf32, #tpu.memory_space<vmem>> -> memref<128x128xf32, #tpu.memory_space<vmem>>
    %dma_wait3A_67 = arith.constant 0 : i32
    %dma_wait3A_68 = tpu.memref_slice %arg10[%dma_wait3A_61, %dma_wait3A_67] : memref<4x128xi32, #tpu.memory_space<vmem>> -> memref<1x128xi32, #tpu.memory_space<vmem>>
    %dma_wait3A_69 = tpu.memref_squeeze %dma_wait3A_68 : memref<1x128xi32, #tpu.memory_space<vmem>> -> memref<128xi32, #tpu.memory_space<vmem>>
    %dma_wait3A_70 = arith.constant 0 : i32
    %dma_wait3A_71 = arith.constant 0 : i32
    %dma_wait3A_72 = tpu.memref_slice %arg5[%dma_wait3A_70, %dma_wait3A_71] : memref<100000x128xf32, #tpu.memory_space<hbm>> -> memref<100000x128xf32, #tpu.memory_space<hbm>>
    tpu.wait_indirect_dma semaphore(%arg15 : memref<!tpu.dma_semaphore, #tpu.memory_space<semaphore_mem>>) src(%dma_wait3A_72 : memref<100000x128xf32, #tpu.memory_space<hbm>>) dst(%dma_wait3A_66 : memref<128x128xf32, #tpu.memory_space<vmem>>)
    %dma_start3A_73 = arith.constant 1 : i32
    %dma_start3A_74 = arith.constant 1 : i32
    %dma_start3A_75 = arith.constant 0 : i32
    %dma_start3A_76 = arith.constant 0 : i32
    %dma_start3A_77 = tpu.memref_slice %arg11[%dma_start3A_74, %dma_start3A_75, %dma_start3A_76] : memref<2x128x128xf32, #tpu.memory_space<vmem>> -> memref<1x128x128xf32, #tpu.memory_space<vmem>>
    %dma_start3A_78 = tpu.memref_squeeze %dma_start3A_77 : memref<1x128x128xf32, #tpu.memory_space<vmem>> -> memref<128x128xf32, #tpu.memory_space<vmem>>
    %dma_start3A_79 = arith.constant 0 : i32
    %dma_start3A_80 = tpu.memref_slice %arg8[%dma_start3A_73, %dma_start3A_79] : memref<4x128xi32, #tpu.memory_space<vmem>> -> memref<1x128xi32, #tpu.memory_space<vmem>>
    %dma_start3A_81 = tpu.memref_squeeze %dma_start3A_80 : memref<1x128xi32, #tpu.memory_space<vmem>> -> memref<128xi32, #tpu.memory_space<vmem>>
    %dma_start3A_82 = arith.constant 0 : i32
    %dma_start3A_83 = arith.constant 0 : i32
    %dma_start3A_84 = tpu.memref_slice %arg5[%dma_start3A_82, %dma_start3A_83] : memref<100000x128xf32, #tpu.memory_space<hbm>> -> memref<100000x128xf32, #tpu.memory_space<hbm>>
    tpu.enqueue_indirect_dma source(%dma_start3A_84 : memref<100000x128xf32, #tpu.memory_space<hbm>>) target(%dma_start3A_78 : memref<128x128xf32, #tpu.memory_space<vmem>>) offsets(%dma_start3A_81 : memref<128xi32, #tpu.memory_space<vmem>>) semaphore(%arg15 : memref<!tpu.dma_semaphore, #tpu.memory_space<semaphore_mem>>)
    %dma_start3A_85 = arith.constant 1 : i32
    %dma_start3A_86 = arith.constant 1 : i32
    %dma_start3A_87 = arith.constant 0 : i32
    %dma_start3A_88 = arith.constant 0 : i32
    %dma_start3A_89 = tpu.memref_slice %arg12[%dma_start3A_86, %dma_start3A_87, %dma_start3A_88] : memref<2x128x128xf32, #tpu.memory_space<vmem>> -> memref<1x128x128xf32, #tpu.memory_space<vmem>>
    %dma_start3A_90 = tpu.memref_squeeze %dma_start3A_89 : memref<1x128x128xf32, #tpu.memory_space<vmem>> -> memref<128x128xf32, #tpu.memory_space<vmem>>
    %dma_start3A_91 = arith.constant 0 : i32
    %dma_start3A_92 = tpu.memref_slice %arg9[%dma_start3A_85, %dma_start3A_91] : memref<4x128xi32, #tpu.memory_space<vmem>> -> memref<1x128xi32, #tpu.memory_space<vmem>>
    %dma_start3A_93 = tpu.memref_squeeze %dma_start3A_92 : memref<1x128xi32, #tpu.memory_space<vmem>> -> memref<128xi32, #tpu.memory_space<vmem>>
    %dma_start3A_94 = arith.constant 0 : i32
    %dma_start3A_95 = arith.constant 0 : i32
    %dma_start3A_96 = tpu.memref_slice %arg6[%dma_start3A_94, %dma_start3A_95] : memref<100000x128xf32, #tpu.memory_space<hbm>> -> memref<100000x128xf32, #tpu.memory_space<hbm>>
    tpu.enqueue_indirect_dma source(%dma_start3A_96 : memref<100000x128xf32, #tpu.memory_space<hbm>>) target(%dma_start3A_90 : memref<128x128xf32, #tpu.memory_space<vmem>>) offsets(%dma_start3A_93 : memref<128xi32, #tpu.memory_space<vmem>>) semaphore(%arg15 : memref<!tpu.dma_semaphore, #tpu.memory_space<semaphore_mem>>)
    %dma_start3A_97 = arith.constant 1 : i32
    %dma_start3A_98 = arith.constant 1 : i32
    %dma_start3A_99 = arith.constant 0 : i32
    %dma_start3A_100 = arith.constant 0 : i32
    %dma_start3A_101 = tpu.memref_slice %arg13[%dma_start3A_98, %dma_start3A_99, %dma_start3A_100] : memref<2x128x128xf32, #tpu.memory_space<vmem>> -> memref<1x128x128xf32, #tpu.memory_space<vmem>>
    %dma_start3A_102 = tpu.memref_squeeze %dma_start3A_101 : memref<1x128x128xf32, #tpu.memory_space<vmem>> -> memref<128x128xf32, #tpu.memory_space<vmem>>
    %dma_start3A_103 = arith.constant 0 : i32
    %dma_start3A_104 = tpu.memref_slice %arg10[%dma_start3A_97, %dma_start3A_103] : memref<4x128xi32, #tpu.memory_space<vmem>> -> memref<1x128xi32, #tpu.memory_space<vmem>>
    %dma_start3A_105 = tpu.memref_squeeze %dma_start3A_104 : memref<1x128xi32, #tpu.memory_space<vmem>> -> memref<128xi32, #tpu.memory_space<vmem>>
    %dma_start3A_106 = arith.constant 0 : i32
    %dma_start3A_107 = arith.constant 0 : i32
    %dma_start3A_108 = tpu.memref_slice %arg5[%dma_start3A_106, %dma_start3A_107] : memref<100000x128xf32, #tpu.memory_space<hbm>> -> memref<100000x128xf32, #tpu.memory_space<hbm>>
    tpu.enqueue_indirect_dma source(%dma_start3A_108 : memref<100000x128xf32, #tpu.memory_space<hbm>>) target(%dma_start3A_102 : memref<128x128xf32, #tpu.memory_space<vmem>>) offsets(%dma_start3A_105 : memref<128xi32, #tpu.memory_space<vmem>>) semaphore(%arg15 : memref<!tpu.dma_semaphore, #tpu.memory_space<semaphore_mem>>)
    %scan3A = arith.constant 0 : i32
    %scan3A_109 = arith.constant 0 : i32
    %scan3A_110 = arith.constant 128 : i32
    %scan3A_111 = arith.addi %scan3A_109, %scan3A_110 : i32
    %scan3A_112 = arith.constant 8 : i32
    scf.for %scan3A_312 = %scan3A_109 to %scan3A_111 step %scan3A_112  : i32 {
      %broadcast_in_dim3A = arith.constant 0.000000e+00 : f32
      %broadcast_in_dim3A_313 = vector.broadcast %broadcast_in_dim3A : f32 to vector<16xf32>
      %get3A = arith.constant 0 : i32
      %get3A_314 = arith.index_cast %get3A : i32 to index
      %get3A_315 = arith.index_cast %scan3A_312 : i32 to index
      %get3A_316 = arith.constant 0 : index
      %get3A_317 = tpu.vector_load %arg11[%get3A_314, %get3A_315, %get3A_316] {strides = array<i32>} : memref<2x128x128xf32, #tpu.memory_space<vmem>>, vector<16xf32>,
      %get3A_318 = arith.constant 0 : i32
      %get3A_319 = arith.index_cast %get3A_318 : i32 to index
      %get3A_320 = arith.index_cast %scan3A_312 : i32 to index
      %get3A_321 = arith.constant 0 : index
      %get3A_322 = tpu.vector_load %arg12[%get3A_319, %get3A_320, %get3A_321] {strides = array<i32>} : memref<2x128x128xf32, #tpu.memory_space<vmem>>, vector<16xf32>,
      %add3A_323 = arith.addf %get3A_317, %get3A_322 : vector<16xf32>
      %get3A_324 = arith.constant 0 : i32
      %get3A_325 = arith.index_cast %get3A_324 : i32 to index
      %get3A_326 = arith.index_cast %scan3A_312 : i32 to index
      %get3A_327 = arith.constant 0 : index
      %get3A_328 = tpu.vector_load %arg13[%get3A_325, %get3A_326, %get3A_327] {strides = array<i32>} : memref<2x128x128xf32, #tpu.memory_space<vmem>>, vector<16xf32>,
      %sub3A = arith.subf %add3A_323, %get3A_328 : vector<16xf32>
      %abs3A = math.absf %sub3A : vector<16xf32>
      %add3A_329 = arith.addf %broadcast_in_dim3A_313, %abs3A : vector<16xf32>
      %get3A_330 = arith.constant 0 : i32
      %get3A_331 = arith.index_cast %get3A_330 : i32 to index
      %get3A_332 = arith.index_cast %scan3A_312 : i32 to index
      %get3A_333 = arith.constant 16 : index
      %get3A_334 = tpu.vector_load %arg11[%get3A_331, %get3A_332, %get3A_333] {strides = array<i32>} : memref<2x128x128xf32, #tpu.memory_space<vmem>>, vector<16xf32>,
      %get3A_335 = arith.constant 0 : i32
      %get3A_336 = arith.index_cast %get3A_335 : i32 to index
      %get3A_337 = arith.index_cast %scan3A_312 : i32 to index
      %get3A_338 = arith.constant 16 : index
      %get3A_339 = tpu.vector_load %arg12[%get3A_336, %get3A_337, %get3A_338] {strides = array<i32>} : memref<2x128x128xf32, #tpu.memory_space<vmem>>, vector<16xf32>,
      %add3A_340 = arith.addf %get3A_334, %get3A_339 : vector<16xf32>
      %get3A_341 = arith.constant 0 : i32
      %get3A_342 = arith.index_cast %get3A_341 : i32 to index
      %get3A_343 = arith.index_cast %scan3A_312 : i32 to index
      %get3A_344 = arith.constant 16 : index
      %get3A_345 = tpu.vector_load %arg13[%get3A_342, %get3A_343, %get3A_344] {strides = array<i32>} : memref<2x128x128xf32, #tpu.memory_space<vmem>>, vector<16xf32>,
      %sub3A_346 = arith.subf %add3A_340, %get3A_345 : vector<16xf32>
      %abs3A_347 = math.absf %sub3A_346 : vector<16xf32>
      %add3A_348 = arith.addf %add3A_329, %abs3A_347 : vector<16xf32>
      %get3A_349 = arith.constant 0 : i32
      %get3A_350 = arith.index_cast %get3A_349 : i32 to index
      %get3A_351 = arith.index_cast %scan3A_312 : i32 to index
      %get3A_352 = arith.constant 32 : index
      %get3A_353 = tpu.vector_load %arg11[%get3A_350, %get3A_351, %get3A_352] {strides = array<i32>} : memref<2x128x128xf32, #tpu.memory_space<vmem>>, vector<16xf32>,
      %get3A_354 = arith.constant 0 : i32
      %get3A_355 = arith.index_cast %get3A_354 : i32 to index
      %get3A_356 = arith.index_cast %scan3A_312 : i32 to index
      %get3A_357 = arith.constant 32 : index
      %get3A_358 = tpu.vector_load %arg12[%get3A_355, %get3A_356, %get3A_357] {strides = array<i32>} : memref<2x128x128xf32, #tpu.memory_space<vmem>>, vector<16xf32>,
      %add3A_359 = arith.addf %get3A_353, %get3A_358 : vector<16xf32>
      %get3A_360 = arith.constant 0 : i32
      %get3A_361 = arith.index_cast %get3A_360 : i32 to index
      %get3A_362 = arith.index_cast %scan3A_312 : i32 to index
      %get3A_363 = arith.constant 32 : index
      %get3A_364 = tpu.vector_load %arg13[%get3A_361, %get3A_362, %get3A_363] {strides = array<i32>} : memref<2x128x128xf32, #tpu.memory_space<vmem>>, vector<16xf32>,
      %sub3A_365 = arith.subf %add3A_359, %get3A_364 : vector<16xf32>
      %abs3A_366 = math.absf %sub3A_365 : vector<16xf32>
      %add3A_367 = arith.addf %add3A_348, %abs3A_366 : vector<16xf32>
      %get3A_368 = arith.constant 0 : i32
      %get3A_369 = arith.index_cast %get3A_368 : i32 to index
      %get3A_370 = arith.index_cast %scan3A_312 : i32 to index
      %get3A_371 = arith.constant 48 : index
      %get3A_372 = tpu.vector_load %arg11[%get3A_369, %get3A_370, %get3A_371] {strides = array<i32>} : memref<2x128x128xf32, #tpu.memory_space<vmem>>, vector<16xf32>,
      %get3A_373 = arith.constant 0 : i32
      %get3A_374 = arith.index_cast %get3A_373 : i32 to index
      %get3A_375 = arith.index_cast %scan3A_312 : i32 to index
      %get3A_376 = arith.constant 48 : index
      %get3A_377 = tpu.vector_load %arg12[%get3A_374, %get3A_375, %get3A_376] {strides = array<i32>} : memref<2x128x128xf32, #tpu.memory_space<vmem>>, vector<16xf32>,
      %add3A_378 = arith.addf %get3A_372, %get3A_377 : vector<16xf32>
      %get3A_379 = arith.constant 0 : i32
      %get3A_380 = arith.index_cast %get3A_379 : i32 to index
      %get3A_381 = arith.index_cast %scan3A_312 : i32 to index
      %get3A_382 = arith.constant 48 : index
      %get3A_383 = tpu.vector_load %arg13[%get3A_380, %get3A_381, %get3A_382] {strides = array<i32>} : memref<2x128x128xf32, #tpu.memory_space<vmem>>, vector<16xf32>,
      %sub3A_384 = arith.subf %add3A_378, %get3A_383 : vector<16xf32>
      %abs3A_385 = math.absf %sub3A_384 : vector<16xf32>
      %add3A_386 = arith.addf %add3A_367, %abs3A_385 : vector<16xf32>
      %broadcast_in_dim3A_387 = arith.constant true
      %broadcast_in_dim3A_388 = vector.broadcast %broadcast_in_dim3A_387 : i1 to vector<16xi1>
      %masked_cumsum3A = tpu.scan <sum>, %add3A_386 masked %broadcast_in_dim3A_388 : vector<16xf32>, vector<16xi1> -> vector<16xf32>
      %add3A_389 = arith.constant 0 : i32
      %add3A_390 = arith.addi %add3A_389, %scan3A_312 : i32
      %broadcast_in_dim3A_391 = vector.broadcast %add3A_390 : i32 to vector<16xi32>
      %sub3A_392 = arith.constant 1.200000e+01 : f32
      %sub3A_393 = vector.broadcast %sub3A_392 : f32 to vector<16xf32>
      %sub3A_394 = arith.subf %sub3A_393, %masked_cumsum3A : vector<16xf32>
      tpu.vector_store_idx %arg14[%broadcast_in_dim3A_391], %sub3A_394 masked %eq3A_2 : memref<512xf32, #tpu.memory_space<vmem>>[vector<16xi32>], vector<16xf32>, vector<16xi1>
      %scan3A_395 = arith.constant 1 : i32
      %scan3A_396 = arith.addi %scan3A_312, %scan3A_395 : i32
      %broadcast_in_dim3A_397 = arith.constant 0.000000e+00 : f32
      %broadcast_in_dim3A_398 = vector.broadcast %broadcast_in_dim3A_397 : f32 to vector<16xf32>
      %get3A_399 = arith.constant 0 : i32
      %get3A_400 = arith.index_cast %get3A_399 : i32 to index
      %get3A_401 = arith.index_cast %scan3A_396 : i32 to index
      %get3A_402 = arith.constant 0 : index
      %get3A_403 = tpu.vector_load %arg11[%get3A_400, %get3A_401, %get3A_402] {strides = array<i32>} : memref<2x128x128xf32, #tpu.memory_space<vmem>>, vector<16xf32>,
      %get3A_404 = arith.constant 0 : i32
      %get3A_405 = arith.index_cast %get3A_404 : i32 to index
      %get3A_406 = arith.index_cast %scan3A_396 : i32 to index
      %get3A_407 = arith.constant 0 : index
      %get3A_408 = tpu.vector_load %arg12[%get3A_405, %get3A_406, %get3A_407] {strides = array<i32>} : memref<2x128x128xf32, #tpu.memory_space<vmem>>, vector<16xf32>,
      %add3A_409 = arith.addf %get3A_403, %get3A_408 : vector<16xf32>
      %get3A_410 = arith.constant 0 : i32
      %get3A_411 = arith.index_cast %get3A_410 : i32 to index
      %get3A_412 = arith.index_cast %scan3A_396 : i32 to index
      %get3A_413 = arith.constant 0 : index
      %get3A_414 = tpu.vector_load %arg13[%get3A_411, %get3A_412, %get3A_413] {strides = array<i32>} : memref<2x128x128xf32, #tpu.memory_space<vmem>>, vector<16xf32>,
      %sub3A_415 = arith.subf %add3A_409, %get3A_414 : vector<16xf32>
      %abs3A_416 = math.absf %sub3A_415 : vector<16xf32>
      %add3A_417 = arith.addf %broadcast_in_dim3A_398, %abs3A_416 : vector<16xf32>
      %get3A_418 = arith.constant 0 : i32
      %get3A_419 = arith.index_cast %get3A_418 : i32 to index
      %get3A_420 = arith.index_cast %scan3A_396 : i32 to index
      %get3A_421 = arith.constant 16 : index
      %get3A_422 = tpu.vector_load %arg11[%get3A_419, %get3A_420, %get3A_421] {strides = array<i32>} : memref<2x128x128xf32, #tpu.memory_space<vmem>>, vector<16xf32>,
      %get3A_423 = arith.constant 0 : i32
      %get3A_424 = arith.index_cast %get3A_423 : i32 to index
      %get3A_425 = arith.index_cast %scan3A_396 : i32 to index
      %get3A_426 = arith.constant 16 : index
      %get3A_427 = tpu.vector_load %arg12[%get3A_424, %get3A_425, %get3A_426] {strides = array<i32>} : memref<2x128x128xf32, #tpu.memory_space<vmem>>, vector<16xf32>,
      %add3A_428 = arith.addf %get3A_422, %get3A_427 : vector<16xf32>
      %get3A_429 = arith.constant 0 : i32
      %get3A_430 = arith.index_cast %get3A_429 : i32 to index
      %get3A_431 = arith.index_cast %scan3A_396 : i32 to index
      %get3A_432 = arith.constant 16 : index
      %get3A_433 = tpu.vector_load %arg13[%get3A_430, %get3A_431, %get3A_432] {strides = array<i32>} : memref<2x128x128xf32, #tpu.memory_space<vmem>>, vector<16xf32>,
      %sub3A_434 = arith.subf %add3A_428, %get3A_433 : vector<16xf32>
      %abs3A_435 = math.absf %sub3A_434 : vector<16xf32>
      %add3A_436 = arith.addf %add3A_417, %abs3A_435 : vector<16xf32>
      %get3A_437 = arith.constant 0 : i32
      %get3A_438 = arith.index_cast %get3A_437 : i32 to index
      %get3A_439 = arith.index_cast %scan3A_396 : i32 to index
      %get3A_440 = arith.constant 32 : index
      %get3A_441 = tpu.vector_load %arg11[%get3A_438, %get3A_439, %get3A_440] {strides = array<i32>} : memref<2x128x128xf32, #tpu.memory_space<vmem>>, vector<16xf32>,
      %get3A_442 = arith.constant 0 : i32
      %get3A_443 = arith.index_cast %get3A_442 : i32 to index
      %get3A_444 = arith.index_cast %scan3A_396 : i32 to index
      %get3A_445 = arith.constant 32 : index
      %get3A_446 = tpu.vector_load %arg12[%get3A_443, %get3A_444, %get3A_445] {strides = array<i32>} : memref<2x128x128xf32, #tpu.memory_space<vmem>>, vector<16xf32>,
      %add3A_447 = arith.addf %get3A_441, %get3A_446 : vector<16xf32>
      %get3A_448 = arith.constant 0 : i32
      %get3A_449 = arith.index_cast %get3A_448 : i32 to index
      %get3A_450 = arith.index_cast %scan3A_396 : i32 to index
      %get3A_451 = arith.constant 32 : index
      %get3A_452 = tpu.vector_load %arg13[%get3A_449, %get3A_450, %get3A_451] {strides = array<i32>} : memref<2x128x128xf32, #tpu.memory_space<vmem>>, vector<16xf32>,
      %sub3A_453 = arith.subf %add3A_447, %get3A_452 : vector<16xf32>
      %abs3A_454 = math.absf %sub3A_453 : vector<16xf32>
      %add3A_455 = arith.addf %add3A_436, %abs3A_454 : vector<16xf32>
      %get3A_456 = arith.constant 0 : i32
      %get3A_457 = arith.index_cast %get3A_456 : i32 to index
      %get3A_458 = arith.index_cast %scan3A_396 : i32 to index
      %get3A_459 = arith.constant 48 : index
      %get3A_460 = tpu.vector_load %arg11[%get3A_457, %get3A_458, %get3A_459] {strides = array<i32>} : memref<2x128x128xf32, #tpu.memory_space<vmem>>, vector<16xf32>,
      %get3A_461 = arith.constant 0 : i32
      %get3A_462 = arith.index_cast %get3A_461 : i32 to index
      %get3A_463 = arith.index_cast %scan3A_396 : i32 to index
      %get3A_464 = arith.constant 48 : index
      %get3A_465 = tpu.vector_load %arg12[%get3A_462, %get3A_463, %get3A_464] {strides = array<i32>} : memref<2x128x128xf32, #tpu.memory_space<vmem>>, vector<16xf32>,
      %add3A_466 = arith.addf %get3A_460, %get3A_465 : vector<16xf32>
      %get3A_467 = arith.constant 0 : i32
      %get3A_468 = arith.index_cast %get3A_467 : i32 to index
      %get3A_469 = arith.index_cast %scan3A_396 : i32 to index
      %get3A_470 = arith.constant 48 : index
      %get3A_471 = tpu.vector_load %arg13[%get3A_468, %get3A_469, %get3A_470] {strides = array<i32>} : memref<2x128x128xf32, #tpu.memory_space<vmem>>, vector<16xf32>,
      %sub3A_472 = arith.subf %add3A_466, %get3A_471 : vector<16xf32>
      %abs3A_473 = math.absf %sub3A_472 : vector<16xf32>
      %add3A_474 = arith.addf %add3A_455, %abs3A_473 : vector<16xf32>
      %broadcast_in_dim3A_475 = arith.constant true
      %broadcast_in_dim3A_476 = vector.broadcast %broadcast_in_dim3A_475 : i1 to vector<16xi1>
      %masked_cumsum3A_477 = tpu.scan <sum>, %add3A_474 masked %broadcast_in_dim3A_476 : vector<16xf32>, vector<16xi1> -> vector<16xf32>
      %add3A_478 = arith.constant 0 : i32
      %add3A_479 = arith.addi %add3A_478, %scan3A_396 : i32
      %broadcast_in_dim3A_480 = vector.broadcast %add3A_479 : i32 to vector<16xi32>
      %sub3A_481 = arith.constant 1.200000e+01 : f32
      %sub3A_482 = vector.broadcast %sub3A_481 : f32 to vector<16xf32>
      %sub3A_483 = arith.subf %sub3A_482, %masked_cumsum3A_477 : vector<16xf32>
      tpu.vector_store_idx %arg14[%broadcast_in_dim3A_480], %sub3A_483 masked %eq3A_2 : memref<512xf32, #tpu.memory_space<vmem>>[vector<16xi32>], vector<16xf32>, vector<16xi1>
      %scan3A_484 = arith.constant 2 : i32
      %scan3A_485 = arith.addi %scan3A_312, %scan3A_484 : i32
      %broadcast_in_dim3A_486 = arith.constant 0.000000e+00 : f32
      %broadcast_in_dim3A_487 = vector.broadcast %broadcast_in_dim3A_486 : f32 to vector<16xf32>
      %get3A_488 = arith.constant 0 : i32
      %get3A_489 = arith.index_cast %get3A_488 : i32 to index
      %get3A_490 = arith.index_cast %scan3A_485 : i32 to index
      %get3A_491 = arith.constant 0 : index
      %get3A_492 = tpu.vector_load %arg11[%get3A_489, %get3A_490, %get3A_491] {strides = array<i32>} : memref<2x128x128xf32, #tpu.memory_space<vmem>>, vector<16xf32>,
      %get3A_493 = arith.constant 0 : i32
      %get3A_494 = arith.index_cast %get3A_493 : i32 to index
      %get3A_495 = arith.index_cast %scan3A_485 : i32 to index
      %get3A_496 = arith.constant 0 : index
      %get3A_497 = tpu.vector_load %arg12[%get3A_494, %get3A_495, %get3A_496] {strides = array<i32>} : memref<2x128x128xf32, #tpu.memory_space<vmem>>, vector<16xf32>,
      %add3A_498 = arith.addf %get3A_492, %get3A_497 : vector<16xf32>
      %get3A_499 = arith.constant 0 : i32
      %get3A_500 = arith.index_cast %get3A_499 : i32 to index
      %get3A_501 = arith.index_cast %scan3A_485 : i32 to index
      %get3A_502 = arith.constant 0 : index
      %get3A_503 = tpu.vector_load %arg13[%get3A_500, %get3A_501, %get3A_502] {strides = array<i32>} : memref<2x128x128xf32, #tpu.memory_space<vmem>>, vector<16xf32>,
      %sub3A_504 = arith.subf %add3A_498, %get3A_503 : vector<16xf32>
      %abs3A_505 = math.absf %sub3A_504 : vector<16xf32>
      %add3A_506 = arith.addf %broadcast_in_dim3A_487, %abs3A_505 : vector<16xf32>
      %get3A_507 = arith.constant 0 : i32
      %get3A_508 = arith.index_cast %get3A_507 : i32 to index
      %get3A_509 = arith.index_cast %scan3A_485 : i32 to index
      %get3A_510 = arith.constant 16 : index
      %get3A_511 = tpu.vector_load %arg11[%get3A_508, %get3A_509, %get3A_510] {strides = array<i32>} : memref<2x128x128xf32, #tpu.memory_space<vmem>>, vector<16xf32>,
      %get3A_512 = arith.constant 0 : i32
      %get3A_513 = arith.index_cast %get3A_512 : i32 to index
      %get3A_514 = arith.index_cast %scan3A_485 : i32 to index
      %get3A_515 = arith.constant 16 : index
      %get3A_516 = tpu.vector_load %arg12[%get3A_513, %get3A_514, %get3A_515] {strides = array<i32>} : memref<2x128x128xf32, #tpu.memory_space<vmem>>, vector<16xf32>,
      %add3A_517 = arith.addf %get3A_511, %get3A_516 : vector<16xf32>
      %get3A_518 = arith.constant 0 : i32
      %get3A_519 = arith.index_cast %get3A_518 : i32 to index
      %get3A_520 = arith.index_cast %scan3A_485 : i32 to index
      %get3A_521 = arith.constant 16 : index
      %get3A_522 = tpu.vector_load %arg13[%get3A_519, %get3A_520, %get3A_521] {strides = array<i32>} : memref<2x128x128xf32, #tpu.memory_space<vmem>>, vector<16xf32>,
      %sub3A_523 = arith.subf %add3A_517, %get3A_522 : vector<16xf32>
      %abs3A_524 = math.absf %sub3A_523 : vector<16xf32>
      %add3A_525 = arith.addf %add3A_506, %abs3A_524 : vector<16xf32>
      %get3A_526 = arith.constant 0 : i32
      %get3A_527 = arith.index_cast %get3A_526 : i32 to index
      %get3A_528 = arith.index_cast %scan3A_485 : i32 to index
      %get3A_529 = arith.constant 32 : index
      %get3A_530 = tpu.vector_load %arg11[%get3A_527, %get3A_528, %get3A_529] {strides = array<i32>} : memref<2x128x128xf32, #tpu.memory_space<vmem>>, vector<16xf32>,
      %get3A_531 = arith.constant 0 : i32
      %get3A_532 = arith.index_cast %get3A_531 : i32 to index
      %get3A_533 = arith.index_cast %scan3A_485 : i32 to index
      %get3A_534 = arith.constant 32 : index
      %get3A_535 = tpu.vector_load %arg12[%get3A_532, %get3A_533, %get3A_534] {strides = array<i32>} : memref<2x128x128xf32, #tpu.memory_space<vmem>>, vector<16xf32>,
      %add3A_536 = arith.addf %get3A_530, %get3A_535 : vector<16xf32>
      %get3A_537 = arith.constant 0 : i32
      %get3A_538 = arith.index_cast %get3A_537 : i32 to index
      %get3A_539 = arith.index_cast %scan3A_485 : i32 to index
      %get3A_540 = arith.constant 32 : index
      %get3A_541 = tpu.vector_load %arg13[%get3A_538, %get3A_539, %get3A_540] {strides = array<i32>} : memref<2x128x128xf32, #tpu.memory_space<vmem>>, vector<16xf32>,
      %sub3A_542 = arith.subf %add3A_536, %get3A_541 : vector<16xf32>
      %abs3A_543 = math.absf %sub3A_542 : vector<16xf32>
      %add3A_544 = arith.addf %add3A_525, %abs3A_543 : vector<16xf32>
      %get3A_545 = arith.constant 0 : i32
      %get3A_546 = arith.index_cast %get3A_545 : i32 to index
      %get3A_547 = arith.index_cast %scan3A_485 : i32 to index
      %get3A_548 = arith.constant 48 : index
      %get3A_549 = tpu.vector_load %arg11[%get3A_546, %get3A_547, %get3A_548] {strides = array<i32>} : memref<2x128x128xf32, #tpu.memory_space<vmem>>, vector<16xf32>,
      %get3A_550 = arith.constant 0 : i32
      %get3A_551 = arith.index_cast %get3A_550 : i32 to index
      %get3A_552 = arith.index_cast %scan3A_485 : i32 to index
      %get3A_553 = arith.constant 48 : index
      %get3A_554 = tpu.vector_load %arg12[%get3A_551, %get3A_552, %get3A_553] {strides = array<i32>} : memref<2x128x128xf32, #tpu.memory_space<vmem>>, vector<16xf32>,
      %add3A_555 = arith.addf %get3A_549, %get3A_554 : vector<16xf32>
      %get3A_556 = arith.constant 0 : i32
      %get3A_557 = arith.index_cast %get3A_556 : i32 to index
      %get3A_558 = arith.index_cast %scan3A_485 : i32 to index
      %get3A_559 = arith.constant 48 : index
      %get3A_560 = tpu.vector_load %arg13[%get3A_557, %get3A_558, %get3A_559] {strides = array<i32>} : memref<2x128x128xf32, #tpu.memory_space<vmem>>, vector<16xf32>,
      %sub3A_561 = arith.subf %add3A_555, %get3A_560 : vector<16xf32>
      %abs3A_562 = math.absf %sub3A_561 : vector<16xf32>
      %add3A_563 = arith.addf %add3A_544, %abs3A_562 : vector<16xf32>
      %broadcast_in_dim3A_564 = arith.constant true
      %broadcast_in_dim3A_565 = vector.broadcast %broadcast_in_dim3A_564 : i1 to vector<16xi1>
      %masked_cumsum3A_566 = tpu.scan <sum>, %add3A_563 masked %broadcast_in_dim3A_565 : vector<16xf32>, vector<16xi1> -> vector<16xf32>
      %add3A_567 = arith.constant 0 : i32
      %add3A_568 = arith.addi %add3A_567, %scan3A_485 : i32
      %broadcast_in_dim3A_569 = vector.broadcast %add3A_568 : i32 to vector<16xi32>
      %sub3A_570 = arith.constant 1.200000e+01 : f32
      %sub3A_571 = vector.broadcast %sub3A_570 : f32 to vector<16xf32>
      %sub3A_572 = arith.subf %sub3A_571, %masked_cumsum3A_566 : vector<16xf32>
      tpu.vector_store_idx %arg14[%broadcast_in_dim3A_569], %sub3A_572 masked %eq3A_2 : memref<512xf32, #tpu.memory_space<vmem>>[vector<16xi32>], vector<16xf32>, vector<16xi1>
      %scan3A_573 = arith.constant 3 : i32
      %scan3A_574 = arith.addi %scan3A_312, %scan3A_573 : i32
      %broadcast_in_dim3A_575 = arith.constant 0.000000e+00 : f32
      %broadcast_in_dim3A_576 = vector.broadcast %broadcast_in_dim3A_575 : f32 to vector<16xf32>
      %get3A_577 = arith.constant 0 : i32
      %get3A_578 = arith.index_cast %get3A_577 : i32 to index
      %get3A_579 = arith.index_cast %scan3A_574 : i32 to index
      %get3A_580 = arith.constant 0 : index
      %get3A_581 = tpu.vector_load %arg11[%get3A_578, %get3A_579, %get3A_580] {strides = array<i32>} : memref<2x128x128xf32, #tpu.memory_space<vmem>>, vector<16xf32>,
      %get3A_582 = arith.constant 0 : i32
      %get3A_583 = arith.index_cast %get3A_582 : i32 to index
      %get3A_584 = arith.index_cast %scan3A_574 : i32 to index
      %get3A_585 = arith.constant 0 : index
      %get3A_586 = tpu.vector_load %arg12[%get3A_583, %get3A_584, %get3A_585] {strides = array<i32>} : memref<2x128x128xf32, #tpu.memory_space<vmem>>, vector<16xf32>,
      %add3A_587 = arith.addf %get3A_581, %get3A_586 : vector<16xf32>
      %get3A_588 = arith.constant 0 : i32
      %get3A_589 = arith.index_cast %get3A_588 : i32 to index
      %get3A_590 = arith.index_cast %scan3A_574 : i32 to index
      %get3A_591 = arith.constant 0 : index
      %get3A_592 = tpu.vector_load %arg13[%get3A_589, %get3A_590, %get3A_591] {strides = array<i32>} : memref<2x128x128xf32, #tpu.memory_space<vmem>>, vector<16xf32>,
      %sub3A_593 = arith.subf %add3A_587, %get3A_592 : vector<16xf32>
      %abs3A_594 = math.absf %sub3A_593 : vector<16xf32>
      %add3A_595 = arith.addf %broadcast_in_dim3A_576, %abs3A_594 : vector<16xf32>
      %get3A_596 = arith.constant 0 : i32
      %get3A_597 = arith.index_cast %get3A_596 : i32 to index
      %get3A_598 = arith.index_cast %scan3A_574 : i32 to index
      %get3A_599 = arith.constant 16 : index
      %get3A_600 = tpu.vector_load %arg11[%get3A_597, %get3A_598, %get3A_599] {strides = array<i32>} : memref<2x128x128xf32, #tpu.memory_space<vmem>>, vector<16xf32>,
      %get3A_601 = arith.constant 0 : i32
      %get3A_602 = arith.index_cast %get3A_601 : i32 to index
      %get3A_603 = arith.index_cast %scan3A_574 : i32 to index
      %get3A_604 = arith.constant 16 : index
      %get3A_605 = tpu.vector_load %arg12[%get3A_602, %get3A_603, %get3A_604] {strides = array<i32>} : memref<2x128x128xf32, #tpu.memory_space<vmem>>, vector<16xf32>,
      %add3A_606 = arith.addf %get3A_600, %get3A_605 : vector<16xf32>
      %get3A_607 = arith.constant 0 : i32
      %get3A_608 = arith.index_cast %get3A_607 : i32 to index
      %get3A_609 = arith.index_cast %scan3A_574 : i32 to index
      %get3A_610 = arith.constant 16 : index
      %get3A_611 = tpu.vector_load %arg13[%get3A_608, %get3A_609, %get3A_610] {strides = array<i32>} : memref<2x128x128xf32, #tpu.memory_space<vmem>>, vector<16xf32>,
      %sub3A_612 = arith.subf %add3A_606, %get3A_611 : vector<16xf32>
      %abs3A_613 = math.absf %sub3A_612 : vector<16xf32>
      %add3A_614 = arith.addf %add3A_595, %abs3A_613 : vector<16xf32>
      %get3A_615 = arith.constant 0 : i32
      %get3A_616 = arith.index_cast %get3A_615 : i32 to index
      %get3A_617 = arith.index_cast %scan3A_574 : i32 to index
      %get3A_618 = arith.constant 32 : index
      %get3A_619 = tpu.vector_load %arg11[%get3A_616, %get3A_617, %get3A_618] {strides = array<i32>} : memref<2x128x128xf32, #tpu.memory_space<vmem>>, vector<16xf32>,
      %get3A_620 = arith.constant 0 : i32
      %get3A_621 = arith.index_cast %get3A_620 : i32 to index
      %get3A_622 = arith.index_cast %scan3A_574 : i32 to index
      %get3A_623 = arith.constant 32 : index
      %get3A_624 = tpu.vector_load %arg12[%get3A_621, %get3A_622, %get3A_623] {strides = array<i32>} : memref<2x128x128xf32, #tpu.memory_space<vmem>>, vector<16xf32>,
      %add3A_625 = arith.addf %get3A_619, %get3A_624 : vector<16xf32>
      %get3A_626 = arith.constant 0 : i32
      %get3A_627 = arith.index_cast %get3A_626 : i32 to index
      %get3A_628 = arith.index_cast %scan3A_574 : i32 to index
      %get3A_629 = arith.constant 32 : index
      %get3A_630 = tpu.vector_load %arg13[%get3A_627, %get3A_628, %get3A_629] {strides = array<i32>} : memref<2x128x128xf32, #tpu.memory_space<vmem>>, vector<16xf32>,
      %sub3A_631 = arith.subf %add3A_625, %get3A_630 : vector<16xf32>
      %abs3A_632 = math.absf %sub3A_631 : vector<16xf32>
      %add3A_633 = arith.addf %add3A_614, %abs3A_632 : vector<16xf32>
      %get3A_634 = arith.constant 0 : i32
      %get3A_635 = arith.index_cast %get3A_634 : i32 to index
      %get3A_636 = arith.index_cast %scan3A_574 : i32 to index
      %get3A_637 = arith.constant 48 : index
      %get3A_638 = tpu.vector_load %arg11[%get3A_635, %get3A_636, %get3A_637] {strides = array<i32>} : memref<2x128x128xf32, #tpu.memory_space<vmem>>, vector<16xf32>,
      %get3A_639 = arith.constant 0 : i32
      %get3A_640 = arith.index_cast %get3A_639 : i32 to index
      %get3A_641 = arith.index_cast %scan3A_574 : i32 to index
      %get3A_642 = arith.constant 48 : index
      %get3A_643 = tpu.vector_load %arg12[%get3A_640, %get3A_641, %get3A_642] {strides = array<i32>} : memref<2x128x128xf32, #tpu.memory_space<vmem>>, vector<16xf32>,
      %add3A_644 = arith.addf %get3A_638, %get3A_643 : vector<16xf32>
      %get3A_645 = arith.constant 0 : i32
      %get3A_646 = arith.index_cast %get3A_645 : i32 to index
      %get3A_647 = arith.index_cast %scan3A_574 : i32 to index
      %get3A_648 = arith.constant 48 : index
      %get3A_649 = tpu.vector_load %arg13[%get3A_646, %get3A_647, %get3A_648] {strides = array<i32>} : memref<2x128x128xf32, #tpu.memory_space<vmem>>, vector<16xf32>,
      %sub3A_650 = arith.subf %add3A_644, %get3A_649 : vector<16xf32>
      %abs3A_651 = math.absf %sub3A_650 : vector<16xf32>
      %add3A_652 = arith.addf %add3A_633, %abs3A_651 : vector<16xf32>
      %broadcast_in_dim3A_653 = arith.constant true
      %broadcast_in_dim3A_654 = vector.broadcast %broadcast_in_dim3A_653 : i1 to vector<16xi1>
      %masked_cumsum3A_655 = tpu.scan <sum>, %add3A_652 masked %broadcast_in_dim3A_654 : vector<16xf32>, vector<16xi1> -> vector<16xf32>
      %add3A_656 = arith.constant 0 : i32
      %add3A_657 = arith.addi %add3A_656, %scan3A_574 : i32
      %broadcast_in_dim3A_658 = vector.broadcast %add3A_657 : i32 to vector<16xi32>
      %sub3A_659 = arith.constant 1.200000e+01 : f32
      %sub3A_660 = vector.broadcast %sub3A_659 : f32 to vector<16xf32>
      %sub3A_661 = arith.subf %sub3A_660, %masked_cumsum3A_655 : vector<16xf32>
      tpu.vector_store_idx %arg14[%broadcast_in_dim3A_658], %sub3A_661 masked %eq3A_2 : memref<512xf32, #tpu.memory_space<vmem>>[vector<16xi32>], vector<16xf32>, vector<16xi1>
      %scan3A_662 = arith.constant 4 : i32
      %scan3A_663 = arith.addi %scan3A_312, %scan3A_662 : i32
      %broadcast_in_dim3A_664 = arith.constant 0.000000e+00 : f32
      %broadcast_in_dim3A_665 = vector.broadcast %broadcast_in_dim3A_664 : f32 to vector<16xf32>
      %get3A_666 = arith.constant 0 : i32
      %get3A_667 = arith.index_cast %get3A_666 : i32 to index
      %get3A_668 = arith.index_cast %scan3A_663 : i32 to index
      %get3A_669 = arith.constant 0 : index
      %get3A_670 = tpu.vector_load %arg11[%get3A_667, %get3A_668, %get3A_669] {strides = array<i32>} : memref<2x128x128xf32, #tpu.memory_space<vmem>>, vector<16xf32>,
      %get3A_671 = arith.constant 0 : i32
      %get3A_672 = arith.index_cast %get3A_671 : i32 to index
      %get3A_673 = arith.index_cast %scan3A_663 : i32 to index
      %get3A_674 = arith.constant 0 : index
      %get3A_675 = tpu.vector_load %arg12[%get3A_672, %get3A_673, %get3A_674] {strides = array<i32>} : memref<2x128x128xf32, #tpu.memory_space<vmem>>, vector<16xf32>,
      %add3A_676 = arith.addf %get3A_670, %get3A_675 : vector<16xf32>
      %get3A_677 = arith.constant 0 : i32
      %get3A_678 = arith.index_cast %get3A_677 : i32 to index
      %get3A_679 = arith.index_cast %scan3A_663 : i32 to index
      %get3A_680 = arith.constant 0 : index
      %get3A_681 = tpu.vector_load %arg13[%get3A_678, %get3A_679, %get3A_680] {strides = array<i32>} : memref<2x128x128xf32, #tpu.memory_space<vmem>>, vector<16xf32>,
      %sub3A_682 = arith.subf %add3A_676, %get3A_681 : vector<16xf32>
      %abs3A_683 = math.absf %sub3A_682 : vector<16xf32>
      %add3A_684 = arith.addf %broadcast_in_dim3A_665, %abs3A_683 : vector<16xf32>
      %get3A_685 = arith.constant 0 : i32
      %get3A_686 = arith.index_cast %get3A_685 : i32 to index
      %get3A_687 = arith.index_cast %scan3A_663 : i32 to index
      %get3A_688 = arith.constant 16 : index
      %get3A_689 = tpu.vector_load %arg11[%get3A_686, %get3A_687, %get3A_688] {strides = array<i32>} : memref<2x128x128xf32, #tpu.memory_space<vmem>>, vector<16xf32>,
      %get3A_690 = arith.constant 0 : i32
      %get3A_691 = arith.index_cast %get3A_690 : i32 to index
      %get3A_692 = arith.index_cast %scan3A_663 : i32 to index
      %get3A_693 = arith.constant 16 : index
      %get3A_694 = tpu.vector_load %arg12[%get3A_691, %get3A_692, %get3A_693] {strides = array<i32>} : memref<2x128x128xf32, #tpu.memory_space<vmem>>, vector<16xf32>,
      %add3A_695 = arith.addf %get3A_689, %get3A_694 : vector<16xf32>
      %get3A_696 = arith.constant 0 : i32
      %get3A_697 = arith.index_cast %get3A_696 : i32 to index
      %get3A_698 = arith.index_cast %scan3A_663 : i32 to index
      %get3A_699 = arith.constant 16 : index
      %get3A_700 = tpu.vector_load %arg13[%get3A_697, %get3A_698, %get3A_699] {strides = array<i32>} : memref<2x128x128xf32, #tpu.memory_space<vmem>>, vector<16xf32>,
      %sub3A_701 = arith.subf %add3A_695, %get3A_700 : vector<16xf32>
      %abs3A_702 = math.absf %sub3A_701 : vector<16xf32>
      %add3A_703 = arith.addf %add3A_684, %abs3A_702 : vector<16xf32>
      %get3A_704 = arith.constant 0 : i32
      %get3A_705 = arith.index_cast %get3A_704 : i32 to index
      %get3A_706 = arith.index_cast %scan3A_663 : i32 to index
      %get3A_707 = arith.constant 32 : index
      %get3A_708 = tpu.vector_load %arg11[%get3A_705, %get3A_706, %get3A_707] {strides = array<i32>} : memref<2x128x128xf32, #tpu.memory_space<vmem>>, vector<16xf32>,
      %get3A_709 = arith.constant 0 : i32
      %get3A_710 = arith.index_cast %get3A_709 : i32 to index
      %get3A_711 = arith.index_cast %scan3A_663 : i32 to index
      %get3A_712 = arith.constant 32 : index
      %get3A_713 = tpu.vector_load %arg12[%get3A_710, %get3A_711, %get3A_712] {strides = array<i32>} : memref<2x128x128xf32, #tpu.memory_space<vmem>>, vector<16xf32>,
      %add3A_714 = arith.addf %get3A_708, %get3A_713 : vector<16xf32>
      %get3A_715 = arith.constant 0 : i32
      %get3A_716 = arith.index_cast %get3A_715 : i32 to index
      %get3A_717 = arith.index_cast %scan3A_663 : i32 to index
      %get3A_718 = arith.constant 32 : index
      %get3A_719 = tpu.vector_load %arg13[%get3A_716, %get3A_717, %get3A_718] {strides = array<i32>} : memref<2x128x128xf32, #tpu.memory_space<vmem>>, vector<16xf32>,
      %sub3A_720 = arith.subf %add3A_714, %get3A_719 : vector<16xf32>
      %abs3A_721 = math.absf %sub3A_720 : vector<16xf32>
      %add3A_722 = arith.addf %add3A_703, %abs3A_721 : vector<16xf32>
      %get3A_723 = arith.constant 0 : i32
      %get3A_724 = arith.index_cast %get3A_723 : i32 to index
      %get3A_725 = arith.index_cast %scan3A_663 : i32 to index
      %get3A_726 = arith.constant 48 : index
      %get3A_727 = tpu.vector_load %arg11[%get3A_724, %get3A_725, %get3A_726] {strides = array<i32>} : memref<2x128x128xf32, #tpu.memory_space<vmem>>, vector<16xf32>,
      %get3A_728 = arith.constant 0 : i32
      %get3A_729 = arith.index_cast %get3A_728 : i32 to index
      %get3A_730 = arith.index_cast %scan3A_663 : i32 to index
      %get3A_731 = arith.constant 48 : index
      %get3A_732 = tpu.vector_load %arg12[%get3A_729, %get3A_730, %get3A_731] {strides = array<i32>} : memref<2x128x128xf32, #tpu.memory_space<vmem>>, vector<16xf32>,
      %add3A_733 = arith.addf %get3A_727, %get3A_732 : vector<16xf32>
      %get3A_734 = arith.constant 0 : i32
      %get3A_735 = arith.index_cast %get3A_734 : i32 to index
      %get3A_736 = arith.index_cast %scan3A_663 : i32 to index
      %get3A_737 = arith.constant 48 : index
      %get3A_738 = tpu.vector_load %arg13[%get3A_735, %get3A_736, %get3A_737] {strides = array<i32>} : memref<2x128x128xf32, #tpu.memory_space<vmem>>, vector<16xf32>,
      %sub3A_739 = arith.subf %add3A_733, %get3A_738 : vector<16xf32>
      %abs3A_740 = math.absf %sub3A_739 : vector<16xf32>
      %add3A_741 = arith.addf %add3A_722, %abs3A_740 : vector<16xf32>
      %broadcast_in_dim3A_742 = arith.constant true
      %broadcast_in_dim3A_743 = vector.broadcast %broadcast_in_dim3A_742 : i1 to vector<16xi1>
      %masked_cumsum3A_744 = tpu.scan <sum>, %add3A_741 masked %broadcast_in_dim3A_743 : vector<16xf32>, vector<16xi1> -> vector<16xf32>
      %add3A_745 = arith.constant 0 : i32
      %add3A_746 = arith.addi %add3A_745, %scan3A_663 : i32
      %broadcast_in_dim3A_747 = vector.broadcast %add3A_746 : i32 to vector<16xi32>
      %sub3A_748 = arith.constant 1.200000e+01 : f32
      %sub3A_749 = vector.broadcast %sub3A_748 : f32 to vector<16xf32>
      %sub3A_750 = arith.subf %sub3A_749, %masked_cumsum3A_744 : vector<16xf32>
      tpu.vector_store_idx %arg14[%broadcast_in_dim3A_747], %sub3A_750 masked %eq3A_2 : memref<512xf32, #tpu.memory_space<vmem>>[vector<16xi32>], vector<16xf32>, vector<16xi1>
      %scan3A_751 = arith.constant 5 : i32
      %scan3A_752 = arith.addi %scan3A_312, %scan3A_751 : i32
      %broadcast_in_dim3A_753 = arith.constant 0.000000e+00 : f32
      %broadcast_in_dim3A_754 = vector.broadcast %broadcast_in_dim3A_753 : f32 to vector<16xf32>
      %get3A_755 = arith.constant 0 : i32
      %get3A_756 = arith.index_cast %get3A_755 : i32 to index
      %get3A_757 = arith.index_cast %scan3A_752 : i32 to index
      %get3A_758 = arith.constant 0 : index
      %get3A_759 = tpu.vector_load %arg11[%get3A_756, %get3A_757, %get3A_758] {strides = array<i32>} : memref<2x128x128xf32, #tpu.memory_space<vmem>>, vector<16xf32>,
      %get3A_760 = arith.constant 0 : i32
      %get3A_761 = arith.index_cast %get3A_760 : i32 to index
      %get3A_762 = arith.index_cast %scan3A_752 : i32 to index
      %get3A_763 = arith.constant 0 : index
      %get3A_764 = tpu.vector_load %arg12[%get3A_761, %get3A_762, %get3A_763] {strides = array<i32>} : memref<2x128x128xf32, #tpu.memory_space<vmem>>, vector<16xf32>,
      %add3A_765 = arith.addf %get3A_759, %get3A_764 : vector<16xf32>
      %get3A_766 = arith.constant 0 : i32
      %get3A_767 = arith.index_cast %get3A_766 : i32 to index
      %get3A_768 = arith.index_cast %scan3A_752 : i32 to index
      %get3A_769 = arith.constant 0 : index
      %get3A_770 = tpu.vector_load %arg13[%get3A_767, %get3A_768, %get3A_769] {strides = array<i32>} : memref<2x128x128xf32, #tpu.memory_space<vmem>>, vector<16xf32>,
      %sub3A_771 = arith.subf %add3A_765, %get3A_770 : vector<16xf32>
      %abs3A_772 = math.absf %sub3A_771 : vector<16xf32>
      %add3A_773 = arith.addf %broadcast_in_dim3A_754, %abs3A_772 : vector<16xf32>
      %get3A_774 = arith.constant 0 : i32
      %get3A_775 = arith.index_cast %get3A_774 : i32 to index
      %get3A_776 = arith.index_cast %scan3A_752 : i32 to index
      %get3A_777 = arith.constant 16 : index
      %get3A_778 = tpu.vector_load %arg11[%get3A_775, %get3A_776, %get3A_777] {strides = array<i32>} : memref<2x128x128xf32, #tpu.memory_space<vmem>>, vector<16xf32>,
      %get3A_779 = arith.constant 0 : i32
      %get3A_780 = arith.index_cast %get3A_779 : i32 to index
      %get3A_781 = arith.index_cast %scan3A_752 : i32 to index
      %get3A_782 = arith.constant 16 : index
      %get3A_783 = tpu.vector_load %arg12[%get3A_780, %get3A_781, %get3A_782] {strides = array<i32>} : memref<2x128x128xf32, #tpu.memory_space<vmem>>, vector<16xf32>,
      %add3A_784 = arith.addf %get3A_778, %get3A_783 : vector<16xf32>
      %get3A_785 = arith.constant 0 : i32
      %get3A_786 = arith.index_cast %get3A_785 : i32 to index
      %get3A_787 = arith.index_cast %scan3A_752 : i32 to index
      %get3A_788 = arith.constant 16 : index
      %get3A_789 = tpu.vector_load %arg13[%get3A_786, %get3A_787, %get3A_788] {strides = array<i32>} : memref<2x128x128xf32, #tpu.memory_space<vmem>>, vector<16xf32>,
      %sub3A_790 = arith.subf %add3A_784, %get3A_789 : vector<16xf32>
      %abs3A_791 = math.absf %sub3A_790 : vector<16xf32>
      %add3A_792 = arith.addf %add3A_773, %abs3A_791 : vector<16xf32>
      %get3A_793 = arith.constant 0 : i32
      %get3A_794 = arith.index_cast %get3A_793 : i32 to index
      %get3A_795 = arith.index_cast %scan3A_752 : i32 to index
      %get3A_796 = arith.constant 32 : index
      %get3A_797 = tpu.vector_load %arg11[%get3A_794, %get3A_795, %get3A_796] {strides = array<i32>} : memref<2x128x128xf32, #tpu.memory_space<vmem>>, vector<16xf32>,
      %get3A_798 = arith.constant 0 : i32
      %get3A_799 = arith.index_cast %get3A_798 : i32 to index
      %get3A_800 = arith.index_cast %scan3A_752 : i32 to index
      %get3A_801 = arith.constant 32 : index
      %get3A_802 = tpu.vector_load %arg12[%get3A_799, %get3A_800, %get3A_801] {strides = array<i32>} : memref<2x128x128xf32, #tpu.memory_space<vmem>>, vector<16xf32>,
      %add3A_803 = arith.addf %get3A_797, %get3A_802 : vector<16xf32>
      %get3A_804 = arith.constant 0 : i32
      %get3A_805 = arith.index_cast %get3A_804 : i32 to index
      %get3A_806 = arith.index_cast %scan3A_752 : i32 to index
      %get3A_807 = arith.constant 32 : index
      %get3A_808 = tpu.vector_load %arg13[%get3A_805, %get3A_806, %get3A_807] {strides = array<i32>} : memref<2x128x128xf32, #tpu.memory_space<vmem>>, vector<16xf32>,
      %sub3A_809 = arith.subf %add3A_803, %get3A_808 : vector<16xf32>
      %abs3A_810 = math.absf %sub3A_809 : vector<16xf32>
      %add3A_811 = arith.addf %add3A_792, %abs3A_810 : vector<16xf32>
      %get3A_812 = arith.constant 0 : i32
      %get3A_813 = arith.index_cast %get3A_812 : i32 to index
      %get3A_814 = arith.index_cast %scan3A_752 : i32 to index
      %get3A_815 = arith.constant 48 : index
      %get3A_816 = tpu.vector_load %arg11[%get3A_813, %get3A_814, %get3A_815] {strides = array<i32>} : memref<2x128x128xf32, #tpu.memory_space<vmem>>, vector<16xf32>,
      %get3A_817 = arith.constant 0 : i32
      %get3A_818 = arith.index_cast %get3A_817 : i32 to index
      %get3A_819 = arith.index_cast %scan3A_752 : i32 to index
      %get3A_820 = arith.constant 48 : index
      %get3A_821 = tpu.vector_load %arg12[%get3A_818, %get3A_819, %get3A_820] {strides = array<i32>} : memref<2x128x128xf32, #tpu.memory_space<vmem>>, vector<16xf32>,
      %add3A_822 = arith.addf %get3A_816, %get3A_821 : vector<16xf32>
      %get3A_823 = arith.constant 0 : i32
      %get3A_824 = arith.index_cast %get3A_823 : i32 to index
      %get3A_825 = arith.index_cast %scan3A_752 : i32 to index
      %get3A_826 = arith.constant 48 : index
      %get3A_827 = tpu.vector_load %arg13[%get3A_824, %get3A_825, %get3A_826] {strides = array<i32>} : memref<2x128x128xf32, #tpu.memory_space<vmem>>, vector<16xf32>,
      %sub3A_828 = arith.subf %add3A_822, %get3A_827 : vector<16xf32>
      %abs3A_829 = math.absf %sub3A_828 : vector<16xf32>
      %add3A_830 = arith.addf %add3A_811, %abs3A_829 : vector<16xf32>
      %broadcast_in_dim3A_831 = arith.constant true
      %broadcast_in_dim3A_832 = vector.broadcast %broadcast_in_dim3A_831 : i1 to vector<16xi1>
      %masked_cumsum3A_833 = tpu.scan <sum>, %add3A_830 masked %broadcast_in_dim3A_832 : vector<16xf32>, vector<16xi1> -> vector<16xf32>
      %add3A_834 = arith.constant 0 : i32
      %add3A_835 = arith.addi %add3A_834, %scan3A_752 : i32
      %broadcast_in_dim3A_836 = vector.broadcast %add3A_835 : i32 to vector<16xi32>
      %sub3A_837 = arith.constant 1.200000e+01 : f32
      %sub3A_838 = vector.broadcast %sub3A_837 : f32 to vector<16xf32>
      %sub3A_839 = arith.subf %sub3A_838, %masked_cumsum3A_833 : vector<16xf32>
      tpu.vector_store_idx %arg14[%broadcast_in_dim3A_836], %sub3A_839 masked %eq3A_2 : memref<512xf32, #tpu.memory_space<vmem>>[vector<16xi32>], vector<16xf32>, vector<16xi1>
      %scan3A_840 = arith.constant 6 : i32
      %scan3A_841 = arith.addi %scan3A_312, %scan3A_840 : i32
      %broadcast_in_dim3A_842 = arith.constant 0.000000e+00 : f32
      %broadcast_in_dim3A_843 = vector.broadcast %broadcast_in_dim3A_842 : f32 to vector<16xf32>
      %get3A_844 = arith.constant 0 : i32
      %get3A_845 = arith.index_cast %get3A_844 : i32 to index
      %get3A_846 = arith.index_cast %scan3A_841 : i32 to index
      %get3A_847 = arith.constant 0 : index
      %get3A_848 = tpu.vector_load %arg11[%get3A_845, %get3A_846, %get3A_847] {strides = array<i32>} : memref<2x128x128xf32, #tpu.memory_space<vmem>>, vector<16xf32>,
      %get3A_849 = arith.constant 0 : i32
      %get3A_850 = arith.index_cast %get3A_849 : i32 to index
      %get3A_851 = arith.index_cast %scan3A_841 : i32 to index
      %get3A_852 = arith.constant 0 : index
      %get3A_853 = tpu.vector_load %arg12[%get3A_850, %get3A_851, %get3A_852] {strides = array<i32>} : memref<2x128x128xf32, #tpu.memory_space<vmem>>, vector<16xf32>,
      %add3A_854 = arith.addf %get3A_848, %get3A_853 : vector<16xf32>
      %get3A_855 = arith.constant 0 : i32
      %get3A_856 = arith.index_cast %get3A_855 : i32 to index
      %get3A_857 = arith.index_cast %scan3A_841 : i32 to index
      %get3A_858 = arith.constant 0 : index
      %get3A_859 = tpu.vector_load %arg13[%get3A_856, %get3A_857, %get3A_858] {strides = array<i32>} : memref<2x128x128xf32, #tpu.memory_space<vmem>>, vector<16xf32>,
      %sub3A_860 = arith.subf %add3A_854, %get3A_859 : vector<16xf32>
      %abs3A_861 = math.absf %sub3A_860 : vector<16xf32>
      %add3A_862 = arith.addf %broadcast_in_dim3A_843, %abs3A_861 : vector<16xf32>
      %get3A_863 = arith.constant 0 : i32
      %get3A_864 = arith.index_cast %get3A_863 : i32 to index
      %get3A_865 = arith.index_cast %scan3A_841 : i32 to index
      %get3A_866 = arith.constant 16 : index
      %get3A_867 = tpu.vector_load %arg11[%get3A_864, %get3A_865, %get3A_866] {strides = array<i32>} : memref<2x128x128xf32, #tpu.memory_space<vmem>>, vector<16xf32>,
      %get3A_868 = arith.constant 0 : i32
      %get3A_869 = arith.index_cast %get3A_868 : i32 to index
      %get3A_870 = arith.index_cast %scan3A_841 : i32 to index
      %get3A_871 = arith.constant 16 : index
      %get3A_872 = tpu.vector_load %arg12[%get3A_869, %get3A_870, %get3A_871] {strides = array<i32>} : memref<2x128x128xf32, #tpu.memory_space<vmem>>, vector<16xf32>,
      %add3A_873 = arith.addf %get3A_867, %get3A_872 : vector<16xf32>
      %get3A_874 = arith.constant 0 : i32
      %get3A_875 = arith.index_cast %get3A_874 : i32 to index
      %get3A_876 = arith.index_cast %scan3A_841 : i32 to index
      %get3A_877 = arith.constant 16 : index
      %get3A_878 = tpu.vector_load %arg13[%get3A_875, %get3A_876, %get3A_877] {strides = array<i32>} : memref<2x128x128xf32, #tpu.memory_space<vmem>>, vector<16xf32>,
      %sub3A_879 = arith.subf %add3A_873, %get3A_878 : vector<16xf32>
      %abs3A_880 = math.absf %sub3A_879 : vector<16xf32>
      %add3A_881 = arith.addf %add3A_862, %abs3A_880 : vector<16xf32>
      %get3A_882 = arith.constant 0 : i32
      %get3A_883 = arith.index_cast %get3A_882 : i32 to index
      %get3A_884 = arith.index_cast %scan3A_841 : i32 to index
      %get3A_885 = arith.constant 32 : index
      %get3A_886 = tpu.vector_load %arg11[%get3A_883, %get3A_884, %get3A_885] {strides = array<i32>} : memref<2x128x128xf32, #tpu.memory_space<vmem>>, vector<16xf32>,
      %get3A_887 = arith.constant 0 : i32
      %get3A_888 = arith.index_cast %get3A_887 : i32 to index
      %get3A_889 = arith.index_cast %scan3A_841 : i32 to index
      %get3A_890 = arith.constant 32 : index
      %get3A_891 = tpu.vector_load %arg12[%get3A_888, %get3A_889, %get3A_890] {strides = array<i32>} : memref<2x128x128xf32, #tpu.memory_space<vmem>>, vector<16xf32>,
      %add3A_892 = arith.addf %get3A_886, %get3A_891 : vector<16xf32>
      %get3A_893 = arith.constant 0 : i32
      %get3A_894 = arith.index_cast %get3A_893 : i32 to index
      %get3A_895 = arith.index_cast %scan3A_841 : i32 to index
      %get3A_896 = arith.constant 32 : index
      %get3A_897 = tpu.vector_load %arg13[%get3A_894, %get3A_895, %get3A_896] {strides = array<i32>} : memref<2x128x128xf32, #tpu.memory_space<vmem>>, vector<16xf32>,
      %sub3A_898 = arith.subf %add3A_892, %get3A_897 : vector<16xf32>
      %abs3A_899 = math.absf %sub3A_898 : vector<16xf32>
      %add3A_900 = arith.addf %add3A_881, %abs3A_899 : vector<16xf32>
      %get3A_901 = arith.constant 0 : i32
      %get3A_902 = arith.index_cast %get3A_901 : i32 to index
      %get3A_903 = arith.index_cast %scan3A_841 : i32 to index
      %get3A_904 = arith.constant 48 : index
      %get3A_905 = tpu.vector_load %arg11[%get3A_902, %get3A_903, %get3A_904] {strides = array<i32>} : memref<2x128x128xf32, #tpu.memory_space<vmem>>, vector<16xf32>,
      %get3A_906 = arith.constant 0 : i32
      %get3A_907 = arith.index_cast %get3A_906 : i32 to index
      %get3A_908 = arith.index_cast %scan3A_841 : i32 to index
      %get3A_909 = arith.constant 48 : index
      %get3A_910 = tpu.vector_load %arg12[%get3A_907, %get3A_908, %get3A_909] {strides = array<i32>} : memref<2x128x128xf32, #tpu.memory_space<vmem>>, vector<16xf32>,
      %add3A_911 = arith.addf %get3A_905, %get3A_910 : vector<16xf32>
      %get3A_912 = arith.constant 0 : i32
      %get3A_913 = arith.index_cast %get3A_912 : i32 to index
      %get3A_914 = arith.index_cast %scan3A_841 : i32 to index
      %get3A_915 = arith.constant 48 : index
      %get3A_916 = tpu.vector_load %arg13[%get3A_913, %get3A_914, %get3A_915] {strides = array<i32>} : memref<2x128x128xf32, #tpu.memory_space<vmem>>, vector<16xf32>,
      %sub3A_917 = arith.subf %add3A_911, %get3A_916 : vector<16xf32>
      %abs3A_918 = math.absf %sub3A_917 : vector<16xf32>
      %add3A_919 = arith.addf %add3A_900, %abs3A_918 : vector<16xf32>
      %broadcast_in_dim3A_920 = arith.constant true
      %broadcast_in_dim3A_921 = vector.broadcast %broadcast_in_dim3A_920 : i1 to vector<16xi1>
      %masked_cumsum3A_922 = tpu.scan <sum>, %add3A_919 masked %broadcast_in_dim3A_921 : vector<16xf32>, vector<16xi1> -> vector<16xf32>
      %add3A_923 = arith.constant 0 : i32
      %add3A_924 = arith.addi %add3A_923, %scan3A_841 : i32
      %broadcast_in_dim3A_925 = vector.broadcast %add3A_924 : i32 to vector<16xi32>
      %sub3A_926 = arith.constant 1.200000e+01 : f32
      %sub3A_927 = vector.broadcast %sub3A_926 : f32 to vector<16xf32>
      %sub3A_928 = arith.subf %sub3A_927, %masked_cumsum3A_922 : vector<16xf32>
      tpu.vector_store_idx %arg14[%broadcast_in_dim3A_925], %sub3A_928 masked %eq3A_2 : memref<512xf32, #tpu.memory_space<vmem>>[vector<16xi32>], vector<16xf32>, vector<16xi1>
      %scan3A_929 = arith.constant 7 : i32
      %scan3A_930 = arith.addi %scan3A_312, %scan3A_929 : i32
      %broadcast_in_dim3A_931 = arith.constant 0.000000e+00 : f32
      %broadcast_in_dim3A_932 = vector.broadcast %broadcast_in_dim3A_931 : f32 to vector<16xf32>
      %get3A_933 = arith.constant 0 : i32
      %get3A_934 = arith.index_cast %get3A_933 : i32 to index
      %get3A_935 = arith.index_cast %scan3A_930 : i32 to index
      %get3A_936 = arith.constant 0 : index
      %get3A_937 = tpu.vector_load %arg11[%get3A_934, %get3A_935, %get3A_936] {strides = array<i32>} : memref<2x128x128xf32, #tpu.memory_space<vmem>>, vector<16xf32>,
      %get3A_938 = arith.constant 0 : i32
      %get3A_939 = arith.index_cast %get3A_938 : i32 to index
      %get3A_940 = arith.index_cast %scan3A_930 : i32 to index
      %get3A_941 = arith.constant 0 : index
      %get3A_942 = tpu.vector_load %arg12[%get3A_939, %get3A_940, %get3A_941] {strides = array<i32>} : memref<2x128x128xf32, #tpu.memory_space<vmem>>, vector<16xf32>,
      %add3A_943 = arith.addf %get3A_937, %get3A_942 : vector<16xf32>
      %get3A_944 = arith.constant 0 : i32
      %get3A_945 = arith.index_cast %get3A_944 : i32 to index
      %get3A_946 = arith.index_cast %scan3A_930 : i32 to index
      %get3A_947 = arith.constant 0 : index
      %get3A_948 = tpu.vector_load %arg13[%get3A_945, %get3A_946, %get3A_947] {strides = array<i32>} : memref<2x128x128xf32, #tpu.memory_space<vmem>>, vector<16xf32>,
      %sub3A_949 = arith.subf %add3A_943, %get3A_948 : vector<16xf32>
      %abs3A_950 = math.absf %sub3A_949 : vector<16xf32>
      %add3A_951 = arith.addf %broadcast_in_dim3A_932, %abs3A_950 : vector<16xf32>
      %get3A_952 = arith.constant 0 : i32
      %get3A_953 = arith.index_cast %get3A_952 : i32 to index
      %get3A_954 = arith.index_cast %scan3A_930 : i32 to index
      %get3A_955 = arith.constant 16 : index
      %get3A_956 = tpu.vector_load %arg11[%get3A_953, %get3A_954, %get3A_955] {strides = array<i32>} : memref<2x128x128xf32, #tpu.memory_space<vmem>>, vector<16xf32>,
      %get3A_957 = arith.constant 0 : i32
      %get3A_958 = arith.index_cast %get3A_957 : i32 to index
      %get3A_959 = arith.index_cast %scan3A_930 : i32 to index
      %get3A_960 = arith.constant 16 : index
      %get3A_961 = tpu.vector_load %arg12[%get3A_958, %get3A_959, %get3A_960] {strides = array<i32>} : memref<2x128x128xf32, #tpu.memory_space<vmem>>, vector<16xf32>,
      %add3A_962 = arith.addf %get3A_956, %get3A_961 : vector<16xf32>
      %get3A_963 = arith.constant 0 : i32
      %get3A_964 = arith.index_cast %get3A_963 : i32 to index
      %get3A_965 = arith.index_cast %scan3A_930 : i32 to index
      %get3A_966 = arith.constant 16 : index
      %get3A_967 = tpu.vector_load %arg13[%get3A_964, %get3A_965, %get3A_966] {strides = array<i32>} : memref<2x128x128xf32, #tpu.memory_space<vmem>>, vector<16xf32>,
      %sub3A_968 = arith.subf %add3A_962, %get3A_967 : vector<16xf32>
      %abs3A_969 = math.absf %sub3A_968 : vector<16xf32>
      %add3A_970 = arith.addf %add3A_951, %abs3A_969 : vector<16xf32>
      %get3A_971 = arith.constant 0 : i32
      %get3A_972 = arith.index_cast %get3A_971 : i32 to index
      %get3A_973 = arith.index_cast %scan3A_930 : i32 to index
      %get3A_974 = arith.constant 32 : index
      %get3A_975 = tpu.vector_load %arg11[%get3A_972, %get3A_973, %get3A_974] {strides = array<i32>} : memref<2x128x128xf32, #tpu.memory_space<vmem>>, vector<16xf32>,
      %get3A_976 = arith.constant 0 : i32
      %get3A_977 = arith.index_cast %get3A_976 : i32 to index
      %get3A_978 = arith.index_cast %scan3A_930 : i32 to index
      %get3A_979 = arith.constant 32 : index
      %get3A_980 = tpu.vector_load %arg12[%get3A_977, %get3A_978, %get3A_979] {strides = array<i32>} : memref<2x128x128xf32, #tpu.memory_space<vmem>>, vector<16xf32>,
      %add3A_981 = arith.addf %get3A_975, %get3A_980 : vector<16xf32>
      %get3A_982 = arith.constant 0 : i32
      %get3A_983 = arith.index_cast %get3A_982 : i32 to index
      %get3A_984 = arith.index_cast %scan3A_930 : i32 to index
      %get3A_985 = arith.constant 32 : index
      %get3A_986 = tpu.vector_load %arg13[%get3A_983, %get3A_984, %get3A_985] {strides = array<i32>} : memref<2x128x128xf32, #tpu.memory_space<vmem>>, vector<16xf32>,
      %sub3A_987 = arith.subf %add3A_981, %get3A_986 : vector<16xf32>
      %abs3A_988 = math.absf %sub3A_987 : vector<16xf32>
      %add3A_989 = arith.addf %add3A_970, %abs3A_988 : vector<16xf32>
      %get3A_990 = arith.constant 0 : i32
      %get3A_991 = arith.index_cast %get3A_990 : i32 to index
      %get3A_992 = arith.index_cast %scan3A_930 : i32 to index
      %get3A_993 = arith.constant 48 : index
      %get3A_994 = tpu.vector_load %arg11[%get3A_991, %get3A_992, %get3A_993] {strides = array<i32>} : memref<2x128x128xf32, #tpu.memory_space<vmem>>, vector<16xf32>,
      %get3A_995 = arith.constant 0 : i32
      %get3A_996 = arith.index_cast %get3A_995 : i32 to index
      %get3A_997 = arith.index_cast %scan3A_930 : i32 to index
      %get3A_998 = arith.constant 48 : index
      %get3A_999 = tpu.vector_load %arg12[%get3A_996, %get3A_997, %get3A_998] {strides = array<i32>} : memref<2x128x128xf32, #tpu.memory_space<vmem>>, vector<16xf32>,
      %add3A_1000 = arith.addf %get3A_994, %get3A_999 : vector<16xf32>
      %get3A_1001 = arith.constant 0 : i32
      %get3A_1002 = arith.index_cast %get3A_1001 : i32 to index
      %get3A_1003 = arith.index_cast %scan3A_930 : i32 to index
      %get3A_1004 = arith.constant 48 : index
      %get3A_1005 = tpu.vector_load %arg13[%get3A_1002, %get3A_1003, %get3A_1004] {strides = array<i32>} : memref<2x128x128xf32, #tpu.memory_space<vmem>>, vector<16xf32>,
      %sub3A_1006 = arith.subf %add3A_1000, %get3A_1005 : vector<16xf32>
      %abs3A_1007 = math.absf %sub3A_1006 : vector<16xf32>
      %add3A_1008 = arith.addf %add3A_989, %abs3A_1007 : vector<16xf32>
      %broadcast_in_dim3A_1009 = arith.constant true
      %broadcast_in_dim3A_1010 = vector.broadcast %broadcast_in_dim3A_1009 : i1 to vector<16xi1>
      %masked_cumsum3A_1011 = tpu.scan <sum>, %add3A_1008 masked %broadcast_in_dim3A_1010 : vector<16xf32>, vector<16xi1> -> vector<16xf32>
      %add3A_1012 = arith.constant 0 : i32
      %add3A_1013 = arith.addi %add3A_1012, %scan3A_930 : i32
      %broadcast_in_dim3A_1014 = vector.broadcast %add3A_1013 : i32 to vector<16xi32>
      %sub3A_1015 = arith.constant 1.200000e+01 : f32
      %sub3A_1016 = vector.broadcast %sub3A_1015 : f32 to vector<16xf32>
      %sub3A_1017 = arith.subf %sub3A_1016, %masked_cumsum3A_1011 : vector<16xf32>
      tpu.vector_store_idx %arg14[%broadcast_in_dim3A_1014], %sub3A_1017 masked %eq3A_2 : memref<512xf32, #tpu.memory_space<vmem>>[vector<16xi32>], vector<16xf32>, vector<16xi1>
    }
    %scan3A_113 = arith.constant 128 : i32
    %dma_wait3A_114 = arith.constant 1 : i32
    %dma_wait3A_115 = arith.constant 1 : i32
    %dma_wait3A_116 = arith.constant 0 : i32
    %dma_wait3A_117 = arith.constant 0 : i32
    %dma_wait3A_118 = tpu.memref_slice %arg11[%dma_wait3A_115, %dma_wait3A_116, %dma_wait3A_117] : memref<2x128x128xf32, #tpu.memory_space<vmem>> -> memref<1x128x128xf32, #tpu.memory_space<vmem>>
    %dma_wait3A_119 = tpu.memref_squeeze %dma_wait3A_118 : memref<1x128x128xf32, #tpu.memory_space<vmem>> -> memref<128x128xf32, #tpu.memory_space<vmem>>
    %dma_wait3A_120 = arith.constant 0 : i32
    %dma_wait3A_121 = tpu.memref_slice %arg8[%dma_wait3A_114, %dma_wait3A_120] : memref<4x128xi32, #tpu.memory_space<vmem>> -> memref<1x128xi32, #tpu.memory_space<vmem>>
    %dma_wait3A_122 = tpu.memref_squeeze %dma_wait3A_121 : memref<1x128xi32, #tpu.memory_space<vmem>> -> memref<128xi32, #tpu.memory_space<vmem>>
    %dma_wait3A_123 = arith.constant 0 : i32
    %dma_wait3A_124 = arith.constant 0 : i32
    %dma_wait3A_125 = tpu.memref_slice %arg5[%dma_wait3A_123, %dma_wait3A_124] : memref<100000x128xf32, #tpu.memory_space<hbm>> -> memref<100000x128xf32, #tpu.memory_space<hbm>>
    tpu.wait_indirect_dma semaphore(%arg15 : memref<!tpu.dma_semaphore, #tpu.memory_space<semaphore_mem>>) src(%dma_wait3A_125 : memref<100000x128xf32, #tpu.memory_space<hbm>>) dst(%dma_wait3A_119 : memref<128x128xf32, #tpu.memory_space<vmem>>)
    %dma_wait3A_126 = arith.constant 1 : i32
    %dma_wait3A_127 = arith.constant 1 : i32
    %dma_wait3A_128 = arith.constant 0 : i32
    %dma_wait3A_129 = arith.constant 0 : i32
    %dma_wait3A_130 = tpu.memref_slice %arg12[%dma_wait3A_127, %dma_wait3A_128, %dma_wait3A_129] : memref<2x128x128xf32, #tpu.memory_space<vmem>> -> memref<1x128x128xf32, #tpu.memory_space<vmem>>
    %dma_wait3A_131 = tpu.memref_squeeze %dma_wait3A_130 : memref<1x128x128xf32, #tpu.memory_space<vmem>> -> memref<128x128xf32, #tpu.memory_space<vmem>>
    %dma_wait3A_132 = arith.constant 0 : i32
    %dma_wait3A_133 = tpu.memref_slice %arg9[%dma_wait3A_126, %dma_wait3A_132] : memref<4x128xi32, #tpu.memory_space<vmem>> -> memref<1x128xi32, #tpu.memory_space<vmem>>
    %dma_wait3A_134 = tpu.memref_squeeze %dma_wait3A_133 : memref<1x128xi32, #tpu.memory_space<vmem>> -> memref<128xi32, #tpu.memory_space<vmem>>
    %dma_wait3A_135 = arith.constant 0 : i32
    %dma_wait3A_136 = arith.constant 0 : i32
    %dma_wait3A_137 = tpu.memref_slice %arg6[%dma_wait3A_135, %dma_wait3A_136] : memref<100000x128xf32, #tpu.memory_space<hbm>> -> memref<100000x128xf32, #tpu.memory_space<hbm>>
    tpu.wait_indirect_dma semaphore(%arg15 : memref<!tpu.dma_semaphore, #tpu.memory_space<semaphore_mem>>) src(%dma_wait3A_137 : memref<100000x128xf32, #tpu.memory_space<hbm>>) dst(%dma_wait3A_131 : memref<128x128xf32, #tpu.memory_space<vmem>>)
    %dma_wait3A_138 = arith.constant 1 : i32
    %dma_wait3A_139 = arith.constant 1 : i32
    %dma_wait3A_140 = arith.constant 0 : i32
    %dma_wait3A_141 = arith.constant 0 : i32
    %dma_wait3A_142 = tpu.memref_slice %arg13[%dma_wait3A_139, %dma_wait3A_140, %dma_wait3A_141] : memref<2x128x128xf32, #tpu.memory_space<vmem>> -> memref<1x128x128xf32, #tpu.memory_space<vmem>>
    %dma_wait3A_143 = tpu.memref_squeeze %dma_wait3A_142 : memref<1x128x128xf32, #tpu.memory_space<vmem>> -> memref<128x128xf32, #tpu.memory_space<vmem>>
    %dma_wait3A_144 = arith.constant 0 : i32
    %dma_wait3A_145 = tpu.memref_slice %arg10[%dma_wait3A_138, %dma_wait3A_144] : memref<4x128xi32, #tpu.memory_space<vmem>> -> memref<1x128xi32, #tpu.memory_space<vmem>>
    %dma_wait3A_146 = tpu.memref_squeeze %dma_wait3A_145 : memref<1x128xi32, #tpu.memory_space<vmem>> -> memref<128xi32, #tpu.memory_space<vmem>>
    %dma_wait3A_147 = arith.constant 0 : i32
    %dma_wait3A_148 = arith.constant 0 : i32
    %dma_wait3A_149 = tpu.memref_slice %arg5[%dma_wait3A_147, %dma_wait3A_148] : memref<100000x128xf32, #tpu.memory_space<hbm>> -> memref<100000x128xf32, #tpu.memory_space<hbm>>
    tpu.wait_indirect_dma semaphore(%arg15 : memref<!tpu.dma_semaphore, #tpu.memory_space<semaphore_mem>>) src(%dma_wait3A_149 : memref<100000x128xf32, #tpu.memory_space<hbm>>) dst(%dma_wait3A_143 : memref<128x128xf32, #tpu.memory_space<vmem>>)
    %dma_start3A_150 = arith.constant 2 : i32
    %dma_start3A_151 = arith.constant 0 : i32
    %dma_start3A_152 = arith.constant 0 : i32
    %dma_start3A_153 = arith.constant 0 : i32
    %dma_start3A_154 = tpu.memref_slice %arg11[%dma_start3A_151, %dma_start3A_152, %dma_start3A_153] : memref<2x128x128xf32, #tpu.memory_space<vmem>> -> memref<1x128x128xf32, #tpu.memory_space<vmem>>
    %dma_start3A_155 = tpu.memref_squeeze %dma_start3A_154 : memref<1x128x128xf32, #tpu.memory_space<vmem>> -> memref<128x128xf32, #tpu.memory_space<vmem>>
    %dma_start3A_156 = arith.constant 0 : i32
    %dma_start3A_157 = tpu.memref_slice %arg8[%dma_start3A_150, %dma_start3A_156] : memref<4x128xi32, #tpu.memory_space<vmem>> -> memref<1x128xi32, #tpu.memory_space<vmem>>
    %dma_start3A_158 = tpu.memref_squeeze %dma_start3A_157 : memref<1x128xi32, #tpu.memory_space<vmem>> -> memref<128xi32, #tpu.memory_space<vmem>>
    %dma_start3A_159 = arith.constant 0 : i32
    %dma_start3A_160 = arith.constant 0 : i32
    %dma_start3A_161 = tpu.memref_slice %arg5[%dma_start3A_159, %dma_start3A_160] : memref<100000x128xf32, #tpu.memory_space<hbm>> -> memref<100000x128xf32, #tpu.memory_space<hbm>>
    tpu.enqueue_indirect_dma source(%dma_start3A_161 : memref<100000x128xf32, #tpu.memory_space<hbm>>) target(%dma_start3A_155 : memref<128x128xf32, #tpu.memory_space<vmem>>) offsets(%dma_start3A_158 : memref<128xi32, #tpu.memory_space<vmem>>) semaphore(%arg15 : memref<!tpu.dma_semaphore, #tpu.memory_space<semaphore_mem>>)
    %dma_start3A_162 = arith.constant 2 : i32
    %dma_start3A_163 = arith.constant 0 : i32
    %dma_start3A_164 = arith.constant 0 : i32
    %dma_start3A_165 = arith.constant 0 : i32
    %dma_start3A_166 = tpu.memref_slice %arg12[%dma_start3A_163, %dma_start3A_164, %dma_start3A_165] : memref<2x128x128xf32, #tpu.memory_space<vmem>> -> memref<1x128x128xf32, #tpu.memory_space<vmem>>
    %dma_start3A_167 = tpu.memref_squeeze %dma_start3A_166 : memref<1x128x128xf32, #tpu.memory_space<vmem>> -> memref<128x128xf32, #tpu.memory_space<vmem>>
    %dma_start3A_168 = arith.constant 0 : i32
    %dma_start3A_169 = tpu.memref_slice %arg9[%dma_start3A_162, %dma_start3A_168] : memref<4x128xi32, #tpu.memory_space<vmem>> -> memref<1x128xi32, #tpu.memory_space<vmem>>
    %dma_start3A_170 = tpu.memref_squeeze %dma_start3A_169 : memref<1x128xi32, #tpu.memory_space<vmem>> -> memref<128xi32, #tpu.memory_space<vmem>>
    %dma_start3A_171 = arith.constant 0 : i32
    %dma_start3A_172 = arith.constant 0 : i32
    %dma_start3A_173 = tpu.memref_slice %arg6[%dma_start3A_171, %dma_start3A_172] : memref<100000x128xf32, #tpu.memory_space<hbm>> -> memref<100000x128xf32, #tpu.memory_space<hbm>>
    tpu.enqueue_indirect_dma source(%dma_start3A_173 : memref<100000x128xf32, #tpu.memory_space<hbm>>) target(%dma_start3A_167 : memref<128x128xf32, #tpu.memory_space<vmem>>) offsets(%dma_start3A_170 : memref<128xi32, #tpu.memory_space<vmem>>) semaphore(%arg15 : memref<!tpu.dma_semaphore, #tpu.memory_space<semaphore_mem>>)
    %dma_start3A_174 = arith.constant 2 : i32
    %dma_start3A_175 = arith.constant 0 : i32
    %dma_start3A_176 = arith.constant 0 : i32
    %dma_start3A_177 = arith.constant 0 : i32
    %dma_start3A_178 = tpu.memref_slice %arg13[%dma_start3A_175, %dma_start3A_176, %dma_start3A_177] : memref<2x128x128xf32, #tpu.memory_space<vmem>> -> memref<1x128x128xf32, #tpu.memory_space<vmem>>
    %dma_start3A_179 = tpu.memref_squeeze %dma_start3A_178 : memref<1x128x128xf32, #tpu.memory_space<vmem>> -> memref<128x128xf32, #tpu.memory_space<vmem>>
    %dma_start3A_180 = arith.constant 0 : i32
    %dma_start3A_181 = tpu.memref_slice %arg10[%dma_start3A_174, %dma_start3A_180] : memref<4x128xi32, #tpu.memory_space<vmem>> -> memref<1x128xi32, #tpu.memory_space<vmem>>
    %dma_start3A_182 = tpu.memref_squeeze %dma_start3A_181 : memref<1x128xi32, #tpu.memory_space<vmem>> -> memref<128xi32, #tpu.memory_space<vmem>>
    %dma_start3A_183 = arith.constant 0 : i32
    %dma_start3A_184 = arith.constant 0 : i32
    %dma_start3A_185 = tpu.memref_slice %arg5[%dma_start3A_183, %dma_start3A_184] : memref<100000x128xf32, #tpu.memory_space<hbm>> -> memref<100000x128xf32, #tpu.memory_space<hbm>>
    tpu.enqueue_indirect_dma source(%dma_start3A_185 : memref<100000x128xf32, #tpu.memory_space<hbm>>) target(%dma_start3A_179 : memref<128x128xf32, #tpu.memory_space<vmem>>) offsets(%dma_start3A_182 : memref<128xi32, #tpu.memory_space<vmem>>) semaphore(%arg15 : memref<!tpu.dma_semaphore, #tpu.memory_space<semaphore_mem>>)
    %scan3A_186 = arith.constant 0 : i32
    %scan3A_187 = arith.constant 0 : i32
    %scan3A_188 = arith.constant 128 : i32
    %scan3A_189 = arith.addi %scan3A_187, %scan3A_188 : i32
    %scan3A_190 = arith.constant 8 : i32
    scf.for %scan3A_312 = %scan3A_187 to %scan3A_189 step %scan3A_190  : i32 {
      %broadcast_in_dim3A = arith.constant 0.000000e+00 : f32
      %broadcast_in_dim3A_313 = vector.broadcast %broadcast_in_dim3A : f32 to vector<16xf32>
      %get3A = arith.constant 1 : i32
      %get3A_314 = arith.index_cast %get3A : i32 to index
      %get3A_315 = arith.index_cast %scan3A_312 : i32 to index
      %get3A_316 = arith.constant 0 : index
      %get3A_317 = tpu.vector_load %arg11[%get3A_314, %get3A_315, %get3A_316] {strides = array<i32>} : memref<2x128x128xf32, #tpu.memory_space<vmem>>, vector<16xf32>,
      %get3A_318 = arith.constant 1 : i32
      %get3A_319 = arith.index_cast %get3A_318 : i32 to index
      %get3A_320 = arith.index_cast %scan3A_312 : i32 to index
      %get3A_321 = arith.constant 0 : index
      %get3A_322 = tpu.vector_load %arg12[%get3A_319, %get3A_320, %get3A_321] {strides = array<i32>} : memref<2x128x128xf32, #tpu.memory_space<vmem>>, vector<16xf32>,
      %add3A_323 = arith.addf %get3A_317, %get3A_322 : vector<16xf32>
      %get3A_324 = arith.constant 1 : i32
      %get3A_325 = arith.index_cast %get3A_324 : i32 to index
      %get3A_326 = arith.index_cast %scan3A_312 : i32 to index
      %get3A_327 = arith.constant 0 : index
      %get3A_328 = tpu.vector_load %arg13[%get3A_325, %get3A_326, %get3A_327] {strides = array<i32>} : memref<2x128x128xf32, #tpu.memory_space<vmem>>, vector<16xf32>,
      %sub3A = arith.subf %add3A_323, %get3A_328 : vector<16xf32>
      %abs3A = math.absf %sub3A : vector<16xf32>
      %add3A_329 = arith.addf %broadcast_in_dim3A_313, %abs3A : vector<16xf32>
      %get3A_330 = arith.constant 1 : i32
      %get3A_331 = arith.index_cast %get3A_330 : i32 to index
      %get3A_332 = arith.index_cast %scan3A_312 : i32 to index
      %get3A_333 = arith.constant 16 : index
      %get3A_334 = tpu.vector_load %arg11[%get3A_331, %get3A_332, %get3A_333] {strides = array<i32>} : memref<2x128x128xf32, #tpu.memory_space<vmem>>, vector<16xf32>,
      %get3A_335 = arith.constant 1 : i32
      %get3A_336 = arith.index_cast %get3A_335 : i32 to index
      %get3A_337 = arith.index_cast %scan3A_312 : i32 to index
      %get3A_338 = arith.constant 16 : index
      %get3A_339 = tpu.vector_load %arg12[%get3A_336, %get3A_337, %get3A_338] {strides = array<i32>} : memref<2x128x128xf32, #tpu.memory_space<vmem>>, vector<16xf32>,
      %add3A_340 = arith.addf %get3A_334, %get3A_339 : vector<16xf32>
      %get3A_341 = arith.constant 1 : i32
      %get3A_342 = arith.index_cast %get3A_341 : i32 to index
      %get3A_343 = arith.index_cast %scan3A_312 : i32 to index
      %get3A_344 = arith.constant 16 : index
      %get3A_345 = tpu.vector_load %arg13[%get3A_342, %get3A_343, %get3A_344] {strides = array<i32>} : memref<2x128x128xf32, #tpu.memory_space<vmem>>, vector<16xf32>,
      %sub3A_346 = arith.subf %add3A_340, %get3A_345 : vector<16xf32>
      %abs3A_347 = math.absf %sub3A_346 : vector<16xf32>
      %add3A_348 = arith.addf %add3A_329, %abs3A_347 : vector<16xf32>
      %get3A_349 = arith.constant 1 : i32
      %get3A_350 = arith.index_cast %get3A_349 : i32 to index
      %get3A_351 = arith.index_cast %scan3A_312 : i32 to index
      %get3A_352 = arith.constant 32 : index
      %get3A_353 = tpu.vector_load %arg11[%get3A_350, %get3A_351, %get3A_352] {strides = array<i32>} : memref<2x128x128xf32, #tpu.memory_space<vmem>>, vector<16xf32>,
      %get3A_354 = arith.constant 1 : i32
      %get3A_355 = arith.index_cast %get3A_354 : i32 to index
      %get3A_356 = arith.index_cast %scan3A_312 : i32 to index
      %get3A_357 = arith.constant 32 : index
      %get3A_358 = tpu.vector_load %arg12[%get3A_355, %get3A_356, %get3A_357] {strides = array<i32>} : memref<2x128x128xf32, #tpu.memory_space<vmem>>, vector<16xf32>,
      %add3A_359 = arith.addf %get3A_353, %get3A_358 : vector<16xf32>
      %get3A_360 = arith.constant 1 : i32
      %get3A_361 = arith.index_cast %get3A_360 : i32 to index
      %get3A_362 = arith.index_cast %scan3A_312 : i32 to index
      %get3A_363 = arith.constant 32 : index
      %get3A_364 = tpu.vector_load %arg13[%get3A_361, %get3A_362, %get3A_363] {strides = array<i32>} : memref<2x128x128xf32, #tpu.memory_space<vmem>>, vector<16xf32>,
      %sub3A_365 = arith.subf %add3A_359, %get3A_364 : vector<16xf32>
      %abs3A_366 = math.absf %sub3A_365 : vector<16xf32>
      %add3A_367 = arith.addf %add3A_348, %abs3A_366 : vector<16xf32>
      %get3A_368 = arith.constant 1 : i32
      %get3A_369 = arith.index_cast %get3A_368 : i32 to index
      %get3A_370 = arith.index_cast %scan3A_312 : i32 to index
      %get3A_371 = arith.constant 48 : index
      %get3A_372 = tpu.vector_load %arg11[%get3A_369, %get3A_370, %get3A_371] {strides = array<i32>} : memref<2x128x128xf32, #tpu.memory_space<vmem>>, vector<16xf32>,
      %get3A_373 = arith.constant 1 : i32
      %get3A_374 = arith.index_cast %get3A_373 : i32 to index
      %get3A_375 = arith.index_cast %scan3A_312 : i32 to index
      %get3A_376 = arith.constant 48 : index
      %get3A_377 = tpu.vector_load %arg12[%get3A_374, %get3A_375, %get3A_376] {strides = array<i32>} : memref<2x128x128xf32, #tpu.memory_space<vmem>>, vector<16xf32>,
      %add3A_378 = arith.addf %get3A_372, %get3A_377 : vector<16xf32>
      %get3A_379 = arith.constant 1 : i32
      %get3A_380 = arith.index_cast %get3A_379 : i32 to index
      %get3A_381 = arith.index_cast %scan3A_312 : i32 to index
      %get3A_382 = arith.constant 48 : index
      %get3A_383 = tpu.vector_load %arg13[%get3A_380, %get3A_381, %get3A_382] {strides = array<i32>} : memref<2x128x128xf32, #tpu.memory_space<vmem>>, vector<16xf32>,
      %sub3A_384 = arith.subf %add3A_378, %get3A_383 : vector<16xf32>
      %abs3A_385 = math.absf %sub3A_384 : vector<16xf32>
      %add3A_386 = arith.addf %add3A_367, %abs3A_385 : vector<16xf32>
      %broadcast_in_dim3A_387 = arith.constant true
      %broadcast_in_dim3A_388 = vector.broadcast %broadcast_in_dim3A_387 : i1 to vector<16xi1>
      %masked_cumsum3A = tpu.scan <sum>, %add3A_386 masked %broadcast_in_dim3A_388 : vector<16xf32>, vector<16xi1> -> vector<16xf32>
      %add3A_389 = arith.constant 128 : i32
      %add3A_390 = arith.addi %add3A_389, %scan3A_312 : i32
      %broadcast_in_dim3A_391 = vector.broadcast %add3A_390 : i32 to vector<16xi32>
      %sub3A_392 = arith.constant 1.200000e+01 : f32
      %sub3A_393 = vector.broadcast %sub3A_392 : f32 to vector<16xf32>
      %sub3A_394 = arith.subf %sub3A_393, %masked_cumsum3A : vector<16xf32>
      tpu.vector_store_idx %arg14[%broadcast_in_dim3A_391], %sub3A_394 masked %eq3A_2 : memref<512xf32, #tpu.memory_space<vmem>>[vector<16xi32>], vector<16xf32>, vector<16xi1>
      %scan3A_395 = arith.constant 1 : i32
      %scan3A_396 = arith.addi %scan3A_312, %scan3A_395 : i32
      %broadcast_in_dim3A_397 = arith.constant 0.000000e+00 : f32
      %broadcast_in_dim3A_398 = vector.broadcast %broadcast_in_dim3A_397 : f32 to vector<16xf32>
      %get3A_399 = arith.constant 1 : i32
      %get3A_400 = arith.index_cast %get3A_399 : i32 to index
      %get3A_401 = arith.index_cast %scan3A_396 : i32 to index
      %get3A_402 = arith.constant 0 : index
      %get3A_403 = tpu.vector_load %arg11[%get3A_400, %get3A_401, %get3A_402] {strides = array<i32>} : memref<2x128x128xf32, #tpu.memory_space<vmem>>, vector<16xf32>,
      %get3A_404 = arith.constant 1 : i32
      %get3A_405 = arith.index_cast %get3A_404 : i32 to index
      %get3A_406 = arith.index_cast %scan3A_396 : i32 to index
      %get3A_407 = arith.constant 0 : index
      %get3A_408 = tpu.vector_load %arg12[%get3A_405, %get3A_406, %get3A_407] {strides = array<i32>} : memref<2x128x128xf32, #tpu.memory_space<vmem>>, vector<16xf32>,
      %add3A_409 = arith.addf %get3A_403, %get3A_408 : vector<16xf32>
      %get3A_410 = arith.constant 1 : i32
      %get3A_411 = arith.index_cast %get3A_410 : i32 to index
      %get3A_412 = arith.index_cast %scan3A_396 : i32 to index
      %get3A_413 = arith.constant 0 : index
      %get3A_414 = tpu.vector_load %arg13[%get3A_411, %get3A_412, %get3A_413] {strides = array<i32>} : memref<2x128x128xf32, #tpu.memory_space<vmem>>, vector<16xf32>,
      %sub3A_415 = arith.subf %add3A_409, %get3A_414 : vector<16xf32>
      %abs3A_416 = math.absf %sub3A_415 : vector<16xf32>
      %add3A_417 = arith.addf %broadcast_in_dim3A_398, %abs3A_416 : vector<16xf32>
      %get3A_418 = arith.constant 1 : i32
      %get3A_419 = arith.index_cast %get3A_418 : i32 to index
      %get3A_420 = arith.index_cast %scan3A_396 : i32 to index
      %get3A_421 = arith.constant 16 : index
      %get3A_422 = tpu.vector_load %arg11[%get3A_419, %get3A_420, %get3A_421] {strides = array<i32>} : memref<2x128x128xf32, #tpu.memory_space<vmem>>, vector<16xf32>,
      %get3A_423 = arith.constant 1 : i32
      %get3A_424 = arith.index_cast %get3A_423 : i32 to index
      %get3A_425 = arith.index_cast %scan3A_396 : i32 to index
      %get3A_426 = arith.constant 16 : index
      %get3A_427 = tpu.vector_load %arg12[%get3A_424, %get3A_425, %get3A_426] {strides = array<i32>} : memref<2x128x128xf32, #tpu.memory_space<vmem>>, vector<16xf32>,
      %add3A_428 = arith.addf %get3A_422, %get3A_427 : vector<16xf32>
      %get3A_429 = arith.constant 1 : i32
      %get3A_430 = arith.index_cast %get3A_429 : i32 to index
      %get3A_431 = arith.index_cast %scan3A_396 : i32 to index
      %get3A_432 = arith.constant 16 : index
      %get3A_433 = tpu.vector_load %arg13[%get3A_430, %get3A_431, %get3A_432] {strides = array<i32>} : memref<2x128x128xf32, #tpu.memory_space<vmem>>, vector<16xf32>,
      %sub3A_434 = arith.subf %add3A_428, %get3A_433 : vector<16xf32>
      %abs3A_435 = math.absf %sub3A_434 : vector<16xf32>
      %add3A_436 = arith.addf %add3A_417, %abs3A_435 : vector<16xf32>
      %get3A_437 = arith.constant 1 : i32
      %get3A_438 = arith.index_cast %get3A_437 : i32 to index
      %get3A_439 = arith.index_cast %scan3A_396 : i32 to index
      %get3A_440 = arith.constant 32 : index
      %get3A_441 = tpu.vector_load %arg11[%get3A_438, %get3A_439, %get3A_440] {strides = array<i32>} : memref<2x128x128xf32, #tpu.memory_space<vmem>>, vector<16xf32>,
      %get3A_442 = arith.constant 1 : i32
      %get3A_443 = arith.index_cast %get3A_442 : i32 to index
      %get3A_444 = arith.index_cast %scan3A_396 : i32 to index
      %get3A_445 = arith.constant 32 : index
      %get3A_446 = tpu.vector_load %arg12[%get3A_443, %get3A_444, %get3A_445] {strides = array<i32>} : memref<2x128x128xf32, #tpu.memory_space<vmem>>, vector<16xf32>,
      %add3A_447 = arith.addf %get3A_441, %get3A_446 : vector<16xf32>
      %get3A_448 = arith.constant 1 : i32
      %get3A_449 = arith.index_cast %get3A_448 : i32 to index
      %get3A_450 = arith.index_cast %scan3A_396 : i32 to index
      %get3A_451 = arith.constant 32 : index
      %get3A_452 = tpu.vector_load %arg13[%get3A_449, %get3A_450, %get3A_451] {strides = array<i32>} : memref<2x128x128xf32, #tpu.memory_space<vmem>>, vector<16xf32>,
      %sub3A_453 = arith.subf %add3A_447, %get3A_452 : vector<16xf32>
      %abs3A_454 = math.absf %sub3A_453 : vector<16xf32>
      %add3A_455 = arith.addf %add3A_436, %abs3A_454 : vector<16xf32>
      %get3A_456 = arith.constant 1 : i32
      %get3A_457 = arith.index_cast %get3A_456 : i32 to index
      %get3A_458 = arith.index_cast %scan3A_396 : i32 to index
      %get3A_459 = arith.constant 48 : index
      %get3A_460 = tpu.vector_load %arg11[%get3A_457, %get3A_458, %get3A_459] {strides = array<i32>} : memref<2x128x128xf32, #tpu.memory_space<vmem>>, vector<16xf32>,
      %get3A_461 = arith.constant 1 : i32
      %get3A_462 = arith.index_cast %get3A_461 : i32 to index
      %get3A_463 = arith.index_cast %scan3A_396 : i32 to index
      %get3A_464 = arith.constant 48 : index
      %get3A_465 = tpu.vector_load %arg12[%get3A_462, %get3A_463, %get3A_464] {strides = array<i32>} : memref<2x128x128xf32, #tpu.memory_space<vmem>>, vector<16xf32>,
      %add3A_466 = arith.addf %get3A_460, %get3A_465 : vector<16xf32>
      %get3A_467 = arith.constant 1 : i32
      %get3A_468 = arith.index_cast %get3A_467 : i32 to index
      %get3A_469 = arith.index_cast %scan3A_396 : i32 to index
      %get3A_470 = arith.constant 48 : index
      %get3A_471 = tpu.vector_load %arg13[%get3A_468, %get3A_469, %get3A_470] {strides = array<i32>} : memref<2x128x128xf32, #tpu.memory_space<vmem>>, vector<16xf32>,
      %sub3A_472 = arith.subf %add3A_466, %get3A_471 : vector<16xf32>
      %abs3A_473 = math.absf %sub3A_472 : vector<16xf32>
      %add3A_474 = arith.addf %add3A_455, %abs3A_473 : vector<16xf32>
      %broadcast_in_dim3A_475 = arith.constant true
      %broadcast_in_dim3A_476 = vector.broadcast %broadcast_in_dim3A_475 : i1 to vector<16xi1>
      %masked_cumsum3A_477 = tpu.scan <sum>, %add3A_474 masked %broadcast_in_dim3A_476 : vector<16xf32>, vector<16xi1> -> vector<16xf32>
      %add3A_478 = arith.constant 128 : i32
      %add3A_479 = arith.addi %add3A_478, %scan3A_396 : i32
      %broadcast_in_dim3A_480 = vector.broadcast %add3A_479 : i32 to vector<16xi32>
      %sub3A_481 = arith.constant 1.200000e+01 : f32
      %sub3A_482 = vector.broadcast %sub3A_481 : f32 to vector<16xf32>
      %sub3A_483 = arith.subf %sub3A_482, %masked_cumsum3A_477 : vector<16xf32>
      tpu.vector_store_idx %arg14[%broadcast_in_dim3A_480], %sub3A_483 masked %eq3A_2 : memref<512xf32, #tpu.memory_space<vmem>>[vector<16xi32>], vector<16xf32>, vector<16xi1>
      %scan3A_484 = arith.constant 2 : i32
      %scan3A_485 = arith.addi %scan3A_312, %scan3A_484 : i32
      %broadcast_in_dim3A_486 = arith.constant 0.000000e+00 : f32
      %broadcast_in_dim3A_487 = vector.broadcast %broadcast_in_dim3A_486 : f32 to vector<16xf32>
      %get3A_488 = arith.constant 1 : i32
      %get3A_489 = arith.index_cast %get3A_488 : i32 to index
      %get3A_490 = arith.index_cast %scan3A_485 : i32 to index
      %get3A_491 = arith.constant 0 : index
      %get3A_492 = tpu.vector_load %arg11[%get3A_489, %get3A_490, %get3A_491] {strides = array<i32>} : memref<2x128x128xf32, #tpu.memory_space<vmem>>, vector<16xf32>,
      %get3A_493 = arith.constant 1 : i32
      %get3A_494 = arith.index_cast %get3A_493 : i32 to index
      %get3A_495 = arith.index_cast %scan3A_485 : i32 to index
      %get3A_496 = arith.constant 0 : index
      %get3A_497 = tpu.vector_load %arg12[%get3A_494, %get3A_495, %get3A_496] {strides = array<i32>} : memref<2x128x128xf32, #tpu.memory_space<vmem>>, vector<16xf32>,
      %add3A_498 = arith.addf %get3A_492, %get3A_497 : vector<16xf32>
      %get3A_499 = arith.constant 1 : i32
      %get3A_500 = arith.index_cast %get3A_499 : i32 to index
      %get3A_501 = arith.index_cast %scan3A_485 : i32 to index
      %get3A_502 = arith.constant 0 : index
      %get3A_503 = tpu.vector_load %arg13[%get3A_500, %get3A_501, %get3A_502] {strides = array<i32>} : memref<2x128x128xf32, #tpu.memory_space<vmem>>, vector<16xf32>,
      %sub3A_504 = arith.subf %add3A_498, %get3A_503 : vector<16xf32>
      %abs3A_505 = math.absf %sub3A_504 : vector<16xf32>
      %add3A_506 = arith.addf %broadcast_in_dim3A_487, %abs3A_505 : vector<16xf32>
      %get3A_507 = arith.constant 1 : i32
      %get3A_508 = arith.index_cast %get3A_507 : i32 to index
      %get3A_509 = arith.index_cast %scan3A_485 : i32 to index
      %get3A_510 = arith.constant 16 : index
      %get3A_511 = tpu.vector_load %arg11[%get3A_508, %get3A_509, %get3A_510] {strides = array<i32>} : memref<2x128x128xf32, #tpu.memory_space<vmem>>, vector<16xf32>,
      %get3A_512 = arith.constant 1 : i32
      %get3A_513 = arith.index_cast %get3A_512 : i32 to index
      %get3A_514 = arith.index_cast %scan3A_485 : i32 to index
      %get3A_515 = arith.constant 16 : index
      %get3A_516 = tpu.vector_load %arg12[%get3A_513, %get3A_514, %get3A_515] {strides = array<i32>} : memref<2x128x128xf32, #tpu.memory_space<vmem>>, vector<16xf32>,
      %add3A_517 = arith.addf %get3A_511, %get3A_516 : vector<16xf32>
      %get3A_518 = arith.constant 1 : i32
      %get3A_519 = arith.index_cast %get3A_518 : i32 to index
      %get3A_520 = arith.index_cast %scan3A_485 : i32 to index
      %get3A_521 = arith.constant 16 : index
      %get3A_522 = tpu.vector_load %arg13[%get3A_519, %get3A_520, %get3A_521] {strides = array<i32>} : memref<2x128x128xf32, #tpu.memory_space<vmem>>, vector<16xf32>,
      %sub3A_523 = arith.subf %add3A_517, %get3A_522 : vector<16xf32>
      %abs3A_524 = math.absf %sub3A_523 : vector<16xf32>
      %add3A_525 = arith.addf %add3A_506, %abs3A_524 : vector<16xf32>
      %get3A_526 = arith.constant 1 : i32
      %get3A_527 = arith.index_cast %get3A_526 : i32 to index
      %get3A_528 = arith.index_cast %scan3A_485 : i32 to index
      %get3A_529 = arith.constant 32 : index
      %get3A_530 = tpu.vector_load %arg11[%get3A_527, %get3A_528, %get3A_529] {strides = array<i32>} : memref<2x128x128xf32, #tpu.memory_space<vmem>>, vector<16xf32>,
      %get3A_531 = arith.constant 1 : i32
      %get3A_532 = arith.index_cast %get3A_531 : i32 to index
      %get3A_533 = arith.index_cast %scan3A_485 : i32 to index
      %get3A_534 = arith.constant 32 : index
      %get3A_535 = tpu.vector_load %arg12[%get3A_532, %get3A_533, %get3A_534] {strides = array<i32>} : memref<2x128x128xf32, #tpu.memory_space<vmem>>, vector<16xf32>,
      %add3A_536 = arith.addf %get3A_530, %get3A_535 : vector<16xf32>
      %get3A_537 = arith.constant 1 : i32
      %get3A_538 = arith.index_cast %get3A_537 : i32 to index
      %get3A_539 = arith.index_cast %scan3A_485 : i32 to index
      %get3A_540 = arith.constant 32 : index
      %get3A_541 = tpu.vector_load %arg13[%get3A_538, %get3A_539, %get3A_540] {strides = array<i32>} : memref<2x128x128xf32, #tpu.memory_space<vmem>>, vector<16xf32>,
      %sub3A_542 = arith.subf %add3A_536, %get3A_541 : vector<16xf32>
      %abs3A_543 = math.absf %sub3A_542 : vector<16xf32>
      %add3A_544 = arith.addf %add3A_525, %abs3A_543 : vector<16xf32>
      %get3A_545 = arith.constant 1 : i32
      %get3A_546 = arith.index_cast %get3A_545 : i32 to index
      %get3A_547 = arith.index_cast %scan3A_485 : i32 to index
      %get3A_548 = arith.constant 48 : index
      %get3A_549 = tpu.vector_load %arg11[%get3A_546, %get3A_547, %get3A_548] {strides = array<i32>} : memref<2x128x128xf32, #tpu.memory_space<vmem>>, vector<16xf32>,
      %get3A_550 = arith.constant 1 : i32
      %get3A_551 = arith.index_cast %get3A_550 : i32 to index
      %get3A_552 = arith.index_cast %scan3A_485 : i32 to index
      %get3A_553 = arith.constant 48 : index
      %get3A_554 = tpu.vector_load %arg12[%get3A_551, %get3A_552, %get3A_553] {strides = array<i32>} : memref<2x128x128xf32, #tpu.memory_space<vmem>>, vector<16xf32>,
      %add3A_555 = arith.addf %get3A_549, %get3A_554 : vector<16xf32>
      %get3A_556 = arith.constant 1 : i32
      %get3A_557 = arith.index_cast %get3A_556 : i32 to index
      %get3A_558 = arith.index_cast %scan3A_485 : i32 to index
      %get3A_559 = arith.constant 48 : index
      %get3A_560 = tpu.vector_load %arg13[%get3A_557, %get3A_558, %get3A_559] {strides = array<i32>} : memref<2x128x128xf32, #tpu.memory_space<vmem>>, vector<16xf32>,
      %sub3A_561 = arith.subf %add3A_555, %get3A_560 : vector<16xf32>
      %abs3A_562 = math.absf %sub3A_561 : vector<16xf32>
      %add3A_563 = arith.addf %add3A_544, %abs3A_562 : vector<16xf32>
      %broadcast_in_dim3A_564 = arith.constant true
      %broadcast_in_dim3A_565 = vector.broadcast %broadcast_in_dim3A_564 : i1 to vector<16xi1>
      %masked_cumsum3A_566 = tpu.scan <sum>, %add3A_563 masked %broadcast_in_dim3A_565 : vector<16xf32>, vector<16xi1> -> vector<16xf32>
      %add3A_567 = arith.constant 128 : i32
      %add3A_568 = arith.addi %add3A_567, %scan3A_485 : i32
      %broadcast_in_dim3A_569 = vector.broadcast %add3A_568 : i32 to vector<16xi32>
      %sub3A_570 = arith.constant 1.200000e+01 : f32
      %sub3A_571 = vector.broadcast %sub3A_570 : f32 to vector<16xf32>
      %sub3A_572 = arith.subf %sub3A_571, %masked_cumsum3A_566 : vector<16xf32>
      tpu.vector_store_idx %arg14[%broadcast_in_dim3A_569], %sub3A_572 masked %eq3A_2 : memref<512xf32, #tpu.memory_space<vmem>>[vector<16xi32>], vector<16xf32>, vector<16xi1>
      %scan3A_573 = arith.constant 3 : i32
      %scan3A_574 = arith.addi %scan3A_312, %scan3A_573 : i32
      %broadcast_in_dim3A_575 = arith.constant 0.000000e+00 : f32
      %broadcast_in_dim3A_576 = vector.broadcast %broadcast_in_dim3A_575 : f32 to vector<16xf32>
      %get3A_577 = arith.constant 1 : i32
      %get3A_578 = arith.index_cast %get3A_577 : i32 to index
      %get3A_579 = arith.index_cast %scan3A_574 : i32 to index
      %get3A_580 = arith.constant 0 : index
      %get3A_581 = tpu.vector_load %arg11[%get3A_578, %get3A_579, %get3A_580] {strides = array<i32>} : memref<2x128x128xf32, #tpu.memory_space<vmem>>, vector<16xf32>,
      %get3A_582 = arith.constant 1 : i32
      %get3A_583 = arith.index_cast %get3A_582 : i32 to index
      %get3A_584 = arith.index_cast %scan3A_574 : i32 to index
      %get3A_585 = arith.constant 0 : index
      %get3A_586 = tpu.vector_load %arg12[%get3A_583, %get3A_584, %get3A_585] {strides = array<i32>} : memref<2x128x128xf32, #tpu.memory_space<vmem>>, vector<16xf32>,
      %add3A_587 = arith.addf %get3A_581, %get3A_586 : vector<16xf32>
      %get3A_588 = arith.constant 1 : i32
      %get3A_589 = arith.index_cast %get3A_588 : i32 to index
      %get3A_590 = arith.index_cast %scan3A_574 : i32 to index
      %get3A_591 = arith.constant 0 : index
      %get3A_592 = tpu.vector_load %arg13[%get3A_589, %get3A_590, %get3A_591] {strides = array<i32>} : memref<2x128x128xf32, #tpu.memory_space<vmem>>, vector<16xf32>,
      %sub3A_593 = arith.subf %add3A_587, %get3A_592 : vector<16xf32>
      %abs3A_594 = math.absf %sub3A_593 : vector<16xf32>
      %add3A_595 = arith.addf %broadcast_in_dim3A_576, %abs3A_594 : vector<16xf32>
      %get3A_596 = arith.constant 1 : i32
      %get3A_597 = arith.index_cast %get3A_596 : i32 to index
      %get3A_598 = arith.index_cast %scan3A_574 : i32 to index
      %get3A_599 = arith.constant 16 : index
      %get3A_600 = tpu.vector_load %arg11[%get3A_597, %get3A_598, %get3A_599] {strides = array<i32>} : memref<2x128x128xf32, #tpu.memory_space<vmem>>, vector<16xf32>,
      %get3A_601 = arith.constant 1 : i32
      %get3A_602 = arith.index_cast %get3A_601 : i32 to index
      %get3A_603 = arith.index_cast %scan3A_574 : i32 to index
      %get3A_604 = arith.constant 16 : index
      %get3A_605 = tpu.vector_load %arg12[%get3A_602, %get3A_603, %get3A_604] {strides = array<i32>} : memref<2x128x128xf32, #tpu.memory_space<vmem>>, vector<16xf32>,
      %add3A_606 = arith.addf %get3A_600, %get3A_605 : vector<16xf32>
      %get3A_607 = arith.constant 1 : i32
      %get3A_608 = arith.index_cast %get3A_607 : i32 to index
      %get3A_609 = arith.index_cast %scan3A_574 : i32 to index
      %get3A_610 = arith.constant 16 : index
      %get3A_611 = tpu.vector_load %arg13[%get3A_608, %get3A_609, %get3A_610] {strides = array<i32>} : memref<2x128x128xf32, #tpu.memory_space<vmem>>, vector<16xf32>,
      %sub3A_612 = arith.subf %add3A_606, %get3A_611 : vector<16xf32>
      %abs3A_613 = math.absf %sub3A_612 : vector<16xf32>
      %add3A_614 = arith.addf %add3A_595, %abs3A_613 : vector<16xf32>
      %get3A_615 = arith.constant 1 : i32
      %get3A_616 = arith.index_cast %get3A_615 : i32 to index
      %get3A_617 = arith.index_cast %scan3A_574 : i32 to index
      %get3A_618 = arith.constant 32 : index
      %get3A_619 = tpu.vector_load %arg11[%get3A_616, %get3A_617, %get3A_618] {strides = array<i32>} : memref<2x128x128xf32, #tpu.memory_space<vmem>>, vector<16xf32>,
      %get3A_620 = arith.constant 1 : i32
      %get3A_621 = arith.index_cast %get3A_620 : i32 to index
      %get3A_622 = arith.index_cast %scan3A_574 : i32 to index
      %get3A_623 = arith.constant 32 : index
      %get3A_624 = tpu.vector_load %arg12[%get3A_621, %get3A_622, %get3A_623] {strides = array<i32>} : memref<2x128x128xf32, #tpu.memory_space<vmem>>, vector<16xf32>,
      %add3A_625 = arith.addf %get3A_619, %get3A_624 : vector<16xf32>
      %get3A_626 = arith.constant 1 : i32
      %get3A_627 = arith.index_cast %get3A_626 : i32 to index
      %get3A_628 = arith.index_cast %scan3A_574 : i32 to index
      %get3A_629 = arith.constant 32 : index
      %get3A_630 = tpu.vector_load %arg13[%get3A_627, %get3A_628, %get3A_629] {strides = array<i32>} : memref<2x128x128xf32, #tpu.memory_space<vmem>>, vector<16xf32>,
      %sub3A_631 = arith.subf %add3A_625, %get3A_630 : vector<16xf32>
      %abs3A_632 = math.absf %sub3A_631 : vector<16xf32>
      %add3A_633 = arith.addf %add3A_614, %abs3A_632 : vector<16xf32>
      %get3A_634 = arith.constant 1 : i32
      %get3A_635 = arith.index_cast %get3A_634 : i32 to index
      %get3A_636 = arith.index_cast %scan3A_574 : i32 to index
      %get3A_637 = arith.constant 48 : index
      %get3A_638 = tpu.vector_load %arg11[%get3A_635, %get3A_636, %get3A_637] {strides = array<i32>} : memref<2x128x128xf32, #tpu.memory_space<vmem>>, vector<16xf32>,
      %get3A_639 = arith.constant 1 : i32
      %get3A_640 = arith.index_cast %get3A_639 : i32 to index
      %get3A_641 = arith.index_cast %scan3A_574 : i32 to index
      %get3A_642 = arith.constant 48 : index
      %get3A_643 = tpu.vector_load %arg12[%get3A_640, %get3A_641, %get3A_642] {strides = array<i32>} : memref<2x128x128xf32, #tpu.memory_space<vmem>>, vector<16xf32>,
      %add3A_644 = arith.addf %get3A_638, %get3A_643 : vector<16xf32>
      %get3A_645 = arith.constant 1 : i32
      %get3A_646 = arith.index_cast %get3A_645 : i32 to index
      %get3A_647 = arith.index_cast %scan3A_574 : i32 to index
      %get3A_648 = arith.constant 48 : index
      %get3A_649 = tpu.vector_load %arg13[%get3A_646, %get3A_647, %get3A_648] {strides = array<i32>} : memref<2x128x128xf32, #tpu.memory_space<vmem>>, vector<16xf32>,
      %sub3A_650 = arith.subf %add3A_644, %get3A_649 : vector<16xf32>
      %abs3A_651 = math.absf %sub3A_650 : vector<16xf32>
      %add3A_652 = arith.addf %add3A_633, %abs3A_651 : vector<16xf32>
      %broadcast_in_dim3A_653 = arith.constant true
      %broadcast_in_dim3A_654 = vector.broadcast %broadcast_in_dim3A_653 : i1 to vector<16xi1>
      %masked_cumsum3A_655 = tpu.scan <sum>, %add3A_652 masked %broadcast_in_dim3A_654 : vector<16xf32>, vector<16xi1> -> vector<16xf32>
      %add3A_656 = arith.constant 128 : i32
      %add3A_657 = arith.addi %add3A_656, %scan3A_574 : i32
      %broadcast_in_dim3A_658 = vector.broadcast %add3A_657 : i32 to vector<16xi32>
      %sub3A_659 = arith.constant 1.200000e+01 : f32
      %sub3A_660 = vector.broadcast %sub3A_659 : f32 to vector<16xf32>
      %sub3A_661 = arith.subf %sub3A_660, %masked_cumsum3A_655 : vector<16xf32>
      tpu.vector_store_idx %arg14[%broadcast_in_dim3A_658], %sub3A_661 masked %eq3A_2 : memref<512xf32, #tpu.memory_space<vmem>>[vector<16xi32>], vector<16xf32>, vector<16xi1>
      %scan3A_662 = arith.constant 4 : i32
      %scan3A_663 = arith.addi %scan3A_312, %scan3A_662 : i32
      %broadcast_in_dim3A_664 = arith.constant 0.000000e+00 : f32
      %broadcast_in_dim3A_665 = vector.broadcast %broadcast_in_dim3A_664 : f32 to vector<16xf32>
      %get3A_666 = arith.constant 1 : i32
      %get3A_667 = arith.index_cast %get3A_666 : i32 to index
      %get3A_668 = arith.index_cast %scan3A_663 : i32 to index
      %get3A_669 = arith.constant 0 : index
      %get3A_670 = tpu.vector_load %arg11[%get3A_667, %get3A_668, %get3A_669] {strides = array<i32>} : memref<2x128x128xf32, #tpu.memory_space<vmem>>, vector<16xf32>,
      %get3A_671 = arith.constant 1 : i32
      %get3A_672 = arith.index_cast %get3A_671 : i32 to index
      %get3A_673 = arith.index_cast %scan3A_663 : i32 to index
      %get3A_674 = arith.constant 0 : index
      %get3A_675 = tpu.vector_load %arg12[%get3A_672, %get3A_673, %get3A_674] {strides = array<i32>} : memref<2x128x128xf32, #tpu.memory_space<vmem>>, vector<16xf32>,
      %add3A_676 = arith.addf %get3A_670, %get3A_675 : vector<16xf32>
      %get3A_677 = arith.constant 1 : i32
      %get3A_678 = arith.index_cast %get3A_677 : i32 to index
      %get3A_679 = arith.index_cast %scan3A_663 : i32 to index
      %get3A_680 = arith.constant 0 : index
      %get3A_681 = tpu.vector_load %arg13[%get3A_678, %get3A_679, %get3A_680] {strides = array<i32>} : memref<2x128x128xf32, #tpu.memory_space<vmem>>, vector<16xf32>,
      %sub3A_682 = arith.subf %add3A_676, %get3A_681 : vector<16xf32>
      %abs3A_683 = math.absf %sub3A_682 : vector<16xf32>
      %add3A_684 = arith.addf %broadcast_in_dim3A_665, %abs3A_683 : vector<16xf32>
      %get3A_685 = arith.constant 1 : i32
      %get3A_686 = arith.index_cast %get3A_685 : i32 to index
      %get3A_687 = arith.index_cast %scan3A_663 : i32 to index
      %get3A_688 = arith.constant 16 : index
      %get3A_689 = tpu.vector_load %arg11[%get3A_686, %get3A_687, %get3A_688] {strides = array<i32>} : memref<2x128x128xf32, #tpu.memory_space<vmem>>, vector<16xf32>,
      %get3A_690 = arith.constant 1 : i32
      %get3A_691 = arith.index_cast %get3A_690 : i32 to index
      %get3A_692 = arith.index_cast %scan3A_663 : i32 to index
      %get3A_693 = arith.constant 16 : index
      %get3A_694 = tpu.vector_load %arg12[%get3A_691, %get3A_692, %get3A_693] {strides = array<i32>} : memref<2x128x128xf32, #tpu.memory_space<vmem>>, vector<16xf32>,
      %add3A_695 = arith.addf %get3A_689, %get3A_694 : vector<16xf32>
      %get3A_696 = arith.constant 1 : i32
      %get3A_697 = arith.index_cast %get3A_696 : i32 to index
      %get3A_698 = arith.index_cast %scan3A_663 : i32 to index
      %get3A_699 = arith.constant 16 : index
      %get3A_700 = tpu.vector_load %arg13[%get3A_697, %get3A_698, %get3A_699] {strides = array<i32>} : memref<2x128x128xf32, #tpu.memory_space<vmem>>, vector<16xf32>,
      %sub3A_701 = arith.subf %add3A_695, %get3A_700 : vector<16xf32>
      %abs3A_702 = math.absf %sub3A_701 : vector<16xf32>
      %add3A_703 = arith.addf %add3A_684, %abs3A_702 : vector<16xf32>
      %get3A_704 = arith.constant 1 : i32
      %get3A_705 = arith.index_cast %get3A_704 : i32 to index
      %get3A_706 = arith.index_cast %scan3A_663 : i32 to index
      %get3A_707 = arith.constant 32 : index
      %get3A_708 = tpu.vector_load %arg11[%get3A_705, %get3A_706, %get3A_707] {strides = array<i32>} : memref<2x128x128xf32, #tpu.memory_space<vmem>>, vector<16xf32>,
      %get3A_709 = arith.constant 1 : i32
      %get3A_710 = arith.index_cast %get3A_709 : i32 to index
      %get3A_711 = arith.index_cast %scan3A_663 : i32 to index
      %get3A_712 = arith.constant 32 : index
      %get3A_713 = tpu.vector_load %arg12[%get3A_710, %get3A_711, %get3A_712] {strides = array<i32>} : memref<2x128x128xf32, #tpu.memory_space<vmem>>, vector<16xf32>,
      %add3A_714 = arith.addf %get3A_708, %get3A_713 : vector<16xf32>
      %get3A_715 = arith.constant 1 : i32
      %get3A_716 = arith.index_cast %get3A_715 : i32 to index
      %get3A_717 = arith.index_cast %scan3A_663 : i32 to index
      %get3A_718 = arith.constant 32 : index
      %get3A_719 = tpu.vector_load %arg13[%get3A_716, %get3A_717, %get3A_718] {strides = array<i32>} : memref<2x128x128xf32, #tpu.memory_space<vmem>>, vector<16xf32>,
      %sub3A_720 = arith.subf %add3A_714, %get3A_719 : vector<16xf32>
      %abs3A_721 = math.absf %sub3A_720 : vector<16xf32>
      %add3A_722 = arith.addf %add3A_703, %abs3A_721 : vector<16xf32>
      %get3A_723 = arith.constant 1 : i32
      %get3A_724 = arith.index_cast %get3A_723 : i32 to index
      %get3A_725 = arith.index_cast %scan3A_663 : i32 to index
      %get3A_726 = arith.constant 48 : index
      %get3A_727 = tpu.vector_load %arg11[%get3A_724, %get3A_725, %get3A_726] {strides = array<i32>} : memref<2x128x128xf32, #tpu.memory_space<vmem>>, vector<16xf32>,
      %get3A_728 = arith.constant 1 : i32
      %get3A_729 = arith.index_cast %get3A_728 : i32 to index
      %get3A_730 = arith.index_cast %scan3A_663 : i32 to index
      %get3A_731 = arith.constant 48 : index
      %get3A_732 = tpu.vector_load %arg12[%get3A_729, %get3A_730, %get3A_731] {strides = array<i32>} : memref<2x128x128xf32, #tpu.memory_space<vmem>>, vector<16xf32>,
      %add3A_733 = arith.addf %get3A_727, %get3A_732 : vector<16xf32>
      %get3A_734 = arith.constant 1 : i32
      %get3A_735 = arith.index_cast %get3A_734 : i32 to index
      %get3A_736 = arith.index_cast %scan3A_663 : i32 to index
      %get3A_737 = arith.constant 48 : index
      %get3A_738 = tpu.vector_load %arg13[%get3A_735, %get3A_736, %get3A_737] {strides = array<i32>} : memref<2x128x128xf32, #tpu.memory_space<vmem>>, vector<16xf32>,
      %sub3A_739 = arith.subf %add3A_733, %get3A_738 : vector<16xf32>
      %abs3A_740 = math.absf %sub3A_739 : vector<16xf32>
      %add3A_741 = arith.addf %add3A_722, %abs3A_740 : vector<16xf32>
      %broadcast_in_dim3A_742 = arith.constant true
      %broadcast_in_dim3A_743 = vector.broadcast %broadcast_in_dim3A_742 : i1 to vector<16xi1>
      %masked_cumsum3A_744 = tpu.scan <sum>, %add3A_741 masked %broadcast_in_dim3A_743 : vector<16xf32>, vector<16xi1> -> vector<16xf32>
      %add3A_745 = arith.constant 128 : i32
      %add3A_746 = arith.addi %add3A_745, %scan3A_663 : i32
      %broadcast_in_dim3A_747 = vector.broadcast %add3A_746 : i32 to vector<16xi32>
      %sub3A_748 = arith.constant 1.200000e+01 : f32
      %sub3A_749 = vector.broadcast %sub3A_748 : f32 to vector<16xf32>
      %sub3A_750 = arith.subf %sub3A_749, %masked_cumsum3A_744 : vector<16xf32>
      tpu.vector_store_idx %arg14[%broadcast_in_dim3A_747], %sub3A_750 masked %eq3A_2 : memref<512xf32, #tpu.memory_space<vmem>>[vector<16xi32>], vector<16xf32>, vector<16xi1>
      %scan3A_751 = arith.constant 5 : i32
      %scan3A_752 = arith.addi %scan3A_312, %scan3A_751 : i32
      %broadcast_in_dim3A_753 = arith.constant 0.000000e+00 : f32
      %broadcast_in_dim3A_754 = vector.broadcast %broadcast_in_dim3A_753 : f32 to vector<16xf32>
      %get3A_755 = arith.constant 1 : i32
      %get3A_756 = arith.index_cast %get3A_755 : i32 to index
      %get3A_757 = arith.index_cast %scan3A_752 : i32 to index
      %get3A_758 = arith.constant 0 : index
      %get3A_759 = tpu.vector_load %arg11[%get3A_756, %get3A_757, %get3A_758] {strides = array<i32>} : memref<2x128x128xf32, #tpu.memory_space<vmem>>, vector<16xf32>,
      %get3A_760 = arith.constant 1 : i32
      %get3A_761 = arith.index_cast %get3A_760 : i32 to index
      %get3A_762 = arith.index_cast %scan3A_752 : i32 to index
      %get3A_763 = arith.constant 0 : index
      %get3A_764 = tpu.vector_load %arg12[%get3A_761, %get3A_762, %get3A_763] {strides = array<i32>} : memref<2x128x128xf32, #tpu.memory_space<vmem>>, vector<16xf32>,
      %add3A_765 = arith.addf %get3A_759, %get3A_764 : vector<16xf32>
      %get3A_766 = arith.constant 1 : i32
      %get3A_767 = arith.index_cast %get3A_766 : i32 to index
      %get3A_768 = arith.index_cast %scan3A_752 : i32 to index
      %get3A_769 = arith.constant 0 : index
      %get3A_770 = tpu.vector_load %arg13[%get3A_767, %get3A_768, %get3A_769] {strides = array<i32>} : memref<2x128x128xf32, #tpu.memory_space<vmem>>, vector<16xf32>,
      %sub3A_771 = arith.subf %add3A_765, %get3A_770 : vector<16xf32>
      %abs3A_772 = math.absf %sub3A_771 : vector<16xf32>
      %add3A_773 = arith.addf %broadcast_in_dim3A_754, %abs3A_772 : vector<16xf32>
      %get3A_774 = arith.constant 1 : i32
      %get3A_775 = arith.index_cast %get3A_774 : i32 to index
      %get3A_776 = arith.index_cast %scan3A_752 : i32 to index
      %get3A_777 = arith.constant 16 : index
      %get3A_778 = tpu.vector_load %arg11[%get3A_775, %get3A_776, %get3A_777] {strides = array<i32>} : memref<2x128x128xf32, #tpu.memory_space<vmem>>, vector<16xf32>,
      %get3A_779 = arith.constant 1 : i32
      %get3A_780 = arith.index_cast %get3A_779 : i32 to index
      %get3A_781 = arith.index_cast %scan3A_752 : i32 to index
      %get3A_782 = arith.constant 16 : index
      %get3A_783 = tpu.vector_load %arg12[%get3A_780, %get3A_781, %get3A_782] {strides = array<i32>} : memref<2x128x128xf32, #tpu.memory_space<vmem>>, vector<16xf32>,
      %add3A_784 = arith.addf %get3A_778, %get3A_783 : vector<16xf32>
      %get3A_785 = arith.constant 1 : i32
      %get3A_786 = arith.index_cast %get3A_785 : i32 to index
      %get3A_787 = arith.index_cast %scan3A_752 : i32 to index
      %get3A_788 = arith.constant 16 : index
      %get3A_789 = tpu.vector_load %arg13[%get3A_786, %get3A_787, %get3A_788] {strides = array<i32>} : memref<2x128x128xf32, #tpu.memory_space<vmem>>, vector<16xf32>,
      %sub3A_790 = arith.subf %add3A_784, %get3A_789 : vector<16xf32>
      %abs3A_791 = math.absf %sub3A_790 : vector<16xf32>
      %add3A_792 = arith.addf %add3A_773, %abs3A_791 : vector<16xf32>
      %get3A_793 = arith.constant 1 : i32
      %get3A_794 = arith.index_cast %get3A_793 : i32 to index
      %get3A_795 = arith.index_cast %scan3A_752 : i32 to index
      %get3A_796 = arith.constant 32 : index
      %get3A_797 = tpu.vector_load %arg11[%get3A_794, %get3A_795, %get3A_796] {strides = array<i32>} : memref<2x128x128xf32, #tpu.memory_space<vmem>>, vector<16xf32>,
      %get3A_798 = arith.constant 1 : i32
      %get3A_799 = arith.index_cast %get3A_798 : i32 to index
      %get3A_800 = arith.index_cast %scan3A_752 : i32 to index
      %get3A_801 = arith.constant 32 : index
      %get3A_802 = tpu.vector_load %arg12[%get3A_799, %get3A_800, %get3A_801] {strides = array<i32>} : memref<2x128x128xf32, #tpu.memory_space<vmem>>, vector<16xf32>,
      %add3A_803 = arith.addf %get3A_797, %get3A_802 : vector<16xf32>
      %get3A_804 = arith.constant 1 : i32
      %get3A_805 = arith.index_cast %get3A_804 : i32 to index
      %get3A_806 = arith.index_cast %scan3A_752 : i32 to index
      %get3A_807 = arith.constant 32 : index
      %get3A_808 = tpu.vector_load %arg13[%get3A_805, %get3A_806, %get3A_807] {strides = array<i32>} : memref<2x128x128xf32, #tpu.memory_space<vmem>>, vector<16xf32>,
      %sub3A_809 = arith.subf %add3A_803, %get3A_808 : vector<16xf32>
      %abs3A_810 = math.absf %sub3A_809 : vector<16xf32>
      %add3A_811 = arith.addf %add3A_792, %abs3A_810 : vector<16xf32>
      %get3A_812 = arith.constant 1 : i32
      %get3A_813 = arith.index_cast %get3A_812 : i32 to index
      %get3A_814 = arith.index_cast %scan3A_752 : i32 to index
      %get3A_815 = arith.constant 48 : index
      %get3A_816 = tpu.vector_load %arg11[%get3A_813, %get3A_814, %get3A_815] {strides = array<i32>} : memref<2x128x128xf32, #tpu.memory_space<vmem>>, vector<16xf32>,
      %get3A_817 = arith.constant 1 : i32
      %get3A_818 = arith.index_cast %get3A_817 : i32 to index
      %get3A_819 = arith.index_cast %scan3A_752 : i32 to index
      %get3A_820 = arith.constant 48 : index
      %get3A_821 = tpu.vector_load %arg12[%get3A_818, %get3A_819, %get3A_820] {strides = array<i32>} : memref<2x128x128xf32, #tpu.memory_space<vmem>>, vector<16xf32>,
      %add3A_822 = arith.addf %get3A_816, %get3A_821 : vector<16xf32>
      %get3A_823 = arith.constant 1 : i32
      %get3A_824 = arith.index_cast %get3A_823 : i32 to index
      %get3A_825 = arith.index_cast %scan3A_752 : i32 to index
      %get3A_826 = arith.constant 48 : index
      %get3A_827 = tpu.vector_load %arg13[%get3A_824, %get3A_825, %get3A_826] {strides = array<i32>} : memref<2x128x128xf32, #tpu.memory_space<vmem>>, vector<16xf32>,
      %sub3A_828 = arith.subf %add3A_822, %get3A_827 : vector<16xf32>
      %abs3A_829 = math.absf %sub3A_828 : vector<16xf32>
      %add3A_830 = arith.addf %add3A_811, %abs3A_829 : vector<16xf32>
      %broadcast_in_dim3A_831 = arith.constant true
      %broadcast_in_dim3A_832 = vector.broadcast %broadcast_in_dim3A_831 : i1 to vector<16xi1>
      %masked_cumsum3A_833 = tpu.scan <sum>, %add3A_830 masked %broadcast_in_dim3A_832 : vector<16xf32>, vector<16xi1> -> vector<16xf32>
      %add3A_834 = arith.constant 128 : i32
      %add3A_835 = arith.addi %add3A_834, %scan3A_752 : i32
      %broadcast_in_dim3A_836 = vector.broadcast %add3A_835 : i32 to vector<16xi32>
      %sub3A_837 = arith.constant 1.200000e+01 : f32
      %sub3A_838 = vector.broadcast %sub3A_837 : f32 to vector<16xf32>
      %sub3A_839 = arith.subf %sub3A_838, %masked_cumsum3A_833 : vector<16xf32>
      tpu.vector_store_idx %arg14[%broadcast_in_dim3A_836], %sub3A_839 masked %eq3A_2 : memref<512xf32, #tpu.memory_space<vmem>>[vector<16xi32>], vector<16xf32>, vector<16xi1>
      %scan3A_840 = arith.constant 6 : i32
      %scan3A_841 = arith.addi %scan3A_312, %scan3A_840 : i32
      %broadcast_in_dim3A_842 = arith.constant 0.000000e+00 : f32
      %broadcast_in_dim3A_843 = vector.broadcast %broadcast_in_dim3A_842 : f32 to vector<16xf32>
      %get3A_844 = arith.constant 1 : i32
      %get3A_845 = arith.index_cast %get3A_844 : i32 to index
      %get3A_846 = arith.index_cast %scan3A_841 : i32 to index
      %get3A_847 = arith.constant 0 : index
      %get3A_848 = tpu.vector_load %arg11[%get3A_845, %get3A_846, %get3A_847] {strides = array<i32>} : memref<2x128x128xf32, #tpu.memory_space<vmem>>, vector<16xf32>,
      %get3A_849 = arith.constant 1 : i32
      %get3A_850 = arith.index_cast %get3A_849 : i32 to index
      %get3A_851 = arith.index_cast %scan3A_841 : i32 to index
      %get3A_852 = arith.constant 0 : index
      %get3A_853 = tpu.vector_load %arg12[%get3A_850, %get3A_851, %get3A_852] {strides = array<i32>} : memref<2x128x128xf32, #tpu.memory_space<vmem>>, vector<16xf32>,
      %add3A_854 = arith.addf %get3A_848, %get3A_853 : vector<16xf32>
      %get3A_855 = arith.constant 1 : i32
      %get3A_856 = arith.index_cast %get3A_855 : i32 to index
      %get3A_857 = arith.index_cast %scan3A_841 : i32 to index
      %get3A_858 = arith.constant 0 : index
      %get3A_859 = tpu.vector_load %arg13[%get3A_856, %get3A_857, %get3A_858] {strides = array<i32>} : memref<2x128x128xf32, #tpu.memory_space<vmem>>, vector<16xf32>,
      %sub3A_860 = arith.subf %add3A_854, %get3A_859 : vector<16xf32>
      %abs3A_861 = math.absf %sub3A_860 : vector<16xf32>
      %add3A_862 = arith.addf %broadcast_in_dim3A_843, %abs3A_861 : vector<16xf32>
      %get3A_863 = arith.constant 1 : i32
      %get3A_864 = arith.index_cast %get3A_863 : i32 to index
      %get3A_865 = arith.index_cast %scan3A_841 : i32 to index
      %get3A_866 = arith.constant 16 : index
      %get3A_867 = tpu.vector_load %arg11[%get3A_864, %get3A_865, %get3A_866] {strides = array<i32>} : memref<2x128x128xf32, #tpu.memory_space<vmem>>, vector<16xf32>,
      %get3A_868 = arith.constant 1 : i32
      %get3A_869 = arith.index_cast %get3A_868 : i32 to index
      %get3A_870 = arith.index_cast %scan3A_841 : i32 to index
      %get3A_871 = arith.constant 16 : index
      %get3A_872 = tpu.vector_load %arg12[%get3A_869, %get3A_870, %get3A_871] {strides = array<i32>} : memref<2x128x128xf32, #tpu.memory_space<vmem>>, vector<16xf32>,
      %add3A_873 = arith.addf %get3A_867, %get3A_872 : vector<16xf32>
      %get3A_874 = arith.constant 1 : i32
      %get3A_875 = arith.index_cast %get3A_874 : i32 to index
      %get3A_876 = arith.index_cast %scan3A_841 : i32 to index
      %get3A_877 = arith.constant 16 : index
      %get3A_878 = tpu.vector_load %arg13[%get3A_875, %get3A_876, %get3A_877] {strides = array<i32>} : memref<2x128x128xf32, #tpu.memory_space<vmem>>, vector<16xf32>,
      %sub3A_879 = arith.subf %add3A_873, %get3A_878 : vector<16xf32>
      %abs3A_880 = math.absf %sub3A_879 : vector<16xf32>
      %add3A_881 = arith.addf %add3A_862, %abs3A_880 : vector<16xf32>
      %get3A_882 = arith.constant 1 : i32
      %get3A_883 = arith.index_cast %get3A_882 : i32 to index
      %get3A_884 = arith.index_cast %scan3A_841 : i32 to index
      %get3A_885 = arith.constant 32 : index
      %get3A_886 = tpu.vector_load %arg11[%get3A_883, %get3A_884, %get3A_885] {strides = array<i32>} : memref<2x128x128xf32, #tpu.memory_space<vmem>>, vector<16xf32>,
      %get3A_887 = arith.constant 1 : i32
      %get3A_888 = arith.index_cast %get3A_887 : i32 to index
      %get3A_889 = arith.index_cast %scan3A_841 : i32 to index
      %get3A_890 = arith.constant 32 : index
      %get3A_891 = tpu.vector_load %arg12[%get3A_888, %get3A_889, %get3A_890] {strides = array<i32>} : memref<2x128x128xf32, #tpu.memory_space<vmem>>, vector<16xf32>,
      %add3A_892 = arith.addf %get3A_886, %get3A_891 : vector<16xf32>
      %get3A_893 = arith.constant 1 : i32
      %get3A_894 = arith.index_cast %get3A_893 : i32 to index
      %get3A_895 = arith.index_cast %scan3A_841 : i32 to index
      %get3A_896 = arith.constant 32 : index
      %get3A_897 = tpu.vector_load %arg13[%get3A_894, %get3A_895, %get3A_896] {strides = array<i32>} : memref<2x128x128xf32, #tpu.memory_space<vmem>>, vector<16xf32>,
      %sub3A_898 = arith.subf %add3A_892, %get3A_897 : vector<16xf32>
      %abs3A_899 = math.absf %sub3A_898 : vector<16xf32>
      %add3A_900 = arith.addf %add3A_881, %abs3A_899 : vector<16xf32>
      %get3A_901 = arith.constant 1 : i32
      %get3A_902 = arith.index_cast %get3A_901 : i32 to index
      %get3A_903 = arith.index_cast %scan3A_841 : i32 to index
      %get3A_904 = arith.constant 48 : index
      %get3A_905 = tpu.vector_load %arg11[%get3A_902, %get3A_903, %get3A_904] {strides = array<i32>} : memref<2x128x128xf32, #tpu.memory_space<vmem>>, vector<16xf32>,
      %get3A_906 = arith.constant 1 : i32
      %get3A_907 = arith.index_cast %get3A_906 : i32 to index
      %get3A_908 = arith.index_cast %scan3A_841 : i32 to index
      %get3A_909 = arith.constant 48 : index
      %get3A_910 = tpu.vector_load %arg12[%get3A_907, %get3A_908, %get3A_909] {strides = array<i32>} : memref<2x128x128xf32, #tpu.memory_space<vmem>>, vector<16xf32>,
      %add3A_911 = arith.addf %get3A_905, %get3A_910 : vector<16xf32>
      %get3A_912 = arith.constant 1 : i32
      %get3A_913 = arith.index_cast %get3A_912 : i32 to index
      %get3A_914 = arith.index_cast %scan3A_841 : i32 to index
      %get3A_915 = arith.constant 48 : index
      %get3A_916 = tpu.vector_load %arg13[%get3A_913, %get3A_914, %get3A_915] {strides = array<i32>} : memref<2x128x128xf32, #tpu.memory_space<vmem>>, vector<16xf32>,
      %sub3A_917 = arith.subf %add3A_911, %get3A_916 : vector<16xf32>
      %abs3A_918 = math.absf %sub3A_917 : vector<16xf32>
      %add3A_919 = arith.addf %add3A_900, %abs3A_918 : vector<16xf32>
      %broadcast_in_dim3A_920 = arith.constant true
      %broadcast_in_dim3A_921 = vector.broadcast %broadcast_in_dim3A_920 : i1 to vector<16xi1>
      %masked_cumsum3A_922 = tpu.scan <sum>, %add3A_919 masked %broadcast_in_dim3A_921 : vector<16xf32>, vector<16xi1> -> vector<16xf32>
      %add3A_923 = arith.constant 128 : i32
      %add3A_924 = arith.addi %add3A_923, %scan3A_841 : i32
      %broadcast_in_dim3A_925 = vector.broadcast %add3A_924 : i32 to vector<16xi32>
      %sub3A_926 = arith.constant 1.200000e+01 : f32
      %sub3A_927 = vector.broadcast %sub3A_926 : f32 to vector<16xf32>
      %sub3A_928 = arith.subf %sub3A_927, %masked_cumsum3A_922 : vector<16xf32>
      tpu.vector_store_idx %arg14[%broadcast_in_dim3A_925], %sub3A_928 masked %eq3A_2 : memref<512xf32, #tpu.memory_space<vmem>>[vector<16xi32>], vector<16xf32>, vector<16xi1>
      %scan3A_929 = arith.constant 7 : i32
      %scan3A_930 = arith.addi %scan3A_312, %scan3A_929 : i32
      %broadcast_in_dim3A_931 = arith.constant 0.000000e+00 : f32
      %broadcast_in_dim3A_932 = vector.broadcast %broadcast_in_dim3A_931 : f32 to vector<16xf32>
      %get3A_933 = arith.constant 1 : i32
      %get3A_934 = arith.index_cast %get3A_933 : i32 to index
      %get3A_935 = arith.index_cast %scan3A_930 : i32 to index
      %get3A_936 = arith.constant 0 : index
      %get3A_937 = tpu.vector_load %arg11[%get3A_934, %get3A_935, %get3A_936] {strides = array<i32>} : memref<2x128x128xf32, #tpu.memory_space<vmem>>, vector<16xf32>,
      %get3A_938 = arith.constant 1 : i32
      %get3A_939 = arith.index_cast %get3A_938 : i32 to index
      %get3A_940 = arith.index_cast %scan3A_930 : i32 to index
      %get3A_941 = arith.constant 0 : index
      %get3A_942 = tpu.vector_load %arg12[%get3A_939, %get3A_940, %get3A_941] {strides = array<i32>} : memref<2x128x128xf32, #tpu.memory_space<vmem>>, vector<16xf32>,
      %add3A_943 = arith.addf %get3A_937, %get3A_942 : vector<16xf32>
      %get3A_944 = arith.constant 1 : i32
      %get3A_945 = arith.index_cast %get3A_944 : i32 to index
      %get3A_946 = arith.index_cast %scan3A_930 : i32 to index
      %get3A_947 = arith.constant 0 : index
      %get3A_948 = tpu.vector_load %arg13[%get3A_945, %get3A_946, %get3A_947] {strides = array<i32>} : memref<2x128x128xf32, #tpu.memory_space<vmem>>, vector<16xf32>,
      %sub3A_949 = arith.subf %add3A_943, %get3A_948 : vector<16xf32>
      %abs3A_950 = math.absf %sub3A_949 : vector<16xf32>
      %add3A_951 = arith.addf %broadcast_in_dim3A_932, %abs3A_950 : vector<16xf32>
      %get3A_952 = arith.constant 1 : i32
      %get3A_953 = arith.index_cast %get3A_952 : i32 to index
      %get3A_954 = arith.index_cast %scan3A_930 : i32 to index
      %get3A_955 = arith.constant 16 : index
      %get3A_956 = tpu.vector_load %arg11[%get3A_953, %get3A_954, %get3A_955] {strides = array<i32>} : memref<2x128x128xf32, #tpu.memory_space<vmem>>, vector<16xf32>,
      %get3A_957 = arith.constant 1 : i32
      %get3A_958 = arith.index_cast %get3A_957 : i32 to index
      %get3A_959 = arith.index_cast %scan3A_930 : i32 to index
      %get3A_960 = arith.constant 16 : index
      %get3A_961 = tpu.vector_load %arg12[%get3A_958, %get3A_959, %get3A_960] {strides = array<i32>} : memref<2x128x128xf32, #tpu.memory_space<vmem>>, vector<16xf32>,
      %add3A_962 = arith.addf %get3A_956, %get3A_961 : vector<16xf32>
      %get3A_963 = arith.constant 1 : i32
      %get3A_964 = arith.index_cast %get3A_963 : i32 to index
      %get3A_965 = arith.index_cast %scan3A_930 : i32 to index
      %get3A_966 = arith.constant 16 : index
      %get3A_967 = tpu.vector_load %arg13[%get3A_964, %get3A_965, %get3A_966] {strides = array<i32>} : memref<2x128x128xf32, #tpu.memory_space<vmem>>, vector<16xf32>,
      %sub3A_968 = arith.subf %add3A_962, %get3A_967 : vector<16xf32>
      %abs3A_969 = math.absf %sub3A_968 : vector<16xf32>
      %add3A_970 = arith.addf %add3A_951, %abs3A_969 : vector<16xf32>
      %get3A_971 = arith.constant 1 : i32
      %get3A_972 = arith.index_cast %get3A_971 : i32 to index
      %get3A_973 = arith.index_cast %scan3A_930 : i32 to index
      %get3A_974 = arith.constant 32 : index
      %get3A_975 = tpu.vector_load %arg11[%get3A_972, %get3A_973, %get3A_974] {strides = array<i32>} : memref<2x128x128xf32, #tpu.memory_space<vmem>>, vector<16xf32>,
      %get3A_976 = arith.constant 1 : i32
      %get3A_977 = arith.index_cast %get3A_976 : i32 to index
      %get3A_978 = arith.index_cast %scan3A_930 : i32 to index
      %get3A_979 = arith.constant 32 : index
      %get3A_980 = tpu.vector_load %arg12[%get3A_977, %get3A_978, %get3A_979] {strides = array<i32>} : memref<2x128x128xf32, #tpu.memory_space<vmem>>, vector<16xf32>,
      %add3A_981 = arith.addf %get3A_975, %get3A_980 : vector<16xf32>
      %get3A_982 = arith.constant 1 : i32
      %get3A_983 = arith.index_cast %get3A_982 : i32 to index
      %get3A_984 = arith.index_cast %scan3A_930 : i32 to index
      %get3A_985 = arith.constant 32 : index
      %get3A_986 = tpu.vector_load %arg13[%get3A_983, %get3A_984, %get3A_985] {strides = array<i32>} : memref<2x128x128xf32, #tpu.memory_space<vmem>>, vector<16xf32>,
      %sub3A_987 = arith.subf %add3A_981, %get3A_986 : vector<16xf32>
      %abs3A_988 = math.absf %sub3A_987 : vector<16xf32>
      %add3A_989 = arith.addf %add3A_970, %abs3A_988 : vector<16xf32>
      %get3A_990 = arith.constant 1 : i32
      %get3A_991 = arith.index_cast %get3A_990 : i32 to index
      %get3A_992 = arith.index_cast %scan3A_930 : i32 to index
      %get3A_993 = arith.constant 48 : index
      %get3A_994 = tpu.vector_load %arg11[%get3A_991, %get3A_992, %get3A_993] {strides = array<i32>} : memref<2x128x128xf32, #tpu.memory_space<vmem>>, vector<16xf32>,
      %get3A_995 = arith.constant 1 : i32
      %get3A_996 = arith.index_cast %get3A_995 : i32 to index
      %get3A_997 = arith.index_cast %scan3A_930 : i32 to index
      %get3A_998 = arith.constant 48 : index
      %get3A_999 = tpu.vector_load %arg12[%get3A_996, %get3A_997, %get3A_998] {strides = array<i32>} : memref<2x128x128xf32, #tpu.memory_space<vmem>>, vector<16xf32>,
      %add3A_1000 = arith.addf %get3A_994, %get3A_999 : vector<16xf32>
      %get3A_1001 = arith.constant 1 : i32
      %get3A_1002 = arith.index_cast %get3A_1001 : i32 to index
      %get3A_1003 = arith.index_cast %scan3A_930 : i32 to index
      %get3A_1004 = arith.constant 48 : index
      %get3A_1005 = tpu.vector_load %arg13[%get3A_1002, %get3A_1003, %get3A_1004] {strides = array<i32>} : memref<2x128x128xf32, #tpu.memory_space<vmem>>, vector<16xf32>,
      %sub3A_1006 = arith.subf %add3A_1000, %get3A_1005 : vector<16xf32>
      %abs3A_1007 = math.absf %sub3A_1006 : vector<16xf32>
      %add3A_1008 = arith.addf %add3A_989, %abs3A_1007 : vector<16xf32>
      %broadcast_in_dim3A_1009 = arith.constant true
      %broadcast_in_dim3A_1010 = vector.broadcast %broadcast_in_dim3A_1009 : i1 to vector<16xi1>
      %masked_cumsum3A_1011 = tpu.scan <sum>, %add3A_1008 masked %broadcast_in_dim3A_1010 : vector<16xf32>, vector<16xi1> -> vector<16xf32>
      %add3A_1012 = arith.constant 128 : i32
      %add3A_1013 = arith.addi %add3A_1012, %scan3A_930 : i32
      %broadcast_in_dim3A_1014 = vector.broadcast %add3A_1013 : i32 to vector<16xi32>
      %sub3A_1015 = arith.constant 1.200000e+01 : f32
      %sub3A_1016 = vector.broadcast %sub3A_1015 : f32 to vector<16xf32>
      %sub3A_1017 = arith.subf %sub3A_1016, %masked_cumsum3A_1011 : vector<16xf32>
      tpu.vector_store_idx %arg14[%broadcast_in_dim3A_1014], %sub3A_1017 masked %eq3A_2 : memref<512xf32, #tpu.memory_space<vmem>>[vector<16xi32>], vector<16xf32>, vector<16xi1>
    }
    %scan3A_191 = arith.constant 128 : i32
    %dma_wait3A_192 = arith.constant 2 : i32
    %dma_wait3A_193 = arith.constant 0 : i32
    %dma_wait3A_194 = arith.constant 0 : i32
    %dma_wait3A_195 = arith.constant 0 : i32
    %dma_wait3A_196 = tpu.memref_slice %arg11[%dma_wait3A_193, %dma_wait3A_194, %dma_wait3A_195] : memref<2x128x128xf32, #tpu.memory_space<vmem>> -> memref<1x128x128xf32, #tpu.memory_space<vmem>>
    %dma_wait3A_197 = tpu.memref_squeeze %dma_wait3A_196 : memref<1x128x128xf32, #tpu.memory_space<vmem>> -> memref<128x128xf32, #tpu.memory_space<vmem>>
    %dma_wait3A_198 = arith.constant 0 : i32
    %dma_wait3A_199 = tpu.memref_slice %arg8[%dma_wait3A_192, %dma_wait3A_198] : memref<4x128xi32, #tpu.memory_space<vmem>> -> memref<1x128xi32, #tpu.memory_space<vmem>>
    %dma_wait3A_200 = tpu.memref_squeeze %dma_wait3A_199 : memref<1x128xi32, #tpu.memory_space<vmem>> -> memref<128xi32, #tpu.memory_space<vmem>>
    %dma_wait3A_201 = arith.constant 0 : i32
    %dma_wait3A_202 = arith.constant 0 : i32
    %dma_wait3A_203 = tpu.memref_slice %arg5[%dma_wait3A_201, %dma_wait3A_202] : memref<100000x128xf32, #tpu.memory_space<hbm>> -> memref<100000x128xf32, #tpu.memory_space<hbm>>
    tpu.wait_indirect_dma semaphore(%arg15 : memref<!tpu.dma_semaphore, #tpu.memory_space<semaphore_mem>>) src(%dma_wait3A_203 : memref<100000x128xf32, #tpu.memory_space<hbm>>) dst(%dma_wait3A_197 : memref<128x128xf32, #tpu.memory_space<vmem>>)
    %dma_wait3A_204 = arith.constant 2 : i32
    %dma_wait3A_205 = arith.constant 0 : i32
    %dma_wait3A_206 = arith.constant 0 : i32
    %dma_wait3A_207 = arith.constant 0 : i32
    %dma_wait3A_208 = tpu.memref_slice %arg12[%dma_wait3A_205, %dma_wait3A_206, %dma_wait3A_207] : memref<2x128x128xf32, #tpu.memory_space<vmem>> -> memref<1x128x128xf32, #tpu.memory_space<vmem>>
    %dma_wait3A_209 = tpu.memref_squeeze %dma_wait3A_208 : memref<1x128x128xf32, #tpu.memory_space<vmem>> -> memref<128x128xf32, #tpu.memory_space<vmem>>
    %dma_wait3A_210 = arith.constant 0 : i32
    %dma_wait3A_211 = tpu.memref_slice %arg9[%dma_wait3A_204, %dma_wait3A_210] : memref<4x128xi32, #tpu.memory_space<vmem>> -> memref<1x128xi32, #tpu.memory_space<vmem>>
    %dma_wait3A_212 = tpu.memref_squeeze %dma_wait3A_211 : memref<1x128xi32, #tpu.memory_space<vmem>> -> memref<128xi32, #tpu.memory_space<vmem>>
    %dma_wait3A_213 = arith.constant 0 : i32
    %dma_wait3A_214 = arith.constant 0 : i32
    %dma_wait3A_215 = tpu.memref_slice %arg6[%dma_wait3A_213, %dma_wait3A_214] : memref<100000x128xf32, #tpu.memory_space<hbm>> -> memref<100000x128xf32, #tpu.memory_space<hbm>>
    tpu.wait_indirect_dma semaphore(%arg15 : memref<!tpu.dma_semaphore, #tpu.memory_space<semaphore_mem>>) src(%dma_wait3A_215 : memref<100000x128xf32, #tpu.memory_space<hbm>>) dst(%dma_wait3A_209 : memref<128x128xf32, #tpu.memory_space<vmem>>)
    %dma_wait3A_216 = arith.constant 2 : i32
    %dma_wait3A_217 = arith.constant 0 : i32
    %dma_wait3A_218 = arith.constant 0 : i32
    %dma_wait3A_219 = arith.constant 0 : i32
    %dma_wait3A_220 = tpu.memref_slice %arg13[%dma_wait3A_217, %dma_wait3A_218, %dma_wait3A_219] : memref<2x128x128xf32, #tpu.memory_space<vmem>> -> memref<1x128x128xf32, #tpu.memory_space<vmem>>
    %dma_wait3A_221 = tpu.memref_squeeze %dma_wait3A_220 : memref<1x128x128xf32, #tpu.memory_space<vmem>> -> memref<128x128xf32, #tpu.memory_space<vmem>>
    %dma_wait3A_222 = arith.constant 0 : i32
    %dma_wait3A_223 = tpu.memref_slice %arg10[%dma_wait3A_216, %dma_wait3A_222] : memref<4x128xi32, #tpu.memory_space<vmem>> -> memref<1x128xi32, #tpu.memory_space<vmem>>
    %dma_wait3A_224 = tpu.memref_squeeze %dma_wait3A_223 : memref<1x128xi32, #tpu.memory_space<vmem>> -> memref<128xi32, #tpu.memory_space<vmem>>
    %dma_wait3A_225 = arith.constant 0 : i32
    %dma_wait3A_226 = arith.constant 0 : i32
    %dma_wait3A_227 = tpu.memref_slice %arg5[%dma_wait3A_225, %dma_wait3A_226] : memref<100000x128xf32, #tpu.memory_space<hbm>> -> memref<100000x128xf32, #tpu.memory_space<hbm>>
    tpu.wait_indirect_dma semaphore(%arg15 : memref<!tpu.dma_semaphore, #tpu.memory_space<semaphore_mem>>) src(%dma_wait3A_227 : memref<100000x128xf32, #tpu.memory_space<hbm>>) dst(%dma_wait3A_221 : memref<128x128xf32, #tpu.memory_space<vmem>>)
    %dma_start3A_228 = arith.constant 3 : i32
    %dma_start3A_229 = arith.constant 1 : i32
    %dma_start3A_230 = arith.constant 0 : i32
    %dma_start3A_231 = arith.constant 0 : i32
    %dma_start3A_232 = tpu.memref_slice %arg11[%dma_start3A_229, %dma_start3A_230, %dma_start3A_231] : memref<2x128x128xf32, #tpu.memory_space<vmem>> -> memref<1x128x128xf32, #tpu.memory_space<vmem>>
    %dma_start3A_233 = tpu.memref_squeeze %dma_start3A_232 : memref<1x128x128xf32, #tpu.memory_space<vmem>> -> memref<128x128xf32, #tpu.memory_space<vmem>>
    %dma_start3A_234 = arith.constant 0 : i32
    %dma_start3A_235 = tpu.memref_slice %arg8[%dma_start3A_228, %dma_start3A_234] : memref<4x128xi32, #tpu.memory_space<vmem>> -> memref<1x128xi32, #tpu.memory_space<vmem>>
    %dma_start3A_236 = tpu.memref_squeeze %dma_start3A_235 : memref<1x128xi32, #tpu.memory_space<vmem>> -> memref<128xi32, #tpu.memory_space<vmem>>
    %dma_start3A_237 = arith.constant 0 : i32
    %dma_start3A_238 = arith.constant 0 : i32
    %dma_start3A_239 = tpu.memref_slice %arg5[%dma_start3A_237, %dma_start3A_238] : memref<100000x128xf32, #tpu.memory_space<hbm>> -> memref<100000x128xf32, #tpu.memory_space<hbm>>
    tpu.enqueue_indirect_dma source(%dma_start3A_239 : memref<100000x128xf32, #tpu.memory_space<hbm>>) target(%dma_start3A_233 : memref<128x128xf32, #tpu.memory_space<vmem>>) offsets(%dma_start3A_236 : memref<128xi32, #tpu.memory_space<vmem>>) semaphore(%arg15 : memref<!tpu.dma_semaphore, #tpu.memory_space<semaphore_mem>>)
    %dma_start3A_240 = arith.constant 3 : i32
    %dma_start3A_241 = arith.constant 1 : i32
    %dma_start3A_242 = arith.constant 0 : i32
    %dma_start3A_243 = arith.constant 0 : i32
    %dma_start3A_244 = tpu.memref_slice %arg12[%dma_start3A_241, %dma_start3A_242, %dma_start3A_243] : memref<2x128x128xf32, #tpu.memory_space<vmem>> -> memref<1x128x128xf32, #tpu.memory_space<vmem>>
    %dma_start3A_245 = tpu.memref_squeeze %dma_start3A_244 : memref<1x128x128xf32, #tpu.memory_space<vmem>> -> memref<128x128xf32, #tpu.memory_space<vmem>>
    %dma_start3A_246 = arith.constant 0 : i32
    %dma_start3A_247 = tpu.memref_slice %arg9[%dma_start3A_240, %dma_start3A_246] : memref<4x128xi32, #tpu.memory_space<vmem>> -> memref<1x128xi32, #tpu.memory_space<vmem>>
    %dma_start3A_248 = tpu.memref_squeeze %dma_start3A_247 : memref<1x128xi32, #tpu.memory_space<vmem>> -> memref<128xi32, #tpu.memory_space<vmem>>
    %dma_start3A_249 = arith.constant 0 : i32
    %dma_start3A_250 = arith.constant 0 : i32
    %dma_start3A_251 = tpu.memref_slice %arg6[%dma_start3A_249, %dma_start3A_250] : memref<100000x128xf32, #tpu.memory_space<hbm>> -> memref<100000x128xf32, #tpu.memory_space<hbm>>
    tpu.enqueue_indirect_dma source(%dma_start3A_251 : memref<100000x128xf32, #tpu.memory_space<hbm>>) target(%dma_start3A_245 : memref<128x128xf32, #tpu.memory_space<vmem>>) offsets(%dma_start3A_248 : memref<128xi32, #tpu.memory_space<vmem>>) semaphore(%arg15 : memref<!tpu.dma_semaphore, #tpu.memory_space<semaphore_mem>>)
    %dma_start3A_252 = arith.constant 3 : i32
    %dma_start3A_253 = arith.constant 1 : i32
    %dma_start3A_254 = arith.constant 0 : i32
    %dma_start3A_255 = arith.constant 0 : i32
    %dma_start3A_256 = tpu.memref_slice %arg13[%dma_start3A_253, %dma_start3A_254, %dma_start3A_255] : memref<2x128x128xf32, #tpu.memory_space<vmem>> -> memref<1x128x128xf32, #tpu.memory_space<vmem>>
    %dma_start3A_257 = tpu.memref_squeeze %dma_start3A_256 : memref<1x128x128xf32, #tpu.memory_space<vmem>> -> memref<128x128xf32, #tpu.memory_space<vmem>>
    %dma_start3A_258 = arith.constant 0 : i32
    %dma_start3A_259 = tpu.memref_slice %arg10[%dma_start3A_252, %dma_start3A_258] : memref<4x128xi32, #tpu.memory_space<vmem>> -> memref<1x128xi32, #tpu.memory_space<vmem>>
    %dma_start3A_260 = tpu.memref_squeeze %dma_start3A_259 : memref<1x128xi32, #tpu.memory_space<vmem>> -> memref<128xi32, #tpu.memory_space<vmem>>
    %dma_start3A_261 = arith.constant 0 : i32
    %dma_start3A_262 = arith.constant 0 : i32
    %dma_start3A_263 = tpu.memref_slice %arg5[%dma_start3A_261, %dma_start3A_262] : memref<100000x128xf32, #tpu.memory_space<hbm>> -> memref<100000x128xf32, #tpu.memory_space<hbm>>
    tpu.enqueue_indirect_dma source(%dma_start3A_263 : memref<100000x128xf32, #tpu.memory_space<hbm>>) target(%dma_start3A_257 : memref<128x128xf32, #tpu.memory_space<vmem>>) offsets(%dma_start3A_260 : memref<128xi32, #tpu.memory_space<vmem>>) semaphore(%arg15 : memref<!tpu.dma_semaphore, #tpu.memory_space<semaphore_mem>>)
    %scan3A_264 = arith.constant 0 : i32
    %scan3A_265 = arith.constant 0 : i32
    %scan3A_266 = arith.constant 128 : i32
    %scan3A_267 = arith.addi %scan3A_265, %scan3A_266 : i32
    %scan3A_268 = arith.constant 8 : i32
    scf.for %scan3A_312 = %scan3A_265 to %scan3A_267 step %scan3A_268  : i32 {
      %broadcast_in_dim3A = arith.constant 0.000000e+00 : f32
      %broadcast_in_dim3A_313 = vector.broadcast %broadcast_in_dim3A : f32 to vector<16xf32>
      %get3A = arith.constant 0 : i32
      %get3A_314 = arith.index_cast %get3A : i32 to index
      %get3A_315 = arith.index_cast %scan3A_312 : i32 to index
      %get3A_316 = arith.constant 0 : index
      %get3A_317 = tpu.vector_load %arg11[%get3A_314, %get3A_315, %get3A_316] {strides = array<i32>} : memref<2x128x128xf32, #tpu.memory_space<vmem>>, vector<16xf32>,
      %get3A_318 = arith.constant 0 : i32
      %get3A_319 = arith.index_cast %get3A_318 : i32 to index
      %get3A_320 = arith.index_cast %scan3A_312 : i32 to index
      %get3A_321 = arith.constant 0 : index
      %get3A_322 = tpu.vector_load %arg12[%get3A_319, %get3A_320, %get3A_321] {strides = array<i32>} : memref<2x128x128xf32, #tpu.memory_space<vmem>>, vector<16xf32>,
      %add3A_323 = arith.addf %get3A_317, %get3A_322 : vector<16xf32>
      %get3A_324 = arith.constant 0 : i32
      %get3A_325 = arith.index_cast %get3A_324 : i32 to index
      %get3A_326 = arith.index_cast %scan3A_312 : i32 to index
      %get3A_327 = arith.constant 0 : index
      %get3A_328 = tpu.vector_load %arg13[%get3A_325, %get3A_326, %get3A_327] {strides = array<i32>} : memref<2x128x128xf32, #tpu.memory_space<vmem>>, vector<16xf32>,
      %sub3A = arith.subf %add3A_323, %get3A_328 : vector<16xf32>
      %abs3A = math.absf %sub3A : vector<16xf32>
      %add3A_329 = arith.addf %broadcast_in_dim3A_313, %abs3A : vector<16xf32>
      %get3A_330 = arith.constant 0 : i32
      %get3A_331 = arith.index_cast %get3A_330 : i32 to index
      %get3A_332 = arith.index_cast %scan3A_312 : i32 to index
      %get3A_333 = arith.constant 16 : index
      %get3A_334 = tpu.vector_load %arg11[%get3A_331, %get3A_332, %get3A_333] {strides = array<i32>} : memref<2x128x128xf32, #tpu.memory_space<vmem>>, vector<16xf32>,
      %get3A_335 = arith.constant 0 : i32
      %get3A_336 = arith.index_cast %get3A_335 : i32 to index
      %get3A_337 = arith.index_cast %scan3A_312 : i32 to index
      %get3A_338 = arith.constant 16 : index
      %get3A_339 = tpu.vector_load %arg12[%get3A_336, %get3A_337, %get3A_338] {strides = array<i32>} : memref<2x128x128xf32, #tpu.memory_space<vmem>>, vector<16xf32>,
      %add3A_340 = arith.addf %get3A_334, %get3A_339 : vector<16xf32>
      %get3A_341 = arith.constant 0 : i32
      %get3A_342 = arith.index_cast %get3A_341 : i32 to index
      %get3A_343 = arith.index_cast %scan3A_312 : i32 to index
      %get3A_344 = arith.constant 16 : index
      %get3A_345 = tpu.vector_load %arg13[%get3A_342, %get3A_343, %get3A_344] {strides = array<i32>} : memref<2x128x128xf32, #tpu.memory_space<vmem>>, vector<16xf32>,
      %sub3A_346 = arith.subf %add3A_340, %get3A_345 : vector<16xf32>
      %abs3A_347 = math.absf %sub3A_346 : vector<16xf32>
      %add3A_348 = arith.addf %add3A_329, %abs3A_347 : vector<16xf32>
      %get3A_349 = arith.constant 0 : i32
      %get3A_350 = arith.index_cast %get3A_349 : i32 to index
      %get3A_351 = arith.index_cast %scan3A_312 : i32 to index
      %get3A_352 = arith.constant 32 : index
      %get3A_353 = tpu.vector_load %arg11[%get3A_350, %get3A_351, %get3A_352] {strides = array<i32>} : memref<2x128x128xf32, #tpu.memory_space<vmem>>, vector<16xf32>,
      %get3A_354 = arith.constant 0 : i32
      %get3A_355 = arith.index_cast %get3A_354 : i32 to index
      %get3A_356 = arith.index_cast %scan3A_312 : i32 to index
      %get3A_357 = arith.constant 32 : index
      %get3A_358 = tpu.vector_load %arg12[%get3A_355, %get3A_356, %get3A_357] {strides = array<i32>} : memref<2x128x128xf32, #tpu.memory_space<vmem>>, vector<16xf32>,
      %add3A_359 = arith.addf %get3A_353, %get3A_358 : vector<16xf32>
      %get3A_360 = arith.constant 0 : i32
      %get3A_361 = arith.index_cast %get3A_360 : i32 to index
      %get3A_362 = arith.index_cast %scan3A_312 : i32 to index
      %get3A_363 = arith.constant 32 : index
      %get3A_364 = tpu.vector_load %arg13[%get3A_361, %get3A_362, %get3A_363] {strides = array<i32>} : memref<2x128x128xf32, #tpu.memory_space<vmem>>, vector<16xf32>,
      %sub3A_365 = arith.subf %add3A_359, %get3A_364 : vector<16xf32>
      %abs3A_366 = math.absf %sub3A_365 : vector<16xf32>
      %add3A_367 = arith.addf %add3A_348, %abs3A_366 : vector<16xf32>
      %get3A_368 = arith.constant 0 : i32
      %get3A_369 = arith.index_cast %get3A_368 : i32 to index
      %get3A_370 = arith.index_cast %scan3A_312 : i32 to index
      %get3A_371 = arith.constant 48 : index
      %get3A_372 = tpu.vector_load %arg11[%get3A_369, %get3A_370, %get3A_371] {strides = array<i32>} : memref<2x128x128xf32, #tpu.memory_space<vmem>>, vector<16xf32>,
      %get3A_373 = arith.constant 0 : i32
      %get3A_374 = arith.index_cast %get3A_373 : i32 to index
      %get3A_375 = arith.index_cast %scan3A_312 : i32 to index
      %get3A_376 = arith.constant 48 : index
      %get3A_377 = tpu.vector_load %arg12[%get3A_374, %get3A_375, %get3A_376] {strides = array<i32>} : memref<2x128x128xf32, #tpu.memory_space<vmem>>, vector<16xf32>,
      %add3A_378 = arith.addf %get3A_372, %get3A_377 : vector<16xf32>
      %get3A_379 = arith.constant 0 : i32
      %get3A_380 = arith.index_cast %get3A_379 : i32 to index
      %get3A_381 = arith.index_cast %scan3A_312 : i32 to index
      %get3A_382 = arith.constant 48 : index
      %get3A_383 = tpu.vector_load %arg13[%get3A_380, %get3A_381, %get3A_382] {strides = array<i32>} : memref<2x128x128xf32, #tpu.memory_space<vmem>>, vector<16xf32>,
      %sub3A_384 = arith.subf %add3A_378, %get3A_383 : vector<16xf32>
      %abs3A_385 = math.absf %sub3A_384 : vector<16xf32>
      %add3A_386 = arith.addf %add3A_367, %abs3A_385 : vector<16xf32>
      %broadcast_in_dim3A_387 = arith.constant true
      %broadcast_in_dim3A_388 = vector.broadcast %broadcast_in_dim3A_387 : i1 to vector<16xi1>
      %masked_cumsum3A = tpu.scan <sum>, %add3A_386 masked %broadcast_in_dim3A_388 : vector<16xf32>, vector<16xi1> -> vector<16xf32>
      %add3A_389 = arith.constant 256 : i32
      %add3A_390 = arith.addi %add3A_389, %scan3A_312 : i32
      %broadcast_in_dim3A_391 = vector.broadcast %add3A_390 : i32 to vector<16xi32>
      %sub3A_392 = arith.constant 1.200000e+01 : f32
      %sub3A_393 = vector.broadcast %sub3A_392 : f32 to vector<16xf32>
      %sub3A_394 = arith.subf %sub3A_393, %masked_cumsum3A : vector<16xf32>
      tpu.vector_store_idx %arg14[%broadcast_in_dim3A_391], %sub3A_394 masked %eq3A_2 : memref<512xf32, #tpu.memory_space<vmem>>[vector<16xi32>], vector<16xf32>, vector<16xi1>
      %scan3A_395 = arith.constant 1 : i32
      %scan3A_396 = arith.addi %scan3A_312, %scan3A_395 : i32
      %broadcast_in_dim3A_397 = arith.constant 0.000000e+00 : f32
      %broadcast_in_dim3A_398 = vector.broadcast %broadcast_in_dim3A_397 : f32 to vector<16xf32>
      %get3A_399 = arith.constant 0 : i32
      %get3A_400 = arith.index_cast %get3A_399 : i32 to index
      %get3A_401 = arith.index_cast %scan3A_396 : i32 to index
      %get3A_402 = arith.constant 0 : index
      %get3A_403 = tpu.vector_load %arg11[%get3A_400, %get3A_401, %get3A_402] {strides = array<i32>} : memref<2x128x128xf32, #tpu.memory_space<vmem>>, vector<16xf32>,
      %get3A_404 = arith.constant 0 : i32
      %get3A_405 = arith.index_cast %get3A_404 : i32 to index
      %get3A_406 = arith.index_cast %scan3A_396 : i32 to index
      %get3A_407 = arith.constant 0 : index
      %get3A_408 = tpu.vector_load %arg12[%get3A_405, %get3A_406, %get3A_407] {strides = array<i32>} : memref<2x128x128xf32, #tpu.memory_space<vmem>>, vector<16xf32>,
      %add3A_409 = arith.addf %get3A_403, %get3A_408 : vector<16xf32>
      %get3A_410 = arith.constant 0 : i32
      %get3A_411 = arith.index_cast %get3A_410 : i32 to index
      %get3A_412 = arith.index_cast %scan3A_396 : i32 to index
      %get3A_413 = arith.constant 0 : index
      %get3A_414 = tpu.vector_load %arg13[%get3A_411, %get3A_412, %get3A_413] {strides = array<i32>} : memref<2x128x128xf32, #tpu.memory_space<vmem>>, vector<16xf32>,
      %sub3A_415 = arith.subf %add3A_409, %get3A_414 : vector<16xf32>
      %abs3A_416 = math.absf %sub3A_415 : vector<16xf32>
      %add3A_417 = arith.addf %broadcast_in_dim3A_398, %abs3A_416 : vector<16xf32>
      %get3A_418 = arith.constant 0 : i32
      %get3A_419 = arith.index_cast %get3A_418 : i32 to index
      %get3A_420 = arith.index_cast %scan3A_396 : i32 to index
      %get3A_421 = arith.constant 16 : index
      %get3A_422 = tpu.vector_load %arg11[%get3A_419, %get3A_420, %get3A_421] {strides = array<i32>} : memref<2x128x128xf32, #tpu.memory_space<vmem>>, vector<16xf32>,
      %get3A_423 = arith.constant 0 : i32
      %get3A_424 = arith.index_cast %get3A_423 : i32 to index
      %get3A_425 = arith.index_cast %scan3A_396 : i32 to index
      %get3A_426 = arith.constant 16 : index
      %get3A_427 = tpu.vector_load %arg12[%get3A_424, %get3A_425, %get3A_426] {strides = array<i32>} : memref<2x128x128xf32, #tpu.memory_space<vmem>>, vector<16xf32>,
      %add3A_428 = arith.addf %get3A_422, %get3A_427 : vector<16xf32>
      %get3A_429 = arith.constant 0 : i32
      %get3A_430 = arith.index_cast %get3A_429 : i32 to index
      %get3A_431 = arith.index_cast %scan3A_396 : i32 to index
      %get3A_432 = arith.constant 16 : index
      %get3A_433 = tpu.vector_load %arg13[%get3A_430, %get3A_431, %get3A_432] {strides = array<i32>} : memref<2x128x128xf32, #tpu.memory_space<vmem>>, vector<16xf32>,
      %sub3A_434 = arith.subf %add3A_428, %get3A_433 : vector<16xf32>
      %abs3A_435 = math.absf %sub3A_434 : vector<16xf32>
      %add3A_436 = arith.addf %add3A_417, %abs3A_435 : vector<16xf32>
      %get3A_437 = arith.constant 0 : i32
      %get3A_438 = arith.index_cast %get3A_437 : i32 to index
      %get3A_439 = arith.index_cast %scan3A_396 : i32 to index
      %get3A_440 = arith.constant 32 : index
      %get3A_441 = tpu.vector_load %arg11[%get3A_438, %get3A_439, %get3A_440] {strides = array<i32>} : memref<2x128x128xf32, #tpu.memory_space<vmem>>, vector<16xf32>,
      %get3A_442 = arith.constant 0 : i32
      %get3A_443 = arith.index_cast %get3A_442 : i32 to index
      %get3A_444 = arith.index_cast %scan3A_396 : i32 to index
      %get3A_445 = arith.constant 32 : index
      %get3A_446 = tpu.vector_load %arg12[%get3A_443, %get3A_444, %get3A_445] {strides = array<i32>} : memref<2x128x128xf32, #tpu.memory_space<vmem>>, vector<16xf32>,
      %add3A_447 = arith.addf %get3A_441, %get3A_446 : vector<16xf32>
      %get3A_448 = arith.constant 0 : i32
      %get3A_449 = arith.index_cast %get3A_448 : i32 to index
      %get3A_450 = arith.index_cast %scan3A_396 : i32 to index
      %get3A_451 = arith.constant 32 : index
      %get3A_452 = tpu.vector_load %arg13[%get3A_449, %get3A_450, %get3A_451] {strides = array<i32>} : memref<2x128x128xf32, #tpu.memory_space<vmem>>, vector<16xf32>,
      %sub3A_453 = arith.subf %add3A_447, %get3A_452 : vector<16xf32>
      %abs3A_454 = math.absf %sub3A_453 : vector<16xf32>
      %add3A_455 = arith.addf %add3A_436, %abs3A_454 : vector<16xf32>
      %get3A_456 = arith.constant 0 : i32
      %get3A_457 = arith.index_cast %get3A_456 : i32 to index
      %get3A_458 = arith.index_cast %scan3A_396 : i32 to index
      %get3A_459 = arith.constant 48 : index
      %get3A_460 = tpu.vector_load %arg11[%get3A_457, %get3A_458, %get3A_459] {strides = array<i32>} : memref<2x128x128xf32, #tpu.memory_space<vmem>>, vector<16xf32>,
      %get3A_461 = arith.constant 0 : i32
      %get3A_462 = arith.index_cast %get3A_461 : i32 to index
      %get3A_463 = arith.index_cast %scan3A_396 : i32 to index
      %get3A_464 = arith.constant 48 : index
      %get3A_465 = tpu.vector_load %arg12[%get3A_462, %get3A_463, %get3A_464] {strides = array<i32>} : memref<2x128x128xf32, #tpu.memory_space<vmem>>, vector<16xf32>,
      %add3A_466 = arith.addf %get3A_460, %get3A_465 : vector<16xf32>
      %get3A_467 = arith.constant 0 : i32
      %get3A_468 = arith.index_cast %get3A_467 : i32 to index
      %get3A_469 = arith.index_cast %scan3A_396 : i32 to index
      %get3A_470 = arith.constant 48 : index
      %get3A_471 = tpu.vector_load %arg13[%get3A_468, %get3A_469, %get3A_470] {strides = array<i32>} : memref<2x128x128xf32, #tpu.memory_space<vmem>>, vector<16xf32>,
      %sub3A_472 = arith.subf %add3A_466, %get3A_471 : vector<16xf32>
      %abs3A_473 = math.absf %sub3A_472 : vector<16xf32>
      %add3A_474 = arith.addf %add3A_455, %abs3A_473 : vector<16xf32>
      %broadcast_in_dim3A_475 = arith.constant true
      %broadcast_in_dim3A_476 = vector.broadcast %broadcast_in_dim3A_475 : i1 to vector<16xi1>
      %masked_cumsum3A_477 = tpu.scan <sum>, %add3A_474 masked %broadcast_in_dim3A_476 : vector<16xf32>, vector<16xi1> -> vector<16xf32>
      %add3A_478 = arith.constant 256 : i32
      %add3A_479 = arith.addi %add3A_478, %scan3A_396 : i32
      %broadcast_in_dim3A_480 = vector.broadcast %add3A_479 : i32 to vector<16xi32>
      %sub3A_481 = arith.constant 1.200000e+01 : f32
      %sub3A_482 = vector.broadcast %sub3A_481 : f32 to vector<16xf32>
      %sub3A_483 = arith.subf %sub3A_482, %masked_cumsum3A_477 : vector<16xf32>
      tpu.vector_store_idx %arg14[%broadcast_in_dim3A_480], %sub3A_483 masked %eq3A_2 : memref<512xf32, #tpu.memory_space<vmem>>[vector<16xi32>], vector<16xf32>, vector<16xi1>
      %scan3A_484 = arith.constant 2 : i32
      %scan3A_485 = arith.addi %scan3A_312, %scan3A_484 : i32
      %broadcast_in_dim3A_486 = arith.constant 0.000000e+00 : f32
      %broadcast_in_dim3A_487 = vector.broadcast %broadcast_in_dim3A_486 : f32 to vector<16xf32>
      %get3A_488 = arith.constant 0 : i32
      %get3A_489 = arith.index_cast %get3A_488 : i32 to index
      %get3A_490 = arith.index_cast %scan3A_485 : i32 to index
      %get3A_491 = arith.constant 0 : index
      %get3A_492 = tpu.vector_load %arg11[%get3A_489, %get3A_490, %get3A_491] {strides = array<i32>} : memref<2x128x128xf32, #tpu.memory_space<vmem>>, vector<16xf32>,
      %get3A_493 = arith.constant 0 : i32
      %get3A_494 = arith.index_cast %get3A_493 : i32 to index
      %get3A_495 = arith.index_cast %scan3A_485 : i32 to index
      %get3A_496 = arith.constant 0 : index
      %get3A_497 = tpu.vector_load %arg12[%get3A_494, %get3A_495, %get3A_496] {strides = array<i32>} : memref<2x128x128xf32, #tpu.memory_space<vmem>>, vector<16xf32>,
      %add3A_498 = arith.addf %get3A_492, %get3A_497 : vector<16xf32>
      %get3A_499 = arith.constant 0 : i32
      %get3A_500 = arith.index_cast %get3A_499 : i32 to index
      %get3A_501 = arith.index_cast %scan3A_485 : i32 to index
      %get3A_502 = arith.constant 0 : index
      %get3A_503 = tpu.vector_load %arg13[%get3A_500, %get3A_501, %get3A_502] {strides = array<i32>} : memref<2x128x128xf32, #tpu.memory_space<vmem>>, vector<16xf32>,
      %sub3A_504 = arith.subf %add3A_498, %get3A_503 : vector<16xf32>
      %abs3A_505 = math.absf %sub3A_504 : vector<16xf32>
      %add3A_506 = arith.addf %broadcast_in_dim3A_487, %abs3A_505 : vector<16xf32>
      %get3A_507 = arith.constant 0 : i32
      %get3A_508 = arith.index_cast %get3A_507 : i32 to index
      %get3A_509 = arith.index_cast %scan3A_485 : i32 to index
      %get3A_510 = arith.constant 16 : index
      %get3A_511 = tpu.vector_load %arg11[%get3A_508, %get3A_509, %get3A_510] {strides = array<i32>} : memref<2x128x128xf32, #tpu.memory_space<vmem>>, vector<16xf32>,
      %get3A_512 = arith.constant 0 : i32
      %get3A_513 = arith.index_cast %get3A_512 : i32 to index
      %get3A_514 = arith.index_cast %scan3A_485 : i32 to index
      %get3A_515 = arith.constant 16 : index
      %get3A_516 = tpu.vector_load %arg12[%get3A_513, %get3A_514, %get3A_515] {strides = array<i32>} : memref<2x128x128xf32, #tpu.memory_space<vmem>>, vector<16xf32>,
      %add3A_517 = arith.addf %get3A_511, %get3A_516 : vector<16xf32>
      %get3A_518 = arith.constant 0 : i32
      %get3A_519 = arith.index_cast %get3A_518 : i32 to index
      %get3A_520 = arith.index_cast %scan3A_485 : i32 to index
      %get3A_521 = arith.constant 16 : index
      %get3A_522 = tpu.vector_load %arg13[%get3A_519, %get3A_520, %get3A_521] {strides = array<i32>} : memref<2x128x128xf32, #tpu.memory_space<vmem>>, vector<16xf32>,
      %sub3A_523 = arith.subf %add3A_517, %get3A_522 : vector<16xf32>
      %abs3A_524 = math.absf %sub3A_523 : vector<16xf32>
      %add3A_525 = arith.addf %add3A_506, %abs3A_524 : vector<16xf32>
      %get3A_526 = arith.constant 0 : i32
      %get3A_527 = arith.index_cast %get3A_526 : i32 to index
      %get3A_528 = arith.index_cast %scan3A_485 : i32 to index
      %get3A_529 = arith.constant 32 : index
      %get3A_530 = tpu.vector_load %arg11[%get3A_527, %get3A_528, %get3A_529] {strides = array<i32>} : memref<2x128x128xf32, #tpu.memory_space<vmem>>, vector<16xf32>,
      %get3A_531 = arith.constant 0 : i32
      %get3A_532 = arith.index_cast %get3A_531 : i32 to index
      %get3A_533 = arith.index_cast %scan3A_485 : i32 to index
      %get3A_534 = arith.constant 32 : index
      %get3A_535 = tpu.vector_load %arg12[%get3A_532, %get3A_533, %get3A_534] {strides = array<i32>} : memref<2x128x128xf32, #tpu.memory_space<vmem>>, vector<16xf32>,
      %add3A_536 = arith.addf %get3A_530, %get3A_535 : vector<16xf32>
      %get3A_537 = arith.constant 0 : i32
      %get3A_538 = arith.index_cast %get3A_537 : i32 to index
      %get3A_539 = arith.index_cast %scan3A_485 : i32 to index
      %get3A_540 = arith.constant 32 : index
      %get3A_541 = tpu.vector_load %arg13[%get3A_538, %get3A_539, %get3A_540] {strides = array<i32>} : memref<2x128x128xf32, #tpu.memory_space<vmem>>, vector<16xf32>,
      %sub3A_542 = arith.subf %add3A_536, %get3A_541 : vector<16xf32>
      %abs3A_543 = math.absf %sub3A_542 : vector<16xf32>
      %add3A_544 = arith.addf %add3A_525, %abs3A_543 : vector<16xf32>
      %get3A_545 = arith.constant 0 : i32
      %get3A_546 = arith.index_cast %get3A_545 : i32 to index
      %get3A_547 = arith.index_cast %scan3A_485 : i32 to index
      %get3A_548 = arith.constant 48 : index
      %get3A_549 = tpu.vector_load %arg11[%get3A_546, %get3A_547, %get3A_548] {strides = array<i32>} : memref<2x128x128xf32, #tpu.memory_space<vmem>>, vector<16xf32>,
      %get3A_550 = arith.constant 0 : i32
      %get3A_551 = arith.index_cast %get3A_550 : i32 to index
      %get3A_552 = arith.index_cast %scan3A_485 : i32 to index
      %get3A_553 = arith.constant 48 : index
      %get3A_554 = tpu.vector_load %arg12[%get3A_551, %get3A_552, %get3A_553] {strides = array<i32>} : memref<2x128x128xf32, #tpu.memory_space<vmem>>, vector<16xf32>,
      %add3A_555 = arith.addf %get3A_549, %get3A_554 : vector<16xf32>
      %get3A_556 = arith.constant 0 : i32
      %get3A_557 = arith.index_cast %get3A_556 : i32 to index
      %get3A_558 = arith.index_cast %scan3A_485 : i32 to index
      %get3A_559 = arith.constant 48 : index
      %get3A_560 = tpu.vector_load %arg13[%get3A_557, %get3A_558, %get3A_559] {strides = array<i32>} : memref<2x128x128xf32, #tpu.memory_space<vmem>>, vector<16xf32>,
      %sub3A_561 = arith.subf %add3A_555, %get3A_560 : vector<16xf32>
      %abs3A_562 = math.absf %sub3A_561 : vector<16xf32>
      %add3A_563 = arith.addf %add3A_544, %abs3A_562 : vector<16xf32>
      %broadcast_in_dim3A_564 = arith.constant true
      %broadcast_in_dim3A_565 = vector.broadcast %broadcast_in_dim3A_564 : i1 to vector<16xi1>
      %masked_cumsum3A_566 = tpu.scan <sum>, %add3A_563 masked %broadcast_in_dim3A_565 : vector<16xf32>, vector<16xi1> -> vector<16xf32>
      %add3A_567 = arith.constant 256 : i32
      %add3A_568 = arith.addi %add3A_567, %scan3A_485 : i32
      %broadcast_in_dim3A_569 = vector.broadcast %add3A_568 : i32 to vector<16xi32>
      %sub3A_570 = arith.constant 1.200000e+01 : f32
      %sub3A_571 = vector.broadcast %sub3A_570 : f32 to vector<16xf32>
      %sub3A_572 = arith.subf %sub3A_571, %masked_cumsum3A_566 : vector<16xf32>
      tpu.vector_store_idx %arg14[%broadcast_in_dim3A_569], %sub3A_572 masked %eq3A_2 : memref<512xf32, #tpu.memory_space<vmem>>[vector<16xi32>], vector<16xf32>, vector<16xi1>
      %scan3A_573 = arith.constant 3 : i32
      %scan3A_574 = arith.addi %scan3A_312, %scan3A_573 : i32
      %broadcast_in_dim3A_575 = arith.constant 0.000000e+00 : f32
      %broadcast_in_dim3A_576 = vector.broadcast %broadcast_in_dim3A_575 : f32 to vector<16xf32>
      %get3A_577 = arith.constant 0 : i32
      %get3A_578 = arith.index_cast %get3A_577 : i32 to index
      %get3A_579 = arith.index_cast %scan3A_574 : i32 to index
      %get3A_580 = arith.constant 0 : index
      %get3A_581 = tpu.vector_load %arg11[%get3A_578, %get3A_579, %get3A_580] {strides = array<i32>} : memref<2x128x128xf32, #tpu.memory_space<vmem>>, vector<16xf32>,
      %get3A_582 = arith.constant 0 : i32
      %get3A_583 = arith.index_cast %get3A_582 : i32 to index
      %get3A_584 = arith.index_cast %scan3A_574 : i32 to index
      %get3A_585 = arith.constant 0 : index
      %get3A_586 = tpu.vector_load %arg12[%get3A_583, %get3A_584, %get3A_585] {strides = array<i32>} : memref<2x128x128xf32, #tpu.memory_space<vmem>>, vector<16xf32>,
      %add3A_587 = arith.addf %get3A_581, %get3A_586 : vector<16xf32>
      %get3A_588 = arith.constant 0 : i32
      %get3A_589 = arith.index_cast %get3A_588 : i32 to index
      %get3A_590 = arith.index_cast %scan3A_574 : i32 to index
      %get3A_591 = arith.constant 0 : index
      %get3A_592 = tpu.vector_load %arg13[%get3A_589, %get3A_590, %get3A_591] {strides = array<i32>} : memref<2x128x128xf32, #tpu.memory_space<vmem>>, vector<16xf32>,
      %sub3A_593 = arith.subf %add3A_587, %get3A_592 : vector<16xf32>
      %abs3A_594 = math.absf %sub3A_593 : vector<16xf32>
      %add3A_595 = arith.addf %broadcast_in_dim3A_576, %abs3A_594 : vector<16xf32>
      %get3A_596 = arith.constant 0 : i32
      %get3A_597 = arith.index_cast %get3A_596 : i32 to index
      %get3A_598 = arith.index_cast %scan3A_574 : i32 to index
      %get3A_599 = arith.constant 16 : index
      %get3A_600 = tpu.vector_load %arg11[%get3A_597, %get3A_598, %get3A_599] {strides = array<i32>} : memref<2x128x128xf32, #tpu.memory_space<vmem>>, vector<16xf32>,
      %get3A_601 = arith.constant 0 : i32
      %get3A_602 = arith.index_cast %get3A_601 : i32 to index
      %get3A_603 = arith.index_cast %scan3A_574 : i32 to index
      %get3A_604 = arith.constant 16 : index
      %get3A_605 = tpu.vector_load %arg12[%get3A_602, %get3A_603, %get3A_604] {strides = array<i32>} : memref<2x128x128xf32, #tpu.memory_space<vmem>>, vector<16xf32>,
      %add3A_606 = arith.addf %get3A_600, %get3A_605 : vector<16xf32>
      %get3A_607 = arith.constant 0 : i32
      %get3A_608 = arith.index_cast %get3A_607 : i32 to index
      %get3A_609 = arith.index_cast %scan3A_574 : i32 to index
      %get3A_610 = arith.constant 16 : index
      %get3A_611 = tpu.vector_load %arg13[%get3A_608, %get3A_609, %get3A_610] {strides = array<i32>} : memref<2x128x128xf32, #tpu.memory_space<vmem>>, vector<16xf32>,
      %sub3A_612 = arith.subf %add3A_606, %get3A_611 : vector<16xf32>
      %abs3A_613 = math.absf %sub3A_612 : vector<16xf32>
      %add3A_614 = arith.addf %add3A_595, %abs3A_613 : vector<16xf32>
      %get3A_615 = arith.constant 0 : i32
      %get3A_616 = arith.index_cast %get3A_615 : i32 to index
      %get3A_617 = arith.index_cast %scan3A_574 : i32 to index
      %get3A_618 = arith.constant 32 : index
      %get3A_619 = tpu.vector_load %arg11[%get3A_616, %get3A_617, %get3A_618] {strides = array<i32>} : memref<2x128x128xf32, #tpu.memory_space<vmem>>, vector<16xf32>,
      %get3A_620 = arith.constant 0 : i32
      %get3A_621 = arith.index_cast %get3A_620 : i32 to index
      %get3A_622 = arith.index_cast %scan3A_574 : i32 to index
      %get3A_623 = arith.constant 32 : index
      %get3A_624 = tpu.vector_load %arg12[%get3A_621, %get3A_622, %get3A_623] {strides = array<i32>} : memref<2x128x128xf32, #tpu.memory_space<vmem>>, vector<16xf32>,
      %add3A_625 = arith.addf %get3A_619, %get3A_624 : vector<16xf32>
      %get3A_626 = arith.constant 0 : i32
      %get3A_627 = arith.index_cast %get3A_626 : i32 to index
      %get3A_628 = arith.index_cast %scan3A_574 : i32 to index
      %get3A_629 = arith.constant 32 : index
      %get3A_630 = tpu.vector_load %arg13[%get3A_627, %get3A_628, %get3A_629] {strides = array<i32>} : memref<2x128x128xf32, #tpu.memory_space<vmem>>, vector<16xf32>,
      %sub3A_631 = arith.subf %add3A_625, %get3A_630 : vector<16xf32>
      %abs3A_632 = math.absf %sub3A_631 : vector<16xf32>
      %add3A_633 = arith.addf %add3A_614, %abs3A_632 : vector<16xf32>
      %get3A_634 = arith.constant 0 : i32
      %get3A_635 = arith.index_cast %get3A_634 : i32 to index
      %get3A_636 = arith.index_cast %scan3A_574 : i32 to index
      %get3A_637 = arith.constant 48 : index
      %get3A_638 = tpu.vector_load %arg11[%get3A_635, %get3A_636, %get3A_637] {strides = array<i32>} : memref<2x128x128xf32, #tpu.memory_space<vmem>>, vector<16xf32>,
      %get3A_639 = arith.constant 0 : i32
      %get3A_640 = arith.index_cast %get3A_639 : i32 to index
      %get3A_641 = arith.index_cast %scan3A_574 : i32 to index
      %get3A_642 = arith.constant 48 : index
      %get3A_643 = tpu.vector_load %arg12[%get3A_640, %get3A_641, %get3A_642] {strides = array<i32>} : memref<2x128x128xf32, #tpu.memory_space<vmem>>, vector<16xf32>,
      %add3A_644 = arith.addf %get3A_638, %get3A_643 : vector<16xf32>
      %get3A_645 = arith.constant 0 : i32
      %get3A_646 = arith.index_cast %get3A_645 : i32 to index
      %get3A_647 = arith.index_cast %scan3A_574 : i32 to index
      %get3A_648 = arith.constant 48 : index
      %get3A_649 = tpu.vector_load %arg13[%get3A_646, %get3A_647, %get3A_648] {strides = array<i32>} : memref<2x128x128xf32, #tpu.memory_space<vmem>>, vector<16xf32>,
      %sub3A_650 = arith.subf %add3A_644, %get3A_649 : vector<16xf32>
      %abs3A_651 = math.absf %sub3A_650 : vector<16xf32>
      %add3A_652 = arith.addf %add3A_633, %abs3A_651 : vector<16xf32>
      %broadcast_in_dim3A_653 = arith.constant true
      %broadcast_in_dim3A_654 = vector.broadcast %broadcast_in_dim3A_653 : i1 to vector<16xi1>
      %masked_cumsum3A_655 = tpu.scan <sum>, %add3A_652 masked %broadcast_in_dim3A_654 : vector<16xf32>, vector<16xi1> -> vector<16xf32>
      %add3A_656 = arith.constant 256 : i32
      %add3A_657 = arith.addi %add3A_656, %scan3A_574 : i32
      %broadcast_in_dim3A_658 = vector.broadcast %add3A_657 : i32 to vector<16xi32>
      %sub3A_659 = arith.constant 1.200000e+01 : f32
      %sub3A_660 = vector.broadcast %sub3A_659 : f32 to vector<16xf32>
      %sub3A_661 = arith.subf %sub3A_660, %masked_cumsum3A_655 : vector<16xf32>
      tpu.vector_store_idx %arg14[%broadcast_in_dim3A_658], %sub3A_661 masked %eq3A_2 : memref<512xf32, #tpu.memory_space<vmem>>[vector<16xi32>], vector<16xf32>, vector<16xi1>
      %scan3A_662 = arith.constant 4 : i32
      %scan3A_663 = arith.addi %scan3A_312, %scan3A_662 : i32
      %broadcast_in_dim3A_664 = arith.constant 0.000000e+00 : f32
      %broadcast_in_dim3A_665 = vector.broadcast %broadcast_in_dim3A_664 : f32 to vector<16xf32>
      %get3A_666 = arith.constant 0 : i32
      %get3A_667 = arith.index_cast %get3A_666 : i32 to index
      %get3A_668 = arith.index_cast %scan3A_663 : i32 to index
      %get3A_669 = arith.constant 0 : index
      %get3A_670 = tpu.vector_load %arg11[%get3A_667, %get3A_668, %get3A_669] {strides = array<i32>} : memref<2x128x128xf32, #tpu.memory_space<vmem>>, vector<16xf32>,
      %get3A_671 = arith.constant 0 : i32
      %get3A_672 = arith.index_cast %get3A_671 : i32 to index
      %get3A_673 = arith.index_cast %scan3A_663 : i32 to index
      %get3A_674 = arith.constant 0 : index
      %get3A_675 = tpu.vector_load %arg12[%get3A_672, %get3A_673, %get3A_674] {strides = array<i32>} : memref<2x128x128xf32, #tpu.memory_space<vmem>>, vector<16xf32>,
      %add3A_676 = arith.addf %get3A_670, %get3A_675 : vector<16xf32>
      %get3A_677 = arith.constant 0 : i32
      %get3A_678 = arith.index_cast %get3A_677 : i32 to index
      %get3A_679 = arith.index_cast %scan3A_663 : i32 to index
      %get3A_680 = arith.constant 0 : index
      %get3A_681 = tpu.vector_load %arg13[%get3A_678, %get3A_679, %get3A_680] {strides = array<i32>} : memref<2x128x128xf32, #tpu.memory_space<vmem>>, vector<16xf32>,
      %sub3A_682 = arith.subf %add3A_676, %get3A_681 : vector<16xf32>
      %abs3A_683 = math.absf %sub3A_682 : vector<16xf32>
      %add3A_684 = arith.addf %broadcast_in_dim3A_665, %abs3A_683 : vector<16xf32>
      %get3A_685 = arith.constant 0 : i32
      %get3A_686 = arith.index_cast %get3A_685 : i32 to index
      %get3A_687 = arith.index_cast %scan3A_663 : i32 to index
      %get3A_688 = arith.constant 16 : index
      %get3A_689 = tpu.vector_load %arg11[%get3A_686, %get3A_687, %get3A_688] {strides = array<i32>} : memref<2x128x128xf32, #tpu.memory_space<vmem>>, vector<16xf32>,
      %get3A_690 = arith.constant 0 : i32
      %get3A_691 = arith.index_cast %get3A_690 : i32 to index
      %get3A_692 = arith.index_cast %scan3A_663 : i32 to index
      %get3A_693 = arith.constant 16 : index
      %get3A_694 = tpu.vector_load %arg12[%get3A_691, %get3A_692, %get3A_693] {strides = array<i32>} : memref<2x128x128xf32, #tpu.memory_space<vmem>>, vector<16xf32>,
      %add3A_695 = arith.addf %get3A_689, %get3A_694 : vector<16xf32>
      %get3A_696 = arith.constant 0 : i32
      %get3A_697 = arith.index_cast %get3A_696 : i32 to index
      %get3A_698 = arith.index_cast %scan3A_663 : i32 to index
      %get3A_699 = arith.constant 16 : index
      %get3A_700 = tpu.vector_load %arg13[%get3A_697, %get3A_698, %get3A_699] {strides = array<i32>} : memref<2x128x128xf32, #tpu.memory_space<vmem>>, vector<16xf32>,
      %sub3A_701 = arith.subf %add3A_695, %get3A_700 : vector<16xf32>
      %abs3A_702 = math.absf %sub3A_701 : vector<16xf32>
      %add3A_703 = arith.addf %add3A_684, %abs3A_702 : vector<16xf32>
      %get3A_704 = arith.constant 0 : i32
      %get3A_705 = arith.index_cast %get3A_704 : i32 to index
      %get3A_706 = arith.index_cast %scan3A_663 : i32 to index
      %get3A_707 = arith.constant 32 : index
      %get3A_708 = tpu.vector_load %arg11[%get3A_705, %get3A_706, %get3A_707] {strides = array<i32>} : memref<2x128x128xf32, #tpu.memory_space<vmem>>, vector<16xf32>,
      %get3A_709 = arith.constant 0 : i32
      %get3A_710 = arith.index_cast %get3A_709 : i32 to index
      %get3A_711 = arith.index_cast %scan3A_663 : i32 to index
      %get3A_712 = arith.constant 32 : index
      %get3A_713 = tpu.vector_load %arg12[%get3A_710, %get3A_711, %get3A_712] {strides = array<i32>} : memref<2x128x128xf32, #tpu.memory_space<vmem>>, vector<16xf32>,
      %add3A_714 = arith.addf %get3A_708, %get3A_713 : vector<16xf32>
      %get3A_715 = arith.constant 0 : i32
      %get3A_716 = arith.index_cast %get3A_715 : i32 to index
      %get3A_717 = arith.index_cast %scan3A_663 : i32 to index
      %get3A_718 = arith.constant 32 : index
      %get3A_719 = tpu.vector_load %arg13[%get3A_716, %get3A_717, %get3A_718] {strides = array<i32>} : memref<2x128x128xf32, #tpu.memory_space<vmem>>, vector<16xf32>,
      %sub3A_720 = arith.subf %add3A_714, %get3A_719 : vector<16xf32>
      %abs3A_721 = math.absf %sub3A_720 : vector<16xf32>
      %add3A_722 = arith.addf %add3A_703, %abs3A_721 : vector<16xf32>
      %get3A_723 = arith.constant 0 : i32
      %get3A_724 = arith.index_cast %get3A_723 : i32 to index
      %get3A_725 = arith.index_cast %scan3A_663 : i32 to index
      %get3A_726 = arith.constant 48 : index
      %get3A_727 = tpu.vector_load %arg11[%get3A_724, %get3A_725, %get3A_726] {strides = array<i32>} : memref<2x128x128xf32, #tpu.memory_space<vmem>>, vector<16xf32>,
      %get3A_728 = arith.constant 0 : i32
      %get3A_729 = arith.index_cast %get3A_728 : i32 to index
      %get3A_730 = arith.index_cast %scan3A_663 : i32 to index
      %get3A_731 = arith.constant 48 : index
      %get3A_732 = tpu.vector_load %arg12[%get3A_729, %get3A_730, %get3A_731] {strides = array<i32>} : memref<2x128x128xf32, #tpu.memory_space<vmem>>, vector<16xf32>,
      %add3A_733 = arith.addf %get3A_727, %get3A_732 : vector<16xf32>
      %get3A_734 = arith.constant 0 : i32
      %get3A_735 = arith.index_cast %get3A_734 : i32 to index
      %get3A_736 = arith.index_cast %scan3A_663 : i32 to index
      %get3A_737 = arith.constant 48 : index
      %get3A_738 = tpu.vector_load %arg13[%get3A_735, %get3A_736, %get3A_737] {strides = array<i32>} : memref<2x128x128xf32, #tpu.memory_space<vmem>>, vector<16xf32>,
      %sub3A_739 = arith.subf %add3A_733, %get3A_738 : vector<16xf32>
      %abs3A_740 = math.absf %sub3A_739 : vector<16xf32>
      %add3A_741 = arith.addf %add3A_722, %abs3A_740 : vector<16xf32>
      %broadcast_in_dim3A_742 = arith.constant true
      %broadcast_in_dim3A_743 = vector.broadcast %broadcast_in_dim3A_742 : i1 to vector<16xi1>
      %masked_cumsum3A_744 = tpu.scan <sum>, %add3A_741 masked %broadcast_in_dim3A_743 : vector<16xf32>, vector<16xi1> -> vector<16xf32>
      %add3A_745 = arith.constant 256 : i32
      %add3A_746 = arith.addi %add3A_745, %scan3A_663 : i32
      %broadcast_in_dim3A_747 = vector.broadcast %add3A_746 : i32 to vector<16xi32>
      %sub3A_748 = arith.constant 1.200000e+01 : f32
      %sub3A_749 = vector.broadcast %sub3A_748 : f32 to vector<16xf32>
      %sub3A_750 = arith.subf %sub3A_749, %masked_cumsum3A_744 : vector<16xf32>
      tpu.vector_store_idx %arg14[%broadcast_in_dim3A_747], %sub3A_750 masked %eq3A_2 : memref<512xf32, #tpu.memory_space<vmem>>[vector<16xi32>], vector<16xf32>, vector<16xi1>
      %scan3A_751 = arith.constant 5 : i32
      %scan3A_752 = arith.addi %scan3A_312, %scan3A_751 : i32
      %broadcast_in_dim3A_753 = arith.constant 0.000000e+00 : f32
      %broadcast_in_dim3A_754 = vector.broadcast %broadcast_in_dim3A_753 : f32 to vector<16xf32>
      %get3A_755 = arith.constant 0 : i32
      %get3A_756 = arith.index_cast %get3A_755 : i32 to index
      %get3A_757 = arith.index_cast %scan3A_752 : i32 to index
      %get3A_758 = arith.constant 0 : index
      %get3A_759 = tpu.vector_load %arg11[%get3A_756, %get3A_757, %get3A_758] {strides = array<i32>} : memref<2x128x128xf32, #tpu.memory_space<vmem>>, vector<16xf32>,
      %get3A_760 = arith.constant 0 : i32
      %get3A_761 = arith.index_cast %get3A_760 : i32 to index
      %get3A_762 = arith.index_cast %scan3A_752 : i32 to index
      %get3A_763 = arith.constant 0 : index
      %get3A_764 = tpu.vector_load %arg12[%get3A_761, %get3A_762, %get3A_763] {strides = array<i32>} : memref<2x128x128xf32, #tpu.memory_space<vmem>>, vector<16xf32>,
      %add3A_765 = arith.addf %get3A_759, %get3A_764 : vector<16xf32>
      %get3A_766 = arith.constant 0 : i32
      %get3A_767 = arith.index_cast %get3A_766 : i32 to index
      %get3A_768 = arith.index_cast %scan3A_752 : i32 to index
      %get3A_769 = arith.constant 0 : index
      %get3A_770 = tpu.vector_load %arg13[%get3A_767, %get3A_768, %get3A_769] {strides = array<i32>} : memref<2x128x128xf32, #tpu.memory_space<vmem>>, vector<16xf32>,
      %sub3A_771 = arith.subf %add3A_765, %get3A_770 : vector<16xf32>
      %abs3A_772 = math.absf %sub3A_771 : vector<16xf32>
      %add3A_773 = arith.addf %broadcast_in_dim3A_754, %abs3A_772 : vector<16xf32>
      %get3A_774 = arith.constant 0 : i32
      %get3A_775 = arith.index_cast %get3A_774 : i32 to index
      %get3A_776 = arith.index_cast %scan3A_752 : i32 to index
      %get3A_777 = arith.constant 16 : index
      %get3A_778 = tpu.vector_load %arg11[%get3A_775, %get3A_776, %get3A_777] {strides = array<i32>} : memref<2x128x128xf32, #tpu.memory_space<vmem>>, vector<16xf32>,
      %get3A_779 = arith.constant 0 : i32
      %get3A_780 = arith.index_cast %get3A_779 : i32 to index
      %get3A_781 = arith.index_cast %scan3A_752 : i32 to index
      %get3A_782 = arith.constant 16 : index
      %get3A_783 = tpu.vector_load %arg12[%get3A_780, %get3A_781, %get3A_782] {strides = array<i32>} : memref<2x128x128xf32, #tpu.memory_space<vmem>>, vector<16xf32>,
      %add3A_784 = arith.addf %get3A_778, %get3A_783 : vector<16xf32>
      %get3A_785 = arith.constant 0 : i32
      %get3A_786 = arith.index_cast %get3A_785 : i32 to index
      %get3A_787 = arith.index_cast %scan3A_752 : i32 to index
      %get3A_788 = arith.constant 16 : index
      %get3A_789 = tpu.vector_load %arg13[%get3A_786, %get3A_787, %get3A_788] {strides = array<i32>} : memref<2x128x128xf32, #tpu.memory_space<vmem>>, vector<16xf32>,
      %sub3A_790 = arith.subf %add3A_784, %get3A_789 : vector<16xf32>
      %abs3A_791 = math.absf %sub3A_790 : vector<16xf32>
      %add3A_792 = arith.addf %add3A_773, %abs3A_791 : vector<16xf32>
      %get3A_793 = arith.constant 0 : i32
      %get3A_794 = arith.index_cast %get3A_793 : i32 to index
      %get3A_795 = arith.index_cast %scan3A_752 : i32 to index
      %get3A_796 = arith.constant 32 : index
      %get3A_797 = tpu.vector_load %arg11[%get3A_794, %get3A_795, %get3A_796] {strides = array<i32>} : memref<2x128x128xf32, #tpu.memory_space<vmem>>, vector<16xf32>,
      %get3A_798 = arith.constant 0 : i32
      %get3A_799 = arith.index_cast %get3A_798 : i32 to index
      %get3A_800 = arith.index_cast %scan3A_752 : i32 to index
      %get3A_801 = arith.constant 32 : index
      %get3A_802 = tpu.vector_load %arg12[%get3A_799, %get3A_800, %get3A_801] {strides = array<i32>} : memref<2x128x128xf32, #tpu.memory_space<vmem>>, vector<16xf32>,
      %add3A_803 = arith.addf %get3A_797, %get3A_802 : vector<16xf32>
      %get3A_804 = arith.constant 0 : i32
      %get3A_805 = arith.index_cast %get3A_804 : i32 to index
      %get3A_806 = arith.index_cast %scan3A_752 : i32 to index
      %get3A_807 = arith.constant 32 : index
      %get3A_808 = tpu.vector_load %arg13[%get3A_805, %get3A_806, %get3A_807] {strides = array<i32>} : memref<2x128x128xf32, #tpu.memory_space<vmem>>, vector<16xf32>,
      %sub3A_809 = arith.subf %add3A_803, %get3A_808 : vector<16xf32>
      %abs3A_810 = math.absf %sub3A_809 : vector<16xf32>
      %add3A_811 = arith.addf %add3A_792, %abs3A_810 : vector<16xf32>
      %get3A_812 = arith.constant 0 : i32
      %get3A_813 = arith.index_cast %get3A_812 : i32 to index
      %get3A_814 = arith.index_cast %scan3A_752 : i32 to index
      %get3A_815 = arith.constant 48 : index
      %get3A_816 = tpu.vector_load %arg11[%get3A_813, %get3A_814, %get3A_815] {strides = array<i32>} : memref<2x128x128xf32, #tpu.memory_space<vmem>>, vector<16xf32>,
      %get3A_817 = arith.constant 0 : i32
      %get3A_818 = arith.index_cast %get3A_817 : i32 to index
      %get3A_819 = arith.index_cast %scan3A_752 : i32 to index
      %get3A_820 = arith.constant 48 : index
      %get3A_821 = tpu.vector_load %arg12[%get3A_818, %get3A_819, %get3A_820] {strides = array<i32>} : memref<2x128x128xf32, #tpu.memory_space<vmem>>, vector<16xf32>,
      %add3A_822 = arith.addf %get3A_816, %get3A_821 : vector<16xf32>
      %get3A_823 = arith.constant 0 : i32
      %get3A_824 = arith.index_cast %get3A_823 : i32 to index
      %get3A_825 = arith.index_cast %scan3A_752 : i32 to index
      %get3A_826 = arith.constant 48 : index
      %get3A_827 = tpu.vector_load %arg13[%get3A_824, %get3A_825, %get3A_826] {strides = array<i32>} : memref<2x128x128xf32, #tpu.memory_space<vmem>>, vector<16xf32>,
      %sub3A_828 = arith.subf %add3A_822, %get3A_827 : vector<16xf32>
      %abs3A_829 = math.absf %sub3A_828 : vector<16xf32>
      %add3A_830 = arith.addf %add3A_811, %abs3A_829 : vector<16xf32>
      %broadcast_in_dim3A_831 = arith.constant true
      %broadcast_in_dim3A_832 = vector.broadcast %broadcast_in_dim3A_831 : i1 to vector<16xi1>
      %masked_cumsum3A_833 = tpu.scan <sum>, %add3A_830 masked %broadcast_in_dim3A_832 : vector<16xf32>, vector<16xi1> -> vector<16xf32>
      %add3A_834 = arith.constant 256 : i32
      %add3A_835 = arith.addi %add3A_834, %scan3A_752 : i32
      %broadcast_in_dim3A_836 = vector.broadcast %add3A_835 : i32 to vector<16xi32>
      %sub3A_837 = arith.constant 1.200000e+01 : f32
      %sub3A_838 = vector.broadcast %sub3A_837 : f32 to vector<16xf32>
      %sub3A_839 = arith.subf %sub3A_838, %masked_cumsum3A_833 : vector<16xf32>
      tpu.vector_store_idx %arg14[%broadcast_in_dim3A_836], %sub3A_839 masked %eq3A_2 : memref<512xf32, #tpu.memory_space<vmem>>[vector<16xi32>], vector<16xf32>, vector<16xi1>
      %scan3A_840 = arith.constant 6 : i32
      %scan3A_841 = arith.addi %scan3A_312, %scan3A_840 : i32
      %broadcast_in_dim3A_842 = arith.constant 0.000000e+00 : f32
      %broadcast_in_dim3A_843 = vector.broadcast %broadcast_in_dim3A_842 : f32 to vector<16xf32>
      %get3A_844 = arith.constant 0 : i32
      %get3A_845 = arith.index_cast %get3A_844 : i32 to index
      %get3A_846 = arith.index_cast %scan3A_841 : i32 to index
      %get3A_847 = arith.constant 0 : index
      %get3A_848 = tpu.vector_load %arg11[%get3A_845, %get3A_846, %get3A_847] {strides = array<i32>} : memref<2x128x128xf32, #tpu.memory_space<vmem>>, vector<16xf32>,
      %get3A_849 = arith.constant 0 : i32
      %get3A_850 = arith.index_cast %get3A_849 : i32 to index
      %get3A_851 = arith.index_cast %scan3A_841 : i32 to index
      %get3A_852 = arith.constant 0 : index
      %get3A_853 = tpu.vector_load %arg12[%get3A_850, %get3A_851, %get3A_852] {strides = array<i32>} : memref<2x128x128xf32, #tpu.memory_space<vmem>>, vector<16xf32>,
      %add3A_854 = arith.addf %get3A_848, %get3A_853 : vector<16xf32>
      %get3A_855 = arith.constant 0 : i32
      %get3A_856 = arith.index_cast %get3A_855 : i32 to index
      %get3A_857 = arith.index_cast %scan3A_841 : i32 to index
      %get3A_858 = arith.constant 0 : index
      %get3A_859 = tpu.vector_load %arg13[%get3A_856, %get3A_857, %get3A_858] {strides = array<i32>} : memref<2x128x128xf32, #tpu.memory_space<vmem>>, vector<16xf32>,
      %sub3A_860 = arith.subf %add3A_854, %get3A_859 : vector<16xf32>
      %abs3A_861 = math.absf %sub3A_860 : vector<16xf32>
      %add3A_862 = arith.addf %broadcast_in_dim3A_843, %abs3A_861 : vector<16xf32>
      %get3A_863 = arith.constant 0 : i32
      %get3A_864 = arith.index_cast %get3A_863 : i32 to index
      %get3A_865 = arith.index_cast %scan3A_841 : i32 to index
      %get3A_866 = arith.constant 16 : index
      %get3A_867 = tpu.vector_load %arg11[%get3A_864, %get3A_865, %get3A_866] {strides = array<i32>} : memref<2x128x128xf32, #tpu.memory_space<vmem>>, vector<16xf32>,
      %get3A_868 = arith.constant 0 : i32
      %get3A_869 = arith.index_cast %get3A_868 : i32 to index
      %get3A_870 = arith.index_cast %scan3A_841 : i32 to index
      %get3A_871 = arith.constant 16 : index
      %get3A_872 = tpu.vector_load %arg12[%get3A_869, %get3A_870, %get3A_871] {strides = array<i32>} : memref<2x128x128xf32, #tpu.memory_space<vmem>>, vector<16xf32>,
      %add3A_873 = arith.addf %get3A_867, %get3A_872 : vector<16xf32>
      %get3A_874 = arith.constant 0 : i32
      %get3A_875 = arith.index_cast %get3A_874 : i32 to index
      %get3A_876 = arith.index_cast %scan3A_841 : i32 to index
      %get3A_877 = arith.constant 16 : index
      %get3A_878 = tpu.vector_load %arg13[%get3A_875, %get3A_876, %get3A_877] {strides = array<i32>} : memref<2x128x128xf32, #tpu.memory_space<vmem>>, vector<16xf32>,
      %sub3A_879 = arith.subf %add3A_873, %get3A_878 : vector<16xf32>
      %abs3A_880 = math.absf %sub3A_879 : vector<16xf32>
      %add3A_881 = arith.addf %add3A_862, %abs3A_880 : vector<16xf32>
      %get3A_882 = arith.constant 0 : i32
      %get3A_883 = arith.index_cast %get3A_882 : i32 to index
      %get3A_884 = arith.index_cast %scan3A_841 : i32 to index
      %get3A_885 = arith.constant 32 : index
      %get3A_886 = tpu.vector_load %arg11[%get3A_883, %get3A_884, %get3A_885] {strides = array<i32>} : memref<2x128x128xf32, #tpu.memory_space<vmem>>, vector<16xf32>,
      %get3A_887 = arith.constant 0 : i32
      %get3A_888 = arith.index_cast %get3A_887 : i32 to index
      %get3A_889 = arith.index_cast %scan3A_841 : i32 to index
      %get3A_890 = arith.constant 32 : index
      %get3A_891 = tpu.vector_load %arg12[%get3A_888, %get3A_889, %get3A_890] {strides = array<i32>} : memref<2x128x128xf32, #tpu.memory_space<vmem>>, vector<16xf32>,
      %add3A_892 = arith.addf %get3A_886, %get3A_891 : vector<16xf32>
      %get3A_893 = arith.constant 0 : i32
      %get3A_894 = arith.index_cast %get3A_893 : i32 to index
      %get3A_895 = arith.index_cast %scan3A_841 : i32 to index
      %get3A_896 = arith.constant 32 : index
      %get3A_897 = tpu.vector_load %arg13[%get3A_894, %get3A_895, %get3A_896] {strides = array<i32>} : memref<2x128x128xf32, #tpu.memory_space<vmem>>, vector<16xf32>,
      %sub3A_898 = arith.subf %add3A_892, %get3A_897 : vector<16xf32>
      %abs3A_899 = math.absf %sub3A_898 : vector<16xf32>
      %add3A_900 = arith.addf %add3A_881, %abs3A_899 : vector<16xf32>
      %get3A_901 = arith.constant 0 : i32
      %get3A_902 = arith.index_cast %get3A_901 : i32 to index
      %get3A_903 = arith.index_cast %scan3A_841 : i32 to index
      %get3A_904 = arith.constant 48 : index
      %get3A_905 = tpu.vector_load %arg11[%get3A_902, %get3A_903, %get3A_904] {strides = array<i32>} : memref<2x128x128xf32, #tpu.memory_space<vmem>>, vector<16xf32>,
      %get3A_906 = arith.constant 0 : i32
      %get3A_907 = arith.index_cast %get3A_906 : i32 to index
      %get3A_908 = arith.index_cast %scan3A_841 : i32 to index
      %get3A_909 = arith.constant 48 : index
      %get3A_910 = tpu.vector_load %arg12[%get3A_907, %get3A_908, %get3A_909] {strides = array<i32>} : memref<2x128x128xf32, #tpu.memory_space<vmem>>, vector<16xf32>,
      %add3A_911 = arith.addf %get3A_905, %get3A_910 : vector<16xf32>
      %get3A_912 = arith.constant 0 : i32
      %get3A_913 = arith.index_cast %get3A_912 : i32 to index
      %get3A_914 = arith.index_cast %scan3A_841 : i32 to index
      %get3A_915 = arith.constant 48 : index
      %get3A_916 = tpu.vector_load %arg13[%get3A_913, %get3A_914, %get3A_915] {strides = array<i32>} : memref<2x128x128xf32, #tpu.memory_space<vmem>>, vector<16xf32>,
      %sub3A_917 = arith.subf %add3A_911, %get3A_916 : vector<16xf32>
      %abs3A_918 = math.absf %sub3A_917 : vector<16xf32>
      %add3A_919 = arith.addf %add3A_900, %abs3A_918 : vector<16xf32>
      %broadcast_in_dim3A_920 = arith.constant true
      %broadcast_in_dim3A_921 = vector.broadcast %broadcast_in_dim3A_920 : i1 to vector<16xi1>
      %masked_cumsum3A_922 = tpu.scan <sum>, %add3A_919 masked %broadcast_in_dim3A_921 : vector<16xf32>, vector<16xi1> -> vector<16xf32>
      %add3A_923 = arith.constant 256 : i32
      %add3A_924 = arith.addi %add3A_923, %scan3A_841 : i32
      %broadcast_in_dim3A_925 = vector.broadcast %add3A_924 : i32 to vector<16xi32>
      %sub3A_926 = arith.constant 1.200000e+01 : f32
      %sub3A_927 = vector.broadcast %sub3A_926 : f32 to vector<16xf32>
      %sub3A_928 = arith.subf %sub3A_927, %masked_cumsum3A_922 : vector<16xf32>
      tpu.vector_store_idx %arg14[%broadcast_in_dim3A_925], %sub3A_928 masked %eq3A_2 : memref<512xf32, #tpu.memory_space<vmem>>[vector<16xi32>], vector<16xf32>, vector<16xi1>
      %scan3A_929 = arith.constant 7 : i32
      %scan3A_930 = arith.addi %scan3A_312, %scan3A_929 : i32
      %broadcast_in_dim3A_931 = arith.constant 0.000000e+00 : f32
      %broadcast_in_dim3A_932 = vector.broadcast %broadcast_in_dim3A_931 : f32 to vector<16xf32>
      %get3A_933 = arith.constant 0 : i32
      %get3A_934 = arith.index_cast %get3A_933 : i32 to index
      %get3A_935 = arith.index_cast %scan3A_930 : i32 to index
      %get3A_936 = arith.constant 0 : index
      %get3A_937 = tpu.vector_load %arg11[%get3A_934, %get3A_935, %get3A_936] {strides = array<i32>} : memref<2x128x128xf32, #tpu.memory_space<vmem>>, vector<16xf32>,
      %get3A_938 = arith.constant 0 : i32
      %get3A_939 = arith.index_cast %get3A_938 : i32 to index
      %get3A_940 = arith.index_cast %scan3A_930 : i32 to index
      %get3A_941 = arith.constant 0 : index
      %get3A_942 = tpu.vector_load %arg12[%get3A_939, %get3A_940, %get3A_941] {strides = array<i32>} : memref<2x128x128xf32, #tpu.memory_space<vmem>>, vector<16xf32>,
      %add3A_943 = arith.addf %get3A_937, %get3A_942 : vector<16xf32>
      %get3A_944 = arith.constant 0 : i32
      %get3A_945 = arith.index_cast %get3A_944 : i32 to index
      %get3A_946 = arith.index_cast %scan3A_930 : i32 to index
      %get3A_947 = arith.constant 0 : index
      %get3A_948 = tpu.vector_load %arg13[%get3A_945, %get3A_946, %get3A_947] {strides = array<i32>} : memref<2x128x128xf32, #tpu.memory_space<vmem>>, vector<16xf32>,
      %sub3A_949 = arith.subf %add3A_943, %get3A_948 : vector<16xf32>
      %abs3A_950 = math.absf %sub3A_949 : vector<16xf32>
      %add3A_951 = arith.addf %broadcast_in_dim3A_932, %abs3A_950 : vector<16xf32>
      %get3A_952 = arith.constant 0 : i32
      %get3A_953 = arith.index_cast %get3A_952 : i32 to index
      %get3A_954 = arith.index_cast %scan3A_930 : i32 to index
      %get3A_955 = arith.constant 16 : index
      %get3A_956 = tpu.vector_load %arg11[%get3A_953, %get3A_954, %get3A_955] {strides = array<i32>} : memref<2x128x128xf32, #tpu.memory_space<vmem>>, vector<16xf32>,
      %get3A_957 = arith.constant 0 : i32
      %get3A_958 = arith.index_cast %get3A_957 : i32 to index
      %get3A_959 = arith.index_cast %scan3A_930 : i32 to index
      %get3A_960 = arith.constant 16 : index
      %get3A_961 = tpu.vector_load %arg12[%get3A_958, %get3A_959, %get3A_960] {strides = array<i32>} : memref<2x128x128xf32, #tpu.memory_space<vmem>>, vector<16xf32>,
      %add3A_962 = arith.addf %get3A_956, %get3A_961 : vector<16xf32>
      %get3A_963 = arith.constant 0 : i32
      %get3A_964 = arith.index_cast %get3A_963 : i32 to index
      %get3A_965 = arith.index_cast %scan3A_930 : i32 to index
      %get3A_966 = arith.constant 16 : index
      %get3A_967 = tpu.vector_load %arg13[%get3A_964, %get3A_965, %get3A_966] {strides = array<i32>} : memref<2x128x128xf32, #tpu.memory_space<vmem>>, vector<16xf32>,
      %sub3A_968 = arith.subf %add3A_962, %get3A_967 : vector<16xf32>
      %abs3A_969 = math.absf %sub3A_968 : vector<16xf32>
      %add3A_970 = arith.addf %add3A_951, %abs3A_969 : vector<16xf32>
      %get3A_971 = arith.constant 0 : i32
      %get3A_972 = arith.index_cast %get3A_971 : i32 to index
      %get3A_973 = arith.index_cast %scan3A_930 : i32 to index
      %get3A_974 = arith.constant 32 : index
      %get3A_975 = tpu.vector_load %arg11[%get3A_972, %get3A_973, %get3A_974] {strides = array<i32>} : memref<2x128x128xf32, #tpu.memory_space<vmem>>, vector<16xf32>,
      %get3A_976 = arith.constant 0 : i32
      %get3A_977 = arith.index_cast %get3A_976 : i32 to index
      %get3A_978 = arith.index_cast %scan3A_930 : i32 to index
      %get3A_979 = arith.constant 32 : index
      %get3A_980 = tpu.vector_load %arg12[%get3A_977, %get3A_978, %get3A_979] {strides = array<i32>} : memref<2x128x128xf32, #tpu.memory_space<vmem>>, vector<16xf32>,
      %add3A_981 = arith.addf %get3A_975, %get3A_980 : vector<16xf32>
      %get3A_982 = arith.constant 0 : i32
      %get3A_983 = arith.index_cast %get3A_982 : i32 to index
      %get3A_984 = arith.index_cast %scan3A_930 : i32 to index
      %get3A_985 = arith.constant 32 : index
      %get3A_986 = tpu.vector_load %arg13[%get3A_983, %get3A_984, %get3A_985] {strides = array<i32>} : memref<2x128x128xf32, #tpu.memory_space<vmem>>, vector<16xf32>,
      %sub3A_987 = arith.subf %add3A_981, %get3A_986 : vector<16xf32>
      %abs3A_988 = math.absf %sub3A_987 : vector<16xf32>
      %add3A_989 = arith.addf %add3A_970, %abs3A_988 : vector<16xf32>
      %get3A_990 = arith.constant 0 : i32
      %get3A_991 = arith.index_cast %get3A_990 : i32 to index
      %get3A_992 = arith.index_cast %scan3A_930 : i32 to index
      %get3A_993 = arith.constant 48 : index
      %get3A_994 = tpu.vector_load %arg11[%get3A_991, %get3A_992, %get3A_993] {strides = array<i32>} : memref<2x128x128xf32, #tpu.memory_space<vmem>>, vector<16xf32>,
      %get3A_995 = arith.constant 0 : i32
      %get3A_996 = arith.index_cast %get3A_995 : i32 to index
      %get3A_997 = arith.index_cast %scan3A_930 : i32 to index
      %get3A_998 = arith.constant 48 : index
      %get3A_999 = tpu.vector_load %arg12[%get3A_996, %get3A_997, %get3A_998] {strides = array<i32>} : memref<2x128x128xf32, #tpu.memory_space<vmem>>, vector<16xf32>,
      %add3A_1000 = arith.addf %get3A_994, %get3A_999 : vector<16xf32>
      %get3A_1001 = arith.constant 0 : i32
      %get3A_1002 = arith.index_cast %get3A_1001 : i32 to index
      %get3A_1003 = arith.index_cast %scan3A_930 : i32 to index
      %get3A_1004 = arith.constant 48 : index
      %get3A_1005 = tpu.vector_load %arg13[%get3A_1002, %get3A_1003, %get3A_1004] {strides = array<i32>} : memref<2x128x128xf32, #tpu.memory_space<vmem>>, vector<16xf32>,
      %sub3A_1006 = arith.subf %add3A_1000, %get3A_1005 : vector<16xf32>
      %abs3A_1007 = math.absf %sub3A_1006 : vector<16xf32>
      %add3A_1008 = arith.addf %add3A_989, %abs3A_1007 : vector<16xf32>
      %broadcast_in_dim3A_1009 = arith.constant true
      %broadcast_in_dim3A_1010 = vector.broadcast %broadcast_in_dim3A_1009 : i1 to vector<16xi1>
      %masked_cumsum3A_1011 = tpu.scan <sum>, %add3A_1008 masked %broadcast_in_dim3A_1010 : vector<16xf32>, vector<16xi1> -> vector<16xf32>
      %add3A_1012 = arith.constant 256 : i32
      %add3A_1013 = arith.addi %add3A_1012, %scan3A_930 : i32
      %broadcast_in_dim3A_1014 = vector.broadcast %add3A_1013 : i32 to vector<16xi32>
      %sub3A_1015 = arith.constant 1.200000e+01 : f32
      %sub3A_1016 = vector.broadcast %sub3A_1015 : f32 to vector<16xf32>
      %sub3A_1017 = arith.subf %sub3A_1016, %masked_cumsum3A_1011 : vector<16xf32>
      tpu.vector_store_idx %arg14[%broadcast_in_dim3A_1014], %sub3A_1017 masked %eq3A_2 : memref<512xf32, #tpu.memory_space<vmem>>[vector<16xi32>], vector<16xf32>, vector<16xi1>
    }
    %scan3A_269 = arith.constant 128 : i32
    %dma_wait3A_270 = arith.constant 3 : i32
    %dma_wait3A_271 = arith.constant 1 : i32
    %dma_wait3A_272 = arith.constant 0 : i32
    %dma_wait3A_273 = arith.constant 0 : i32
    %dma_wait3A_274 = tpu.memref_slice %arg11[%dma_wait3A_271, %dma_wait3A_272, %dma_wait3A_273] : memref<2x128x128xf32, #tpu.memory_space<vmem>> -> memref<1x128x128xf32, #tpu.memory_space<vmem>>
    %dma_wait3A_275 = tpu.memref_squeeze %dma_wait3A_274 : memref<1x128x128xf32, #tpu.memory_space<vmem>> -> memref<128x128xf32, #tpu.memory_space<vmem>>
    %dma_wait3A_276 = arith.constant 0 : i32
    %dma_wait3A_277 = tpu.memref_slice %arg8[%dma_wait3A_270, %dma_wait3A_276] : memref<4x128xi32, #tpu.memory_space<vmem>> -> memref<1x128xi32, #tpu.memory_space<vmem>>
    %dma_wait3A_278 = tpu.memref_squeeze %dma_wait3A_277 : memref<1x128xi32, #tpu.memory_space<vmem>> -> memref<128xi32, #tpu.memory_space<vmem>>
    %dma_wait3A_279 = arith.constant 0 : i32
    %dma_wait3A_280 = arith.constant 0 : i32
    %dma_wait3A_281 = tpu.memref_slice %arg5[%dma_wait3A_279, %dma_wait3A_280] : memref<100000x128xf32, #tpu.memory_space<hbm>> -> memref<100000x128xf32, #tpu.memory_space<hbm>>
    tpu.wait_indirect_dma semaphore(%arg15 : memref<!tpu.dma_semaphore, #tpu.memory_space<semaphore_mem>>) src(%dma_wait3A_281 : memref<100000x128xf32, #tpu.memory_space<hbm>>) dst(%dma_wait3A_275 : memref<128x128xf32, #tpu.memory_space<vmem>>)
    %dma_wait3A_282 = arith.constant 3 : i32
    %dma_wait3A_283 = arith.constant 1 : i32
    %dma_wait3A_284 = arith.constant 0 : i32
    %dma_wait3A_285 = arith.constant 0 : i32
    %dma_wait3A_286 = tpu.memref_slice %arg12[%dma_wait3A_283, %dma_wait3A_284, %dma_wait3A_285] : memref<2x128x128xf32, #tpu.memory_space<vmem>> -> memref<1x128x128xf32, #tpu.memory_space<vmem>>
    %dma_wait3A_287 = tpu.memref_squeeze %dma_wait3A_286 : memref<1x128x128xf32, #tpu.memory_space<vmem>> -> memref<128x128xf32, #tpu.memory_space<vmem>>
    %dma_wait3A_288 = arith.constant 0 : i32
    %dma_wait3A_289 = tpu.memref_slice %arg9[%dma_wait3A_282, %dma_wait3A_288] : memref<4x128xi32, #tpu.memory_space<vmem>> -> memref<1x128xi32, #tpu.memory_space<vmem>>
    %dma_wait3A_290 = tpu.memref_squeeze %dma_wait3A_289 : memref<1x128xi32, #tpu.memory_space<vmem>> -> memref<128xi32, #tpu.memory_space<vmem>>
    %dma_wait3A_291 = arith.constant 0 : i32
    %dma_wait3A_292 = arith.constant 0 : i32
    %dma_wait3A_293 = tpu.memref_slice %arg6[%dma_wait3A_291, %dma_wait3A_292] : memref<100000x128xf32, #tpu.memory_space<hbm>> -> memref<100000x128xf32, #tpu.memory_space<hbm>>
    tpu.wait_indirect_dma semaphore(%arg15 : memref<!tpu.dma_semaphore, #tpu.memory_space<semaphore_mem>>) src(%dma_wait3A_293 : memref<100000x128xf32, #tpu.memory_space<hbm>>) dst(%dma_wait3A_287 : memref<128x128xf32, #tpu.memory_space<vmem>>)
    %dma_wait3A_294 = arith.constant 3 : i32
    %dma_wait3A_295 = arith.constant 1 : i32
    %dma_wait3A_296 = arith.constant 0 : i32
    %dma_wait3A_297 = arith.constant 0 : i32
    %dma_wait3A_298 = tpu.memref_slice %arg13[%dma_wait3A_295, %dma_wait3A_296, %dma_wait3A_297] : memref<2x128x128xf32, #tpu.memory_space<vmem>> -> memref<1x128x128xf32, #tpu.memory_space<vmem>>
    %dma_wait3A_299 = tpu.memref_squeeze %dma_wait3A_298 : memref<1x128x128xf32, #tpu.memory_space<vmem>> -> memref<128x128xf32, #tpu.memory_space<vmem>>
    %dma_wait3A_300 = arith.constant 0 : i32
    %dma_wait3A_301 = tpu.memref_slice %arg10[%dma_wait3A_294, %dma_wait3A_300] : memref<4x128xi32, #tpu.memory_space<vmem>> -> memref<1x128xi32, #tpu.memory_space<vmem>>
    %dma_wait3A_302 = tpu.memref_squeeze %dma_wait3A_301 : memref<1x128xi32, #tpu.memory_space<vmem>> -> memref<128xi32, #tpu.memory_space<vmem>>
    %dma_wait3A_303 = arith.constant 0 : i32
    %dma_wait3A_304 = arith.constant 0 : i32
    %dma_wait3A_305 = tpu.memref_slice %arg5[%dma_wait3A_303, %dma_wait3A_304] : memref<100000x128xf32, #tpu.memory_space<hbm>> -> memref<100000x128xf32, #tpu.memory_space<hbm>>
    tpu.wait_indirect_dma semaphore(%arg15 : memref<!tpu.dma_semaphore, #tpu.memory_space<semaphore_mem>>) src(%dma_wait3A_305 : memref<100000x128xf32, #tpu.memory_space<hbm>>) dst(%dma_wait3A_299 : memref<128x128xf32, #tpu.memory_space<vmem>>)
    %scan3A_306 = arith.constant 0 : i32
    %scan3A_307 = arith.constant 0 : i32
    %scan3A_308 = arith.constant 128 : i32
    %scan3A_309 = arith.addi %scan3A_307, %scan3A_308 : i32
    %scan3A_310 = arith.constant 8 : i32
    scf.for %scan3A_312 = %scan3A_307 to %scan3A_309 step %scan3A_310  : i32 {
      %broadcast_in_dim3A = arith.constant 0.000000e+00 : f32
      %broadcast_in_dim3A_313 = vector.broadcast %broadcast_in_dim3A : f32 to vector<16xf32>
      %get3A = arith.constant 1 : i32
      %get3A_314 = arith.index_cast %get3A : i32 to index
      %get3A_315 = arith.index_cast %scan3A_312 : i32 to index
      %get3A_316 = arith.constant 0 : index
      %get3A_317 = tpu.vector_load %arg11[%get3A_314, %get3A_315, %get3A_316] {strides = array<i32>} : memref<2x128x128xf32, #tpu.memory_space<vmem>>, vector<16xf32>,
      %get3A_318 = arith.constant 1 : i32
      %get3A_319 = arith.index_cast %get3A_318 : i32 to index
      %get3A_320 = arith.index_cast %scan3A_312 : i32 to index
      %get3A_321 = arith.constant 0 : index
      %get3A_322 = tpu.vector_load %arg12[%get3A_319, %get3A_320, %get3A_321] {strides = array<i32>} : memref<2x128x128xf32, #tpu.memory_space<vmem>>, vector<16xf32>,
      %add3A_323 = arith.addf %get3A_317, %get3A_322 : vector<16xf32>
      %get3A_324 = arith.constant 1 : i32
      %get3A_325 = arith.index_cast %get3A_324 : i32 to index
      %get3A_326 = arith.index_cast %scan3A_312 : i32 to index
      %get3A_327 = arith.constant 0 : index
      %get3A_328 = tpu.vector_load %arg13[%get3A_325, %get3A_326, %get3A_327] {strides = array<i32>} : memref<2x128x128xf32, #tpu.memory_space<vmem>>, vector<16xf32>,
      %sub3A = arith.subf %add3A_323, %get3A_328 : vector<16xf32>
      %abs3A = math.absf %sub3A : vector<16xf32>
      %add3A_329 = arith.addf %broadcast_in_dim3A_313, %abs3A : vector<16xf32>
      %get3A_330 = arith.constant 1 : i32
      %get3A_331 = arith.index_cast %get3A_330 : i32 to index
      %get3A_332 = arith.index_cast %scan3A_312 : i32 to index
      %get3A_333 = arith.constant 16 : index
      %get3A_334 = tpu.vector_load %arg11[%get3A_331, %get3A_332, %get3A_333] {strides = array<i32>} : memref<2x128x128xf32, #tpu.memory_space<vmem>>, vector<16xf32>,
      %get3A_335 = arith.constant 1 : i32
      %get3A_336 = arith.index_cast %get3A_335 : i32 to index
      %get3A_337 = arith.index_cast %scan3A_312 : i32 to index
      %get3A_338 = arith.constant 16 : index
      %get3A_339 = tpu.vector_load %arg12[%get3A_336, %get3A_337, %get3A_338] {strides = array<i32>} : memref<2x128x128xf32, #tpu.memory_space<vmem>>, vector<16xf32>,
      %add3A_340 = arith.addf %get3A_334, %get3A_339 : vector<16xf32>
      %get3A_341 = arith.constant 1 : i32
      %get3A_342 = arith.index_cast %get3A_341 : i32 to index
      %get3A_343 = arith.index_cast %scan3A_312 : i32 to index
      %get3A_344 = arith.constant 16 : index
      %get3A_345 = tpu.vector_load %arg13[%get3A_342, %get3A_343, %get3A_344] {strides = array<i32>} : memref<2x128x128xf32, #tpu.memory_space<vmem>>, vector<16xf32>,
      %sub3A_346 = arith.subf %add3A_340, %get3A_345 : vector<16xf32>
      %abs3A_347 = math.absf %sub3A_346 : vector<16xf32>
      %add3A_348 = arith.addf %add3A_329, %abs3A_347 : vector<16xf32>
      %get3A_349 = arith.constant 1 : i32
      %get3A_350 = arith.index_cast %get3A_349 : i32 to index
      %get3A_351 = arith.index_cast %scan3A_312 : i32 to index
      %get3A_352 = arith.constant 32 : index
      %get3A_353 = tpu.vector_load %arg11[%get3A_350, %get3A_351, %get3A_352] {strides = array<i32>} : memref<2x128x128xf32, #tpu.memory_space<vmem>>, vector<16xf32>,
      %get3A_354 = arith.constant 1 : i32
      %get3A_355 = arith.index_cast %get3A_354 : i32 to index
      %get3A_356 = arith.index_cast %scan3A_312 : i32 to index
      %get3A_357 = arith.constant 32 : index
      %get3A_358 = tpu.vector_load %arg12[%get3A_355, %get3A_356, %get3A_357] {strides = array<i32>} : memref<2x128x128xf32, #tpu.memory_space<vmem>>, vector<16xf32>,
      %add3A_359 = arith.addf %get3A_353, %get3A_358 : vector<16xf32>
      %get3A_360 = arith.constant 1 : i32
      %get3A_361 = arith.index_cast %get3A_360 : i32 to index
      %get3A_362 = arith.index_cast %scan3A_312 : i32 to index
      %get3A_363 = arith.constant 32 : index
      %get3A_364 = tpu.vector_load %arg13[%get3A_361, %get3A_362, %get3A_363] {strides = array<i32>} : memref<2x128x128xf32, #tpu.memory_space<vmem>>, vector<16xf32>,
      %sub3A_365 = arith.subf %add3A_359, %get3A_364 : vector<16xf32>
      %abs3A_366 = math.absf %sub3A_365 : vector<16xf32>
      %add3A_367 = arith.addf %add3A_348, %abs3A_366 : vector<16xf32>
      %get3A_368 = arith.constant 1 : i32
      %get3A_369 = arith.index_cast %get3A_368 : i32 to index
      %get3A_370 = arith.index_cast %scan3A_312 : i32 to index
      %get3A_371 = arith.constant 48 : index
      %get3A_372 = tpu.vector_load %arg11[%get3A_369, %get3A_370, %get3A_371] {strides = array<i32>} : memref<2x128x128xf32, #tpu.memory_space<vmem>>, vector<16xf32>,
      %get3A_373 = arith.constant 1 : i32
      %get3A_374 = arith.index_cast %get3A_373 : i32 to index
      %get3A_375 = arith.index_cast %scan3A_312 : i32 to index
      %get3A_376 = arith.constant 48 : index
      %get3A_377 = tpu.vector_load %arg12[%get3A_374, %get3A_375, %get3A_376] {strides = array<i32>} : memref<2x128x128xf32, #tpu.memory_space<vmem>>, vector<16xf32>,
      %add3A_378 = arith.addf %get3A_372, %get3A_377 : vector<16xf32>
      %get3A_379 = arith.constant 1 : i32
      %get3A_380 = arith.index_cast %get3A_379 : i32 to index
      %get3A_381 = arith.index_cast %scan3A_312 : i32 to index
      %get3A_382 = arith.constant 48 : index
      %get3A_383 = tpu.vector_load %arg13[%get3A_380, %get3A_381, %get3A_382] {strides = array<i32>} : memref<2x128x128xf32, #tpu.memory_space<vmem>>, vector<16xf32>,
      %sub3A_384 = arith.subf %add3A_378, %get3A_383 : vector<16xf32>
      %abs3A_385 = math.absf %sub3A_384 : vector<16xf32>
      %add3A_386 = arith.addf %add3A_367, %abs3A_385 : vector<16xf32>
      %broadcast_in_dim3A_387 = arith.constant true
      %broadcast_in_dim3A_388 = vector.broadcast %broadcast_in_dim3A_387 : i1 to vector<16xi1>
      %masked_cumsum3A = tpu.scan <sum>, %add3A_386 masked %broadcast_in_dim3A_388 : vector<16xf32>, vector<16xi1> -> vector<16xf32>
      %add3A_389 = arith.constant 384 : i32
      %add3A_390 = arith.addi %add3A_389, %scan3A_312 : i32
      %broadcast_in_dim3A_391 = vector.broadcast %add3A_390 : i32 to vector<16xi32>
      %sub3A_392 = arith.constant 1.200000e+01 : f32
      %sub3A_393 = vector.broadcast %sub3A_392 : f32 to vector<16xf32>
      %sub3A_394 = arith.subf %sub3A_393, %masked_cumsum3A : vector<16xf32>
      tpu.vector_store_idx %arg14[%broadcast_in_dim3A_391], %sub3A_394 masked %eq3A_2 : memref<512xf32, #tpu.memory_space<vmem>>[vector<16xi32>], vector<16xf32>, vector<16xi1>
      %scan3A_395 = arith.constant 1 : i32
      %scan3A_396 = arith.addi %scan3A_312, %scan3A_395 : i32
      %broadcast_in_dim3A_397 = arith.constant 0.000000e+00 : f32
      %broadcast_in_dim3A_398 = vector.broadcast %broadcast_in_dim3A_397 : f32 to vector<16xf32>
      %get3A_399 = arith.constant 1 : i32
      %get3A_400 = arith.index_cast %get3A_399 : i32 to index
      %get3A_401 = arith.index_cast %scan3A_396 : i32 to index
      %get3A_402 = arith.constant 0 : index
      %get3A_403 = tpu.vector_load %arg11[%get3A_400, %get3A_401, %get3A_402] {strides = array<i32>} : memref<2x128x128xf32, #tpu.memory_space<vmem>>, vector<16xf32>,
      %get3A_404 = arith.constant 1 : i32
      %get3A_405 = arith.index_cast %get3A_404 : i32 to index
      %get3A_406 = arith.index_cast %scan3A_396 : i32 to index
      %get3A_407 = arith.constant 0 : index
      %get3A_408 = tpu.vector_load %arg12[%get3A_405, %get3A_406, %get3A_407] {strides = array<i32>} : memref<2x128x128xf32, #tpu.memory_space<vmem>>, vector<16xf32>,
      %add3A_409 = arith.addf %get3A_403, %get3A_408 : vector<16xf32>
      %get3A_410 = arith.constant 1 : i32
      %get3A_411 = arith.index_cast %get3A_410 : i32 to index
      %get3A_412 = arith.index_cast %scan3A_396 : i32 to index
      %get3A_413 = arith.constant 0 : index
      %get3A_414 = tpu.vector_load %arg13[%get3A_411, %get3A_412, %get3A_413] {strides = array<i32>} : memref<2x128x128xf32, #tpu.memory_space<vmem>>, vector<16xf32>,
      %sub3A_415 = arith.subf %add3A_409, %get3A_414 : vector<16xf32>
      %abs3A_416 = math.absf %sub3A_415 : vector<16xf32>
      %add3A_417 = arith.addf %broadcast_in_dim3A_398, %abs3A_416 : vector<16xf32>
      %get3A_418 = arith.constant 1 : i32
      %get3A_419 = arith.index_cast %get3A_418 : i32 to index
      %get3A_420 = arith.index_cast %scan3A_396 : i32 to index
      %get3A_421 = arith.constant 16 : index
      %get3A_422 = tpu.vector_load %arg11[%get3A_419, %get3A_420, %get3A_421] {strides = array<i32>} : memref<2x128x128xf32, #tpu.memory_space<vmem>>, vector<16xf32>,
      %get3A_423 = arith.constant 1 : i32
      %get3A_424 = arith.index_cast %get3A_423 : i32 to index
      %get3A_425 = arith.index_cast %scan3A_396 : i32 to index
      %get3A_426 = arith.constant 16 : index
      %get3A_427 = tpu.vector_load %arg12[%get3A_424, %get3A_425, %get3A_426] {strides = array<i32>} : memref<2x128x128xf32, #tpu.memory_space<vmem>>, vector<16xf32>,
      %add3A_428 = arith.addf %get3A_422, %get3A_427 : vector<16xf32>
      %get3A_429 = arith.constant 1 : i32
      %get3A_430 = arith.index_cast %get3A_429 : i32 to index
      %get3A_431 = arith.index_cast %scan3A_396 : i32 to index
      %get3A_432 = arith.constant 16 : index
      %get3A_433 = tpu.vector_load %arg13[%get3A_430, %get3A_431, %get3A_432] {strides = array<i32>} : memref<2x128x128xf32, #tpu.memory_space<vmem>>, vector<16xf32>,
      %sub3A_434 = arith.subf %add3A_428, %get3A_433 : vector<16xf32>
      %abs3A_435 = math.absf %sub3A_434 : vector<16xf32>
      %add3A_436 = arith.addf %add3A_417, %abs3A_435 : vector<16xf32>
      %get3A_437 = arith.constant 1 : i32
      %get3A_438 = arith.index_cast %get3A_437 : i32 to index
      %get3A_439 = arith.index_cast %scan3A_396 : i32 to index
      %get3A_440 = arith.constant 32 : index
      %get3A_441 = tpu.vector_load %arg11[%get3A_438, %get3A_439, %get3A_440] {strides = array<i32>} : memref<2x128x128xf32, #tpu.memory_space<vmem>>, vector<16xf32>,
      %get3A_442 = arith.constant 1 : i32
      %get3A_443 = arith.index_cast %get3A_442 : i32 to index
      %get3A_444 = arith.index_cast %scan3A_396 : i32 to index
      %get3A_445 = arith.constant 32 : index
      %get3A_446 = tpu.vector_load %arg12[%get3A_443, %get3A_444, %get3A_445] {strides = array<i32>} : memref<2x128x128xf32, #tpu.memory_space<vmem>>, vector<16xf32>,
      %add3A_447 = arith.addf %get3A_441, %get3A_446 : vector<16xf32>
      %get3A_448 = arith.constant 1 : i32
      %get3A_449 = arith.index_cast %get3A_448 : i32 to index
      %get3A_450 = arith.index_cast %scan3A_396 : i32 to index
      %get3A_451 = arith.constant 32 : index
      %get3A_452 = tpu.vector_load %arg13[%get3A_449, %get3A_450, %get3A_451] {strides = array<i32>} : memref<2x128x128xf32, #tpu.memory_space<vmem>>, vector<16xf32>,
      %sub3A_453 = arith.subf %add3A_447, %get3A_452 : vector<16xf32>
      %abs3A_454 = math.absf %sub3A_453 : vector<16xf32>
      %add3A_455 = arith.addf %add3A_436, %abs3A_454 : vector<16xf32>
      %get3A_456 = arith.constant 1 : i32
      %get3A_457 = arith.index_cast %get3A_456 : i32 to index
      %get3A_458 = arith.index_cast %scan3A_396 : i32 to index
      %get3A_459 = arith.constant 48 : index
      %get3A_460 = tpu.vector_load %arg11[%get3A_457, %get3A_458, %get3A_459] {strides = array<i32>} : memref<2x128x128xf32, #tpu.memory_space<vmem>>, vector<16xf32>,
      %get3A_461 = arith.constant 1 : i32
      %get3A_462 = arith.index_cast %get3A_461 : i32 to index
      %get3A_463 = arith.index_cast %scan3A_396 : i32 to index
      %get3A_464 = arith.constant 48 : index
      %get3A_465 = tpu.vector_load %arg12[%get3A_462, %get3A_463, %get3A_464] {strides = array<i32>} : memref<2x128x128xf32, #tpu.memory_space<vmem>>, vector<16xf32>,
      %add3A_466 = arith.addf %get3A_460, %get3A_465 : vector<16xf32>
      %get3A_467 = arith.constant 1 : i32
      %get3A_468 = arith.index_cast %get3A_467 : i32 to index
      %get3A_469 = arith.index_cast %scan3A_396 : i32 to index
      %get3A_470 = arith.constant 48 : index
      %get3A_471 = tpu.vector_load %arg13[%get3A_468, %get3A_469, %get3A_470] {strides = array<i32>} : memref<2x128x128xf32, #tpu.memory_space<vmem>>, vector<16xf32>,
      %sub3A_472 = arith.subf %add3A_466, %get3A_471 : vector<16xf32>
      %abs3A_473 = math.absf %sub3A_472 : vector<16xf32>
      %add3A_474 = arith.addf %add3A_455, %abs3A_473 : vector<16xf32>
      %broadcast_in_dim3A_475 = arith.constant true
      %broadcast_in_dim3A_476 = vector.broadcast %broadcast_in_dim3A_475 : i1 to vector<16xi1>
      %masked_cumsum3A_477 = tpu.scan <sum>, %add3A_474 masked %broadcast_in_dim3A_476 : vector<16xf32>, vector<16xi1> -> vector<16xf32>
      %add3A_478 = arith.constant 384 : i32
      %add3A_479 = arith.addi %add3A_478, %scan3A_396 : i32
      %broadcast_in_dim3A_480 = vector.broadcast %add3A_479 : i32 to vector<16xi32>
      %sub3A_481 = arith.constant 1.200000e+01 : f32
      %sub3A_482 = vector.broadcast %sub3A_481 : f32 to vector<16xf32>
      %sub3A_483 = arith.subf %sub3A_482, %masked_cumsum3A_477 : vector<16xf32>
      tpu.vector_store_idx %arg14[%broadcast_in_dim3A_480], %sub3A_483 masked %eq3A_2 : memref<512xf32, #tpu.memory_space<vmem>>[vector<16xi32>], vector<16xf32>, vector<16xi1>
      %scan3A_484 = arith.constant 2 : i32
      %scan3A_485 = arith.addi %scan3A_312, %scan3A_484 : i32
      %broadcast_in_dim3A_486 = arith.constant 0.000000e+00 : f32
      %broadcast_in_dim3A_487 = vector.broadcast %broadcast_in_dim3A_486 : f32 to vector<16xf32>
      %get3A_488 = arith.constant 1 : i32
      %get3A_489 = arith.index_cast %get3A_488 : i32 to index
      %get3A_490 = arith.index_cast %scan3A_485 : i32 to index
      %get3A_491 = arith.constant 0 : index
      %get3A_492 = tpu.vector_load %arg11[%get3A_489, %get3A_490, %get3A_491] {strides = array<i32>} : memref<2x128x128xf32, #tpu.memory_space<vmem>>, vector<16xf32>,
      %get3A_493 = arith.constant 1 : i32
      %get3A_494 = arith.index_cast %get3A_493 : i32 to index
      %get3A_495 = arith.index_cast %scan3A_485 : i32 to index
      %get3A_496 = arith.constant 0 : index
      %get3A_497 = tpu.vector_load %arg12[%get3A_494, %get3A_495, %get3A_496] {strides = array<i32>} : memref<2x128x128xf32, #tpu.memory_space<vmem>>, vector<16xf32>,
      %add3A_498 = arith.addf %get3A_492, %get3A_497 : vector<16xf32>
      %get3A_499 = arith.constant 1 : i32
      %get3A_500 = arith.index_cast %get3A_499 : i32 to index
      %get3A_501 = arith.index_cast %scan3A_485 : i32 to index
      %get3A_502 = arith.constant 0 : index
      %get3A_503 = tpu.vector_load %arg13[%get3A_500, %get3A_501, %get3A_502] {strides = array<i32>} : memref<2x128x128xf32, #tpu.memory_space<vmem>>, vector<16xf32>,
      %sub3A_504 = arith.subf %add3A_498, %get3A_503 : vector<16xf32>
      %abs3A_505 = math.absf %sub3A_504 : vector<16xf32>
      %add3A_506 = arith.addf %broadcast_in_dim3A_487, %abs3A_505 : vector<16xf32>
      %get3A_507 = arith.constant 1 : i32
      %get3A_508 = arith.index_cast %get3A_507 : i32 to index
      %get3A_509 = arith.index_cast %scan3A_485 : i32 to index
      %get3A_510 = arith.constant 16 : index
      %get3A_511 = tpu.vector_load %arg11[%get3A_508, %get3A_509, %get3A_510] {strides = array<i32>} : memref<2x128x128xf32, #tpu.memory_space<vmem>>, vector<16xf32>,
      %get3A_512 = arith.constant 1 : i32
      %get3A_513 = arith.index_cast %get3A_512 : i32 to index
      %get3A_514 = arith.index_cast %scan3A_485 : i32 to index
      %get3A_515 = arith.constant 16 : index
      %get3A_516 = tpu.vector_load %arg12[%get3A_513, %get3A_514, %get3A_515] {strides = array<i32>} : memref<2x128x128xf32, #tpu.memory_space<vmem>>, vector<16xf32>,
      %add3A_517 = arith.addf %get3A_511, %get3A_516 : vector<16xf32>
      %get3A_518 = arith.constant 1 : i32
      %get3A_519 = arith.index_cast %get3A_518 : i32 to index
      %get3A_520 = arith.index_cast %scan3A_485 : i32 to index
      %get3A_521 = arith.constant 16 : index
      %get3A_522 = tpu.vector_load %arg13[%get3A_519, %get3A_520, %get3A_521] {strides = array<i32>} : memref<2x128x128xf32, #tpu.memory_space<vmem>>, vector<16xf32>,
      %sub3A_523 = arith.subf %add3A_517, %get3A_522 : vector<16xf32>
      %abs3A_524 = math.absf %sub3A_523 : vector<16xf32>
      %add3A_525 = arith.addf %add3A_506, %abs3A_524 : vector<16xf32>
      %get3A_526 = arith.constant 1 : i32
      %get3A_527 = arith.index_cast %get3A_526 : i32 to index
      %get3A_528 = arith.index_cast %scan3A_485 : i32 to index
      %get3A_529 = arith.constant 32 : index
      %get3A_530 = tpu.vector_load %arg11[%get3A_527, %get3A_528, %get3A_529] {strides = array<i32>} : memref<2x128x128xf32, #tpu.memory_space<vmem>>, vector<16xf32>,
      %get3A_531 = arith.constant 1 : i32
      %get3A_532 = arith.index_cast %get3A_531 : i32 to index
      %get3A_533 = arith.index_cast %scan3A_485 : i32 to index
      %get3A_534 = arith.constant 32 : index
      %get3A_535 = tpu.vector_load %arg12[%get3A_532, %get3A_533, %get3A_534] {strides = array<i32>} : memref<2x128x128xf32, #tpu.memory_space<vmem>>, vector<16xf32>,
      %add3A_536 = arith.addf %get3A_530, %get3A_535 : vector<16xf32>
      %get3A_537 = arith.constant 1 : i32
      %get3A_538 = arith.index_cast %get3A_537 : i32 to index
      %get3A_539 = arith.index_cast %scan3A_485 : i32 to index
      %get3A_540 = arith.constant 32 : index
      %get3A_541 = tpu.vector_load %arg13[%get3A_538, %get3A_539, %get3A_540] {strides = array<i32>} : memref<2x128x128xf32, #tpu.memory_space<vmem>>, vector<16xf32>,
      %sub3A_542 = arith.subf %add3A_536, %get3A_541 : vector<16xf32>
      %abs3A_543 = math.absf %sub3A_542 : vector<16xf32>
      %add3A_544 = arith.addf %add3A_525, %abs3A_543 : vector<16xf32>
      %get3A_545 = arith.constant 1 : i32
      %get3A_546 = arith.index_cast %get3A_545 : i32 to index
      %get3A_547 = arith.index_cast %scan3A_485 : i32 to index
      %get3A_548 = arith.constant 48 : index
      %get3A_549 = tpu.vector_load %arg11[%get3A_546, %get3A_547, %get3A_548] {strides = array<i32>} : memref<2x128x128xf32, #tpu.memory_space<vmem>>, vector<16xf32>,
      %get3A_550 = arith.constant 1 : i32
      %get3A_551 = arith.index_cast %get3A_550 : i32 to index
      %get3A_552 = arith.index_cast %scan3A_485 : i32 to index
      %get3A_553 = arith.constant 48 : index
      %get3A_554 = tpu.vector_load %arg12[%get3A_551, %get3A_552, %get3A_553] {strides = array<i32>} : memref<2x128x128xf32, #tpu.memory_space<vmem>>, vector<16xf32>,
      %add3A_555 = arith.addf %get3A_549, %get3A_554 : vector<16xf32>
      %get3A_556 = arith.constant 1 : i32
      %get3A_557 = arith.index_cast %get3A_556 : i32 to index
      %get3A_558 = arith.index_cast %scan3A_485 : i32 to index
      %get3A_559 = arith.constant 48 : index
      %get3A_560 = tpu.vector_load %arg13[%get3A_557, %get3A_558, %get3A_559] {strides = array<i32>} : memref<2x128x128xf32, #tpu.memory_space<vmem>>, vector<16xf32>,
      %sub3A_561 = arith.subf %add3A_555, %get3A_560 : vector<16xf32>
      %abs3A_562 = math.absf %sub3A_561 : vector<16xf32>
      %add3A_563 = arith.addf %add3A_544, %abs3A_562 : vector<16xf32>
      %broadcast_in_dim3A_564 = arith.constant true
      %broadcast_in_dim3A_565 = vector.broadcast %broadcast_in_dim3A_564 : i1 to vector<16xi1>
      %masked_cumsum3A_566 = tpu.scan <sum>, %add3A_563 masked %broadcast_in_dim3A_565 : vector<16xf32>, vector<16xi1> -> vector<16xf32>
      %add3A_567 = arith.constant 384 : i32
      %add3A_568 = arith.addi %add3A_567, %scan3A_485 : i32
      %broadcast_in_dim3A_569 = vector.broadcast %add3A_568 : i32 to vector<16xi32>
      %sub3A_570 = arith.constant 1.200000e+01 : f32
      %sub3A_571 = vector.broadcast %sub3A_570 : f32 to vector<16xf32>
      %sub3A_572 = arith.subf %sub3A_571, %masked_cumsum3A_566 : vector<16xf32>
      tpu.vector_store_idx %arg14[%broadcast_in_dim3A_569], %sub3A_572 masked %eq3A_2 : memref<512xf32, #tpu.memory_space<vmem>>[vector<16xi32>], vector<16xf32>, vector<16xi1>
      %scan3A_573 = arith.constant 3 : i32
      %scan3A_574 = arith.addi %scan3A_312, %scan3A_573 : i32
      %broadcast_in_dim3A_575 = arith.constant 0.000000e+00 : f32
      %broadcast_in_dim3A_576 = vector.broadcast %broadcast_in_dim3A_575 : f32 to vector<16xf32>
      %get3A_577 = arith.constant 1 : i32
      %get3A_578 = arith.index_cast %get3A_577 : i32 to index
      %get3A_579 = arith.index_cast %scan3A_574 : i32 to index
      %get3A_580 = arith.constant 0 : index
      %get3A_581 = tpu.vector_load %arg11[%get3A_578, %get3A_579, %get3A_580] {strides = array<i32>} : memref<2x128x128xf32, #tpu.memory_space<vmem>>, vector<16xf32>,
      %get3A_582 = arith.constant 1 : i32
      %get3A_583 = arith.index_cast %get3A_582 : i32 to index
      %get3A_584 = arith.index_cast %scan3A_574 : i32 to index
      %get3A_585 = arith.constant 0 : index
      %get3A_586 = tpu.vector_load %arg12[%get3A_583, %get3A_584, %get3A_585] {strides = array<i32>} : memref<2x128x128xf32, #tpu.memory_space<vmem>>, vector<16xf32>,
      %add3A_587 = arith.addf %get3A_581, %get3A_586 : vector<16xf32>
      %get3A_588 = arith.constant 1 : i32
      %get3A_589 = arith.index_cast %get3A_588 : i32 to index
      %get3A_590 = arith.index_cast %scan3A_574 : i32 to index
      %get3A_591 = arith.constant 0 : index
      %get3A_592 = tpu.vector_load %arg13[%get3A_589, %get3A_590, %get3A_591] {strides = array<i32>} : memref<2x128x128xf32, #tpu.memory_space<vmem>>, vector<16xf32>,
      %sub3A_593 = arith.subf %add3A_587, %get3A_592 : vector<16xf32>
      %abs3A_594 = math.absf %sub3A_593 : vector<16xf32>
      %add3A_595 = arith.addf %broadcast_in_dim3A_576, %abs3A_594 : vector<16xf32>
      %get3A_596 = arith.constant 1 : i32
      %get3A_597 = arith.index_cast %get3A_596 : i32 to index
      %get3A_598 = arith.index_cast %scan3A_574 : i32 to index
      %get3A_599 = arith.constant 16 : index
      %get3A_600 = tpu.vector_load %arg11[%get3A_597, %get3A_598, %get3A_599] {strides = array<i32>} : memref<2x128x128xf32, #tpu.memory_space<vmem>>, vector<16xf32>,
      %get3A_601 = arith.constant 1 : i32
      %get3A_602 = arith.index_cast %get3A_601 : i32 to index
      %get3A_603 = arith.index_cast %scan3A_574 : i32 to index
      %get3A_604 = arith.constant 16 : index
      %get3A_605 = tpu.vector_load %arg12[%get3A_602, %get3A_603, %get3A_604] {strides = array<i32>} : memref<2x128x128xf32, #tpu.memory_space<vmem>>, vector<16xf32>,
      %add3A_606 = arith.addf %get3A_600, %get3A_605 : vector<16xf32>
      %get3A_607 = arith.constant 1 : i32
      %get3A_608 = arith.index_cast %get3A_607 : i32 to index
      %get3A_609 = arith.index_cast %scan3A_574 : i32 to index
      %get3A_610 = arith.constant 16 : index
      %get3A_611 = tpu.vector_load %arg13[%get3A_608, %get3A_609, %get3A_610] {strides = array<i32>} : memref<2x128x128xf32, #tpu.memory_space<vmem>>, vector<16xf32>,
      %sub3A_612 = arith.subf %add3A_606, %get3A_611 : vector<16xf32>
      %abs3A_613 = math.absf %sub3A_612 : vector<16xf32>
      %add3A_614 = arith.addf %add3A_595, %abs3A_613 : vector<16xf32>
      %get3A_615 = arith.constant 1 : i32
      %get3A_616 = arith.index_cast %get3A_615 : i32 to index
      %get3A_617 = arith.index_cast %scan3A_574 : i32 to index
      %get3A_618 = arith.constant 32 : index
      %get3A_619 = tpu.vector_load %arg11[%get3A_616, %get3A_617, %get3A_618] {strides = array<i32>} : memref<2x128x128xf32, #tpu.memory_space<vmem>>, vector<16xf32>,
      %get3A_620 = arith.constant 1 : i32
      %get3A_621 = arith.index_cast %get3A_620 : i32 to index
      %get3A_622 = arith.index_cast %scan3A_574 : i32 to index
      %get3A_623 = arith.constant 32 : index
      %get3A_624 = tpu.vector_load %arg12[%get3A_621, %get3A_622, %get3A_623] {strides = array<i32>} : memref<2x128x128xf32, #tpu.memory_space<vmem>>, vector<16xf32>,
      %add3A_625 = arith.addf %get3A_619, %get3A_624 : vector<16xf32>
      %get3A_626 = arith.constant 1 : i32
      %get3A_627 = arith.index_cast %get3A_626 : i32 to index
      %get3A_628 = arith.index_cast %scan3A_574 : i32 to index
      %get3A_629 = arith.constant 32 : index
      %get3A_630 = tpu.vector_load %arg13[%get3A_627, %get3A_628, %get3A_629] {strides = array<i32>} : memref<2x128x128xf32, #tpu.memory_space<vmem>>, vector<16xf32>,
      %sub3A_631 = arith.subf %add3A_625, %get3A_630 : vector<16xf32>
      %abs3A_632 = math.absf %sub3A_631 : vector<16xf32>
      %add3A_633 = arith.addf %add3A_614, %abs3A_632 : vector<16xf32>
      %get3A_634 = arith.constant 1 : i32
      %get3A_635 = arith.index_cast %get3A_634 : i32 to index
      %get3A_636 = arith.index_cast %scan3A_574 : i32 to index
      %get3A_637 = arith.constant 48 : index
      %get3A_638 = tpu.vector_load %arg11[%get3A_635, %get3A_636, %get3A_637] {strides = array<i32>} : memref<2x128x128xf32, #tpu.memory_space<vmem>>, vector<16xf32>,
      %get3A_639 = arith.constant 1 : i32
      %get3A_640 = arith.index_cast %get3A_639 : i32 to index
      %get3A_641 = arith.index_cast %scan3A_574 : i32 to index
      %get3A_642 = arith.constant 48 : index
      %get3A_643 = tpu.vector_load %arg12[%get3A_640, %get3A_641, %get3A_642] {strides = array<i32>} : memref<2x128x128xf32, #tpu.memory_space<vmem>>, vector<16xf32>,
      %add3A_644 = arith.addf %get3A_638, %get3A_643 : vector<16xf32>
      %get3A_645 = arith.constant 1 : i32
      %get3A_646 = arith.index_cast %get3A_645 : i32 to index
      %get3A_647 = arith.index_cast %scan3A_574 : i32 to index
      %get3A_648 = arith.constant 48 : index
      %get3A_649 = tpu.vector_load %arg13[%get3A_646, %get3A_647, %get3A_648] {strides = array<i32>} : memref<2x128x128xf32, #tpu.memory_space<vmem>>, vector<16xf32>,
      %sub3A_650 = arith.subf %add3A_644, %get3A_649 : vector<16xf32>
      %abs3A_651 = math.absf %sub3A_650 : vector<16xf32>
      %add3A_652 = arith.addf %add3A_633, %abs3A_651 : vector<16xf32>
      %broadcast_in_dim3A_653 = arith.constant true
      %broadcast_in_dim3A_654 = vector.broadcast %broadcast_in_dim3A_653 : i1 to vector<16xi1>
      %masked_cumsum3A_655 = tpu.scan <sum>, %add3A_652 masked %broadcast_in_dim3A_654 : vector<16xf32>, vector<16xi1> -> vector<16xf32>
      %add3A_656 = arith.constant 384 : i32
      %add3A_657 = arith.addi %add3A_656, %scan3A_574 : i32
      %broadcast_in_dim3A_658 = vector.broadcast %add3A_657 : i32 to vector<16xi32>
      %sub3A_659 = arith.constant 1.200000e+01 : f32
      %sub3A_660 = vector.broadcast %sub3A_659 : f32 to vector<16xf32>
      %sub3A_661 = arith.subf %sub3A_660, %masked_cumsum3A_655 : vector<16xf32>
      tpu.vector_store_idx %arg14[%broadcast_in_dim3A_658], %sub3A_661 masked %eq3A_2 : memref<512xf32, #tpu.memory_space<vmem>>[vector<16xi32>], vector<16xf32>, vector<16xi1>
      %scan3A_662 = arith.constant 4 : i32
      %scan3A_663 = arith.addi %scan3A_312, %scan3A_662 : i32
      %broadcast_in_dim3A_664 = arith.constant 0.000000e+00 : f32
      %broadcast_in_dim3A_665 = vector.broadcast %broadcast_in_dim3A_664 : f32 to vector<16xf32>
      %get3A_666 = arith.constant 1 : i32
      %get3A_667 = arith.index_cast %get3A_666 : i32 to index
      %get3A_668 = arith.index_cast %scan3A_663 : i32 to index
      %get3A_669 = arith.constant 0 : index
      %get3A_670 = tpu.vector_load %arg11[%get3A_667, %get3A_668, %get3A_669] {strides = array<i32>} : memref<2x128x128xf32, #tpu.memory_space<vmem>>, vector<16xf32>,
      %get3A_671 = arith.constant 1 : i32
      %get3A_672 = arith.index_cast %get3A_671 : i32 to index
      %get3A_673 = arith.index_cast %scan3A_663 : i32 to index
      %get3A_674 = arith.constant 0 : index
      %get3A_675 = tpu.vector_load %arg12[%get3A_672, %get3A_673, %get3A_674] {strides = array<i32>} : memref<2x128x128xf32, #tpu.memory_space<vmem>>, vector<16xf32>,
      %add3A_676 = arith.addf %get3A_670, %get3A_675 : vector<16xf32>
      %get3A_677 = arith.constant 1 : i32
      %get3A_678 = arith.index_cast %get3A_677 : i32 to index
      %get3A_679 = arith.index_cast %scan3A_663 : i32 to index
      %get3A_680 = arith.constant 0 : index
      %get3A_681 = tpu.vector_load %arg13[%get3A_678, %get3A_679, %get3A_680] {strides = array<i32>} : memref<2x128x128xf32, #tpu.memory_space<vmem>>, vector<16xf32>,
      %sub3A_682 = arith.subf %add3A_676, %get3A_681 : vector<16xf32>
      %abs3A_683 = math.absf %sub3A_682 : vector<16xf32>
      %add3A_684 = arith.addf %broadcast_in_dim3A_665, %abs3A_683 : vector<16xf32>
      %get3A_685 = arith.constant 1 : i32
      %get3A_686 = arith.index_cast %get3A_685 : i32 to index
      %get3A_687 = arith.index_cast %scan3A_663 : i32 to index
      %get3A_688 = arith.constant 16 : index
      %get3A_689 = tpu.vector_load %arg11[%get3A_686, %get3A_687, %get3A_688] {strides = array<i32>} : memref<2x128x128xf32, #tpu.memory_space<vmem>>, vector<16xf32>,
      %get3A_690 = arith.constant 1 : i32
      %get3A_691 = arith.index_cast %get3A_690 : i32 to index
      %get3A_692 = arith.index_cast %scan3A_663 : i32 to index
      %get3A_693 = arith.constant 16 : index
      %get3A_694 = tpu.vector_load %arg12[%get3A_691, %get3A_692, %get3A_693] {strides = array<i32>} : memref<2x128x128xf32, #tpu.memory_space<vmem>>, vector<16xf32>,
      %add3A_695 = arith.addf %get3A_689, %get3A_694 : vector<16xf32>
      %get3A_696 = arith.constant 1 : i32
      %get3A_697 = arith.index_cast %get3A_696 : i32 to index
      %get3A_698 = arith.index_cast %scan3A_663 : i32 to index
      %get3A_699 = arith.constant 16 : index
      %get3A_700 = tpu.vector_load %arg13[%get3A_697, %get3A_698, %get3A_699] {strides = array<i32>} : memref<2x128x128xf32, #tpu.memory_space<vmem>>, vector<16xf32>,
      %sub3A_701 = arith.subf %add3A_695, %get3A_700 : vector<16xf32>
      %abs3A_702 = math.absf %sub3A_701 : vector<16xf32>
      %add3A_703 = arith.addf %add3A_684, %abs3A_702 : vector<16xf32>
      %get3A_704 = arith.constant 1 : i32
      %get3A_705 = arith.index_cast %get3A_704 : i32 to index
      %get3A_706 = arith.index_cast %scan3A_663 : i32 to index
      %get3A_707 = arith.constant 32 : index
      %get3A_708 = tpu.vector_load %arg11[%get3A_705, %get3A_706, %get3A_707] {strides = array<i32>} : memref<2x128x128xf32, #tpu.memory_space<vmem>>, vector<16xf32>,
      %get3A_709 = arith.constant 1 : i32
      %get3A_710 = arith.index_cast %get3A_709 : i32 to index
      %get3A_711 = arith.index_cast %scan3A_663 : i32 to index
      %get3A_712 = arith.constant 32 : index
      %get3A_713 = tpu.vector_load %arg12[%get3A_710, %get3A_711, %get3A_712] {strides = array<i32>} : memref<2x128x128xf32, #tpu.memory_space<vmem>>, vector<16xf32>,
      %add3A_714 = arith.addf %get3A_708, %get3A_713 : vector<16xf32>
      %get3A_715 = arith.constant 1 : i32
      %get3A_716 = arith.index_cast %get3A_715 : i32 to index
      %get3A_717 = arith.index_cast %scan3A_663 : i32 to index
      %get3A_718 = arith.constant 32 : index
      %get3A_719 = tpu.vector_load %arg13[%get3A_716, %get3A_717, %get3A_718] {strides = array<i32>} : memref<2x128x128xf32, #tpu.memory_space<vmem>>, vector<16xf32>,
      %sub3A_720 = arith.subf %add3A_714, %get3A_719 : vector<16xf32>
      %abs3A_721 = math.absf %sub3A_720 : vector<16xf32>
      %add3A_722 = arith.addf %add3A_703, %abs3A_721 : vector<16xf32>
      %get3A_723 = arith.constant 1 : i32
      %get3A_724 = arith.index_cast %get3A_723 : i32 to index
      %get3A_725 = arith.index_cast %scan3A_663 : i32 to index
      %get3A_726 = arith.constant 48 : index
      %get3A_727 = tpu.vector_load %arg11[%get3A_724, %get3A_725, %get3A_726] {strides = array<i32>} : memref<2x128x128xf32, #tpu.memory_space<vmem>>, vector<16xf32>,
      %get3A_728 = arith.constant 1 : i32
      %get3A_729 = arith.index_cast %get3A_728 : i32 to index
      %get3A_730 = arith.index_cast %scan3A_663 : i32 to index
      %get3A_731 = arith.constant 48 : index
      %get3A_732 = tpu.vector_load %arg12[%get3A_729, %get3A_730, %get3A_731] {strides = array<i32>} : memref<2x128x128xf32, #tpu.memory_space<vmem>>, vector<16xf32>,
      %add3A_733 = arith.addf %get3A_727, %get3A_732 : vector<16xf32>
      %get3A_734 = arith.constant 1 : i32
      %get3A_735 = arith.index_cast %get3A_734 : i32 to index
      %get3A_736 = arith.index_cast %scan3A_663 : i32 to index
      %get3A_737 = arith.constant 48 : index
      %get3A_738 = tpu.vector_load %arg13[%get3A_735, %get3A_736, %get3A_737] {strides = array<i32>} : memref<2x128x128xf32, #tpu.memory_space<vmem>>, vector<16xf32>,
      %sub3A_739 = arith.subf %add3A_733, %get3A_738 : vector<16xf32>
      %abs3A_740 = math.absf %sub3A_739 : vector<16xf32>
      %add3A_741 = arith.addf %add3A_722, %abs3A_740 : vector<16xf32>
      %broadcast_in_dim3A_742 = arith.constant true
      %broadcast_in_dim3A_743 = vector.broadcast %broadcast_in_dim3A_742 : i1 to vector<16xi1>
      %masked_cumsum3A_744 = tpu.scan <sum>, %add3A_741 masked %broadcast_in_dim3A_743 : vector<16xf32>, vector<16xi1> -> vector<16xf32>
      %add3A_745 = arith.constant 384 : i32
      %add3A_746 = arith.addi %add3A_745, %scan3A_663 : i32
      %broadcast_in_dim3A_747 = vector.broadcast %add3A_746 : i32 to vector<16xi32>
      %sub3A_748 = arith.constant 1.200000e+01 : f32
      %sub3A_749 = vector.broadcast %sub3A_748 : f32 to vector<16xf32>
      %sub3A_750 = arith.subf %sub3A_749, %masked_cumsum3A_744 : vector<16xf32>
      tpu.vector_store_idx %arg14[%broadcast_in_dim3A_747], %sub3A_750 masked %eq3A_2 : memref<512xf32, #tpu.memory_space<vmem>>[vector<16xi32>], vector<16xf32>, vector<16xi1>
      %scan3A_751 = arith.constant 5 : i32
      %scan3A_752 = arith.addi %scan3A_312, %scan3A_751 : i32
      %broadcast_in_dim3A_753 = arith.constant 0.000000e+00 : f32
      %broadcast_in_dim3A_754 = vector.broadcast %broadcast_in_dim3A_753 : f32 to vector<16xf32>
      %get3A_755 = arith.constant 1 : i32
      %get3A_756 = arith.index_cast %get3A_755 : i32 to index
      %get3A_757 = arith.index_cast %scan3A_752 : i32 to index
      %get3A_758 = arith.constant 0 : index
      %get3A_759 = tpu.vector_load %arg11[%get3A_756, %get3A_757, %get3A_758] {strides = array<i32>} : memref<2x128x128xf32, #tpu.memory_space<vmem>>, vector<16xf32>,
      %get3A_760 = arith.constant 1 : i32
      %get3A_761 = arith.index_cast %get3A_760 : i32 to index
      %get3A_762 = arith.index_cast %scan3A_752 : i32 to index
      %get3A_763 = arith.constant 0 : index
      %get3A_764 = tpu.vector_load %arg12[%get3A_761, %get3A_762, %get3A_763] {strides = array<i32>} : memref<2x128x128xf32, #tpu.memory_space<vmem>>, vector<16xf32>,
      %add3A_765 = arith.addf %get3A_759, %get3A_764 : vector<16xf32>
      %get3A_766 = arith.constant 1 : i32
      %get3A_767 = arith.index_cast %get3A_766 : i32 to index
      %get3A_768 = arith.index_cast %scan3A_752 : i32 to index
      %get3A_769 = arith.constant 0 : index
      %get3A_770 = tpu.vector_load %arg13[%get3A_767, %get3A_768, %get3A_769] {strides = array<i32>} : memref<2x128x128xf32, #tpu.memory_space<vmem>>, vector<16xf32>,
      %sub3A_771 = arith.subf %add3A_765, %get3A_770 : vector<16xf32>
      %abs3A_772 = math.absf %sub3A_771 : vector<16xf32>
      %add3A_773 = arith.addf %broadcast_in_dim3A_754, %abs3A_772 : vector<16xf32>
      %get3A_774 = arith.constant 1 : i32
      %get3A_775 = arith.index_cast %get3A_774 : i32 to index
      %get3A_776 = arith.index_cast %scan3A_752 : i32 to index
      %get3A_777 = arith.constant 16 : index
      %get3A_778 = tpu.vector_load %arg11[%get3A_775, %get3A_776, %get3A_777] {strides = array<i32>} : memref<2x128x128xf32, #tpu.memory_space<vmem>>, vector<16xf32>,
      %get3A_779 = arith.constant 1 : i32
      %get3A_780 = arith.index_cast %get3A_779 : i32 to index
      %get3A_781 = arith.index_cast %scan3A_752 : i32 to index
      %get3A_782 = arith.constant 16 : index
      %get3A_783 = tpu.vector_load %arg12[%get3A_780, %get3A_781, %get3A_782] {strides = array<i32>} : memref<2x128x128xf32, #tpu.memory_space<vmem>>, vector<16xf32>,
      %add3A_784 = arith.addf %get3A_778, %get3A_783 : vector<16xf32>
      %get3A_785 = arith.constant 1 : i32
      %get3A_786 = arith.index_cast %get3A_785 : i32 to index
      %get3A_787 = arith.index_cast %scan3A_752 : i32 to index
      %get3A_788 = arith.constant 16 : index
      %get3A_789 = tpu.vector_load %arg13[%get3A_786, %get3A_787, %get3A_788] {strides = array<i32>} : memref<2x128x128xf32, #tpu.memory_space<vmem>>, vector<16xf32>,
      %sub3A_790 = arith.subf %add3A_784, %get3A_789 : vector<16xf32>
      %abs3A_791 = math.absf %sub3A_790 : vector<16xf32>
      %add3A_792 = arith.addf %add3A_773, %abs3A_791 : vector<16xf32>
      %get3A_793 = arith.constant 1 : i32
      %get3A_794 = arith.index_cast %get3A_793 : i32 to index
      %get3A_795 = arith.index_cast %scan3A_752 : i32 to index
      %get3A_796 = arith.constant 32 : index
      %get3A_797 = tpu.vector_load %arg11[%get3A_794, %get3A_795, %get3A_796] {strides = array<i32>} : memref<2x128x128xf32, #tpu.memory_space<vmem>>, vector<16xf32>,
      %get3A_798 = arith.constant 1 : i32
      %get3A_799 = arith.index_cast %get3A_798 : i32 to index
      %get3A_800 = arith.index_cast %scan3A_752 : i32 to index
      %get3A_801 = arith.constant 32 : index
      %get3A_802 = tpu.vector_load %arg12[%get3A_799, %get3A_800, %get3A_801] {strides = array<i32>} : memref<2x128x128xf32, #tpu.memory_space<vmem>>, vector<16xf32>,
      %add3A_803 = arith.addf %get3A_797, %get3A_802 : vector<16xf32>
      %get3A_804 = arith.constant 1 : i32
      %get3A_805 = arith.index_cast %get3A_804 : i32 to index
      %get3A_806 = arith.index_cast %scan3A_752 : i32 to index
      %get3A_807 = arith.constant 32 : index
      %get3A_808 = tpu.vector_load %arg13[%get3A_805, %get3A_806, %get3A_807] {strides = array<i32>} : memref<2x128x128xf32, #tpu.memory_space<vmem>>, vector<16xf32>,
      %sub3A_809 = arith.subf %add3A_803, %get3A_808 : vector<16xf32>
      %abs3A_810 = math.absf %sub3A_809 : vector<16xf32>
      %add3A_811 = arith.addf %add3A_792, %abs3A_810 : vector<16xf32>
      %get3A_812 = arith.constant 1 : i32
      %get3A_813 = arith.index_cast %get3A_812 : i32 to index
      %get3A_814 = arith.index_cast %scan3A_752 : i32 to index
      %get3A_815 = arith.constant 48 : index
      %get3A_816 = tpu.vector_load %arg11[%get3A_813, %get3A_814, %get3A_815] {strides = array<i32>} : memref<2x128x128xf32, #tpu.memory_space<vmem>>, vector<16xf32>,
      %get3A_817 = arith.constant 1 : i32
      %get3A_818 = arith.index_cast %get3A_817 : i32 to index
      %get3A_819 = arith.index_cast %scan3A_752 : i32 to index
      %get3A_820 = arith.constant 48 : index
      %get3A_821 = tpu.vector_load %arg12[%get3A_818, %get3A_819, %get3A_820] {strides = array<i32>} : memref<2x128x128xf32, #tpu.memory_space<vmem>>, vector<16xf32>,
      %add3A_822 = arith.addf %get3A_816, %get3A_821 : vector<16xf32>
      %get3A_823 = arith.constant 1 : i32
      %get3A_824 = arith.index_cast %get3A_823 : i32 to index
      %get3A_825 = arith.index_cast %scan3A_752 : i32 to index
      %get3A_826 = arith.constant 48 : index
      %get3A_827 = tpu.vector_load %arg13[%get3A_824, %get3A_825, %get3A_826] {strides = array<i32>} : memref<2x128x128xf32, #tpu.memory_space<vmem>>, vector<16xf32>,
      %sub3A_828 = arith.subf %add3A_822, %get3A_827 : vector<16xf32>
      %abs3A_829 = math.absf %sub3A_828 : vector<16xf32>
      %add3A_830 = arith.addf %add3A_811, %abs3A_829 : vector<16xf32>
      %broadcast_in_dim3A_831 = arith.constant true
      %broadcast_in_dim3A_832 = vector.broadcast %broadcast_in_dim3A_831 : i1 to vector<16xi1>
      %masked_cumsum3A_833 = tpu.scan <sum>, %add3A_830 masked %broadcast_in_dim3A_832 : vector<16xf32>, vector<16xi1> -> vector<16xf32>
      %add3A_834 = arith.constant 384 : i32
      %add3A_835 = arith.addi %add3A_834, %scan3A_752 : i32
      %broadcast_in_dim3A_836 = vector.broadcast %add3A_835 : i32 to vector<16xi32>
      %sub3A_837 = arith.constant 1.200000e+01 : f32
      %sub3A_838 = vector.broadcast %sub3A_837 : f32 to vector<16xf32>
      %sub3A_839 = arith.subf %sub3A_838, %masked_cumsum3A_833 : vector<16xf32>
      tpu.vector_store_idx %arg14[%broadcast_in_dim3A_836], %sub3A_839 masked %eq3A_2 : memref<512xf32, #tpu.memory_space<vmem>>[vector<16xi32>], vector<16xf32>, vector<16xi1>
      %scan3A_840 = arith.constant 6 : i32
      %scan3A_841 = arith.addi %scan3A_312, %scan3A_840 : i32
      %broadcast_in_dim3A_842 = arith.constant 0.000000e+00 : f32
      %broadcast_in_dim3A_843 = vector.broadcast %broadcast_in_dim3A_842 : f32 to vector<16xf32>
      %get3A_844 = arith.constant 1 : i32
      %get3A_845 = arith.index_cast %get3A_844 : i32 to index
      %get3A_846 = arith.index_cast %scan3A_841 : i32 to index
      %get3A_847 = arith.constant 0 : index
      %get3A_848 = tpu.vector_load %arg11[%get3A_845, %get3A_846, %get3A_847] {strides = array<i32>} : memref<2x128x128xf32, #tpu.memory_space<vmem>>, vector<16xf32>,
      %get3A_849 = arith.constant 1 : i32
      %get3A_850 = arith.index_cast %get3A_849 : i32 to index
      %get3A_851 = arith.index_cast %scan3A_841 : i32 to index
      %get3A_852 = arith.constant 0 : index
      %get3A_853 = tpu.vector_load %arg12[%get3A_850, %get3A_851, %get3A_852] {strides = array<i32>} : memref<2x128x128xf32, #tpu.memory_space<vmem>>, vector<16xf32>,
      %add3A_854 = arith.addf %get3A_848, %get3A_853 : vector<16xf32>
      %get3A_855 = arith.constant 1 : i32
      %get3A_856 = arith.index_cast %get3A_855 : i32 to index
      %get3A_857 = arith.index_cast %scan3A_841 : i32 to index
      %get3A_858 = arith.constant 0 : index
      %get3A_859 = tpu.vector_load %arg13[%get3A_856, %get3A_857, %get3A_858] {strides = array<i32>} : memref<2x128x128xf32, #tpu.memory_space<vmem>>, vector<16xf32>,
      %sub3A_860 = arith.subf %add3A_854, %get3A_859 : vector<16xf32>
      %abs3A_861 = math.absf %sub3A_860 : vector<16xf32>
      %add3A_862 = arith.addf %broadcast_in_dim3A_843, %abs3A_861 : vector<16xf32>
      %get3A_863 = arith.constant 1 : i32
      %get3A_864 = arith.index_cast %get3A_863 : i32 to index
      %get3A_865 = arith.index_cast %scan3A_841 : i32 to index
      %get3A_866 = arith.constant 16 : index
      %get3A_867 = tpu.vector_load %arg11[%get3A_864, %get3A_865, %get3A_866] {strides = array<i32>} : memref<2x128x128xf32, #tpu.memory_space<vmem>>, vector<16xf32>,
      %get3A_868 = arith.constant 1 : i32
      %get3A_869 = arith.index_cast %get3A_868 : i32 to index
      %get3A_870 = arith.index_cast %scan3A_841 : i32 to index
      %get3A_871 = arith.constant 16 : index
      %get3A_872 = tpu.vector_load %arg12[%get3A_869, %get3A_870, %get3A_871] {strides = array<i32>} : memref<2x128x128xf32, #tpu.memory_space<vmem>>, vector<16xf32>,
      %add3A_873 = arith.addf %get3A_867, %get3A_872 : vector<16xf32>
      %get3A_874 = arith.constant 1 : i32
      %get3A_875 = arith.index_cast %get3A_874 : i32 to index
      %get3A_876 = arith.index_cast %scan3A_841 : i32 to index
      %get3A_877 = arith.constant 16 : index
      %get3A_878 = tpu.vector_load %arg13[%get3A_875, %get3A_876, %get3A_877] {strides = array<i32>} : memref<2x128x128xf32, #tpu.memory_space<vmem>>, vector<16xf32>,
      %sub3A_879 = arith.subf %add3A_873, %get3A_878 : vector<16xf32>
      %abs3A_880 = math.absf %sub3A_879 : vector<16xf32>
      %add3A_881 = arith.addf %add3A_862, %abs3A_880 : vector<16xf32>
      %get3A_882 = arith.constant 1 : i32
      %get3A_883 = arith.index_cast %get3A_882 : i32 to index
      %get3A_884 = arith.index_cast %scan3A_841 : i32 to index
      %get3A_885 = arith.constant 32 : index
      %get3A_886 = tpu.vector_load %arg11[%get3A_883, %get3A_884, %get3A_885] {strides = array<i32>} : memref<2x128x128xf32, #tpu.memory_space<vmem>>, vector<16xf32>,
      %get3A_887 = arith.constant 1 : i32
      %get3A_888 = arith.index_cast %get3A_887 : i32 to index
      %get3A_889 = arith.index_cast %scan3A_841 : i32 to index
      %get3A_890 = arith.constant 32 : index
      %get3A_891 = tpu.vector_load %arg12[%get3A_888, %get3A_889, %get3A_890] {strides = array<i32>} : memref<2x128x128xf32, #tpu.memory_space<vmem>>, vector<16xf32>,
      %add3A_892 = arith.addf %get3A_886, %get3A_891 : vector<16xf32>
      %get3A_893 = arith.constant 1 : i32
      %get3A_894 = arith.index_cast %get3A_893 : i32 to index
      %get3A_895 = arith.index_cast %scan3A_841 : i32 to index
      %get3A_896 = arith.constant 32 : index
      %get3A_897 = tpu.vector_load %arg13[%get3A_894, %get3A_895, %get3A_896] {strides = array<i32>} : memref<2x128x128xf32, #tpu.memory_space<vmem>>, vector<16xf32>,
      %sub3A_898 = arith.subf %add3A_892, %get3A_897 : vector<16xf32>
      %abs3A_899 = math.absf %sub3A_898 : vector<16xf32>
      %add3A_900 = arith.addf %add3A_881, %abs3A_899 : vector<16xf32>
      %get3A_901 = arith.constant 1 : i32
      %get3A_902 = arith.index_cast %get3A_901 : i32 to index
      %get3A_903 = arith.index_cast %scan3A_841 : i32 to index
      %get3A_904 = arith.constant 48 : index
      %get3A_905 = tpu.vector_load %arg11[%get3A_902, %get3A_903, %get3A_904] {strides = array<i32>} : memref<2x128x128xf32, #tpu.memory_space<vmem>>, vector<16xf32>,
      %get3A_906 = arith.constant 1 : i32
      %get3A_907 = arith.index_cast %get3A_906 : i32 to index
      %get3A_908 = arith.index_cast %scan3A_841 : i32 to index
      %get3A_909 = arith.constant 48 : index
      %get3A_910 = tpu.vector_load %arg12[%get3A_907, %get3A_908, %get3A_909] {strides = array<i32>} : memref<2x128x128xf32, #tpu.memory_space<vmem>>, vector<16xf32>,
      %add3A_911 = arith.addf %get3A_905, %get3A_910 : vector<16xf32>
      %get3A_912 = arith.constant 1 : i32
      %get3A_913 = arith.index_cast %get3A_912 : i32 to index
      %get3A_914 = arith.index_cast %scan3A_841 : i32 to index
      %get3A_915 = arith.constant 48 : index
      %get3A_916 = tpu.vector_load %arg13[%get3A_913, %get3A_914, %get3A_915] {strides = array<i32>} : memref<2x128x128xf32, #tpu.memory_space<vmem>>, vector<16xf32>,
      %sub3A_917 = arith.subf %add3A_911, %get3A_916 : vector<16xf32>
      %abs3A_918 = math.absf %sub3A_917 : vector<16xf32>
      %add3A_919 = arith.addf %add3A_900, %abs3A_918 : vector<16xf32>
      %broadcast_in_dim3A_920 = arith.constant true
      %broadcast_in_dim3A_921 = vector.broadcast %broadcast_in_dim3A_920 : i1 to vector<16xi1>
      %masked_cumsum3A_922 = tpu.scan <sum>, %add3A_919 masked %broadcast_in_dim3A_921 : vector<16xf32>, vector<16xi1> -> vector<16xf32>
      %add3A_923 = arith.constant 384 : i32
      %add3A_924 = arith.addi %add3A_923, %scan3A_841 : i32
      %broadcast_in_dim3A_925 = vector.broadcast %add3A_924 : i32 to vector<16xi32>
      %sub3A_926 = arith.constant 1.200000e+01 : f32
      %sub3A_927 = vector.broadcast %sub3A_926 : f32 to vector<16xf32>
      %sub3A_928 = arith.subf %sub3A_927, %masked_cumsum3A_922 : vector<16xf32>
      tpu.vector_store_idx %arg14[%broadcast_in_dim3A_925], %sub3A_928 masked %eq3A_2 : memref<512xf32, #tpu.memory_space<vmem>>[vector<16xi32>], vector<16xf32>, vector<16xi1>
      %scan3A_929 = arith.constant 7 : i32
      %scan3A_930 = arith.addi %scan3A_312, %scan3A_929 : i32
      %broadcast_in_dim3A_931 = arith.constant 0.000000e+00 : f32
      %broadcast_in_dim3A_932 = vector.broadcast %broadcast_in_dim3A_931 : f32 to vector<16xf32>
      %get3A_933 = arith.constant 1 : i32
      %get3A_934 = arith.index_cast %get3A_933 : i32 to index
      %get3A_935 = arith.index_cast %scan3A_930 : i32 to index
      %get3A_936 = arith.constant 0 : index
      %get3A_937 = tpu.vector_load %arg11[%get3A_934, %get3A_935, %get3A_936] {strides = array<i32>} : memref<2x128x128xf32, #tpu.memory_space<vmem>>, vector<16xf32>,
      %get3A_938 = arith.constant 1 : i32
      %get3A_939 = arith.index_cast %get3A_938 : i32 to index
      %get3A_940 = arith.index_cast %scan3A_930 : i32 to index
      %get3A_941 = arith.constant 0 : index
      %get3A_942 = tpu.vector_load %arg12[%get3A_939, %get3A_940, %get3A_941] {strides = array<i32>} : memref<2x128x128xf32, #tpu.memory_space<vmem>>, vector<16xf32>,
      %add3A_943 = arith.addf %get3A_937, %get3A_942 : vector<16xf32>
      %get3A_944 = arith.constant 1 : i32
      %get3A_945 = arith.index_cast %get3A_944 : i32 to index
      %get3A_946 = arith.index_cast %scan3A_930 : i32 to index
      %get3A_947 = arith.constant 0 : index
      %get3A_948 = tpu.vector_load %arg13[%get3A_945, %get3A_946, %get3A_947] {strides = array<i32>} : memref<2x128x128xf32, #tpu.memory_space<vmem>>, vector<16xf32>,
      %sub3A_949 = arith.subf %add3A_943, %get3A_948 : vector<16xf32>
      %abs3A_950 = math.absf %sub3A_949 : vector<16xf32>
      %add3A_951 = arith.addf %broadcast_in_dim3A_932, %abs3A_950 : vector<16xf32>
      %get3A_952 = arith.constant 1 : i32
      %get3A_953 = arith.index_cast %get3A_952 : i32 to index
      %get3A_954 = arith.index_cast %scan3A_930 : i32 to index
      %get3A_955 = arith.constant 16 : index
      %get3A_956 = tpu.vector_load %arg11[%get3A_953, %get3A_954, %get3A_955] {strides = array<i32>} : memref<2x128x128xf32, #tpu.memory_space<vmem>>, vector<16xf32>,
      %get3A_957 = arith.constant 1 : i32
      %get3A_958 = arith.index_cast %get3A_957 : i32 to index
      %get3A_959 = arith.index_cast %scan3A_930 : i32 to index
      %get3A_960 = arith.constant 16 : index
      %get3A_961 = tpu.vector_load %arg12[%get3A_958, %get3A_959, %get3A_960] {strides = array<i32>} : memref<2x128x128xf32, #tpu.memory_space<vmem>>, vector<16xf32>,
      %add3A_962 = arith.addf %get3A_956, %get3A_961 : vector<16xf32>
      %get3A_963 = arith.constant 1 : i32
      %get3A_964 = arith.index_cast %get3A_963 : i32 to index
      %get3A_965 = arith.index_cast %scan3A_930 : i32 to index
      %get3A_966 = arith.constant 16 : index
      %get3A_967 = tpu.vector_load %arg13[%get3A_964, %get3A_965, %get3A_966] {strides = array<i32>} : memref<2x128x128xf32, #tpu.memory_space<vmem>>, vector<16xf32>,
      %sub3A_968 = arith.subf %add3A_962, %get3A_967 : vector<16xf32>
      %abs3A_969 = math.absf %sub3A_968 : vector<16xf32>
      %add3A_970 = arith.addf %add3A_951, %abs3A_969 : vector<16xf32>
      %get3A_971 = arith.constant 1 : i32
      %get3A_972 = arith.index_cast %get3A_971 : i32 to index
      %get3A_973 = arith.index_cast %scan3A_930 : i32 to index
      %get3A_974 = arith.constant 32 : index
      %get3A_975 = tpu.vector_load %arg11[%get3A_972, %get3A_973, %get3A_974] {strides = array<i32>} : memref<2x128x128xf32, #tpu.memory_space<vmem>>, vector<16xf32>,
      %get3A_976 = arith.constant 1 : i32
      %get3A_977 = arith.index_cast %get3A_976 : i32 to index
      %get3A_978 = arith.index_cast %scan3A_930 : i32 to index
      %get3A_979 = arith.constant 32 : index
      %get3A_980 = tpu.vector_load %arg12[%get3A_977, %get3A_978, %get3A_979] {strides = array<i32>} : memref<2x128x128xf32, #tpu.memory_space<vmem>>, vector<16xf32>,
      %add3A_981 = arith.addf %get3A_975, %get3A_980 : vector<16xf32>
      %get3A_982 = arith.constant 1 : i32
      %get3A_983 = arith.index_cast %get3A_982 : i32 to index
      %get3A_984 = arith.index_cast %scan3A_930 : i32 to index
      %get3A_985 = arith.constant 32 : index
      %get3A_986 = tpu.vector_load %arg13[%get3A_983, %get3A_984, %get3A_985] {strides = array<i32>} : memref<2x128x128xf32, #tpu.memory_space<vmem>>, vector<16xf32>,
      %sub3A_987 = arith.subf %add3A_981, %get3A_986 : vector<16xf32>
      %abs3A_988 = math.absf %sub3A_987 : vector<16xf32>
      %add3A_989 = arith.addf %add3A_970, %abs3A_988 : vector<16xf32>
      %get3A_990 = arith.constant 1 : i32
      %get3A_991 = arith.index_cast %get3A_990 : i32 to index
      %get3A_992 = arith.index_cast %scan3A_930 : i32 to index
      %get3A_993 = arith.constant 48 : index
      %get3A_994 = tpu.vector_load %arg11[%get3A_991, %get3A_992, %get3A_993] {strides = array<i32>} : memref<2x128x128xf32, #tpu.memory_space<vmem>>, vector<16xf32>,
      %get3A_995 = arith.constant 1 : i32
      %get3A_996 = arith.index_cast %get3A_995 : i32 to index
      %get3A_997 = arith.index_cast %scan3A_930 : i32 to index
      %get3A_998 = arith.constant 48 : index
      %get3A_999 = tpu.vector_load %arg12[%get3A_996, %get3A_997, %get3A_998] {strides = array<i32>} : memref<2x128x128xf32, #tpu.memory_space<vmem>>, vector<16xf32>,
      %add3A_1000 = arith.addf %get3A_994, %get3A_999 : vector<16xf32>
      %get3A_1001 = arith.constant 1 : i32
      %get3A_1002 = arith.index_cast %get3A_1001 : i32 to index
      %get3A_1003 = arith.index_cast %scan3A_930 : i32 to index
      %get3A_1004 = arith.constant 48 : index
      %get3A_1005 = tpu.vector_load %arg13[%get3A_1002, %get3A_1003, %get3A_1004] {strides = array<i32>} : memref<2x128x128xf32, #tpu.memory_space<vmem>>, vector<16xf32>,
      %sub3A_1006 = arith.subf %add3A_1000, %get3A_1005 : vector<16xf32>
      %abs3A_1007 = math.absf %sub3A_1006 : vector<16xf32>
      %add3A_1008 = arith.addf %add3A_989, %abs3A_1007 : vector<16xf32>
      %broadcast_in_dim3A_1009 = arith.constant true
      %broadcast_in_dim3A_1010 = vector.broadcast %broadcast_in_dim3A_1009 : i1 to vector<16xi1>
      %masked_cumsum3A_1011 = tpu.scan <sum>, %add3A_1008 masked %broadcast_in_dim3A_1010 : vector<16xf32>, vector<16xi1> -> vector<16xf32>
      %add3A_1012 = arith.constant 384 : i32
      %add3A_1013 = arith.addi %add3A_1012, %scan3A_930 : i32
      %broadcast_in_dim3A_1014 = vector.broadcast %add3A_1013 : i32 to vector<16xi32>
      %sub3A_1015 = arith.constant 1.200000e+01 : f32
      %sub3A_1016 = vector.broadcast %sub3A_1015 : f32 to vector<16xf32>
      %sub3A_1017 = arith.subf %sub3A_1016, %masked_cumsum3A_1011 : vector<16xf32>
      tpu.vector_store_idx %arg14[%broadcast_in_dim3A_1014], %sub3A_1017 masked %eq3A_2 : memref<512xf32, #tpu.memory_space<vmem>>[vector<16xi32>], vector<16xf32>, vector<16xi1>
    }
    %scan3A_311 = arith.constant 128 : i32
    "tpu.region"() ({
      %run_scoped3A = tpu.sem_alloc : memref<!tpu.dma_semaphore, #tpu.memory_space<semaphore_mem>>
      %dma_start3A_312 = arith.constant 0 : i32
      %dma_start3A_313 = tpu.memref_slice %arg7[%add3A, %dma_start3A_312] : memref<32x512xf32, #tpu.memory_space<hbm>> -> memref<1x512xf32, #tpu.memory_space<hbm>>
      %dma_start3A_314 = tpu.memref_squeeze %dma_start3A_313 : memref<1x512xf32, #tpu.memory_space<hbm>> -> memref<512xf32, #tpu.memory_space<hbm>>
      %dma_start3A_315 = arith.constant 0 : i32
      %dma_start3A_316 = tpu.memref_slice %arg7[%add3A, %dma_start3A_315] : memref<32x512xf32, #tpu.memory_space<hbm>> -> memref<1x512xf32, #tpu.memory_space<hbm>>
      %dma_start3A_317 = tpu.memref_squeeze %dma_start3A_316 : memref<1x512xf32, #tpu.memory_space<hbm>> -> memref<512xf32, #tpu.memory_space<hbm>>
      tpu.enqueue_dma source(%arg14 : memref<512xf32, #tpu.memory_space<vmem>>) target(%dma_start3A_317 : memref<512xf32, #tpu.memory_space<hbm>>) target_semaphore(%run_scoped3A : memref<!tpu.dma_semaphore, #tpu.memory_space<semaphore_mem>>)
      %dma_wait3A_318 = arith.constant 0 : i32
      %dma_wait3A_319 = tpu.memref_slice %arg7[%add3A, %dma_wait3A_318] : memref<32x512xf32, #tpu.memory_space<hbm>> -> memref<1x512xf32, #tpu.memory_space<hbm>>
      %dma_wait3A_320 = tpu.memref_squeeze %dma_wait3A_319 : memref<1x512xf32, #tpu.memory_space<hbm>> -> memref<512xf32, #tpu.memory_space<hbm>>
      %dma_wait3A_321 = arith.constant 0 : i32
      %dma_wait3A_322 = tpu.memref_slice %arg7[%add3A, %dma_wait3A_321] : memref<32x512xf32, #tpu.memory_space<hbm>> -> memref<1x512xf32, #tpu.memory_space<hbm>>
      %dma_wait3A_323 = tpu.memref_squeeze %dma_wait3A_322 : memref<1x512xf32, #tpu.memory_space<hbm>> -> memref<512xf32, #tpu.memory_space<hbm>>
      tpu.wait_dma2 semaphore(%run_scoped3A : memref<!tpu.dma_semaphore, #tpu.memory_space<semaphore_mem>>) src(%arg14 : memref<512xf32, #tpu.memory_space<vmem>>) dst(%dma_wait3A_323 : memref<512xf32, #tpu.memory_space<hbm>>)
      tpu.yield
    }) : () -> ()
    return
  }
}

</mosaic_0001>

<sc_bundles>
// kernel: _transe_score.3.cloned.1.call-start
scs
__scs_entry_jumppad:
0x0: {  	(pc) =	sbr.rel $0x88, $3  }
0x1: {  	(tag) =	ssettag $0x0;
	lr =	simm.s32 $0x1  }
0x2: {  	[smem:$0x3F9C] =	sst lr;
	_ =	strace $0xD0000000  }
0x3: {  	_ = 	snop  }
0x4: {  	_ = 	snop  }
0x5: {  	_ = 	snop  }
0x6: {  	_ = 	snop  }
0x7: {  	_ = 	snop  }
__scs_overlays_trampoline_lowered:
0x8: {  	[smem:$0x3FAB] =	sst s0  }
0x9: {  	[smem:$0x3FAC] =	sst s1  }
0xa: {  	[smem:$0x3FAD] =	sst s2  }
0xb: {  	[smem:$0x3FAE] =	sst s3  }
0xc: {  	[smem:$0x3FAF] =	sst s4  }
0xd: {  	[smem:$0x3FB0] =	sst s5  }
0xe: {  	[smem:$0x3FB1] =	sst s6  }
0xf: {  	[smem:$0x3FB2] =	sst s7  }
0x10: {  	[smem:$0x3FB3] =	sst s8  }
0x11: {  	[smem:$0x3FB4] =	sst s9;
	s0 =	simm.s32 @!p0 $0x0  }
0x12: {  	s1 =	sld [smem:$0x3F9A];
	s0 =	simm.s32 @p0 $0x1  }
0x13: {  	[smem:$0x3FB5] =	sst s0;
	s0 =	simm.s32 @!p1 $0x0  }
0x14: {  	s2 =	sld [smem:$0x3F99];
	s0 =	simm.s32 @p1 $0x1  }
0x15: {  	[smem:$0x3FB6] =	sst s0;
	s0 =	simm.s32 @!p2 $0x0  }
0x16: {  	s3 =	sld [smem:$0x3FDB];
	s0 =	simm.s32 @p2 $0x1  }
0x17: {  	s4 =	simm.s32 $0x1BF5;
	[smem:$0x3FB8] =	sst s0  }
0x18: {  	s0 =	sld [smem:$0x3F9B];
	_ =	swait.ge [sflag:s4], $0x0  }
0x19: {  	s7 =	sld [smem:$0x3F9C]  }
0x1a: {  	s8 =	sadd.s32 $0xFFFFE003, lr  }
0x1b: {  	s9 =	sadd.s32 $0xFFFFFEF7, lr;
	s5 =	simm.s32 $0xFFFFFFFF;
	p2 =	slt.u32 s8, $0xFFFFF086  }
0x1c: {  	p1 =	slt.u32 s9, $0xF7A;
	s5 =	simm.s32 @!p2 $0x0  }
0x1d: {  	s5 =	simm.s32 @p1 $0x1;
	p0 =	seq.s32 s7, s2  }
0x1e: {  	s7 =	smul.u32 @!p0 $0xF7A, s2;
	p2 =	seq.s32 @!p0 s5, $0x0  }
0x1f: {  	s9 =	smul.u32 $0xF7A, s1;
	s8 =	simm.s32 @!p0 $0x1BF5;
	p2 =	por !p2, p0  }
0x20: {  	[sflag:s8] =	ssyncset.s32 @!p0 $0xFFFFF086;
	s6 =	sadd.s32 @!p0 s3, s7;
	s7 =	simm.s32 @!p0 $0x108  }
0x21: {  	s3 =	sadd.s32 s3, s9;
	s6 =	sadd.s32 @!p0 $0x88, s6;
	s7 =	simm.s32 @p2 $0x1082  }
0x22: {  	[simem:s7], [sflag:s8] =	dma.local @!p0 [hbm:s6], $0xF7A  }
0x23: {  	s9 =	sor.u32 $0xD0000000, s2;
	s6 =	simm.s32 $0x108;
	_ =	swait.ge @!p0 [sflag:s8], $0x0  }
0x24: {  	s3 =	sadd.s32 $0x88, s3;
	s6 =	simm.s32 @!p1 $0x1082;
	[sflag:s4] =	ssyncset.s32 $0xFFFFF086  }
0x25: {  	[simem:s6], [sflag:s4] =	dma.local [hbm:s3], $0xF7A  }
0x26: {  	[smem:$0x3F9C] =	sst s1;
	(tag) =	ssettag s2;
	_ =	strace s9  }
0x27: {  	s1 =	sld [smem:$0x3FAC]  }
0x28: {  	s2 =	sld [smem:$0x3FAD]  }
0x29: {  	s4 =	sld [smem:$0x3FAF]  }
0x2a: {  	p0 =	seq.s32 s5, $0x0;
	s5 =	sld [smem:$0x3FB0]  }
0x2b: {  	s6 =	sld [smem:$0x3FB1]  }
0x2c: {  	s7 =	sld [smem:$0x3FB2]  }
0x2d: {  	s3 =	simm.s32 $0x108;
	s8 =	sld [smem:$0x3FB3]  }
0x2e: {  	s3 =	simm.s32 @!p0 $0x1082;
	s9 =	sld [smem:$0x3FB4]  }
0x2f: {  	lr =	sadd.s32 s0, s3;
	s0 =	sld [smem:$0x3FAB]  }
0x30: {  	s3 =	sld [smem:$0x3FAE]  }
0x31: {  	[smem:$0x3FB7] =	sst s10  }
0x32: {  	s10 =	sld [smem:$0x3FB5];
	_ =	sdelay $0x3  }
0x33: {  	p0 =	seq.s32 s10, $0x1;
	s10 =	sld [smem:$0x3FB7];
	_ =	sdelay $0x3  }
0x34: {  	[smem:$0x3FB7] =	sst s10  }
0x35: {  	s10 =	sld [smem:$0x3FB6];
	_ =	sdelay $0x3  }
0x36: {  	p1 =	seq.s32 s10, $0x1;
	s10 =	sld [smem:$0x3FB7];
	_ =	sdelay $0x3  }
0x37: {  	[smem:$0x3FB7] =	sst s10  }
0x38: {  	s10 =	sld [smem:$0x3FB8]  }
0x39: {  	_ = 	snop;
	(pc) =	sbr.ind lr, $3  }
0x3a: {  	_ = 	snop  }
0x3b: {  	_ = 	snop  }
0x3c: {  	p2 =	seq.s32 s10, $0x1;
	s10 =	sld [smem:$0x3FB7]  }
0x3d: {  	_ =	shalt  }
0x3e: {  	_ =	shalt  }
0x3f: {  	_ =	shalt  }
0x40: {  	_ =	shalt  }
0x41: {  	_ =	shalt  }
0x42: {  	_ =	shalt  }
0x43: {  	_ =	shalt  }
0x44: {  	_ =	shalt  }
0x45: {  	_ =	shalt  }
0x46: {  	_ =	shalt  }
0x47: {  	_ =	shalt  }
0x48: {  	_ =	shalt  }
0x49: {  	_ =	shalt  }
0x4a: {  	_ =	shalt  }
0x4b: {  	_ =	shalt  }
0x4c: {  	_ =	shalt  }
0x4d: {  	_ =	shalt  }
0x4e: {  	_ =	shalt  }
0x4f: {  	_ =	shalt  }
0x50: {  	_ =	shalt  }
0x51: {  	_ =	shalt  }
0x52: {  	_ =	shalt  }
0x53: {  	_ =	shalt  }
0x54: {  	_ =	shalt  }
0x55: {  	_ =	shalt  }
0x56: {  	_ =	shalt  }
0x57: {  	_ =	shalt  }
0x58: {  	_ =	shalt  }
0x59: {  	_ =	shalt  }
0x5a: {  	_ =	shalt  }
0x5b: {  	_ =	shalt  }
0x5c: {  	_ =	shalt  }
0x5d: {  	_ =	shalt  }
0x5e: {  	_ =	shalt  }
0x5f: {  	_ =	shalt  }
0x60: {  	_ =	shalt  }
0x61: {  	_ =	shalt  }
0x62: {  	_ =	shalt  }
0x63: {  	_ =	shalt  }
0x64: {  	_ =	shalt  }
0x65: {  	_ =	shalt  }
0x66: {  	_ =	shalt  }
0x67: {  	_ =	shalt  }
0x68: {  	_ =	shalt  }
0x69: {  	_ =	shalt  }
0x6a: {  	_ =	shalt  }
0x6b: {  	_ =	shalt  }
0x6c: {  	_ =	shalt  }
0x6d: {  	_ =	shalt  }
0x6e: {  	_ =	shalt  }
0x6f: {  	_ =	shalt  }
0x70: {  	_ =	shalt  }
0x71: {  	_ =	shalt  }
0x72: {  	_ =	shalt  }
0x73: {  	_ =	shalt  }
0x74: {  	_ =	shalt  }
0x75: {  	_ =	shalt  }
0x76: {  	_ =	shalt  }
0x77: {  	_ =	shalt  }
0x78: {  	_ =	shalt  }
0x79: {  	_ =	shalt  }
0x7a: {  	_ =	shalt  }
0x7b: {  	_ =	shalt  }
0x7c: {  	_ =	shalt  }
0x7d: {  	_ =	shalt  }
0x7e: {  	_ =	shalt  }
0x7f: {  	_ =	shalt  }
0x80: {  	_ =	shalt  }
0x81: {  	_ =	shalt  }
0x82: {  	_ =	shalt  }
0x83: {  	_ =	shalt  }
0x84: {  	_ =	shalt  }
0x85: {  	_ =	shalt  }
0x86: {  	_ =	shalt  }
0x87: {  	_ =	shalt  }
.Lfunc_end0:
.L_simem_size_0:
called_computation_lowered:
.L_overlay_start_0:
0x88: {  	s2 =	sld [smem:$0x3FD9]  }
0x89: {  	s3 =	sld [smem:$0x3FFE];
	_ =	sdelay $0x1  }
0x8a: {  	s1 =	srdreg.scid  }
0x8b: {  	s0 =	sand.u32 $0x1, s1  }
0x8c: {  	s18 =	sshll.u32 s0, $0xA;
	s2 =	sadd.s32 s3, s2  }
0x8d: {  	s2 =	sadd.s32 s2, s18  }
0x8e: {  	[smem:$0x3FC3] =	sst s2  }
0x8f: {  	_ = 	snop  }
0x90: {  	s2 =	sld [smem:$0x3FC9]  }
0x91: {  	s19 =	sld [smem:$0x3FC8]  }
0x92: {  	s4 =	sld [smem:$0x3FC7]  }
0x93: {  	s5 =	sld [smem:$0x3FC6]  }
0x94: {  	s6 =	sld [smem:$0x3FC5]  }
0x95: {  	s7 =	sld [smem:$0x3FD0];
	(tm) =	ssettm $0x1  }
0x96: {  	s8 =	sld [smem:$0x3FFB];
	_ =	sdelay $0x3  }
0x97: {  	_ =	strace s8  }
0x98: {  	s8 =	sld [smem:$0x3FFC];
	_ =	sdelay $0x3  }
0x99: {  	_ =	strace s8  }
0x9a: {  	s8 =	sld [smem:$0x3FFD];
	_ =	sdelay $0x3  }
0x9b: {  	_ =	strace s8  }
0x9c: {  	_ =	strace $0x8FFFFFFF  }
0x9d: {  	s20 =	sld [smem:$0x3FDB];
	_ =	sdelay $0x1  }
0x9e: {  	s9 =	simm.s32 $_scs_section_size  }
0x9f: {  	s10 =	simm.s32 $_size__tile_overlayer_lowered;
	s11 =	simm.s32 $_tile_overlayer_lowered  }
0xa0: {  	s23 =	simm.s32 $0x1BFF;
	s22 =	sshll.u32 s11, $0x1;
	s8 =	sadd.s32 s9, s20  }
0xa1: {  	s12 =	simm.s32 $0x0;
	s21 =	sshll.u32 s10, $0x1;
	s10 =	sadd.s32 s22, s8  }
0xa2: {  	[timem:s12], [sflag:s23] =	dma.local [hbm:s10], s21  }
0xa3: {  	_ =	swait.ge [sflag:s23], s21  }
0xa4: {  	s9 =	ssub.s32 $0x0, s21;
	[sflag:s23] =	ssyncset.done $0x0  }
0xa5: {  	[sflag:s23] =	ssyncadd.s32 s9;
	_ =	sdelay $0x1  }
0xa6: {  	s24 =	simm.s32 $0x1B8B  }
0xa7: {  	_ =	swait.ge [sflag:s24], $0x1  }
0xa8: {  	[sflag:s24] =	ssyncset.done $0x0  }
0xa9: {  	s25 =	simm.s32 $0x1B8E;
	[sflag:s24] =	ssyncadd.s32 $0xFFFFFFFF  }
0xaa: {  	s26 =	simm.s32 $execute0_lowered;
	[smem:$0x3FD2] =	sst s25  }
0xab: {  	s9 =	sshll.u32 s26, $0x1;
	_ =	strace $0x80000046;
	[dreg:$0x1] =	wrdreg $0xFFFFFFFF  }
0xac: {  	s28 =	simm.s32 $_size_execute0_lowered;
	s8 =	sadd.s32 s8, s9;
	[dreg:$0x0] =	wrdreg $0x0  }
0xad: {  	s9 =	sshll.u32 s28, $0x1;
	[dreg:$0x2] =	wrdreg s8  }
0xae: {  	[dreg:$0x3] =	wrdreg s9  }
0xaf: {  	[dreg:$0x4] =	wrdreg $0xC0  }
0xb0: {  	_ =	task [dreg:s12], $0x5FFFF  }
0xb1: {  	[dreg:$0x1] =	wrdreg $0xFFFFFFFF  }
0xb2: {  	[dreg:$0x0] =	wrdreg $0x60  }
0xb3: {  	[dreg:$0x2] =	wrdreg s2  }
0xb4: {  	[dreg:$0x3] =	wrdreg s19  }
0xb5: {  	[dreg:$0x4] =	wrdreg s4  }
0xb6: {  	[dreg:$0x5] =	wrdreg s5  }
0xb7: {  	[dreg:$0x6] =	wrdreg s6  }
0xb8: {  	[dreg:$0x7] =	wrdreg s7  }
0xb9: {  	[dreg:$0x8] =	wrdreg $0x9  }
0xba: {  	_ =	task.clear_ibuf [dreg:s12], $0x9FFFF;
	_ =	strace $0x90000046  }
0xbb: {  	s29 =	simm.s32 $0x9;
	_ =	strace $0x80000048  }
0xbc: {  	_ =	swait.ge [sflag:s29], $0x1  }
0xbd: {  	[sflag:s29] =	ssyncadd.s32 $0xFFFFFFFF  }
0xbe: {  	_ =	strace $0x90000048  }
0xbf: {  	_ =	sfence  }
0xc0: {  	s30 =	sld [smem:$0x0];
	_ =	sdelay $0x2  }
0xc1: {  	s31 =	sshll.u32 s1, $0xD;
	s1 =	sshrl.u32 s1, $0x2  }
0xc2: {  	s3 =	sand.u32 $0x4000, s31;
	s1 =	sadd.s32 s1, s30  }
0xc3: {  	s0 =	sor.u32 s3, s0;
	s1 =	sshll.u32 s1, $0x11  }
0xc4: {  	s0 =	sor.u32 s1, s0  }
0xc5: {  	s0 =	sadd.s32 $0x8F2B, s0  }
0xc6: {  	[sflag:s0] =	ssyncadd.remote.s32 $0x1  }
0xc7: {  	_ =	sfence.sel $0xFFFF  }
0xc8: {  	[dreg:$0x0] =	wrdreg $0xFFFFFFFF;
	(pc) =	sbr.abs _section_cstart, $3  }
0xc9: {  	[dreg:$0x1] =	wrdreg $0xFFFFFFFF  }
0xca: {  	_ =	task.clear_ibuf [dreg:s12], $0x2FFFF;
	_ =	strace $0x9FFFFFFF  }
0xcb: {  	(tm) =	ssettm $0x7FFFFFFF  }
tec
execute0_lowered:
.L_overlay_start_1:
0x0: {  	(tag) =	ssettag $0x1  }
0x1: {  	s0 =	rddreg [dreg:$0x0]  }
0x2: {  	s3 =	rddreg [dreg:$0x1]  }
0x3: {  	s7 =	rddreg [dreg:$0x2]  }
0x4: {  	s1 =	rddreg [dreg:$0x3]  }
0x5: {  	s2 =	rddreg [dreg:$0x4]  }
0x6: {  	s8 =	rddreg [dreg:$0x5];
	s5 =	srdreg.scid  }
0x7: {  	s4 =	simm.s32 $0x0;
	s12 =	stileid.u32;
	s13 =	simm.s32 $0x80  }
0x8: {  	s14 =	simm.s32 $0x600;
	s15 =	simm.s32 $0x8600;
	s16 =	simm.s32 $0x10600  }
0x9: {  	s17 =	simm.s32 $0x1;
	s18 =	simm.s32 $0x4600;
	s20 =	simm.s32 $0xC600  }
0xa: {  	s22 =	simm.s32 $0x14600;
	s23 =	simm.s32 $0x18600;
	s28 =	simm.s32 $0x180  }
0xb: {  	s29 =	simm.s32 $0x380;
	s30 =	simm.s32 $0x580;
	s31 =	simm.s32 $0x0  }
0xc: {  	s5 =	sand.u32 $0x1, s5;
	[smem:$0x7FF] =	sst s4;
	s9 =	sshll.u32 s12, $0x1  }
0xd: {  	s24 =	sshll.u32 s12, $0x7;
	s12 =	simm.s32 $0x400;
	s6 =	ssub.s32 $0x2, s5  }
0xe: {  	_ =	strace $0x80000047;
	s9 =	sor.u32 s5, s9;
	s25 =	sand.u32 $0x600, s24  }
0xf: {  	s10 =	sshrl.u32 s6, $0x1;
	s11 =	sshll.u32 s9, $0x6;
	s9 =	sshll.u32 s9, $0x4  }
0x10: {  	s10 =	ssub.s32 s6, s10;
	s5 =	sadd.s32 s0, s11;
	s6 =	sadd.s32 s3, s11  }
0x11: {  	s26 =	sand.u32 $0x70, s9;
	s0 =	sadd.s32 s8, s25;
	s7 =	sadd.s32 s7, s11  }
0x12: {  	s11 =	simm.s32 $0x200;
	s25 =	simm.s32 $0x300;
	s8 =	sadd.s32 s26, s0  }
0x13: {  	vm0 =	vcmask $0x3F3C;
	s9 =	smax.u32 s10, $0x1;
	s10 =	simm.s32 $0x2;
	s26 =	simm.s32 $0x500  }
.LBB2_1:
0x14: {  	[tilespmem:s4], [sflag:$0x2] =	stream.linear.gather [hbm4b:s5+s4], $0x200, $0x38;
	[tilespmem:$0x18800] =	vst v63  }
0x15: {  	_ =	swait.ge [sflag:s10], $0x200  }
0x16: {  	[sflag:s10] =	ssyncset.done $0x0  }
0x17: {  	[sflag:s10] =	ssyncadd.s32 $0xFFFFFE00  }
0x18: {  	[tilespmem:s11], [sflag:$0x2] =	stream.linear.gather [hbm4b:s6+s4], $0x200, $0x38;
	[tilespmem:$0x18800] =	vst v63  }
0x19: {  	_ =	swait.ge [sflag:s10], $0x200  }
0x1a: {  	[sflag:s10] =	ssyncset.done $0x0  }
0x1b: {  	[sflag:s10] =	ssyncadd.s32 $0xFFFFFE00  }
0x1c: {  	[tilespmem:s12], [sflag:$0x2] =	stream.linear.gather [hbm4b:s7+s4], $0x200, $0x38;
	[tilespmem:$0x18800] =	vst v63  }
0x1d: {  	_ =	swait.ge [sflag:s10], $0x200  }
0x1e: {  	[sflag:s10] =	ssyncset.done $0x0  }
0x1f: {  	[sflag:s10] =	ssyncadd.s32 $0xFFFFFE00  }
0x20: {  	[tilespmem:s14], [sflag:$0x1] =	stream.indirect.gather [hbm4b:s1+s13], $0x80, s4, s13, $0xb8;
	[tilespmem:$0x18800] =	vst v63  }
0x21: {  	_ = 	snop  }
0x22: {  	[tilespmem:s15], [sflag:$0x1] =	stream.indirect.gather [hbm4b:s2+s13], $0x80, s11, s13, $0xb8;
	[tilespmem:$0x18800] =	vst v63  }
0x23: {  	_ = 	snop  }
0x24: {  	[tilespmem:s16], [sflag:$0x1] =	stream.indirect.gather [hbm4b:s1+s13], $0x80, s12, s13, $0xb8;
	[tilespmem:$0x18800] =	vst v63  }
0x25: {  	_ =	swait.ge [sflag:s17], $0x4000  }
0x26: {  	[sflag:s17] =	ssyncset.done $0x0  }
0x27: {  	[sflag:s17] =	ssyncadd.s32 $0xFFFFC000  }
0x28: {  	_ =	swait.ge [sflag:s17], $0x4000  }
0x29: {  	[sflag:s17] =	ssyncset.done $0x0  }
0x2a: {  	[sflag:s17] =	ssyncadd.s32 $0xFFFFC000  }
0x2b: {  	_ =	swait.ge [sflag:s17], $0x4000  }
0x2c: {  	[sflag:s17] =	ssyncset.done $0x0  }
0x2d: {  	[sflag:s17] =	ssyncadd.s32 $0xFFFFC000  }
0x2e: {  	[tilespmem:s18], [sflag:$0x1] =	stream.indirect.gather [hbm4b:s1+s13], $0x80, s13, s13, $0xb8;
	[tilespmem:$0x18800] =	vst v63  }
0x2f: {  	s0 =	simm.s32 $0x280;
	s24 =	simm.s32 $0x480;
	s3 =	simm.s32 $0x10800  }
0x30: {  	[tilespmem:s20], [sflag:$0x1] =	stream.indirect.gather [hbm4b:s2+s13], $0x80, s0, s13, $0xb8;
	[tilespmem:$0x18800] =	vst v63  }
0x31: {  	s19 =	simm.s32 $0x800;
	s21 =	simm.s32 $0x0;
	s0 =	simm.s32 $0x8800  }
0x32: {  	[tilespmem:s22], [sflag:$0x1] =	stream.indirect.gather [hbm4b:s1+s13], $0x80, s24, s13, $0xb8;
	[tilespmem:$0x18800] =	vst v63  }
.LBB2_2:
0x33: {  	v0 =	vld [tilespmem:s19+$0xFFFFFE00]  }
0x34: {  	v1 =	vld [tilespmem:s0+$0xFFFFFE00]  }
0x35: {  	v2 =	vld [tilespmem:s3+$0xFFFFFE00]  }
0x36: {  	v3 =	vld [tilespmem:s19+$0xFFFFFE10]  }
0x37: {  	v4 =	vld [tilespmem:s0+$0xFFFFFE10]  }
0x38: {  	v5 =	vld [tilespmem:s3+$0xFFFFFE10]  }
0x39: {  	v6 =	vld [tilespmem:s19+$0xFFFFFE20]  }
0x3a: {  	v7 =	vld [tilespmem:s0+$0xFFFFFE20]  }
0x3b: {  	v9 =	vld [tilespmem:s19+$0xFFFFFE30]  }
0x3c: {  	v10 =	vld [tilespmem:s0+$0xFFFFFE30]  }
0x3d: {  	v8 =	vld [tilespmem:s3+$0xFFFFFE20]  }
0x3e: {  	v0 =	vadd.f32 v1, v0;
	v3 =	vadd.f32 v4, v3  }
0x3f: {  	v11 =	vld [tilespmem:s3+$0xFFFFFE30];
	v12 =	vadd.f32 v7, v6  }
0x40: {  	v0 =	vsub.f32 v0, v2;
	v3 =	vsub.f32 v3, v5  }
0x41: {  	v1 =	vadd.f32 v10, v9  }
0x42: {  	v4 =	vsub.f32 v12, v8;
	v0 =	vand.u32 $0x7FFFFFFF, v0;
	v3 =	vand.u32 $0x7FFFFFFF, v3  }
0x43: {  	v0 =	vadd.f32 v3, v0  }
0x44: {  	v1 =	vsub.f32 v1, v11;
	v13 =	vand.u32 $0x7FFFFFFF, v4  }
0x45: {  	v0 =	vadd.f32 v13, v0  }
0x46: {  	v1 =	vand.u32 $0x7FFFFFFF, v1  }
0x47: {  	v0 =	vadd.f32 v1, v0;
	_ =	sdelay $0x1  }
0x48: {  	(xrf2) =	vadd.scan.msk.f32 $0xffff, v0;
	_ =	sdelay $0x4  }
0x49: {  	v14 =	vmov s21  }
0x4a: {  	v0 =	vand.u32 $0xFFFFFFF8, v14  }
0x4b: {  	v0 =	vbroadcast v0, $0x0;
	_ =	sdelay $0x2  }
0x4c: {  	v15, _, _ =	vpop (xrf2)  }
0x4d: {  	v1 =	vsub.f32 $1.200000000e+01, v15;
	_ =	sdelay $0x1  }
0x4e: {  	[tilespmem:v0+s23+$0x0] =	vst.idx.msk vm0, v1  }
0x4f: {  	v0 =	vld [tilespmem:s19+$0xFFFFFE80]  }
0x50: {  	v1 =	vld [tilespmem:s0+$0xFFFFFE80]  }
0x51: {  	v16 =	vld [tilespmem:s3+$0xFFFFFE80]  }
0x52: {  	v17 =	vld [tilespmem:s19+$0xFFFFFE90]  }
0x53: {  	v18 =	vld [tilespmem:s0+$0xFFFFFE90]  }
0x54: {  	v19 =	vld [tilespmem:s3+$0xFFFFFE90]  }
0x55: {  	v20 =	vld [tilespmem:s19+$0xFFFFFEA0]  }
0x56: {  	v21 =	vld [tilespmem:s0+$0xFFFFFEA0]  }
0x57: {  	v23 =	vld [tilespmem:s19+$0xFFFFFEB0]  }
0x58: {  	v24 =	vld [tilespmem:s0+$0xFFFFFEB0]  }
0x59: {  	v22 =	vld [tilespmem:s3+$0xFFFFFEA0]  }
0x5a: {  	v0 =	vadd.f32 v1, v0;
	v3 =	vadd.f32 v18, v17  }
0x5b: {  	v25 =	vld [tilespmem:s3+$0xFFFFFEB0];
	v26 =	vadd.f32 v21, v20  }
0x5c: {  	v0 =	vsub.f32 v0, v16;
	v3 =	vsub.f32 v3, v19  }
0x5d: {  	v1 =	vadd.f32 v24, v23  }
0x5e: {  	v4 =	vsub.f32 v26, v22;
	v0 =	vand.u32 $0x7FFFFFFF, v0;
	v3 =	vand.u32 $0x7FFFFFFF, v3  }
0x5f: {  	v0 =	vadd.f32 v3, v0  }
0x60: {  	v1 =	vsub.f32 v1, v25;
	v27 =	vand.u32 $0x7FFFFFFF, v4  }
0x61: {  	v0 =	vadd.f32 v27, v0  }
0x62: {  	v1 =	vand.u32 $0x7FFFFFFF, v1  }
0x63: {  	v0 =	vadd.f32 v1, v0;
	_ =	sdelay $0x1  }
0x64: {  	(xrf2) =	vadd.scan.msk.f32 $0xffff, v0;
	_ =	sdelay $0x3  }
0x65: {  	s24 =	sadd.s32 $0x1, s21  }
0x66: {  	v28 =	vmov s24  }
0x67: {  	v0 =	vand.u32 $0xFFFFFFF9, v28  }
0x68: {  	v0 =	vbroadcast v0, $0x0;
	_ =	sdelay $0x2  }
0x69: {  	v29, _, _ =	vpop (xrf2)  }
0x6a: {  	v1 =	vsub.f32 $1.200000000e+01, v29;
	_ =	sdelay $0x1  }
0x6b: {  	[tilespmem:v0+s23+$0x0] =	vst.idx.msk vm0, v1  }
0x6c: {  	v0 =	vld [tilespmem:s19+$0xFFFFFF00]  }
0x6d: {  	v1 =	vld [tilespmem:s0+$0xFFFFFF00]  }
0x6e: {  	v30 =	vld [tilespmem:s3+$0xFFFFFF00]  }
0x6f: {  	v31 =	vld [tilespmem:s19+$0xFFFFFF10]  }
0x70: {  	v32 =	vld [tilespmem:s0+$0xFFFFFF10]  }
0x71: {  	v33 =	vld [tilespmem:s3+$0xFFFFFF10]  }
0x72: {  	v34 =	vld [tilespmem:s19+$0xFFFFFF20]  }
0x73: {  	v35 =	vld [tilespmem:s0+$0xFFFFFF20]  }
0x74: {  	v37 =	vld [tilespmem:s19+$0xFFFFFF30]  }
0x75: {  	v38 =	vld [tilespmem:s0+$0xFFFFFF30]  }
0x76: {  	v36 =	vld [tilespmem:s3+$0xFFFFFF20]  }
0x77: {  	v0 =	vadd.f32 v1, v0;
	v3 =	vadd.f32 v32, v31  }
0x78: {  	v39 =	vld [tilespmem:s3+$0xFFFFFF30];
	v40 =	vadd.f32 v35, v34  }
0x79: {  	v0 =	vsub.f32 v0, v30;
	v3 =	vsub.f32 v3, v33  }
0x7a: {  	v1 =	vadd.f32 v38, v37  }
0x7b: {  	v4 =	vsub.f32 v40, v36;
	v0 =	vand.u32 $0x7FFFFFFF, v0;
	v3 =	vand.u32 $0x7FFFFFFF, v3  }
0x7c: {  	v0 =	vadd.f32 v3, v0  }
0x7d: {  	v1 =	vsub.f32 v1, v39;
	v41 =	vand.u32 $0x7FFFFFFF, v4  }
0x7e: {  	v0 =	vadd.f32 v41, v0  }
0x7f: {  	v1 =	vand.u32 $0x7FFFFFFF, v1  }
0x80: {  	v0 =	vadd.f32 v1, v0;
	_ =	sdelay $0x1  }
0x81: {  	(xrf2) =	vadd.scan.msk.f32 $0xffff, v0;
	_ =	sdelay $0x3  }
0x82: {  	s24 =	sadd.s32 $0x2, s21  }
0x83: {  	v42 =	vmov s24  }
0x84: {  	v0 =	vand.u32 $0xFFFFFFFA, v42  }
0x85: {  	v0 =	vbroadcast v0, $0x0;
	_ =	sdelay $0x2  }
0x86: {  	v43, _, _ =	vpop (xrf2)  }
0x87: {  	v1 =	vsub.f32 $1.200000000e+01, v43;
	_ =	sdelay $0x1  }
0x88: {  	[tilespmem:v0+s23+$0x0] =	vst.idx.msk vm0, v1  }
0x89: {  	v0 =	vld [tilespmem:s19+$0xFFFFFF80]  }
0x8a: {  	v1 =	vld [tilespmem:s0+$0xFFFFFF80]  }
0x8b: {  	v44 =	vld [tilespmem:s3+$0xFFFFFF80]  }
0x8c: {  	v45 =	vld [tilespmem:s19+$0xFFFFFF90]  }
0x8d: {  	v46 =	vld [tilespmem:s0+$0xFFFFFF90]  }
0x8e: {  	v47 =	vld [tilespmem:s3+$0xFFFFFF90]  }
0x8f: {  	v48 =	vld [tilespmem:s19+$0xFFFFFFA0]  }
0x90: {  	v49 =	vld [tilespmem:s0+$0xFFFFFFA0]  }
0x91: {  	v51 =	vld [tilespmem:s19+$0xFFFFFFB0]  }
0x92: {  	v52 =	vld [tilespmem:s0+$0xFFFFFFB0]  }
0x93: {  	v50 =	vld [tilespmem:s3+$0xFFFFFFA0]  }
0x94: {  	v0 =	vadd.f32 v1, v0;
	v3 =	vadd.f32 v46, v45  }
0x95: {  	v53 =	vld [tilespmem:s3+$0xFFFFFFB0];
	v54 =	vadd.f32 v49, v48  }
0x96: {  	v0 =	vsub.f32 v0, v44;
	v3 =	vsub.f32 v3, v47  }
0x97: {  	v1 =	vadd.f32 v52, v51  }
0x98: {  	v4 =	vsub.f32 v54, v50;
	v0 =	vand.u32 $0x7FFFFFFF, v0;
	v3 =	vand.u32 $0x7FFFFFFF, v3  }
0x99: {  	v0 =	vadd.f32 v3, v0  }
0x9a: {  	v1 =	vsub.f32 v1, v53;
	v55 =	vand.u32 $0x7FFFFFFF, v4  }
0x9b: {  	v0 =	vadd.f32 v55, v0  }
0x9c: {  	v1 =	vand.u32 $0x7FFFFFFF, v1  }
0x9d: {  	v0 =	vadd.f32 v1, v0;
	_ =	sdelay $0x1  }
0x9e: {  	(xrf2) =	vadd.scan.msk.f32 $0xffff, v0;
	_ =	sdelay $0x3  }
0x9f: {  	s24 =	sadd.s32 $0x3, s21  }
0xa0: {  	v56 =	vmov s24  }
0xa1: {  	v0 =	vand.u32 $0xFFFFFFFB, v56  }
0xa2: {  	v0 =	vbroadcast v0, $0x0;
	_ =	sdelay $0x2  }
0xa3: {  	v57, _, _ =	vpop (xrf2)  }
0xa4: {  	v1 =	vsub.f32 $1.200000000e+01, v57;
	_ =	sdelay $0x1  }
0xa5: {  	[tilespmem:v0+s23+$0x0] =	vst.idx.msk vm0, v1  }
0xa6: {  	v0 =	vld [tilespmem:s19+$0x0]  }
0xa7: {  	v1 =	vld [tilespmem:s0+$0x0]  }
0xa8: {  	v58 =	vld [tilespmem:s3+$0x0]  }
0xa9: {  	v59 =	vld [tilespmem:s19+$0x10]  }
0xaa: {  	v60 =	vld [tilespmem:s0+$0x10]  }
0xab: {  	v61 =	vld [tilespmem:s3+$0x10]  }
0xac: {  	v62 =	vld [tilespmem:s19+$0x20]  }
0xad: {  	v63 =	vld [tilespmem:s0+$0x20]  }
0xae: {  	v13 =	vld [tilespmem:s19+$0x30]  }
0xaf: {  	v14 =	vld [tilespmem:s0+$0x30]  }
0xb0: {  	v12 =	vld [tilespmem:s3+$0x20]  }
0xb1: {  	v0 =	vadd.f32 v1, v0;
	v3 =	vadd.f32 v60, v59  }
0xb2: {  	v15 =	vld [tilespmem:s3+$0x30];
	v16 =	vadd.f32 v63, v62  }
0xb3: {  	v0 =	vsub.f32 v0, v58;
	v3 =	vsub.f32 v3, v61  }
0xb4: {  	v1 =	vadd.f32 v14, v13  }
0xb5: {  	v4 =	vsub.f32 v16, v12;
	v0 =	vand.u32 $0x7FFFFFFF, v0;
	v3 =	vand.u32 $0x7FFFFFFF, v3  }
0xb6: {  	v0 =	vadd.f32 v3, v0  }
0xb7: {  	v1 =	vsub.f32 v1, v15;
	v17 =	vand.u32 $0x7FFFFFFF, v4  }
0xb8: {  	v0 =	vadd.f32 v17, v0  }
0xb9: {  	v1 =	vand.u32 $0x7FFFFFFF, v1  }
0xba: {  	v0 =	vadd.f32 v1, v0;
	_ =	sdelay $0x1  }
0xbb: {  	(xrf2) =	vadd.scan.msk.f32 $0xffff, v0;
	_ =	sdelay $0x3  }
0xbc: {  	s24 =	sadd.s32 $0x4, s21  }
0xbd: {  	v18 =	vmov s24  }
0xbe: {  	v0 =	vand.u32 $0xFFFFFFFC, v18  }
0xbf: {  	v0 =	vbroadcast v0, $0x0;
	_ =	sdelay $0x2  }
0xc0: {  	v19, _, _ =	vpop (xrf2)  }
0xc1: {  	v1 =	vsub.f32 $1.200000000e+01, v19;
	_ =	sdelay $0x1  }
0xc2: {  	[tilespmem:v0+s23+$0x0] =	vst.idx.msk vm0, v1  }
0xc3: {  	v0 =	vld [tilespmem:s19+$0x80]  }
0xc4: {  	v1 =	vld [tilespmem:s0+$0x80]  }
0xc5: {  	v20 =	vld [tilespmem:s3+$0x80]  }
0xc6: {  	v21 =	vld [tilespmem:s19+$0x90]  }
0xc7: {  	v22 =	vld [tilespmem:s0+$0x90]  }
0xc8: {  	v23 =	vld [tilespmem:s3+$0x90]  }
0xc9: {  	v24 =	vld [tilespmem:s19+$0xA0]  }
0xca: {  	v25 =	vld [tilespmem:s0+$0xA0]  }
0xcb: {  	v27 =	vld [tilespmem:s19+$0xB0]  }
0xcc: {  	v28 =	vld [tilespmem:s0+$0xB0]  }
0xcd: {  	v26 =	vld [tilespmem:s3+$0xA0]  }
0xce: {  	v0 =	vadd.f32 v1, v0;
	v3 =	vadd.f32 v22, v21  }
0xcf: {  	v29 =	vld [tilespmem:s3+$0xB0];
	v30 =	vadd.f32 v25, v24  }
0xd0: {  	v0 =	vsub.f32 v0, v20;
	v3 =	vsub.f32 v3, v23  }
0xd1: {  	v1 =	vadd.f32 v28, v27  }
0xd2: {  	v4 =	vsub.f32 v30, v26;
	v0 =	vand.u32 $0x7FFFFFFF, v0;
	v3 =	vand.u32 $0x7FFFFFFF, v3  }
0xd3: {  	v0 =	vadd.f32 v3, v0  }
0xd4: {  	v1 =	vsub.f32 v1, v29;
	v31 =	vand.u32 $0x7FFFFFFF, v4  }
0xd5: {  	v0 =	vadd.f32 v31, v0  }
0xd6: {  	v1 =	vand.u32 $0x7FFFFFFF, v1  }
0xd7: {  	v0 =	vadd.f32 v1, v0;
	_ =	sdelay $0x1  }
0xd8: {  	(xrf2) =	vadd.scan.msk.f32 $0xffff, v0;
	_ =	sdelay $0x3  }
0xd9: {  	s24 =	sadd.s32 $0x5, s21  }
0xda: {  	v32 =	vmov s24  }
0xdb: {  	v0 =	vand.u32 $0xFFFFFFFD, v32  }
0xdc: {  	v0 =	vbroadcast v0, $0x0;
	_ =	sdelay $0x2  }
0xdd: {  	v33, _, _ =	vpop (xrf2)  }
0xde: {  	v1 =	vsub.f32 $1.200000000e+01, v33;
	_ =	sdelay $0x1  }
0xdf: {  	[tilespmem:v0+s23+$0x0] =	vst.idx.msk vm0, v1  }
0xe0: {  	v0 =	vld [tilespmem:s19+$0x100]  }
0xe1: {  	v1 =	vld [tilespmem:s0+$0x100]  }
0xe2: {  	v34 =	vld [tilespmem:s3+$0x100]  }
0xe3: {  	v35 =	vld [tilespmem:s19+$0x110]  }
0xe4: {  	v36 =	vld [tilespmem:s0+$0x110]  }
0xe5: {  	v37 =	vld [tilespmem:s3+$0x110]  }
0xe6: {  	v38 =	vld [tilespmem:s19+$0x120]  }
0xe7: {  	v39 =	vld [tilespmem:s0+$0x120]  }
0xe8: {  	v41 =	vld [tilespmem:s19+$0x130]  }
0xe9: {  	v42 =	vld [tilespmem:s0+$0x130]  }
0xea: {  	v40 =	vld [tilespmem:s3+$0x120]  }
0xeb: {  	v0 =	vadd.f32 v1, v0;
	v3 =	vadd.f32 v36, v35  }
0xec: {  	v43 =	vld [tilespmem:s3+$0x130];
	v44 =	vadd.f32 v39, v38  }
0xed: {  	v0 =	vsub.f32 v0, v34;
	v3 =	vsub.f32 v3, v37  }
0xee: {  	v1 =	vadd.f32 v42, v41  }
0xef: {  	v4 =	vsub.f32 v44, v40;
	v0 =	vand.u32 $0x7FFFFFFF, v0;
	v3 =	vand.u32 $0x7FFFFFFF, v3  }
0xf0: {  	v0 =	vadd.f32 v3, v0  }
0xf1: {  	v1 =	vsub.f32 v1, v43;
	v45 =	vand.u32 $0x7FFFFFFF, v4  }
0xf2: {  	v0 =	vadd.f32 v45, v0  }
0xf3: {  	v1 =	vand.u32 $0x7FFFFFFF, v1  }
0xf4: {  	v0 =	vadd.f32 v1, v0;
	_ =	sdelay $0x1  }
0xf5: {  	(xrf2) =	vadd.scan.msk.f32 $0xffff, v0;
	_ =	sdelay $0x3  }
0xf6: {  	s24 =	sadd.s32 $0x6, s21  }
0xf7: {  	v46 =	vmov s24  }
0xf8: {  	v0 =	vand.u32 $0xFFFFFFFE, v46  }
0xf9: {  	v0 =	vbroadcast v0, $0x0;
	_ =	sdelay $0x2  }
0xfa: {  	v47, _, _ =	vpop (xrf2)  }
0xfb: {  	v1 =	vsub.f32 $1.200000000e+01, v47;
	_ =	sdelay $0x1  }
0xfc: {  	[tilespmem:v0+s23+$0x0] =	vst.idx.msk vm0, v1  }
0xfd: {  	v0 =	vld [tilespmem:s19+$0x180]  }
0xfe: {  	v1 =	vld [tilespmem:s0+$0x180]  }
0xff: {  	v48 =	vld [tilespmem:s3+$0x180]  }
0x100: {  	v49 =	vld [tilespmem:s19+$0x190]  }
0x101: {  	v50 =	vld [tilespmem:s0+$0x190]  }
0x102: {  	v51 =	vld [tilespmem:s3+$0x190]  }
0x103: {  	v52 =	vld [tilespmem:s19+$0x1A0]  }
0x104: {  	v53 =	vld [tilespmem:s0+$0x1A0]  }
0x105: {  	v55 =	vld [tilespmem:s19+$0x1B0]  }
0x106: {  	v10 =	vld [tilespmem:s0+$0x1B0]  }
0x107: {  	v54 =	vld [tilespmem:s3+$0x1A0]  }
0x108: {  	v0 =	vadd.f32 v1, v0;
	v56 =	vadd.f32 v50, v49  }
0x109: {  	v58 =	vld [tilespmem:s3+$0x1B0];
	v57 =	vadd.f32 v53, v52  }
0x10a: {  	v0 =	vsub.f32 v0, v48;
	v1 =	vsub.f32 v56, v51  }
0x10b: {  	v60 =	vadd.f32 v10, v55  }
0x10c: {  	v59 =	vsub.f32 v57, v54;
	v0 =	vand.u32 $0x7FFFFFFF, v0;
	v1 =	vand.u32 $0x7FFFFFFF, v1  }
0x10d: {  	v0 =	vadd.f32 v1, v0  }
0x10e: {  	v61 =	vsub.f32 v60, v58;
	v2 =	vand.u32 $0x7FFFFFFF, v59  }
0x10f: {  	v0 =	vadd.f32 v2, v0  }
0x110: {  	v1 =	vand.u32 $0x7FFFFFFF, v61  }
0x111: {  	v0 =	vadd.f32 v1, v0;
	_ =	sdelay $0x1  }
0x112: {  	(xrf2) =	vadd.scan.msk.f32 $0xffff, v0;
	_ =	sdelay $0x6  }
0x113: {  	s24 =	sadd.s32 $0x7, s21  }
0x114: {  	p0 =	slt.u32 s21, $0x78;
	v62 =	vmov s24  }
.Ltmp0:
0x115: {  	_ = 	snop;
	(pc) =	sbr.rel @p0 .LBB2_2-.Ltmp0, $4  }
0x116: {  	v63, _, _ =	vpop (xrf2)  }
0x117: {  	v1 =	vsub.f32 $1.200000000e+01, v63  }
0x118: {  	s21 =	sadd.s32 $0x8, s21  }
0x119: {  	s0 =	sadd.s32 $0x400, s0;
	s3 =	sadd.s32 $0x400, s3;
	s19 =	sadd.s32 $0x400, s19;
	[tilespmem:v62+s23+$0x0] =	vst.idx.msk vm0, v1  }
0x11a: {  	_ =	swait.ge [sflag:s17], $0x4000  }
0x11b: {  	[sflag:s17] =	ssyncset.done $0x0  }
0x11c: {  	[sflag:s17] =	ssyncadd.s32 $0xFFFFC000  }
0x11d: {  	_ =	swait.ge [sflag:s17], $0x4000  }
0x11e: {  	[sflag:s17] =	ssyncset.done $0x0  }
0x11f: {  	[sflag:s17] =	ssyncadd.s32 $0xFFFFC000  }
0x120: {  	_ =	swait.ge [sflag:s17], $0x4000  }
0x121: {  	[sflag:s17] =	ssyncset.done $0x0  }
0x122: {  	s0 =	simm.s32 $0x100;
	[sflag:s17] =	ssyncadd.s32 $0xFFFFC000  }
0x123: {  	[tilespmem:s14], [sflag:$0x1] =	stream.indirect.gather [hbm4b:s1+s13], $0x80, s0, s13, $0xb8;
	[tilespmem:$0x18800] =	vst v63  }
0x124: {  	_ = 	snop  }
0x125: {  	[tilespmem:s15], [sflag:$0x1] =	stream.indirect.gather [hbm4b:s2+s13], $0x80, s25, s13, $0xb8;
	[tilespmem:$0x18800] =	vst v63  }
0x126: {  	s3 =	simm.s32 $0x0;
	s0 =	simm.s32 $0xFFFFFFF8  }
0x127: {  	[tilespmem:s16], [sflag:$0x1] =	stream.indirect.gather [hbm4b:s1+s13], $0x80, s26, s13, $0xb8;
	[tilespmem:$0x18800] =	vst v63  }
.LBB2_4:
0x128: {  	s19 =	sshra.s32 s3, $0x2  }
0x129: {  	v0 =	vld [tilespmem:s19+$0x4600]  }
0x12a: {  	v1 =	vld [tilespmem:s19+$0xC600]  }
0x12b: {  	v2 =	vld [tilespmem:s19+$0x14600]  }
0x12c: {  	v3 =	vld [tilespmem:s19+$0x4610]  }
0x12d: {  	v4 =	vld [tilespmem:s19+$0xC610]  }
0x12e: {  	v5 =	vld [tilespmem:s19+$0x14610]  }
0x12f: {  	v6 =	vld [tilespmem:s19+$0x4620]  }
0x130: {  	v7 =	vld [tilespmem:s19+$0xC620]  }
0x131: {  	v9 =	vld [tilespmem:s19+$0x4630]  }
0x132: {  	v10 =	vld [tilespmem:s19+$0xC630]  }
0x133: {  	v8 =	vld [tilespmem:s19+$0x14620]  }
0x134: {  	v0 =	vadd.f32 v1, v0;
	v3 =	vadd.f32 v4, v3  }
0x135: {  	v11 =	vld [tilespmem:s19+$0x14630];
	v12 =	vadd.f32 v7, v6  }
0x136: {  	v0 =	vsub.f32 v0, v2;
	v3 =	vsub.f32 v3, v5  }
0x137: {  	v1 =	vadd.f32 v10, v9  }
0x138: {  	v4 =	vsub.f32 v12, v8;
	v0 =	vand.u32 $0x7FFFFFFF, v0;
	v3 =	vand.u32 $0x7FFFFFFF, v3  }
0x139: {  	v0 =	vadd.f32 v3, v0  }
0x13a: {  	v1 =	vsub.f32 v1, v11;
	v13 =	vand.u32 $0x7FFFFFFF, v4  }
0x13b: {  	v0 =	vadd.f32 v13, v0  }
0x13c: {  	v1 =	vand.u32 $0x7FFFFFFF, v1  }
0x13d: {  	v0 =	vadd.f32 v1, v0;
	_ =	sdelay $0x1  }
0x13e: {  	(xrf2) =	vadd.scan.msk.f32 $0xffff, v0;
	_ =	sdelay $0x3  }
0x13f: {  	s21 =	sadd.s32 $0x88, s0  }
0x140: {  	v14 =	vmov s21  }
0x141: {  	v0 =	vand.u32 $0xFFFFFFF8, v14  }
0x142: {  	v0 =	vbroadcast v0, $0x0;
	_ =	sdelay $0x2  }
0x143: {  	v15, _, _ =	vpop (xrf2)  }
0x144: {  	v1 =	vsub.f32 $1.200000000e+01, v15;
	_ =	sdelay $0x1  }
0x145: {  	[tilespmem:v0+s23+$0x0] =	vst.idx.msk vm0, v1  }
0x146: {  	v0 =	vld [tilespmem:s19+$0x4680]  }
0x147: {  	v1 =	vld [tilespmem:s19+$0xC680]  }
0x148: {  	v16 =	vld [tilespmem:s19+$0x14680]  }
0x149: {  	v17 =	vld [tilespmem:s19+$0x4690]  }
0x14a: {  	v18 =	vld [tilespmem:s19+$0xC690]  }
0x14b: {  	v19 =	vld [tilespmem:s19+$0x14690]  }
0x14c: {  	v20 =	vld [tilespmem:s19+$0x46A0]  }
0x14d: {  	v21 =	vld [tilespmem:s19+$0xC6A0]  }
0x14e: {  	v23 =	vld [tilespmem:s19+$0x46B0]  }
0x14f: {  	v24 =	vld [tilespmem:s19+$0xC6B0]  }
0x150: {  	v22 =	vld [tilespmem:s19+$0x146A0]  }
0x151: {  	v0 =	vadd.f32 v1, v0;
	v3 =	vadd.f32 v18, v17  }
0x152: {  	v25 =	vld [tilespmem:s19+$0x146B0];
	v26 =	vadd.f32 v21, v20  }
0x153: {  	v0 =	vsub.f32 v0, v16;
	v3 =	vsub.f32 v3, v19  }
0x154: {  	v1 =	vadd.f32 v24, v23  }
0x155: {  	v4 =	vsub.f32 v26, v22;
	v0 =	vand.u32 $0x7FFFFFFF, v0;
	v3 =	vand.u32 $0x7FFFFFFF, v3  }
0x156: {  	v0 =	vadd.f32 v3, v0  }
0x157: {  	v1 =	vsub.f32 v1, v25;
	v27 =	vand.u32 $0x7FFFFFFF, v4  }
0x158: {  	v0 =	vadd.f32 v27, v0  }
0x159: {  	v1 =	vand.u32 $0x7FFFFFFF, v1  }
0x15a: {  	v0 =	vadd.f32 v1, v0;
	_ =	sdelay $0x1  }
0x15b: {  	(xrf2) =	vadd.scan.msk.f32 $0xffff, v0;
	_ =	sdelay $0x3  }
0x15c: {  	s24 =	sadd.s32 $0x89, s0  }
0x15d: {  	v28 =	vmov s24  }
0x15e: {  	v0 =	vand.u32 $0xFFFFFFF9, v28  }
0x15f: {  	v0 =	vbroadcast v0, $0x0;
	_ =	sdelay $0x2  }
0x160: {  	v29, _, _ =	vpop (xrf2)  }
0x161: {  	v1 =	vsub.f32 $1.200000000e+01, v29;
	_ =	sdelay $0x1  }
0x162: {  	[tilespmem:v0+s23+$0x0] =	vst.idx.msk vm0, v1  }
0x163: {  	v0 =	vld [tilespmem:s19+$0x4700]  }
0x164: {  	v1 =	vld [tilespmem:s19+$0xC700]  }
0x165: {  	v30 =	vld [tilespmem:s19+$0x14700]  }
0x166: {  	v31 =	vld [tilespmem:s19+$0x4710]  }
0x167: {  	v32 =	vld [tilespmem:s19+$0xC710]  }
0x168: {  	v33 =	vld [tilespmem:s19+$0x14710]  }
0x169: {  	v34 =	vld [tilespmem:s19+$0x4720]  }
0x16a: {  	v35 =	vld [tilespmem:s19+$0xC720]  }
0x16b: {  	v37 =	vld [tilespmem:s19+$0x4730]  }
0x16c: {  	v38 =	vld [tilespmem:s19+$0xC730]  }
0x16d: {  	v36 =	vld [tilespmem:s19+$0x14720]  }
0x16e: {  	v0 =	vadd.f32 v1, v0;
	v3 =	vadd.f32 v32, v31  }
0x16f: {  	v39 =	vld [tilespmem:s19+$0x14730];
	v40 =	vadd.f32 v35, v34  }
0x170: {  	v0 =	vsub.f32 v0, v30;
	v3 =	vsub.f32 v3, v33  }
0x171: {  	v1 =	vadd.f32 v38, v37  }
0x172: {  	v4 =	vsub.f32 v40, v36;
	v0 =	vand.u32 $0x7FFFFFFF, v0;
	v3 =	vand.u32 $0x7FFFFFFF, v3  }
0x173: {  	v0 =	vadd.f32 v3, v0  }
0x174: {  	v1 =	vsub.f32 v1, v39;
	v41 =	vand.u32 $0x7FFFFFFF, v4  }
0x175: {  	v0 =	vadd.f32 v41, v0  }
0x176: {  	v1 =	vand.u32 $0x7FFFFFFF, v1  }
0x177: {  	v0 =	vadd.f32 v1, v0;
	_ =	sdelay $0x1  }
0x178: {  	(xrf2) =	vadd.scan.msk.f32 $0xffff, v0;
	_ =	sdelay $0x3  }
0x179: {  	s24 =	sadd.s32 $0x8A, s0  }
0x17a: {  	v42 =	vmov s24  }
0x17b: {  	v0 =	vand.u32 $0xFFFFFFFA, v42  }
0x17c: {  	v0 =	vbroadcast v0, $0x0;
	_ =	sdelay $0x2  }
0x17d: {  	v43, _, _ =	vpop (xrf2)  }
0x17e: {  	v1 =	vsub.f32 $1.200000000e+01, v43;
	_ =	sdelay $0x1  }
0x17f: {  	[tilespmem:v0+s23+$0x0] =	vst.idx.msk vm0, v1  }
0x180: {  	v0 =	vld [tilespmem:s19+$0x4780]  }
0x181: {  	v1 =	vld [tilespmem:s19+$0xC780]  }
0x182: {  	v44 =	vld [tilespmem:s19+$0x14780]  }
0x183: {  	v45 =	vld [tilespmem:s19+$0x4790]  }
0x184: {  	v46 =	vld [tilespmem:s19+$0xC790]  }
0x185: {  	v47 =	vld [tilespmem:s19+$0x14790]  }
0x186: {  	v48 =	vld [tilespmem:s19+$0x47A0]  }
0x187: {  	v49 =	vld [tilespmem:s19+$0xC7A0]  }
0x188: {  	v51 =	vld [tilespmem:s19+$0x47B0]  }
0x189: {  	v52 =	vld [tilespmem:s19+$0xC7B0]  }
0x18a: {  	v50 =	vld [tilespmem:s19+$0x147A0]  }
0x18b: {  	v0 =	vadd.f32 v1, v0;
	v3 =	vadd.f32 v46, v45  }
0x18c: {  	v53 =	vld [tilespmem:s19+$0x147B0];
	v54 =	vadd.f32 v49, v48  }
0x18d: {  	v0 =	vsub.f32 v0, v44;
	v3 =	vsub.f32 v3, v47  }
0x18e: {  	v1 =	vadd.f32 v52, v51  }
0x18f: {  	v4 =	vsub.f32 v54, v50;
	v0 =	vand.u32 $0x7FFFFFFF, v0;
	v3 =	vand.u32 $0x7FFFFFFF, v3  }
0x190: {  	v0 =	vadd.f32 v3, v0  }
0x191: {  	v1 =	vsub.f32 v1, v53;
	v55 =	vand.u32 $0x7FFFFFFF, v4  }
0x192: {  	v0 =	vadd.f32 v55, v0  }
0x193: {  	v1 =	vand.u32 $0x7FFFFFFF, v1  }
0x194: {  	v0 =	vadd.f32 v1, v0;
	_ =	sdelay $0x1  }
0x195: {  	(xrf2) =	vadd.scan.msk.f32 $0xffff, v0;
	_ =	sdelay $0x3  }
0x196: {  	s24 =	sadd.s32 $0x8B, s0  }
0x197: {  	v56 =	vmov s24  }
0x198: {  	v0 =	vand.u32 $0xFFFFFFFB, v56  }
0x199: {  	v0 =	vbroadcast v0, $0x0;
	_ =	sdelay $0x2  }
0x19a: {  	v57, _, _ =	vpop (xrf2)  }
0x19b: {  	v1 =	vsub.f32 $1.200000000e+01, v57;
	_ =	sdelay $0x1  }
0x19c: {  	[tilespmem:v0+s23+$0x0] =	vst.idx.msk vm0, v1  }
0x19d: {  	v0 =	vld [tilespmem:s19+$0x4800]  }
0x19e: {  	v1 =	vld [tilespmem:s19+$0xC800]  }
0x19f: {  	v58 =	vld [tilespmem:s19+$0x14800]  }
0x1a0: {  	v59 =	vld [tilespmem:s19+$0x4810]  }
0x1a1: {  	v60 =	vld [tilespmem:s19+$0xC810]  }
0x1a2: {  	v61 =	vld [tilespmem:s19+$0x14810]  }
0x1a3: {  	v62 =	vld [tilespmem:s19+$0x4820]  }
0x1a4: {  	v63 =	vld [tilespmem:s19+$0xC820]  }
0x1a5: {  	v13 =	vld [tilespmem:s19+$0x4830]  }
0x1a6: {  	v14 =	vld [tilespmem:s19+$0xC830]  }
0x1a7: {  	v12 =	vld [tilespmem:s19+$0x14820]  }
0x1a8: {  	v0 =	vadd.f32 v1, v0;
	v3 =	vadd.f32 v60, v59  }
0x1a9: {  	v15 =	vld [tilespmem:s19+$0x14830];
	v16 =	vadd.f32 v63, v62  }
0x1aa: {  	v0 =	vsub.f32 v0, v58;
	v3 =	vsub.f32 v3, v61  }
0x1ab: {  	v1 =	vadd.f32 v14, v13  }
0x1ac: {  	v4 =	vsub.f32 v16, v12;
	v0 =	vand.u32 $0x7FFFFFFF, v0;
	v3 =	vand.u32 $0x7FFFFFFF, v3  }
0x1ad: {  	v0 =	vadd.f32 v3, v0  }
0x1ae: {  	v1 =	vsub.f32 v1, v15;
	v17 =	vand.u32 $0x7FFFFFFF, v4  }
0x1af: {  	v0 =	vadd.f32 v17, v0  }
0x1b0: {  	v1 =	vand.u32 $0x7FFFFFFF, v1  }
0x1b1: {  	v0 =	vadd.f32 v1, v0;
	_ =	sdelay $0x1  }
0x1b2: {  	(xrf2) =	vadd.scan.msk.f32 $0xffff, v0;
	_ =	sdelay $0x3  }
0x1b3: {  	s24 =	sadd.s32 $0x8C, s0  }
0x1b4: {  	v18 =	vmov s24  }
0x1b5: {  	v0 =	vand.u32 $0xFFFFFFFC, v18  }
0x1b6: {  	v0 =	vbroadcast v0, $0x0;
	_ =	sdelay $0x2  }
0x1b7: {  	v19, _, _ =	vpop (xrf2)  }
0x1b8: {  	v1 =	vsub.f32 $1.200000000e+01, v19;
	_ =	sdelay $0x1  }
0x1b9: {  	[tilespmem:v0+s23+$0x0] =	vst.idx.msk vm0, v1  }
0x1ba: {  	v0 =	vld [tilespmem:s19+$0x4880]  }
0x1bb: {  	v1 =	vld [tilespmem:s19+$0xC880]  }
0x1bc: {  	v20 =	vld [tilespmem:s19+$0x14880]  }
0x1bd: {  	v21 =	vld [tilespmem:s19+$0x4890]  }
0x1be: {  	v22 =	vld [tilespmem:s19+$0xC890]  }
0x1bf: {  	v23 =	vld [tilespmem:s19+$0x14890]  }
0x1c0: {  	v24 =	vld [tilespmem:s19+$0x48A0]  }
0x1c1: {  	v25 =	vld [tilespmem:s19+$0xC8A0]  }
0x1c2: {  	v27 =	vld [tilespmem:s19+$0x48B0]  }
0x1c3: {  	v28 =	vld [tilespmem:s19+$0xC8B0]  }
0x1c4: {  	v26 =	vld [tilespmem:s19+$0x148A0]  }
0x1c5: {  	v0 =	vadd.f32 v1, v0;
	v3 =	vadd.f32 v22, v21  }
0x1c6: {  	v29 =	vld [tilespmem:s19+$0x148B0];
	v30 =	vadd.f32 v25, v24  }
0x1c7: {  	v0 =	vsub.f32 v0, v20;
	v3 =	vsub.f32 v3, v23  }
0x1c8: {  	v1 =	vadd.f32 v28, v27  }
0x1c9: {  	v4 =	vsub.f32 v30, v26;
	v0 =	vand.u32 $0x7FFFFFFF, v0;
	v3 =	vand.u32 $0x7FFFFFFF, v3  }
0x1ca: {  	v0 =	vadd.f32 v3, v0  }
0x1cb: {  	v1 =	vsub.f32 v1, v29;
	v31 =	vand.u32 $0x7FFFFFFF, v4  }
0x1cc: {  	v0 =	vadd.f32 v31, v0  }
0x1cd: {  	v1 =	vand.u32 $0x7FFFFFFF, v1  }
0x1ce: {  	v0 =	vadd.f32 v1, v0;
	_ =	sdelay $0x1  }
0x1cf: {  	(xrf2) =	vadd.scan.msk.f32 $0xffff, v0;
	_ =	sdelay $0x3  }
0x1d0: {  	s24 =	sadd.s32 $0x8D, s0  }
0x1d1: {  	v32 =	vmov s24  }
0x1d2: {  	v0 =	vand.u32 $0xFFFFFFFD, v32  }
0x1d3: {  	v0 =	vbroadcast v0, $0x0;
	_ =	sdelay $0x2  }
0x1d4: {  	v33, _, _ =	vpop (xrf2)  }
0x1d5: {  	v1 =	vsub.f32 $1.200000000e+01, v33;
	_ =	sdelay $0x1  }
0x1d6: {  	[tilespmem:v0+s23+$0x0] =	vst.idx.msk vm0, v1  }
0x1d7: {  	v0 =	vld [tilespmem:s19+$0x4900]  }
0x1d8: {  	v1 =	vld [tilespmem:s19+$0xC900]  }
0x1d9: {  	v34 =	vld [tilespmem:s19+$0x14900]  }
0x1da: {  	v35 =	vld [tilespmem:s19+$0x4910]  }
0x1db: {  	v36 =	vld [tilespmem:s19+$0xC910]  }
0x1dc: {  	v37 =	vld [tilespmem:s19+$0x14910]  }
0x1dd: {  	v38 =	vld [tilespmem:s19+$0x4920]  }
0x1de: {  	v39 =	vld [tilespmem:s19+$0xC920]  }
0x1df: {  	v41 =	vld [tilespmem:s19+$0x4930]  }
0x1e0: {  	v42 =	vld [tilespmem:s19+$0xC930]  }
0x1e1: {  	v40 =	vld [tilespmem:s19+$0x14920]  }
0x1e2: {  	v0 =	vadd.f32 v1, v0;
	v3 =	vadd.f32 v36, v35  }
0x1e3: {  	v43 =	vld [tilespmem:s19+$0x14930];
	v44 =	vadd.f32 v39, v38  }
0x1e4: {  	v0 =	vsub.f32 v0, v34;
	v3 =	vsub.f32 v3, v37  }
0x1e5: {  	v1 =	vadd.f32 v42, v41  }
0x1e6: {  	v4 =	vsub.f32 v44, v40;
	v0 =	vand.u32 $0x7FFFFFFF, v0;
	v3 =	vand.u32 $0x7FFFFFFF, v3  }
0x1e7: {  	v0 =	vadd.f32 v3, v0  }
0x1e8: {  	v1 =	vsub.f32 v1, v43;
	v45 =	vand.u32 $0x7FFFFFFF, v4  }
0x1e9: {  	v0 =	vadd.f32 v45, v0  }
0x1ea: {  	v1 =	vand.u32 $0x7FFFFFFF, v1  }
0x1eb: {  	v0 =	vadd.f32 v1, v0;
	_ =	sdelay $0x1  }
0x1ec: {  	(xrf2) =	vadd.scan.msk.f32 $0xffff, v0;
	_ =	sdelay $0x3  }
0x1ed: {  	s24 =	sadd.s32 $0x8E, s0  }
0x1ee: {  	v46 =	vmov s24  }
0x1ef: {  	v0 =	vand.u32 $0xFFFFFFFE, v46  }
0x1f0: {  	v0 =	vbroadcast v0, $0x0;
	_ =	sdelay $0x2  }
0x1f1: {  	v47, _, _ =	vpop (xrf2)  }
0x1f2: {  	v1 =	vsub.f32 $1.200000000e+01, v47;
	_ =	sdelay $0x1  }
0x1f3: {  	[tilespmem:v0+s23+$0x0] =	vst.idx.msk vm0, v1  }
0x1f4: {  	v0 =	vld [tilespmem:s19+$0x4980]  }
0x1f5: {  	v1 =	vld [tilespmem:s19+$0xC980]  }
0x1f6: {  	v48 =	vld [tilespmem:s19+$0x14980]  }
0x1f7: {  	v49 =	vld [tilespmem:s19+$0x4990]  }
0x1f8: {  	v50 =	vld [tilespmem:s19+$0xC990]  }
0x1f9: {  	v51 =	vld [tilespmem:s19+$0x14990]  }
0x1fa: {  	v52 =	vld [tilespmem:s19+$0x49A0]  }
0x1fb: {  	v53 =	vld [tilespmem:s19+$0xC9A0]  }
0x1fc: {  	v55 =	vld [tilespmem:s19+$0x49B0]  }
0x1fd: {  	v10 =	vld [tilespmem:s19+$0xC9B0]  }
0x1fe: {  	v54 =	vld [tilespmem:s19+$0x149A0]  }
0x1ff: {  	v0 =	vadd.f32 v1, v0;
	v56 =	vadd.f32 v50, v49  }
0x200: {  	v58 =	vld [tilespmem:s19+$0x149B0];
	v57 =	vadd.f32 v53, v52  }
0x201: {  	v0 =	vsub.f32 v0, v48;
	v1 =	vsub.f32 v56, v51  }
0x202: {  	v60 =	vadd.f32 v10, v55  }
0x203: {  	v59 =	vsub.f32 v57, v54;
	v0 =	vand.u32 $0x7FFFFFFF, v0;
	v1 =	vand.u32 $0x7FFFFFFF, v1  }
0x204: {  	v0 =	vadd.f32 v1, v0  }
0x205: {  	v61 =	vsub.f32 v60, v58;
	v2 =	vand.u32 $0x7FFFFFFF, v59  }
0x206: {  	v0 =	vadd.f32 v2, v0  }
0x207: {  	v1 =	vand.u32 $0x7FFFFFFF, v61  }
0x208: {  	v0 =	vadd.f32 v1, v0;
	_ =	sdelay $0x1  }
0x209: {  	(xrf2) =	vadd.scan.msk.f32 $0xffff, v0;
	_ =	sdelay $0x6  }
0x20a: {  	s24 =	sadd.s32 $0x8F, s0;
	s0 =	sadd.s32 $0x8, s0  }
0x20b: {  	p0 =	slt.u32 s0, $0x78;
	v62 =	vmov s24  }
.Ltmp1:
0x20c: {  	_ = 	snop;
	(pc) =	sbr.rel @p0 .LBB2_4-.Ltmp1, $3  }
0x20d: {  	v63, _, _ =	vpop (xrf2)  }
0x20e: {  	v1 =	vsub.f32 $1.200000000e+01, v63;
	_ =	sdelay $0x1  }
0x20f: {  	s3 =	sadd.s32 $0x1000, s3;
	[tilespmem:v62+s23+$0x0] =	vst.idx.msk vm0, v1  }
0x210: {  	_ =	swait.ge [sflag:s17], $0x4000  }
0x211: {  	[sflag:s17] =	ssyncset.done $0x0  }
0x212: {  	[sflag:s17] =	ssyncadd.s32 $0xFFFFC000  }
0x213: {  	_ =	swait.ge [sflag:s17], $0x4000  }
0x214: {  	[sflag:s17] =	ssyncset.done $0x0  }
0x215: {  	[sflag:s17] =	ssyncadd.s32 $0xFFFFC000  }
0x216: {  	_ =	swait.ge [sflag:s17], $0x4000  }
0x217: {  	[sflag:s17] =	ssyncset.done $0x0  }
0x218: {  	[sflag:s17] =	ssyncadd.s32 $0xFFFFC000  }
0x219: {  	[tilespmem:s18], [sflag:$0x1] =	stream.indirect.gather [hbm4b:s1+s13], $0x80, s28, s13, $0xb8;
	[tilespmem:$0x18800] =	vst v63  }
0x21a: {  	s0 =	simm.s32 $0xFFFFFFF8  }
0x21b: {  	[tilespmem:s20], [sflag:$0x1] =	stream.indirect.gather [hbm4b:s2+s13], $0x80, s29, s13, $0xb8;
	[tilespmem:$0x18800] =	vst v63  }
0x21c: {  	s3 =	simm.s32 $0x800;
	s19 =	simm.s32 $0x10800;
	s21 =	simm.s32 $0x8800  }
0x21d: {  	[tilespmem:s22], [sflag:$0x1] =	stream.indirect.gather [hbm4b:s1+s13], $0x80, s30, s13, $0xb8;
	[tilespmem:$0x18800] =	vst v63  }
.LBB2_6:
0x21e: {  	v0 =	vld [tilespmem:s3+$0xFFFFFE00]  }
0x21f: {  	v1 =	vld [tilespmem:s21+$0xFFFFFE00]  }
0x220: {  	v2 =	vld [tilespmem:s19+$0xFFFFFE00]  }
0x221: {  	v3 =	vld [tilespmem:s3+$0xFFFFFE10]  }
0x222: {  	v4 =	vld [tilespmem:s21+$0xFFFFFE10]  }
0x223: {  	v5 =	vld [tilespmem:s19+$0xFFFFFE10]  }
0x224: {  	v6 =	vld [tilespmem:s3+$0xFFFFFE20]  }
0x225: {  	v7 =	vld [tilespmem:s21+$0xFFFFFE20]  }
0x226: {  	v9 =	vld [tilespmem:s3+$0xFFFFFE30]  }
0x227: {  	v10 =	vld [tilespmem:s21+$0xFFFFFE30]  }
0x228: {  	v8 =	vld [tilespmem:s19+$0xFFFFFE20]  }
0x229: {  	v0 =	vadd.f32 v1, v0;
	v3 =	vadd.f32 v4, v3  }
0x22a: {  	v11 =	vld [tilespmem:s19+$0xFFFFFE30];
	v12 =	vadd.f32 v7, v6  }
0x22b: {  	v0 =	vsub.f32 v0, v2;
	v3 =	vsub.f32 v3, v5  }
0x22c: {  	v1 =	vadd.f32 v10, v9  }
0x22d: {  	v4 =	vsub.f32 v12, v8;
	v0 =	vand.u32 $0x7FFFFFFF, v0;
	v3 =	vand.u32 $0x7FFFFFFF, v3  }
0x22e: {  	v0 =	vadd.f32 v3, v0  }
0x22f: {  	v1 =	vsub.f32 v1, v11;
	v13 =	vand.u32 $0x7FFFFFFF, v4  }
0x230: {  	v0 =	vadd.f32 v13, v0  }
0x231: {  	v1 =	vand.u32 $0x7FFFFFFF, v1  }
0x232: {  	v0 =	vadd.f32 v1, v0;
	_ =	sdelay $0x1  }
0x233: {  	(xrf2) =	vadd.scan.msk.f32 $0xffff, v0;
	_ =	sdelay $0x3  }
0x234: {  	s24 =	sadd.s32 $0x108, s0  }
0x235: {  	v14 =	vmov s24  }
0x236: {  	v0 =	vand.u32 $0xFFFFFFF8, v14  }
0x237: {  	v0 =	vbroadcast v0, $0x0;
	_ =	sdelay $0x2  }
0x238: {  	v15, _, _ =	vpop (xrf2)  }
0x239: {  	v1 =	vsub.f32 $1.200000000e+01, v15;
	_ =	sdelay $0x1  }
0x23a: {  	[tilespmem:v0+s23+$0x0] =	vst.idx.msk vm0, v1  }
0x23b: {  	v0 =	vld [tilespmem:s3+$0xFFFFFE80]  }
0x23c: {  	v1 =	vld [tilespmem:s21+$0xFFFFFE80]  }
0x23d: {  	v16 =	vld [tilespmem:s19+$0xFFFFFE80]  }
0x23e: {  	v17 =	vld [tilespmem:s3+$0xFFFFFE90]  }
0x23f: {  	v18 =	vld [tilespmem:s21+$0xFFFFFE90]  }
0x240: {  	v19 =	vld [tilespmem:s19+$0xFFFFFE90]  }
0x241: {  	v20 =	vld [tilespmem:s3+$0xFFFFFEA0]  }
0x242: {  	v21 =	vld [tilespmem:s21+$0xFFFFFEA0]  }
0x243: {  	v23 =	vld [tilespmem:s3+$0xFFFFFEB0]  }
0x244: {  	v24 =	vld [tilespmem:s21+$0xFFFFFEB0]  }
0x245: {  	v22 =	vld [tilespmem:s19+$0xFFFFFEA0]  }
0x246: {  	v0 =	vadd.f32 v1, v0;
	v3 =	vadd.f32 v18, v17  }
0x247: {  	v25 =	vld [tilespmem:s19+$0xFFFFFEB0];
	v26 =	vadd.f32 v21, v20  }
0x248: {  	v0 =	vsub.f32 v0, v16;
	v3 =	vsub.f32 v3, v19  }
0x249: {  	v1 =	vadd.f32 v24, v23  }
0x24a: {  	v4 =	vsub.f32 v26, v22;
	v0 =	vand.u32 $0x7FFFFFFF, v0;
	v3 =	vand.u32 $0x7FFFFFFF, v3  }
0x24b: {  	v0 =	vadd.f32 v3, v0  }
0x24c: {  	v1 =	vsub.f32 v1, v25;
	v27 =	vand.u32 $0x7FFFFFFF, v4  }
0x24d: {  	v0 =	vadd.f32 v27, v0  }
0x24e: {  	v1 =	vand.u32 $0x7FFFFFFF, v1  }
0x24f: {  	v0 =	vadd.f32 v1, v0;
	_ =	sdelay $0x1  }
0x250: {  	(xrf2) =	vadd.scan.msk.f32 $0xffff, v0;
	_ =	sdelay $0x3  }
0x251: {  	s24 =	sadd.s32 $0x109, s0  }
0x252: {  	v28 =	vmov s24  }
0x253: {  	v0 =	vand.u32 $0xFFFFFFF9, v28  }
0x254: {  	v0 =	vbroadcast v0, $0x0;
	_ =	sdelay $0x2  }
0x255: {  	v29, _, _ =	vpop (xrf2)  }
0x256: {  	v1 =	vsub.f32 $1.200000000e+01, v29;
	_ =	sdelay $0x1  }
0x257: {  	[tilespmem:v0+s23+$0x0] =	vst.idx.msk vm0, v1  }
0x258: {  	v0 =	vld [tilespmem:s3+$0xFFFFFF00]  }
0x259: {  	v1 =	vld [tilespmem:s21+$0xFFFFFF00]  }
0x25a: {  	v30 =	vld [tilespmem:s19+$0xFFFFFF00]  }
0x25b: {  	v31 =	vld [tilespmem:s3+$0xFFFFFF10]  }
0x25c: {  	v32 =	vld [tilespmem:s21+$0xFFFFFF10]  }
0x25d: {  	v33 =	vld [tilespmem:s19+$0xFFFFFF10]  }
0x25e: {  	v34 =	vld [tilespmem:s3+$0xFFFFFF20]  }
0x25f: {  	v35 =	vld [tilespmem:s21+$0xFFFFFF20]  }
0x260: {  	v37 =	vld [tilespmem:s3+$0xFFFFFF30]  }
0x261: {  	v38 =	vld [tilespmem:s21+$0xFFFFFF30]  }
0x262: {  	v36 =	vld [tilespmem:s19+$0xFFFFFF20]  }
0x263: {  	v0 =	vadd.f32 v1, v0;
	v3 =	vadd.f32 v32, v31  }
0x264: {  	v39 =	vld [tilespmem:s19+$0xFFFFFF30];
	v40 =	vadd.f32 v35, v34  }
0x265: {  	v0 =	vsub.f32 v0, v30;
	v3 =	vsub.f32 v3, v33  }
0x266: {  	v1 =	vadd.f32 v38, v37  }
0x267: {  	v4 =	vsub.f32 v40, v36;
	v0 =	vand.u32 $0x7FFFFFFF, v0;
	v3 =	vand.u32 $0x7FFFFFFF, v3  }
0x268: {  	v0 =	vadd.f32 v3, v0  }
0x269: {  	v1 =	vsub.f32 v1, v39;
	v41 =	vand.u32 $0x7FFFFFFF, v4  }
0x26a: {  	v0 =	vadd.f32 v41, v0  }
0x26b: {  	v1 =	vand.u32 $0x7FFFFFFF, v1  }
0x26c: {  	v0 =	vadd.f32 v1, v0;
	_ =	sdelay $0x1  }
0x26d: {  	(xrf2) =	vadd.scan.msk.f32 $0xffff, v0;
	_ =	sdelay $0x3  }
0x26e: {  	s24 =	sadd.s32 $0x10A, s0  }
0x26f: {  	v42 =	vmov s24  }
0x270: {  	v0 =	vand.u32 $0xFFFFFFFA, v42  }
0x271: {  	v0 =	vbroadcast v0, $0x0;
	_ =	sdelay $0x2  }
0x272: {  	v43, _, _ =	vpop (xrf2)  }
0x273: {  	v1 =	vsub.f32 $1.200000000e+01, v43;
	_ =	sdelay $0x1  }
0x274: {  	[tilespmem:v0+s23+$0x0] =	vst.idx.msk vm0, v1  }
0x275: {  	v0 =	vld [tilespmem:s3+$0xFFFFFF80]  }
0x276: {  	v1 =	vld [tilespmem:s21+$0xFFFFFF80]  }
0x277: {  	v44 =	vld [tilespmem:s19+$0xFFFFFF80]  }
0x278: {  	v45 =	vld [tilespmem:s3+$0xFFFFFF90]  }
0x279: {  	v46 =	vld [tilespmem:s21+$0xFFFFFF90]  }
0x27a: {  	v47 =	vld [tilespmem:s19+$0xFFFFFF90]  }
0x27b: {  	v48 =	vld [tilespmem:s3+$0xFFFFFFA0]  }
0x27c: {  	v49 =	vld [tilespmem:s21+$0xFFFFFFA0]  }
0x27d: {  	v51 =	vld [tilespmem:s3+$0xFFFFFFB0]  }
0x27e: {  	v52 =	vld [tilespmem:s21+$0xFFFFFFB0]  }
0x27f: {  	v50 =	vld [tilespmem:s19+$0xFFFFFFA0]  }
0x280: {  	v0 =	vadd.f32 v1, v0;
	v3 =	vadd.f32 v46, v45  }
0x281: {  	v53 =	vld [tilespmem:s19+$0xFFFFFFB0];
	v54 =	vadd.f32 v49, v48  }
0x282: {  	v0 =	vsub.f32 v0, v44;
	v3 =	vsub.f32 v3, v47  }
0x283: {  	v1 =	vadd.f32 v52, v51  }
0x284: {  	v4 =	vsub.f32 v54, v50;
	v0 =	vand.u32 $0x7FFFFFFF, v0;
	v3 =	vand.u32 $0x7FFFFFFF, v3  }
0x285: {  	v0 =	vadd.f32 v3, v0  }
0x286: {  	v1 =	vsub.f32 v1, v53;
	v55 =	vand.u32 $0x7FFFFFFF, v4  }
0x287: {  	v0 =	vadd.f32 v55, v0  }
0x288: {  	v1 =	vand.u32 $0x7FFFFFFF, v1  }
0x289: {  	v0 =	vadd.f32 v1, v0;
	_ =	sdelay $0x1  }
0x28a: {  	(xrf2) =	vadd.scan.msk.f32 $0xffff, v0;
	_ =	sdelay $0x3  }
0x28b: {  	s24 =	sadd.s32 $0x10B, s0  }
0x28c: {  	v56 =	vmov s24  }
0x28d: {  	v0 =	vand.u32 $0xFFFFFFFB, v56  }
0x28e: {  	v0 =	vbroadcast v0, $0x0;
	_ =	sdelay $0x2  }
0x28f: {  	v57, _, _ =	vpop (xrf2)  }
0x290: {  	v1 =	vsub.f32 $1.200000000e+01, v57;
	_ =	sdelay $0x1  }
0x291: {  	[tilespmem:v0+s23+$0x0] =	vst.idx.msk vm0, v1  }
0x292: {  	v0 =	vld [tilespmem:s3+$0x0]  }
0x293: {  	v1 =	vld [tilespmem:s21+$0x0]  }
0x294: {  	v58 =	vld [tilespmem:s19+$0x0]  }
0x295: {  	v59 =	vld [tilespmem:s3+$0x10]  }
0x296: {  	v60 =	vld [tilespmem:s21+$0x10]  }
0x297: {  	v61 =	vld [tilespmem:s19+$0x10]  }
0x298: {  	v62 =	vld [tilespmem:s3+$0x20]  }
0x299: {  	v63 =	vld [tilespmem:s21+$0x20]  }
0x29a: {  	v13 =	vld [tilespmem:s3+$0x30]  }
0x29b: {  	v14 =	vld [tilespmem:s21+$0x30]  }
0x29c: {  	v12 =	vld [tilespmem:s19+$0x20]  }
0x29d: {  	v0 =	vadd.f32 v1, v0;
	v3 =	vadd.f32 v60, v59  }
0x29e: {  	v15 =	vld [tilespmem:s19+$0x30];
	v16 =	vadd.f32 v63, v62  }
0x29f: {  	v0 =	vsub.f32 v0, v58;
	v3 =	vsub.f32 v3, v61  }
0x2a0: {  	v1 =	vadd.f32 v14, v13  }
0x2a1: {  	v4 =	vsub.f32 v16, v12;
	v0 =	vand.u32 $0x7FFFFFFF, v0;
	v3 =	vand.u32 $0x7FFFFFFF, v3  }
0x2a2: {  	v0 =	vadd.f32 v3, v0  }
0x2a3: {  	v1 =	vsub.f32 v1, v15;
	v17 =	vand.u32 $0x7FFFFFFF, v4  }
0x2a4: {  	v0 =	vadd.f32 v17, v0  }
0x2a5: {  	v1 =	vand.u32 $0x7FFFFFFF, v1  }
0x2a6: {  	v0 =	vadd.f32 v1, v0;
	_ =	sdelay $0x1  }
0x2a7: {  	(xrf2) =	vadd.scan.msk.f32 $0xffff, v0;
	_ =	sdelay $0x3  }
0x2a8: {  	s24 =	sadd.s32 $0x10C, s0  }
0x2a9: {  	v18 =	vmov s24  }
0x2aa: {  	v0 =	vand.u32 $0xFFFFFFFC, v18  }
0x2ab: {  	v0 =	vbroadcast v0, $0x0;
	_ =	sdelay $0x2  }
0x2ac: {  	v19, _, _ =	vpop (xrf2)  }
0x2ad: {  	v1 =	vsub.f32 $1.200000000e+01, v19;
	_ =	sdelay $0x1  }
0x2ae: {  	[tilespmem:v0+s23+$0x0] =	vst.idx.msk vm0, v1  }
0x2af: {  	v0 =	vld [tilespmem:s3+$0x80]  }
0x2b0: {  	v1 =	vld [tilespmem:s21+$0x80]  }
0x2b1: {  	v20 =	vld [tilespmem:s19+$0x80]  }
0x2b2: {  	v21 =	vld [tilespmem:s3+$0x90]  }
0x2b3: {  	v22 =	vld [tilespmem:s21+$0x90]  }
0x2b4: {  	v23 =	vld [tilespmem:s19+$0x90]  }
0x2b5: {  	v24 =	vld [tilespmem:s3+$0xA0]  }
0x2b6: {  	v25 =	vld [tilespmem:s21+$0xA0]  }
0x2b7: {  	v27 =	vld [tilespmem:s3+$0xB0]  }
0x2b8: {  	v28 =	vld [tilespmem:s21+$0xB0]  }
0x2b9: {  	v26 =	vld [tilespmem:s19+$0xA0]  }
0x2ba: {  	v0 =	vadd.f32 v1, v0;
	v3 =	vadd.f32 v22, v21  }
0x2bb: {  	v29 =	vld [tilespmem:s19+$0xB0];
	v30 =	vadd.f32 v25, v24  }
0x2bc: {  	v0 =	vsub.f32 v0, v20;
	v3 =	vsub.f32 v3, v23  }
0x2bd: {  	v1 =	vadd.f32 v28, v27  }
0x2be: {  	v4 =	vsub.f32 v30, v26;
	v0 =	vand.u32 $0x7FFFFFFF, v0;
	v3 =	vand.u32 $0x7FFFFFFF, v3  }
0x2bf: {  	v0 =	vadd.f32 v3, v0  }
0x2c0: {  	v1 =	vsub.f32 v1, v29;
	v31 =	vand.u32 $0x7FFFFFFF, v4  }
0x2c1: {  	v0 =	vadd.f32 v31, v0  }
0x2c2: {  	v1 =	vand.u32 $0x7FFFFFFF, v1  }
0x2c3: {  	v0 =	vadd.f32 v1, v0;
	_ =	sdelay $0x1  }
0x2c4: {  	(xrf2) =	vadd.scan.msk.f32 $0xffff, v0;
	_ =	sdelay $0x3  }
0x2c5: {  	s24 =	sadd.s32 $0x10D, s0  }
0x2c6: {  	v32 =	vmov s24  }
0x2c7: {  	v0 =	vand.u32 $0xFFFFFFFD, v32  }
0x2c8: {  	v0 =	vbroadcast v0, $0x0;
	_ =	sdelay $0x2  }
0x2c9: {  	v33, _, _ =	vpop (xrf2)  }
0x2ca: {  	v1 =	vsub.f32 $1.200000000e+01, v33;
	_ =	sdelay $0x1  }
0x2cb: {  	[tilespmem:v0+s23+$0x0] =	vst.idx.msk vm0, v1  }
0x2cc: {  	v0 =	vld [tilespmem:s3+$0x100]  }
0x2cd: {  	v1 =	vld [tilespmem:s21+$0x100]  }
0x2ce: {  	v34 =	vld [tilespmem:s19+$0x100]  }
0x2cf: {  	v35 =	vld [tilespmem:s3+$0x110]  }
0x2d0: {  	v36 =	vld [tilespmem:s21+$0x110]  }
0x2d1: {  	v37 =	vld [tilespmem:s19+$0x110]  }
0x2d2: {  	v38 =	vld [tilespmem:s3+$0x120]  }
0x2d3: {  	v39 =	vld [tilespmem:s21+$0x120]  }
0x2d4: {  	v41 =	vld [tilespmem:s3+$0x130]  }
0x2d5: {  	v42 =	vld [tilespmem:s21+$0x130]  }
0x2d6: {  	v40 =	vld [tilespmem:s19+$0x120]  }
0x2d7: {  	v0 =	vadd.f32 v1, v0;
	v3 =	vadd.f32 v36, v35  }
0x2d8: {  	v43 =	vld [tilespmem:s19+$0x130];
	v44 =	vadd.f32 v39, v38  }
0x2d9: {  	v0 =	vsub.f32 v0, v34;
	v3 =	vsub.f32 v3, v37  }
0x2da: {  	v1 =	vadd.f32 v42, v41  }
0x2db: {  	v4 =	vsub.f32 v44, v40;
	v0 =	vand.u32 $0x7FFFFFFF, v0;
	v3 =	vand.u32 $0x7FFFFFFF, v3  }
0x2dc: {  	v0 =	vadd.f32 v3, v0  }
0x2dd: {  	v1 =	vsub.f32 v1, v43;
	v45 =	vand.u32 $0x7FFFFFFF, v4  }
0x2de: {  	v0 =	vadd.f32 v45, v0  }
0x2df: {  	v1 =	vand.u32 $0x7FFFFFFF, v1  }
0x2e0: {  	v0 =	vadd.f32 v1, v0;
	_ =	sdelay $0x1  }
0x2e1: {  	(xrf2) =	vadd.scan.msk.f32 $0xffff, v0;
	_ =	sdelay $0x3  }
0x2e2: {  	s24 =	sadd.s32 $0x10E, s0  }
0x2e3: {  	v46 =	vmov s24  }
0x2e4: {  	v0 =	vand.u32 $0xFFFFFFFE, v46  }
0x2e5: {  	v0 =	vbroadcast v0, $0x0;
	_ =	sdelay $0x2  }
0x2e6: {  	v47, _, _ =	vpop (xrf2)  }
0x2e7: {  	v1 =	vsub.f32 $1.200000000e+01, v47;
	_ =	sdelay $0x1  }
0x2e8: {  	[tilespmem:v0+s23+$0x0] =	vst.idx.msk vm0, v1  }
0x2e9: {  	v0 =	vld [tilespmem:s3+$0x180]  }
0x2ea: {  	v1 =	vld [tilespmem:s21+$0x180]  }
0x2eb: {  	v48 =	vld [tilespmem:s19+$0x180]  }
0x2ec: {  	v49 =	vld [tilespmem:s3+$0x190]  }
0x2ed: {  	v50 =	vld [tilespmem:s21+$0x190]  }
0x2ee: {  	v51 =	vld [tilespmem:s19+$0x190]  }
0x2ef: {  	v52 =	vld [tilespmem:s3+$0x1A0]  }
0x2f0: {  	v53 =	vld [tilespmem:s21+$0x1A0]  }
0x2f1: {  	v55 =	vld [tilespmem:s3+$0x1B0]  }
0x2f2: {  	v10 =	vld [tilespmem:s21+$0x1B0]  }
0x2f3: {  	v54 =	vld [tilespmem:s19+$0x1A0]  }
0x2f4: {  	v0 =	vadd.f32 v1, v0;
	v56 =	vadd.f32 v50, v49  }
0x2f5: {  	v58 =	vld [tilespmem:s19+$0x1B0];
	v57 =	vadd.f32 v53, v52  }
0x2f6: {  	v0 =	vsub.f32 v0, v48;
	v1 =	vsub.f32 v56, v51  }
0x2f7: {  	v60 =	vadd.f32 v10, v55  }
0x2f8: {  	v59 =	vsub.f32 v57, v54;
	v0 =	vand.u32 $0x7FFFFFFF, v0;
	v1 =	vand.u32 $0x7FFFFFFF, v1  }
0x2f9: {  	v0 =	vadd.f32 v1, v0  }
0x2fa: {  	v61 =	vsub.f32 v60, v58;
	v2 =	vand.u32 $0x7FFFFFFF, v59  }
0x2fb: {  	v0 =	vadd.f32 v2, v0  }
0x2fc: {  	v1 =	vand.u32 $0x7FFFFFFF, v61  }
0x2fd: {  	v0 =	vadd.f32 v1, v0;
	_ =	sdelay $0x1  }
0x2fe: {  	(xrf2) =	vadd.scan.msk.f32 $0xffff, v0;
	_ =	sdelay $0x6  }
0x2ff: {  	s24 =	sadd.s32 $0x10F, s0;
	s0 =	sadd.s32 $0x8, s0  }
0x300: {  	p0 =	slt.u32 s0, $0x78;
	v62 =	vmov s24  }
.Ltmp2:
0x301: {  	_ = 	snop;
	(pc) =	sbr.rel @p0 .LBB2_6-.Ltmp2, $3  }
0x302: {  	v63, _, _ =	vpop (xrf2)  }
0x303: {  	v1 =	vsub.f32 $1.200000000e+01, v63;
	_ =	sdelay $0x1  }
0x304: {  	s3 =	sadd.s32 $0x400, s3;
	s19 =	sadd.s32 $0x400, s19;
	s21 =	sadd.s32 $0x400, s21;
	[tilespmem:v62+s23+$0x0] =	vst.idx.msk vm0, v1  }
0x305: {  	_ =	swait.ge [sflag:s17], $0x4000  }
0x306: {  	[sflag:s17] =	ssyncset.done $0x0  }
0x307: {  	[sflag:s17] =	ssyncadd.s32 $0xFFFFC000  }
0x308: {  	_ =	swait.ge [sflag:s17], $0x4000  }
0x309: {  	[sflag:s17] =	ssyncset.done $0x0  }
0x30a: {  	[sflag:s17] =	ssyncadd.s32 $0xFFFFC000  }
0x30b: {  	_ =	swait.ge [sflag:s17], $0x4000  }
0x30c: {  	[sflag:s17] =	ssyncset.done $0x0  }
0x30d: {  	s0 =	simm.s32 $0xFFFFFFF8;
	s3 =	simm.s32 $0x0;
	[sflag:s17] =	ssyncadd.s32 $0xFFFFC000  }
.LBB2_8:
0x30e: {  	s19 =	sshra.s32 s3, $0x2  }
0x30f: {  	v0 =	vld [tilespmem:s19+$0x4600]  }
0x310: {  	v1 =	vld [tilespmem:s19+$0xC600]  }
0x311: {  	v2 =	vld [tilespmem:s19+$0x14600]  }
0x312: {  	v3 =	vld [tilespmem:s19+$0x4610]  }
0x313: {  	v4 =	vld [tilespmem:s19+$0xC610]  }
0x314: {  	v5 =	vld [tilespmem:s19+$0x14610]  }
0x315: {  	v6 =	vld [tilespmem:s19+$0x4620]  }
0x316: {  	v7 =	vld [tilespmem:s19+$0xC620]  }
0x317: {  	v9 =	vld [tilespmem:s19+$0x4630]  }
0x318: {  	v10 =	vld [tilespmem:s19+$0xC630]  }
0x319: {  	v8 =	vld [tilespmem:s19+$0x14620]  }
0x31a: {  	v0 =	vadd.f32 v1, v0;
	v3 =	vadd.f32 v4, v3  }
0x31b: {  	v11 =	vld [tilespmem:s19+$0x14630];
	v12 =	vadd.f32 v7, v6  }
0x31c: {  	v0 =	vsub.f32 v0, v2;
	v3 =	vsub.f32 v3, v5  }
0x31d: {  	v1 =	vadd.f32 v10, v9  }
0x31e: {  	v4 =	vsub.f32 v12, v8;
	v0 =	vand.u32 $0x7FFFFFFF, v0;
	v3 =	vand.u32 $0x7FFFFFFF, v3  }
0x31f: {  	v0 =	vadd.f32 v3, v0  }
0x320: {  	v1 =	vsub.f32 v1, v11;
	v13 =	vand.u32 $0x7FFFFFFF, v4  }
0x321: {  	v0 =	vadd.f32 v13, v0  }
0x322: {  	v1 =	vand.u32 $0x7FFFFFFF, v1  }
0x323: {  	v0 =	vadd.f32 v1, v0;
	_ =	sdelay $0x1  }
0x324: {  	(xrf2) =	vadd.scan.msk.f32 $0xffff, v0;
	_ =	sdelay $0x3  }
0x325: {  	s21 =	sadd.s32 $0x188, s0  }
0x326: {  	v14 =	vmov s21  }
0x327: {  	v0 =	vand.u32 $0xFFFFFFF8, v14  }
0x328: {  	v0 =	vbroadcast v0, $0x0;
	_ =	sdelay $0x2  }
0x329: {  	v15, _, _ =	vpop (xrf2)  }
0x32a: {  	v1 =	vsub.f32 $1.200000000e+01, v15;
	_ =	sdelay $0x1  }
0x32b: {  	[tilespmem:v0+s23+$0x0] =	vst.idx.msk vm0, v1  }
0x32c: {  	v0 =	vld [tilespmem:s19+$0x4680]  }
0x32d: {  	v1 =	vld [tilespmem:s19+$0xC680]  }
0x32e: {  	v16 =	vld [tilespmem:s19+$0x14680]  }
0x32f: {  	v17 =	vld [tilespmem:s19+$0x4690]  }
0x330: {  	v18 =	vld [tilespmem:s19+$0xC690]  }
0x331: {  	v19 =	vld [tilespmem:s19+$0x14690]  }
0x332: {  	v20 =	vld [tilespmem:s19+$0x46A0]  }
0x333: {  	v21 =	vld [tilespmem:s19+$0xC6A0]  }
0x334: {  	v23 =	vld [tilespmem:s19+$0x46B0]  }
0x335: {  	v24 =	vld [tilespmem:s19+$0xC6B0]  }
0x336: {  	v22 =	vld [tilespmem:s19+$0x146A0]  }
0x337: {  	v0 =	vadd.f32 v1, v0;
	v3 =	vadd.f32 v18, v17  }
0x338: {  	v25 =	vld [tilespmem:s19+$0x146B0];
	v26 =	vadd.f32 v21, v20  }
0x339: {  	v0 =	vsub.f32 v0, v16;
	v3 =	vsub.f32 v3, v19  }
0x33a: {  	v1 =	vadd.f32 v24, v23  }
0x33b: {  	v4 =	vsub.f32 v26, v22;
	v0 =	vand.u32 $0x7FFFFFFF, v0;
	v3 =	vand.u32 $0x7FFFFFFF, v3  }
0x33c: {  	v0 =	vadd.f32 v3, v0  }
0x33d: {  	v1 =	vsub.f32 v1, v25;
	v27 =	vand.u32 $0x7FFFFFFF, v4  }
0x33e: {  	v0 =	vadd.f32 v27, v0  }
0x33f: {  	v1 =	vand.u32 $0x7FFFFFFF, v1  }
0x340: {  	v0 =	vadd.f32 v1, v0;
	_ =	sdelay $0x1  }
0x341: {  	(xrf2) =	vadd.scan.msk.f32 $0xffff, v0;
	_ =	sdelay $0x3  }
0x342: {  	s24 =	sadd.s32 $0x189, s0  }
0x343: {  	v28 =	vmov s24  }
0x344: {  	v0 =	vand.u32 $0xFFFFFFF9, v28  }
0x345: {  	v0 =	vbroadcast v0, $0x0;
	_ =	sdelay $0x2  }
0x346: {  	v29, _, _ =	vpop (xrf2)  }
0x347: {  	v1 =	vsub.f32 $1.200000000e+01, v29;
	_ =	sdelay $0x1  }
0x348: {  	[tilespmem:v0+s23+$0x0] =	vst.idx.msk vm0, v1  }
0x349: {  	v0 =	vld [tilespmem:s19+$0x4700]  }
0x34a: {  	v1 =	vld [tilespmem:s19+$0xC700]  }
0x34b: {  	v30 =	vld [tilespmem:s19+$0x14700]  }
0x34c: {  	v31 =	vld [tilespmem:s19+$0x4710]  }
0x34d: {  	v32 =	vld [tilespmem:s19+$0xC710]  }
0x34e: {  	v33 =	vld [tilespmem:s19+$0x14710]  }
0x34f: {  	v34 =	vld [tilespmem:s19+$0x4720]  }
0x350: {  	v35 =	vld [tilespmem:s19+$0xC720]  }
0x351: {  	v37 =	vld [tilespmem:s19+$0x4730]  }
0x352: {  	v38 =	vld [tilespmem:s19+$0xC730]  }
0x353: {  	v36 =	vld [tilespmem:s19+$0x14720]  }
0x354: {  	v0 =	vadd.f32 v1, v0;
	v3 =	vadd.f32 v32, v31  }
0x355: {  	v39 =	vld [tilespmem:s19+$0x14730];
	v40 =	vadd.f32 v35, v34  }
0x356: {  	v0 =	vsub.f32 v0, v30;
	v3 =	vsub.f32 v3, v33  }
0x357: {  	v1 =	vadd.f32 v38, v37  }
0x358: {  	v4 =	vsub.f32 v40, v36;
	v0 =	vand.u32 $0x7FFFFFFF, v0;
	v3 =	vand.u32 $0x7FFFFFFF, v3  }
0x359: {  	v0 =	vadd.f32 v3, v0  }
0x35a: {  	v1 =	vsub.f32 v1, v39;
	v41 =	vand.u32 $0x7FFFFFFF, v4  }
0x35b: {  	v0 =	vadd.f32 v41, v0  }
0x35c: {  	v1 =	vand.u32 $0x7FFFFFFF, v1  }
0x35d: {  	v0 =	vadd.f32 v1, v0;
	_ =	sdelay $0x1  }
0x35e: {  	(xrf2) =	vadd.scan.msk.f32 $0xffff, v0;
	_ =	sdelay $0x3  }
0x35f: {  	s24 =	sadd.s32 $0x18A, s0  }
0x360: {  	v42 =	vmov s24  }
0x361: {  	v0 =	vand.u32 $0xFFFFFFFA, v42  }
0x362: {  	v0 =	vbroadcast v0, $0x0;
	_ =	sdelay $0x2  }
0x363: {  	v43, _, _ =	vpop (xrf2)  }
0x364: {  	v1 =	vsub.f32 $1.200000000e+01, v43;
	_ =	sdelay $0x1  }
0x365: {  	[tilespmem:v0+s23+$0x0] =	vst.idx.msk vm0, v1  }
0x366: {  	v0 =	vld [tilespmem:s19+$0x4780]  }
0x367: {  	v1 =	vld [tilespmem:s19+$0xC780]  }
0x368: {  	v44 =	vld [tilespmem:s19+$0x14780]  }
0x369: {  	v45 =	vld [tilespmem:s19+$0x4790]  }
0x36a: {  	v46 =	vld [tilespmem:s19+$0xC790]  }
0x36b: {  	v47 =	vld [tilespmem:s19+$0x14790]  }
0x36c: {  	v48 =	vld [tilespmem:s19+$0x47A0]  }
0x36d: {  	v49 =	vld [tilespmem:s19+$0xC7A0]  }
0x36e: {  	v51 =	vld [tilespmem:s19+$0x47B0]  }
0x36f: {  	v52 =	vld [tilespmem:s19+$0xC7B0]  }
0x370: {  	v50 =	vld [tilespmem:s19+$0x147A0]  }
0x371: {  	v0 =	vadd.f32 v1, v0;
	v3 =	vadd.f32 v46, v45  }
0x372: {  	v53 =	vld [tilespmem:s19+$0x147B0];
	v54 =	vadd.f32 v49, v48  }
0x373: {  	v0 =	vsub.f32 v0, v44;
	v3 =	vsub.f32 v3, v47  }
0x374: {  	v1 =	vadd.f32 v52, v51  }
0x375: {  	v4 =	vsub.f32 v54, v50;
	v0 =	vand.u32 $0x7FFFFFFF, v0;
	v3 =	vand.u32 $0x7FFFFFFF, v3  }
0x376: {  	v0 =	vadd.f32 v3, v0  }
0x377: {  	v1 =	vsub.f32 v1, v53;
	v55 =	vand.u32 $0x7FFFFFFF, v4  }
0x378: {  	v0 =	vadd.f32 v55, v0  }
0x379: {  	v1 =	vand.u32 $0x7FFFFFFF, v1  }
0x37a: {  	v0 =	vadd.f32 v1, v0;
	_ =	sdelay $0x1  }
0x37b: {  	(xrf2) =	vadd.scan.msk.f32 $0xffff, v0;
	_ =	sdelay $0x3  }
0x37c: {  	s24 =	sadd.s32 $0x18B, s0  }
0x37d: {  	v56 =	vmov s24  }
0x37e: {  	v0 =	vand.u32 $0xFFFFFFFB, v56  }
0x37f: {  	v0 =	vbroadcast v0, $0x0;
	_ =	sdelay $0x2  }
0x380: {  	v57, _, _ =	vpop (xrf2)  }
0x381: {  	v1 =	vsub.f32 $1.200000000e+01, v57;
	_ =	sdelay $0x1  }
0x382: {  	[tilespmem:v0+s23+$0x0] =	vst.idx.msk vm0, v1  }
0x383: {  	v0 =	vld [tilespmem:s19+$0x4800]  }
0x384: {  	v1 =	vld [tilespmem:s19+$0xC800]  }
0x385: {  	v58 =	vld [tilespmem:s19+$0x14800]  }
0x386: {  	v59 =	vld [tilespmem:s19+$0x4810]  }
0x387: {  	v60 =	vld [tilespmem:s19+$0xC810]  }
0x388: {  	v61 =	vld [tilespmem:s19+$0x14810]  }
0x389: {  	v62 =	vld [tilespmem:s19+$0x4820]  }
0x38a: {  	v63 =	vld [tilespmem:s19+$0xC820]  }
0x38b: {  	v13 =	vld [tilespmem:s19+$0x4830]  }
0x38c: {  	v14 =	vld [tilespmem:s19+$0xC830]  }
0x38d: {  	v12 =	vld [tilespmem:s19+$0x14820]  }
0x38e: {  	v0 =	vadd.f32 v1, v0;
	v3 =	vadd.f32 v60, v59  }
0x38f: {  	v15 =	vld [tilespmem:s19+$0x14830];
	v16 =	vadd.f32 v63, v62  }
0x390: {  	v0 =	vsub.f32 v0, v58;
	v3 =	vsub.f32 v3, v61  }
0x391: {  	v1 =	vadd.f32 v14, v13  }
0x392: {  	v4 =	vsub.f32 v16, v12;
	v0 =	vand.u32 $0x7FFFFFFF, v0;
	v3 =	vand.u32 $0x7FFFFFFF, v3  }
0x393: {  	v0 =	vadd.f32 v3, v0  }
0x394: {  	v1 =	vsub.f32 v1, v15;
	v17 =	vand.u32 $0x7FFFFFFF, v4  }
0x395: {  	v0 =	vadd.f32 v17, v0  }
0x396: {  	v1 =	vand.u32 $0x7FFFFFFF, v1  }
0x397: {  	v0 =	vadd.f32 v1, v0;
	_ =	sdelay $0x1  }
0x398: {  	(xrf2) =	vadd.scan.msk.f32 $0xffff, v0;
	_ =	sdelay $0x3  }
0x399: {  	s24 =	sadd.s32 $0x18C, s0  }
0x39a: {  	v18 =	vmov s24  }
0x39b: {  	v0 =	vand.u32 $0xFFFFFFFC, v18  }
0x39c: {  	v0 =	vbroadcast v0, $0x0;
	_ =	sdelay $0x2  }
0x39d: {  	v19, _, _ =	vpop (xrf2)  }
0x39e: {  	v1 =	vsub.f32 $1.200000000e+01, v19;
	_ =	sdelay $0x1  }
0x39f: {  	[tilespmem:v0+s23+$0x0] =	vst.idx.msk vm0, v1  }
0x3a0: {  	v0 =	vld [tilespmem:s19+$0x4880]  }
0x3a1: {  	v1 =	vld [tilespmem:s19+$0xC880]  }
0x3a2: {  	v20 =	vld [tilespmem:s19+$0x14880]  }
0x3a3: {  	v21 =	vld [tilespmem:s19+$0x4890]  }
0x3a4: {  	v22 =	vld [tilespmem:s19+$0xC890]  }
0x3a5: {  	v23 =	vld [tilespmem:s19+$0x14890]  }
0x3a6: {  	v24 =	vld [tilespmem:s19+$0x48A0]  }
0x3a7: {  	v25 =	vld [tilespmem:s19+$0xC8A0]  }
0x3a8: {  	v27 =	vld [tilespmem:s19+$0x48B0]  }
0x3a9: {  	v28 =	vld [tilespmem:s19+$0xC8B0]  }
0x3aa: {  	v26 =	vld [tilespmem:s19+$0x148A0]  }
0x3ab: {  	v0 =	vadd.f32 v1, v0;
	v3 =	vadd.f32 v22, v21  }
0x3ac: {  	v29 =	vld [tilespmem:s19+$0x148B0];
	v30 =	vadd.f32 v25, v24  }
0x3ad: {  	v0 =	vsub.f32 v0, v20;
	v3 =	vsub.f32 v3, v23  }
0x3ae: {  	v1 =	vadd.f32 v28, v27  }
0x3af: {  	v4 =	vsub.f32 v30, v26;
	v0 =	vand.u32 $0x7FFFFFFF, v0;
	v3 =	vand.u32 $0x7FFFFFFF, v3  }
0x3b0: {  	v0 =	vadd.f32 v3, v0  }
0x3b1: {  	v1 =	vsub.f32 v1, v29;
	v31 =	vand.u32 $0x7FFFFFFF, v4  }
0x3b2: {  	v0 =	vadd.f32 v31, v0  }
0x3b3: {  	v1 =	vand.u32 $0x7FFFFFFF, v1  }
0x3b4: {  	v0 =	vadd.f32 v1, v0;
	_ =	sdelay $0x1  }
0x3b5: {  	(xrf2) =	vadd.scan.msk.f32 $0xffff, v0;
	_ =	sdelay $0x3  }
0x3b6: {  	s24 =	sadd.s32 $0x18D, s0  }
0x3b7: {  	v32 =	vmov s24  }
0x3b8: {  	v0 =	vand.u32 $0xFFFFFFFD, v32  }
0x3b9: {  	v0 =	vbroadcast v0, $0x0;
	_ =	sdelay $0x2  }
0x3ba: {  	v33, _, _ =	vpop (xrf2)  }
0x3bb: {  	v1 =	vsub.f32 $1.200000000e+01, v33;
	_ =	sdelay $0x1  }
0x3bc: {  	[tilespmem:v0+s23+$0x0] =	vst.idx.msk vm0, v1  }
0x3bd: {  	v0 =	vld [tilespmem:s19+$0x4900]  }
0x3be: {  	v1 =	vld [tilespmem:s19+$0xC900]  }
0x3bf: {  	v34 =	vld [tilespmem:s19+$0x14900]  }
0x3c0: {  	v35 =	vld [tilespmem:s19+$0x4910]  }
0x3c1: {  	v36 =	vld [tilespmem:s19+$0xC910]  }
0x3c2: {  	v37 =	vld [tilespmem:s19+$0x14910]  }
0x3c3: {  	v38 =	vld [tilespmem:s19+$0x4920]  }
0x3c4: {  	v39 =	vld [tilespmem:s19+$0xC920]  }
0x3c5: {  	v41 =	vld [tilespmem:s19+$0x4930]  }
0x3c6: {  	v42 =	vld [tilespmem:s19+$0xC930]  }
0x3c7: {  	v40 =	vld [tilespmem:s19+$0x14920]  }
0x3c8: {  	v0 =	vadd.f32 v1, v0;
	v3 =	vadd.f32 v36, v35  }
0x3c9: {  	v43 =	vld [tilespmem:s19+$0x14930];
	v44 =	vadd.f32 v39, v38  }
0x3ca: {  	v0 =	vsub.f32 v0, v34;
	v3 =	vsub.f32 v3, v37  }
0x3cb: {  	v1 =	vadd.f32 v42, v41  }
0x3cc: {  	v4 =	vsub.f32 v44, v40;
	v0 =	vand.u32 $0x7FFFFFFF, v0;
	v3 =	vand.u32 $0x7FFFFFFF, v3  }
0x3cd: {  	v0 =	vadd.f32 v3, v0  }
0x3ce: {  	v1 =	vsub.f32 v1, v43;
	v45 =	vand.u32 $0x7FFFFFFF, v4  }
0x3cf: {  	v0 =	vadd.f32 v45, v0  }
0x3d0: {  	v1 =	vand.u32 $0x7FFFFFFF, v1  }
0x3d1: {  	v0 =	vadd.f32 v1, v0;
	_ =	sdelay $0x1  }
0x3d2: {  	(xrf2) =	vadd.scan.msk.f32 $0xffff, v0;
	_ =	sdelay $0x3  }
0x3d3: {  	s24 =	sadd.s32 $0x18E, s0  }
0x3d4: {  	v46 =	vmov s24  }
0x3d5: {  	v0 =	vand.u32 $0xFFFFFFFE, v46  }
0x3d6: {  	v0 =	vbroadcast v0, $0x0;
	_ =	sdelay $0x2  }
0x3d7: {  	v47, _, _ =	vpop (xrf2)  }
0x3d8: {  	v1 =	vsub.f32 $1.200000000e+01, v47;
	_ =	sdelay $0x1  }
0x3d9: {  	[tilespmem:v0+s23+$0x0] =	vst.idx.msk vm0, v1  }
0x3da: {  	v0 =	vld [tilespmem:s19+$0x4980]  }
0x3db: {  	v1 =	vld [tilespmem:s19+$0xC980]  }
0x3dc: {  	v48 =	vld [tilespmem:s19+$0x14980]  }
0x3dd: {  	v49 =	vld [tilespmem:s19+$0x4990]  }
0x3de: {  	v50 =	vld [tilespmem:s19+$0xC990]  }
0x3df: {  	v51 =	vld [tilespmem:s19+$0x14990]  }
0x3e0: {  	v52 =	vld [tilespmem:s19+$0x49A0]  }
0x3e1: {  	v53 =	vld [tilespmem:s19+$0xC9A0]  }
0x3e2: {  	v55 =	vld [tilespmem:s19+$0x49B0]  }
0x3e3: {  	v10 =	vld [tilespmem:s19+$0xC9B0]  }
0x3e4: {  	v54 =	vld [tilespmem:s19+$0x149A0]  }
0x3e5: {  	v0 =	vadd.f32 v1, v0;
	v56 =	vadd.f32 v50, v49  }
0x3e6: {  	v58 =	vld [tilespmem:s19+$0x149B0];
	v57 =	vadd.f32 v53, v52  }
0x3e7: {  	v0 =	vsub.f32 v0, v48;
	v1 =	vsub.f32 v56, v51  }
0x3e8: {  	v60 =	vadd.f32 v10, v55  }
0x3e9: {  	v59 =	vsub.f32 v57, v54;
	v0 =	vand.u32 $0x7FFFFFFF, v0;
	v1 =	vand.u32 $0x7FFFFFFF, v1  }
0x3ea: {  	v0 =	vadd.f32 v1, v0  }
0x3eb: {  	v61 =	vsub.f32 v60, v58;
	v2 =	vand.u32 $0x7FFFFFFF, v59  }
0x3ec: {  	v0 =	vadd.f32 v2, v0  }
0x3ed: {  	v1 =	vand.u32 $0x7FFFFFFF, v61  }
0x3ee: {  	v0 =	vadd.f32 v1, v0;
	_ =	sdelay $0x1  }
0x3ef: {  	(xrf2) =	vadd.scan.msk.f32 $0xffff, v0;
	_ =	sdelay $0x6  }
0x3f0: {  	s24 =	sadd.s32 $0x18F, s0;
	s0 =	sadd.s32 $0x8, s0  }
0x3f1: {  	p0 =	slt.u32 s0, $0x78;
	v62 =	vmov s24  }
.Ltmp3:
0x3f2: {  	_ = 	snop;
	(pc) =	sbr.rel @p0 .LBB2_8-.Ltmp3, $3  }
0x3f3: {  	v63, _, _ =	vpop (xrf2)  }
0x3f4: {  	v1 =	vsub.f32 $1.200000000e+01, v63;
	_ =	sdelay $0x1  }
0x3f5: {  	s3 =	sadd.s32 $0x1000, s3;
	[tilespmem:v62+s23+$0x0] =	vst.idx.msk vm0, v1  }
0x3f6: {  	s31 =	sadd.s32 $0x1, s31  }
0x3f7: {  	p0 =	sne.s32 s31, s9  }
.Ltmp4:
0x3f8: {  	_ = 	snop;
	(pc) =	sbr.rel @p0 .LBB2_1-.Ltmp4, $4  }
0x3f9: {  	[hbm4b:s8+s13] =	stream.strided.scatter [tilespmem:s23], [sflag:$0x2], $0x200, s12, s13, $0x38;
	[tilespmem:$0x18800] =	vst v63  }
0x3fa: {  	_ =	swait.ge [sflag:s10], $0x200  }
0x3fb: {  	[sflag:s10] =	ssyncset.done $0x0  }
0x3fc: {  	[sflag:s10] =	ssyncadd.s32 $0xFFFFFE00  }
0x3fd: {  	_ =	sfence.sel $0x180000  }
0x3fe: {  	[bflag:$0x0] =	sbarrier.arrive $0xFFFF  }
0x3ff: {  	_ =	strace $0x90000047  }
0x400: {  	s0 =	stileid.u32;
	[bflag:$0x2] =	sbarrier.arrive $0xFFFF  }
0x401: {  	p0 =	sne.s32 s0, $0x0;
	s0 =	rddreg [dreg:$0x6]  }
0x402: {  	s0 =	sadd.s32 @!p0 $0x100000, s0  }
0x403: {  	[sflag:s0] =	ssyncadd.tile.s32 @!p0 $0x1;
	_ =	shalt  }
.Lfunc_end2:
_tile_overlayer_lowered:
.L_overlay_start_2:
0x404: {  	(tag) =	ssettag $0x2  }
0x405: {  	s0 =	rddreg [dreg:$0x0];
	s2 =	stileid.u32  }
0x406: {  	s1 =	rddreg [dreg:$0x1];
	p0 =	sne.s32 s2, $0x0  }
0x407: {  	s3 =	rddreg [dreg:$0x2];
	[bflag:$0x3] =	sbarrier.arrive $0xFFFF;
	s2 =	simm.s32 @!p0 $0x1C02  }
0x408: {  	[timem:s3], [sflag:s2] =	dma.local @!p0 [hbm:s0], s1  }
0x409: {  	s0 =	simm.s32 @!p0 $0x2  }
0x40a: {  	_ =	swait.ge @!p0 [sflag:s0], s1  }
0x40b: {  	s1 =	ssub.s32 @!p0 $0x0, s1;
	[sflag:s0] =	ssyncset.done @!p0 $0x0  }
0x40c: {  	[sflag:s0] =	ssyncadd.s32 @!p0 s1  }
0x40d: {  	[bflag:$0x3] =	sbarrier.arrive $0xFFFF  }
0x40e: {  	_ =	shalt  }

</sc_bundles>
